<compile_context>
chip_gen: v7x
topology: tpu7x:2x2x1
jax: 0.10.2.dev20260603
libtpu: 0.0.44.dev20260713+nightly
codegen_flags: <defaults>
</compile_context>

<pallas_src>
import functools

import jax
import jax.numpy as jnp
from jax import lax
from jax.experimental import pallas as pl
from jax.experimental.pallas import tpu as pltpu
from jax.experimental.pallas import tpu_sc as plsc

_N_GRAPHS = 512
_ROW_BLOCK = 16
_SC_ROWS = 64
_N_WORKERS = 32
_W = 6272
_W_SHORT = 6144
_SC_COLS = 6 * _W + 2 * _W_SHORT


def _tc_block(neuron_ref, concept_ref, coefs_ref, out_ref):
    x = neuron_ref[...]
    cm = concept_ref[...]
    c = coefs_ref[...]
    c0 = c[:, 0:1]
    c1 = c[:, 1:2]
    c2 = c[:, 2:3]
    c3 = c[:, 3:4]
    t = c0 + x * (c1 + x * (c2 + x * c3))
    d = t - cm
    sq = d * d
    out_ref[...] = jnp.sum(sq, axis=1, keepdims=True) * (1.0 / _N_GRAPHS)


def _sc_worker(neuron_hbm, concept_hbm, coefs_hbm, out_hbm,
               xbuf, cmbuf, coefs_v, res_v):
    row0 = neuron_hbm.shape[0] - _SC_ROWS
    wid = lax.axis_index("s") * 2 + lax.axis_index("c")
    g = wid // 4
    q = wid % 4
    row8 = pl.multiple_of(row0 + g * 8, 8)
    rows = pl.ds(row8, 8)
    pltpu.sync_copy(coefs_hbm.at[rows], coefs_v)

    accs = [jnp.zeros((16,), jnp.float32) for _ in range(8)]
    for slot in range(2):
        chunk = q + 4 * slot
        is_short = chunk >= 6
        start = pl.multiple_of(
            jnp.minimum(chunk, 6) * _W + jnp.maximum(chunk - 6, 0) * _W_SHORT,
            128)

        @pl.when(jnp.logical_not(is_short))
        def _():
            pltpu.sync_copy(neuron_hbm.at[rows, pl.ds(start, _W)], xbuf)
            pltpu.sync_copy(concept_hbm.at[rows, pl.ds(start, _W)], cmbuf)

        @pl.when(is_short)
        def _():
            pltpu.sync_copy(neuron_hbm.at[rows, pl.ds(start, _W_SHORT)],
                            xbuf.at[:, pl.ds(0, _W_SHORT)])
            pltpu.sync_copy(concept_hbm.at[rows, pl.ds(start, _W_SHORT)],
                            cmbuf.at[:, pl.ds(0, _W_SHORT)])

        n_it = jnp.where(is_short, _W_SHORT // 16, _W // 16)
        for r in range(8):
            cv = coefs_v[r, :]
            c0 = cv[0]
            c1 = cv[1]
            c2 = cv[2]
            c3 = cv[3]

            def body(j, a, r=r, c0=c0, c1=c1, c2=c2, c3=c3):
                x = xbuf[r, pl.ds(j * 16, 16)]
                cm = cmbuf[r, pl.ds(j * 16, 16)]
                t = c0 + x * (c1 + x * (c2 + x * c3))
                d = t - cm
                return a + jnp.where(j < n_it, d * d, 0.0)

            accs[r] = lax.fori_loop(0, _W // 16, body, accs[r], unroll=8)

    for r in range(8):
        res_v[r, :] = accs[r]
    pltpu.sync_copy(res_v, out_hbm.at[wid])


def kernel(neuron_mat, concept_mat, coefs, graph_idxs):
    del graph_idxs
    n_concepts, n_nodes = neuron_mat.shape
    n_tc_rows = n_concepts - _SC_ROWS
    nr = n_tc_rows // _ROW_BLOCK
    assert nr * _ROW_BLOCK == n_tc_rows

    sc_call = functools.partial(
        pl.kernel,
        mesh=plsc.VectorSubcoreMesh(core_axis_name="c", subcore_axis_name="s"),
        out_type=jax.ShapeDtypeStruct((_N_WORKERS, 8, 16), jnp.float32),
        scratch_types=[
            pltpu.VMEM((8, _W), jnp.float32),
            pltpu.VMEM((8, _W), jnp.float32),
            pltpu.VMEM((8, 16), jnp.float32),
            pltpu.VMEM((8, 16), jnp.float32),
        ],
    )(_sc_worker)
    coefs_pad = jnp.pad(coefs, ((0, 0), (0, 16 - coefs.shape[1])))
    sc_parts = sc_call(neuron_mat, concept_mat, coefs_pad)

    tc_out = pl.pallas_call(
        _tc_block,
        grid=(nr,),
        in_specs=[
            pl.BlockSpec((_ROW_BLOCK, n_nodes), lambda i: (i, 0)),
            pl.BlockSpec((_ROW_BLOCK, n_nodes), lambda i: (i, 0)),
            pl.BlockSpec((_ROW_BLOCK, coefs.shape[1]), lambda i: (i, 0)),
        ],
        out_specs=pl.BlockSpec((_ROW_BLOCK, 1), lambda i: (i, 0)),
        out_shape=jax.ShapeDtypeStruct((n_tc_rows, 1), jnp.float32),
        compiler_params=pltpu.CompilerParams(
            dimension_semantics=("parallel",)),
    )(neuron_mat, concept_mat, coefs)

    sc_out = (sc_parts.sum(axis=-1).reshape(8, 4, 8).sum(axis=1)
              .reshape(_SC_ROWS))

    sl_x = lax.slice(neuron_mat, (n_tc_rows, _SC_COLS), (n_concepts, n_nodes))
    sl_cm = lax.slice(concept_mat, (n_tc_rows, _SC_COLS),
                      (n_concepts, n_nodes))
    sl_c = lax.slice(coefs, (n_tc_rows, 0), (n_concepts, coefs.shape[1]))
    c0, c1, c2, c3 = (sl_c[:, k:k + 1] for k in range(4))
    sl_t = c0 + sl_x * (c1 + sl_x * (c2 + sl_x * c3)) - sl_cm
    sc_out = (sc_out + jnp.sum(sl_t * sl_t, axis=1)) * (1.0 / _N_GRAPHS)

    return jnp.concatenate([tc_out[:, 0], sc_out])

# --- scband reference (transcript-rebuilt; emitter-appended) ---
"""Pipeline reference for scband-polynomial-shaper-50113678410181 (READ-ONLY COPY).

The authoritative reference and input builder live on the scoring server;
editing this copy changes nothing except your own understanding.
"""

import jax, jax.numpy as jnp
import numpy as np

N_CONCEPTS = 256
N_NODES = 50000
N_DEGREES = 4
N_GRAPHS = 512


def setup_inputs(seed: int = 0) -> dict:
    key = jax.random.key(seed)
    k1, k2, k3, k4 = jax.random.split(key, 4)
    neuron_mat = jax.random.normal(k1, (N_CONCEPTS, N_NODES), dtype=jnp.float32)
    concept_mat = jax.random.normal(k2, (N_CONCEPTS, N_NODES), dtype=jnp.float32)
    graph_idxs = jnp.sort(jax.random.randint(k3, (N_NODES,), 0, N_GRAPHS, dtype=jnp.int32))
    coefs = -0.5 + jax.random.uniform(k4, (N_CONCEPTS, N_DEGREES), dtype=jnp.float32)
    return {
        "neuron_mat": neuron_mat,
        "concept_mat": concept_mat,
        "coefs": coefs,
        "graph_idxs": graph_idxs,
    }


def reference(neuron_mat, concept_mat, coefs, graph_idxs):
    # t = sum_deg coefs[:, deg] * neuron_mat**deg  (deg=0 term is constant coefs[:,0])
    t = jnp.zeros((N_CONCEPTS, N_NODES), dtype=jnp.float32)
    for deg in range(N_DEGREES):
        if deg == 0:
            t = t + coefs[:, 0][:, None]
        else:
            t = t + jnp.power(neuron_mat, deg) * coefs[:, deg][:, None]
    t = (t - concept_mat) ** 2
    # torch_scatter.scatter_add along last dim (nodes -> graphs)
    seg = jax.ops.segment_sum(t.T, graph_idxs, num_segments=N_GRAPHS).T  # [n_concepts, n_graphs]
    return seg.mean(axis=1)

if __name__ == "__main__":
    import jax
    _d = setup_inputs()
    print(jax.jit(kernel)(*tuple(_d.values())))

</pallas_src>

<mosaic_0001>
#map = affine_map<(d0, d1) -> (0, 0)>
#map1 = affine_map<(d0, d1) -> (0, 0, 0)>
module attributes {stable_mosaic.version = 14 : i64} {
  func.func @_sc_worker(%arg0: i32, %arg1: i32, %arg2: memref<256x50000xf32, #tpu.memory_space<hbm>>, %arg3: memref<256x50000xf32, #tpu.memory_space<hbm>>, %arg4: memref<256x16xf32, #tpu.memory_space<hbm>>, %arg5: memref<32x8x16xf32, #tpu.memory_space<hbm>>, %arg6: memref<8x6272xf32, #tpu.memory_space<vmem>>, %arg7: memref<8x6272xf32, #tpu.memory_space<vmem>>, %arg8: memref<8x16xf32, #tpu.memory_space<vmem>>, %arg9: memref<8x16xf32, #tpu.memory_space<vmem>>) attributes {dimension_semantics = [#tpu.dimension_semantics<core_parallel>, #tpu.dimension_semantics<subcore_parallel>], iteration_bounds = array<i64: 2, 16>, scalar_prefetch = 0 : i64, scratch_operands = 4 : i64, tpu.core_type = #tpu.core_type<sc_vector_subcore>, window_params = [{transform_indices = #map}, {transform_indices = #map}, {transform_indices = #map}, {transform_indices = #map1}]} {
    %mul3A = arith.constant 2 : i32
    %mul3A_0 = arith.muli %arg1, %mul3A : i32
    %add3A = arith.addi %mul3A_0, %arg0 : i32
    %jit3A = arith.constant 4 : i32
    %div3A = arith.divsi %add3A, %jit3A : i32
    %sign3A = arith.constant 0 : i32
    %sign3A_1 = arith.cmpi sgt, %add3A, %sign3A : i32
    %sign3A_2 = arith.extui %sign3A_1 : i1 to i32
    %sign3A_3 = arith.constant 0 : i32
    %sign3A_4 = arith.cmpi slt, %add3A, %sign3A_3 : i32
    %sign3A_5 = arith.extui %sign3A_4 : i1 to i32
    %sign3A_6 = arith.subi %sign3A_2, %sign3A_5 : i32
    %sign3A_7 = arith.constant 0 : i32
    %sign3A_8 = arith.cmpi sgt, %jit3A, %sign3A_7 : i32
    %sign3A_9 = arith.extui %sign3A_8 : i1 to i32
    %sign3A_10 = arith.constant 0 : i32
    %sign3A_11 = arith.cmpi slt, %jit3A, %sign3A_10 : i32
    %sign3A_12 = arith.extui %sign3A_11 : i1 to i32
    %sign3A_13 = arith.subi %sign3A_9, %sign3A_12 : i32
    %ne3A = arith.cmpi ne, %sign3A_6, %sign3A_13 : i32
    %rem3A = arith.remsi %add3A, %jit3A : i32
    %ne3A_14 = arith.constant 0 : i32
    %ne3A_15 = arith.cmpi ne, %rem3A, %ne3A_14 : i32
    %and3A = arith.andi %ne3A, %ne3A_15 : i1
    %sub3A = arith.constant 1 : i32
    %sub3A_16 = arith.subi %div3A, %sub3A : i32
    %select_n3A = arith.select %and3A, %sub3A_16, %div3A : i32
    %jit3A_17 = arith.constant 4 : i32
    %eq3A = arith.constant 0 : i32
    %eq3A_18 = arith.cmpi eq, %jit3A_17, %eq3A : i32
    %jit3A_19 = arith.constant 1 : i32
    %select_n3A_20 = arith.select %eq3A_18, %jit3A_19, %jit3A_17 : i32
    %rem3A_21 = arith.remsi %add3A, %select_n3A_20 : i32
    %ne3A_22 = arith.constant 0 : i32
    %ne3A_23 = arith.cmpi ne, %rem3A_21, %ne3A_22 : i32
    %lt3A = arith.constant 0 : i32
    %lt3A_24 = arith.cmpi slt, %rem3A_21, %lt3A : i32
    %lt3A_25 = arith.constant 0 : i32
    %lt3A_26 = arith.cmpi slt, %select_n3A_20, %lt3A_25 : i32
    %ne3A_27 = arith.xori %lt3A_24, %lt3A_26 : i1
    %and3A_28 = arith.andi %ne3A_27, %ne3A_23 : i1
    %add3A_29 = arith.addi %rem3A_21, %select_n3A_20 : i32
    %select_n3A_30 = arith.select %and3A_28, %add3A_29, %rem3A_21 : i32
    %mul3A_31 = arith.constant 8 : i32
    %mul3A_32 = arith.muli %select_n3A, %mul3A_31 : i32
    %add3A_33 = arith.constant 192 : i32
    %add3A_34 = arith.addi %add3A_33, %mul3A_32 : i32
    %multiple_of3A = tpu.assume_multiple %add3A_34, 8 : i32
    "tpu.region"() ({
      %run_scoped3A = tpu.sem_alloc : memref<!tpu.dma_semaphore, #tpu.memory_space<semaphore_mem>>
      %dma_start3A = arith.constant 0 : i32
      %dma_start3A_445 = tpu.memref_slice %arg4[%multiple_of3A, %dma_start3A] : memref<256x16xf32, #tpu.memory_space<hbm>> -> memref<8x16xf32, #tpu.memory_space<hbm>>
      %dma_start3A_446 = arith.constant 0 : i32
      %dma_start3A_447 = tpu.memref_slice %arg4[%multiple_of3A, %dma_start3A_446] : memref<256x16xf32, #tpu.memory_space<hbm>> -> memref<8x16xf32, #tpu.memory_space<hbm>>
      tpu.enqueue_dma source(%dma_start3A_447 : memref<8x16xf32, #tpu.memory_space<hbm>>) target(%arg8 : memref<8x16xf32, #tpu.memory_space<vmem>>) target_semaphore(%run_scoped3A : memref<!tpu.dma_semaphore, #tpu.memory_space<semaphore_mem>>)
      %dma_wait3A = arith.constant 0 : i32
      %dma_wait3A_448 = tpu.memref_slice %arg4[%multiple_of3A, %dma_wait3A] : memref<256x16xf32, #tpu.memory_space<hbm>> -> memref<8x16xf32, #tpu.memory_space<hbm>>
      %dma_wait3A_449 = arith.constant 0 : i32
      %dma_wait3A_450 = tpu.memref_slice %arg4[%multiple_of3A, %dma_wait3A_449] : memref<256x16xf32, #tpu.memory_space<hbm>> -> memref<8x16xf32, #tpu.memory_space<hbm>>
      tpu.wait_dma2 semaphore(%run_scoped3A : memref<!tpu.dma_semaphore, #tpu.memory_space<semaphore_mem>>) src(%dma_wait3A_450 : memref<8x16xf32, #tpu.memory_space<hbm>>) dst(%arg8 : memref<8x16xf32, #tpu.memory_space<vmem>>)
      tpu.yield
    }) : () -> ()
    %broadcast_in_dim3A = arith.constant 0.000000e+00 : f32
    %broadcast_in_dim3A_35 = vector.broadcast %broadcast_in_dim3A : f32 to vector<16xf32>
    %broadcast_in_dim3A_36 = arith.constant 0.000000e+00 : f32
    %broadcast_in_dim3A_37 = vector.broadcast %broadcast_in_dim3A_36 : f32 to vector<16xf32>
    %broadcast_in_dim3A_38 = arith.constant 0.000000e+00 : f32
    %broadcast_in_dim3A_39 = vector.broadcast %broadcast_in_dim3A_38 : f32 to vector<16xf32>
    %broadcast_in_dim3A_40 = arith.constant 0.000000e+00 : f32
    %broadcast_in_dim3A_41 = vector.broadcast %broadcast_in_dim3A_40 : f32 to vector<16xf32>
    %broadcast_in_dim3A_42 = arith.constant 0.000000e+00 : f32
    %broadcast_in_dim3A_43 = vector.broadcast %broadcast_in_dim3A_42 : f32 to vector<16xf32>
    %broadcast_in_dim3A_44 = arith.constant 0.000000e+00 : f32
    %broadcast_in_dim3A_45 = vector.broadcast %broadcast_in_dim3A_44 : f32 to vector<16xf32>
    %broadcast_in_dim3A_46 = arith.constant 0.000000e+00 : f32
    %broadcast_in_dim3A_47 = vector.broadcast %broadcast_in_dim3A_46 : f32 to vector<16xf32>
    %broadcast_in_dim3A_48 = arith.constant 0.000000e+00 : f32
    %broadcast_in_dim3A_49 = vector.broadcast %broadcast_in_dim3A_48 : f32 to vector<16xf32>
    %add3A_50 = arith.constant 0 : i32
    %add3A_51 = arith.addi %select_n3A_30, %add3A_50 : i32
    %ge3A = arith.constant 6 : i32
    %ge3A_52 = arith.cmpi sge, %add3A_51, %ge3A : i32
    %min3A = arith.constant 6 : i32
    %min3A_53 = arith.minsi %add3A_51, %min3A : i32
    %mul3A_54 = arith.constant 6272 : i32
    %mul3A_55 = arith.muli %min3A_53, %mul3A_54 : i32
    %sub3A_56 = arith.constant 6 : i32
    %sub3A_57 = arith.subi %add3A_51, %sub3A_56 : i32
    %max3A = arith.constant 0 : i32
    %max3A_58 = arith.maxsi %sub3A_57, %max3A : i32
    %mul3A_59 = arith.constant 6144 : i32
    %mul3A_60 = arith.muli %max3A_58, %mul3A_59 : i32
    %add3A_61 = arith.addi %mul3A_55, %mul3A_60 : i32
    %multiple_of3A_62 = tpu.assume_multiple %add3A_61, 128 : i32
    %not3A = arith.constant true
    %not3A_63 = arith.xori %ge3A_52, %not3A : i1
    %convert_element_type3A = arith.extui %not3A_63 : i1 to i32
    %cond3A = arith.constant 0 : i32
    %cond3A_64 = arith.cmpi ne, %convert_element_type3A, %cond3A : i32
    scf.if %cond3A_64 {
      "tpu.region"() ({
        %run_scoped3A = tpu.sem_alloc : memref<!tpu.dma_semaphore, #tpu.memory_space<semaphore_mem>>
        %dma_start3A = tpu.memref_slice %arg2[%multiple_of3A, %multiple_of3A_62] : memref<256x50000xf32, #tpu.memory_space<hbm>> -> memref<8x6272xf32, #tpu.memory_space<hbm>>
        %dma_start3A_445 = tpu.memref_slice %arg2[%multiple_of3A, %multiple_of3A_62] : memref<256x50000xf32, #tpu.memory_space<hbm>> -> memref<8x6272xf32, #tpu.memory_space<hbm>>
        tpu.enqueue_dma source(%dma_start3A_445 : memref<8x6272xf32, #tpu.memory_space<hbm>>) target(%arg6 : memref<8x6272xf32, #tpu.memory_space<vmem>>) target_semaphore(%run_scoped3A : memref<!tpu.dma_semaphore, #tpu.memory_space<semaphore_mem>>)
        %dma_wait3A = tpu.memref_slice %arg2[%multiple_of3A, %multiple_of3A_62] : memref<256x50000xf32, #tpu.memory_space<hbm>> -> memref<8x6272xf32, #tpu.memory_space<hbm>>
        %dma_wait3A_446 = tpu.memref_slice %arg2[%multiple_of3A, %multiple_of3A_62] : memref<256x50000xf32, #tpu.memory_space<hbm>> -> memref<8x6272xf32, #tpu.memory_space<hbm>>
        tpu.wait_dma2 semaphore(%run_scoped3A : memref<!tpu.dma_semaphore, #tpu.memory_space<semaphore_mem>>) src(%dma_wait3A_446 : memref<8x6272xf32, #tpu.memory_space<hbm>>) dst(%arg6 : memref<8x6272xf32, #tpu.memory_space<vmem>>)
        tpu.yield
      }) : () -> ()
      "tpu.region"() ({
        %run_scoped3A = tpu.sem_alloc : memref<!tpu.dma_semaphore, #tpu.memory_space<semaphore_mem>>
        %dma_start3A = tpu.memref_slice %arg3[%multiple_of3A, %multiple_of3A_62] : memref<256x50000xf32, #tpu.memory_space<hbm>> -> memref<8x6272xf32, #tpu.memory_space<hbm>>
        %dma_start3A_445 = tpu.memref_slice %arg3[%multiple_of3A, %multiple_of3A_62] : memref<256x50000xf32, #tpu.memory_space<hbm>> -> memref<8x6272xf32, #tpu.memory_space<hbm>>
        tpu.enqueue_dma source(%dma_start3A_445 : memref<8x6272xf32, #tpu.memory_space<hbm>>) target(%arg7 : memref<8x6272xf32, #tpu.memory_space<vmem>>) target_semaphore(%run_scoped3A : memref<!tpu.dma_semaphore, #tpu.memory_space<semaphore_mem>>)
        %dma_wait3A = tpu.memref_slice %arg3[%multiple_of3A, %multiple_of3A_62] : memref<256x50000xf32, #tpu.memory_space<hbm>> -> memref<8x6272xf32, #tpu.memory_space<hbm>>
        %dma_wait3A_446 = tpu.memref_slice %arg3[%multiple_of3A, %multiple_of3A_62] : memref<256x50000xf32, #tpu.memory_space<hbm>> -> memref<8x6272xf32, #tpu.memory_space<hbm>>
        tpu.wait_dma2 semaphore(%run_scoped3A : memref<!tpu.dma_semaphore, #tpu.memory_space<semaphore_mem>>) src(%dma_wait3A_446 : memref<8x6272xf32, #tpu.memory_space<hbm>>) dst(%arg7 : memref<8x6272xf32, #tpu.memory_space<vmem>>)
        tpu.yield
      }) : () -> ()
    } else {
    }
    %convert_element_type3A_65 = arith.extui %ge3A_52 : i1 to i32
    %cond3A_66 = arith.constant 0 : i32
    %cond3A_67 = arith.cmpi ne, %convert_element_type3A_65, %cond3A_66 : i32
    scf.if %cond3A_67 {
      "tpu.region"() ({
        %run_scoped3A = tpu.sem_alloc : memref<!tpu.dma_semaphore, #tpu.memory_space<semaphore_mem>>
        %dma_start3A = arith.constant 0 : i32
        %dma_start3A_445 = arith.constant 0 : i32
        %dma_start3A_446 = tpu.memref_slice %arg6[%dma_start3A, %dma_start3A_445] : memref<8x6272xf32, #tpu.memory_space<vmem>> -> memref<8x6144xf32, #tpu.memory_space<vmem>>
        %dma_start3A_447 = tpu.memref_slice %arg2[%multiple_of3A, %multiple_of3A_62] : memref<256x50000xf32, #tpu.memory_space<hbm>> -> memref<8x6144xf32, #tpu.memory_space<hbm>>
        %dma_start3A_448 = arith.constant 0 : i32
        %dma_start3A_449 = arith.constant 0 : i32
        %dma_start3A_450 = tpu.memref_slice %arg6[%dma_start3A_448, %dma_start3A_449] : memref<8x6272xf32, #tpu.memory_space<vmem>> -> memref<8x6144xf32, #tpu.memory_space<vmem>>
        %dma_start3A_451 = tpu.memref_slice %arg2[%multiple_of3A, %multiple_of3A_62] : memref<256x50000xf32, #tpu.memory_space<hbm>> -> memref<8x6144xf32, #tpu.memory_space<hbm>>
        tpu.enqueue_dma source(%dma_start3A_451 : memref<8x6144xf32, #tpu.memory_space<hbm>>) target(%dma_start3A_450 : memref<8x6144xf32, #tpu.memory_space<vmem>>) target_semaphore(%run_scoped3A : memref<!tpu.dma_semaphore, #tpu.memory_space<semaphore_mem>>)
        %dma_wait3A = arith.constant 0 : i32
        %dma_wait3A_452 = arith.constant 0 : i32
        %dma_wait3A_453 = tpu.memref_slice %arg6[%dma_wait3A, %dma_wait3A_452] : memref<8x6272xf32, #tpu.memory_space<vmem>> -> memref<8x6144xf32, #tpu.memory_space<vmem>>
        %dma_wait3A_454 = tpu.memref_slice %arg2[%multiple_of3A, %multiple_of3A_62] : memref<256x50000xf32, #tpu.memory_space<hbm>> -> memref<8x6144xf32, #tpu.memory_space<hbm>>
        %dma_wait3A_455 = arith.constant 0 : i32
        %dma_wait3A_456 = arith.constant 0 : i32
        %dma_wait3A_457 = tpu.memref_slice %arg6[%dma_wait3A_455, %dma_wait3A_456] : memref<8x6272xf32, #tpu.memory_space<vmem>> -> memref<8x6144xf32, #tpu.memory_space<vmem>>
        %dma_wait3A_458 = tpu.memref_slice %arg2[%multiple_of3A, %multiple_of3A_62] : memref<256x50000xf32, #tpu.memory_space<hbm>> -> memref<8x6144xf32, #tpu.memory_space<hbm>>
        tpu.wait_dma2 semaphore(%run_scoped3A : memref<!tpu.dma_semaphore, #tpu.memory_space<semaphore_mem>>) src(%dma_wait3A_458 : memref<8x6144xf32, #tpu.memory_space<hbm>>) dst(%dma_wait3A_457 : memref<8x6144xf32, #tpu.memory_space<vmem>>)
        tpu.yield
      }) : () -> ()
      "tpu.region"() ({
        %run_scoped3A = tpu.sem_alloc : memref<!tpu.dma_semaphore, #tpu.memory_space<semaphore_mem>>
        %dma_start3A = arith.constant 0 : i32
        %dma_start3A_445 = arith.constant 0 : i32
        %dma_start3A_446 = tpu.memref_slice %arg7[%dma_start3A, %dma_start3A_445] : memref<8x6272xf32, #tpu.memory_space<vmem>> -> memref<8x6144xf32, #tpu.memory_space<vmem>>
        %dma_start3A_447 = tpu.memref_slice %arg3[%multiple_of3A, %multiple_of3A_62] : memref<256x50000xf32, #tpu.memory_space<hbm>> -> memref<8x6144xf32, #tpu.memory_space<hbm>>
        %dma_start3A_448 = arith.constant 0 : i32
        %dma_start3A_449 = arith.constant 0 : i32
        %dma_start3A_450 = tpu.memref_slice %arg7[%dma_start3A_448, %dma_start3A_449] : memref<8x6272xf32, #tpu.memory_space<vmem>> -> memref<8x6144xf32, #tpu.memory_space<vmem>>
        %dma_start3A_451 = tpu.memref_slice %arg3[%multiple_of3A, %multiple_of3A_62] : memref<256x50000xf32, #tpu.memory_space<hbm>> -> memref<8x6144xf32, #tpu.memory_space<hbm>>
        tpu.enqueue_dma source(%dma_start3A_451 : memref<8x6144xf32, #tpu.memory_space<hbm>>) target(%dma_start3A_450 : memref<8x6144xf32, #tpu.memory_space<vmem>>) target_semaphore(%run_scoped3A : memref<!tpu.dma_semaphore, #tpu.memory_space<semaphore_mem>>)
        %dma_wait3A = arith.constant 0 : i32
        %dma_wait3A_452 = arith.constant 0 : i32
        %dma_wait3A_453 = tpu.memref_slice %arg7[%dma_wait3A, %dma_wait3A_452] : memref<8x6272xf32, #tpu.memory_space<vmem>> -> memref<8x6144xf32, #tpu.memory_space<vmem>>
        %dma_wait3A_454 = tpu.memref_slice %arg3[%multiple_of3A, %multiple_of3A_62] : memref<256x50000xf32, #tpu.memory_space<hbm>> -> memref<8x6144xf32, #tpu.memory_space<hbm>>
        %dma_wait3A_455 = arith.constant 0 : i32
        %dma_wait3A_456 = arith.constant 0 : i32
        %dma_wait3A_457 = tpu.memref_slice %arg7[%dma_wait3A_455, %dma_wait3A_456] : memref<8x6272xf32, #tpu.memory_space<vmem>> -> memref<8x6144xf32, #tpu.memory_space<vmem>>
        %dma_wait3A_458 = tpu.memref_slice %arg3[%multiple_of3A, %multiple_of3A_62] : memref<256x50000xf32, #tpu.memory_space<hbm>> -> memref<8x6144xf32, #tpu.memory_space<hbm>>
        tpu.wait_dma2 semaphore(%run_scoped3A : memref<!tpu.dma_semaphore, #tpu.memory_space<semaphore_mem>>) src(%dma_wait3A_458 : memref<8x6144xf32, #tpu.memory_space<hbm>>) dst(%dma_wait3A_457 : memref<8x6144xf32, #tpu.memory_space<vmem>>)
        tpu.yield
      }) : () -> ()
    } else {
    }
    %jit3A_68 = arith.constant 384 : i32
    %jit3A_69 = arith.constant 392 : i32
    %select_n3A_70 = arith.select %ge3A_52, %jit3A_68, %jit3A_69 : i32
    %get3A = arith.constant 0 : i32
    %get3A_71 = arith.index_cast %get3A : i32 to index
    %get3A_72 = arith.constant 0 : index
    %get3A_73 = tpu.vector_load %arg8[%get3A_71, %get3A_72] {strides = array<i32>} : memref<8x16xf32, #tpu.memory_space<vmem>>, vector<1x16xf32>,
    %get3A_74 = vector.shape_cast %get3A_73 : vector<1x16xf32> to vector<16xf32>
    %slice3A = vector.extract_strided_slice %get3A_74 {offsets = [0], sizes = [1], strides = [1]} : vector<16xf32> to vector<1xf32>
    %squeeze3A = vector.extract %slice3A[0] : f32 from vector<1xf32>
    %slice3A_75 = vector.extract_strided_slice %get3A_74 {offsets = [1], sizes = [1], strides = [1]} : vector<16xf32> to vector<1xf32>
    %squeeze3A_76 = vector.extract %slice3A_75[0] : f32 from vector<1xf32>
    %slice3A_77 = vector.extract_strided_slice %get3A_74 {offsets = [2], sizes = [1], strides = [1]} : vector<16xf32> to vector<1xf32>
    %squeeze3A_78 = vector.extract %slice3A_77[0] : f32 from vector<1xf32>
    %slice3A_79 = vector.extract_strided_slice %get3A_74 {offsets = [3], sizes = [1], strides = [1]} : vector<16xf32> to vector<1xf32>
    %squeeze3A_80 = vector.extract %slice3A_79[0] : f32 from vector<1xf32>
    %scan3A = arith.constant 0 : i32
    %scan3A_81 = arith.constant 392 : i32
    %scan3A_82 = arith.addi %scan3A, %scan3A_81 : i32
    %scan3A_83 = arith.constant 8 : i32
    %scan3A_84 = scf.for %scan3A_445 = %scan3A to %scan3A_82 step %scan3A_83 iter_args(%scan3A_446 = %broadcast_in_dim3A_35) -> (vector<16xf32>)  : i32 {
      %mul3A_447 = arith.constant 16 : i32
      %mul3A_448 = arith.muli %scan3A_445, %mul3A_447 : i32
      %get3A_449 = arith.constant 0 : i32
      %get3A_450 = arith.index_cast %get3A_449 : i32 to index
      %get3A_451 = arith.index_cast %mul3A_448 : i32 to index
      %get3A_452 = tpu.vector_load %arg6[%get3A_450, %get3A_451] {strides = array<i32>} : memref<8x6272xf32, #tpu.memory_space<vmem>>, vector<1x16xf32>,
      %get3A_453 = vector.shape_cast %get3A_452 : vector<1x16xf32> to vector<16xf32>
      %mul3A_454 = arith.constant 16 : i32
      %mul3A_455 = arith.muli %scan3A_445, %mul3A_454 : i32
      %get3A_456 = arith.constant 0 : i32
      %get3A_457 = arith.index_cast %get3A_456 : i32 to index
      %get3A_458 = arith.index_cast %mul3A_455 : i32 to index
      %get3A_459 = tpu.vector_load %arg7[%get3A_457, %get3A_458] {strides = array<i32>} : memref<8x6272xf32, #tpu.memory_space<vmem>>, vector<1x16xf32>,
      %get3A_460 = vector.shape_cast %get3A_459 : vector<1x16xf32> to vector<16xf32>
      %mul3A_461 = vector.broadcast %squeeze3A_80 : f32 to vector<16xf32>
      %mul3A_462 = arith.mulf %get3A_453, %mul3A_461 : vector<16xf32>
      %add3A_463 = vector.broadcast %squeeze3A_78 : f32 to vector<16xf32>
      %add3A_464 = arith.addf %add3A_463, %mul3A_462 : vector<16xf32>
      %mul3A_465 = arith.mulf %get3A_453, %add3A_464 : vector<16xf32>
      %add3A_466 = vector.broadcast %squeeze3A_76 : f32 to vector<16xf32>
      %add3A_467 = arith.addf %add3A_466, %mul3A_465 : vector<16xf32>
      %mul3A_468 = arith.mulf %get3A_453, %add3A_467 : vector<16xf32>
      %add3A_469 = vector.broadcast %squeeze3A : f32 to vector<16xf32>
      %add3A_470 = arith.addf %add3A_469, %mul3A_468 : vector<16xf32>
      %sub3A_471 = arith.subf %add3A_470, %get3A_460 : vector<16xf32>
      %lt3A_472 = arith.cmpi slt, %scan3A_445, %select_n3A_70 : i32
      %mul3A_473 = arith.mulf %sub3A_471, %sub3A_471 : vector<16xf32>
      %jit3A_474 = arith.constant 0.000000e+00 : f32
      %broadcast_in_dim3A_475 = vector.broadcast %jit3A_474 : f32 to vector<16xf32>
      %select_n3A_476 = arith.select %lt3A_472, %mul3A_473, %broadcast_in_dim3A_475 : vector<16xf32>
      %add3A_477 = arith.addf %scan3A_446, %select_n3A_476 : vector<16xf32>
      %scan3A_478 = arith.constant 1 : i32
      %scan3A_479 = arith.addi %scan3A_445, %scan3A_478 : i32
      %mul3A_480 = arith.constant 16 : i32
      %mul3A_481 = arith.muli %scan3A_479, %mul3A_480 : i32
      %get3A_482 = arith.constant 0 : i32
      %get3A_483 = arith.index_cast %get3A_482 : i32 to index
      %get3A_484 = arith.index_cast %mul3A_481 : i32 to index
      %get3A_485 = tpu.vector_load %arg6[%get3A_483, %get3A_484] {strides = array<i32>} : memref<8x6272xf32, #tpu.memory_space<vmem>>, vector<1x16xf32>,
      %get3A_486 = vector.shape_cast %get3A_485 : vector<1x16xf32> to vector<16xf32>
      %mul3A_487 = arith.constant 16 : i32
      %mul3A_488 = arith.muli %scan3A_479, %mul3A_487 : i32
      %get3A_489 = arith.constant 0 : i32
      %get3A_490 = arith.index_cast %get3A_489 : i32 to index
      %get3A_491 = arith.index_cast %mul3A_488 : i32 to index
      %get3A_492 = tpu.vector_load %arg7[%get3A_490, %get3A_491] {strides = array<i32>} : memref<8x6272xf32, #tpu.memory_space<vmem>>, vector<1x16xf32>,
      %get3A_493 = vector.shape_cast %get3A_492 : vector<1x16xf32> to vector<16xf32>
      %mul3A_494 = vector.broadcast %squeeze3A_80 : f32 to vector<16xf32>
      %mul3A_495 = arith.mulf %get3A_486, %mul3A_494 : vector<16xf32>
      %add3A_496 = vector.broadcast %squeeze3A_78 : f32 to vector<16xf32>
      %add3A_497 = arith.addf %add3A_496, %mul3A_495 : vector<16xf32>
      %mul3A_498 = arith.mulf %get3A_486, %add3A_497 : vector<16xf32>
      %add3A_499 = vector.broadcast %squeeze3A_76 : f32 to vector<16xf32>
      %add3A_500 = arith.addf %add3A_499, %mul3A_498 : vector<16xf32>
      %mul3A_501 = arith.mulf %get3A_486, %add3A_500 : vector<16xf32>
      %add3A_502 = vector.broadcast %squeeze3A : f32 to vector<16xf32>
      %add3A_503 = arith.addf %add3A_502, %mul3A_501 : vector<16xf32>
      %sub3A_504 = arith.subf %add3A_503, %get3A_493 : vector<16xf32>
      %lt3A_505 = arith.cmpi slt, %scan3A_479, %select_n3A_70 : i32
      %mul3A_506 = arith.mulf %sub3A_504, %sub3A_504 : vector<16xf32>
      %jit3A_507 = arith.constant 0.000000e+00 : f32
      %broadcast_in_dim3A_508 = vector.broadcast %jit3A_507 : f32 to vector<16xf32>
      %select_n3A_509 = arith.select %lt3A_505, %mul3A_506, %broadcast_in_dim3A_508 : vector<16xf32>
      %add3A_510 = arith.addf %add3A_477, %select_n3A_509 : vector<16xf32>
      %scan3A_511 = arith.constant 2 : i32
      %scan3A_512 = arith.addi %scan3A_445, %scan3A_511 : i32
      %mul3A_513 = arith.constant 16 : i32
      %mul3A_514 = arith.muli %scan3A_512, %mul3A_513 : i32
      %get3A_515 = arith.constant 0 : i32
      %get3A_516 = arith.index_cast %get3A_515 : i32 to index
      %get3A_517 = arith.index_cast %mul3A_514 : i32 to index
      %get3A_518 = tpu.vector_load %arg6[%get3A_516, %get3A_517] {strides = array<i32>} : memref<8x6272xf32, #tpu.memory_space<vmem>>, vector<1x16xf32>,
      %get3A_519 = vector.shape_cast %get3A_518 : vector<1x16xf32> to vector<16xf32>
      %mul3A_520 = arith.constant 16 : i32
      %mul3A_521 = arith.muli %scan3A_512, %mul3A_520 : i32
      %get3A_522 = arith.constant 0 : i32
      %get3A_523 = arith.index_cast %get3A_522 : i32 to index
      %get3A_524 = arith.index_cast %mul3A_521 : i32 to index
      %get3A_525 = tpu.vector_load %arg7[%get3A_523, %get3A_524] {strides = array<i32>} : memref<8x6272xf32, #tpu.memory_space<vmem>>, vector<1x16xf32>,
      %get3A_526 = vector.shape_cast %get3A_525 : vector<1x16xf32> to vector<16xf32>
      %mul3A_527 = vector.broadcast %squeeze3A_80 : f32 to vector<16xf32>
      %mul3A_528 = arith.mulf %get3A_519, %mul3A_527 : vector<16xf32>
      %add3A_529 = vector.broadcast %squeeze3A_78 : f32 to vector<16xf32>
      %add3A_530 = arith.addf %add3A_529, %mul3A_528 : vector<16xf32>
      %mul3A_531 = arith.mulf %get3A_519, %add3A_530 : vector<16xf32>
      %add3A_532 = vector.broadcast %squeeze3A_76 : f32 to vector<16xf32>
      %add3A_533 = arith.addf %add3A_532, %mul3A_531 : vector<16xf32>
      %mul3A_534 = arith.mulf %get3A_519, %add3A_533 : vector<16xf32>
      %add3A_535 = vector.broadcast %squeeze3A : f32 to vector<16xf32>
      %add3A_536 = arith.addf %add3A_535, %mul3A_534 : vector<16xf32>
      %sub3A_537 = arith.subf %add3A_536, %get3A_526 : vector<16xf32>
      %lt3A_538 = arith.cmpi slt, %scan3A_512, %select_n3A_70 : i32
      %mul3A_539 = arith.mulf %sub3A_537, %sub3A_537 : vector<16xf32>
      %jit3A_540 = arith.constant 0.000000e+00 : f32
      %broadcast_in_dim3A_541 = vector.broadcast %jit3A_540 : f32 to vector<16xf32>
      %select_n3A_542 = arith.select %lt3A_538, %mul3A_539, %broadcast_in_dim3A_541 : vector<16xf32>
      %add3A_543 = arith.addf %add3A_510, %select_n3A_542 : vector<16xf32>
      %scan3A_544 = arith.constant 3 : i32
      %scan3A_545 = arith.addi %scan3A_445, %scan3A_544 : i32
      %mul3A_546 = arith.constant 16 : i32
      %mul3A_547 = arith.muli %scan3A_545, %mul3A_546 : i32
      %get3A_548 = arith.constant 0 : i32
      %get3A_549 = arith.index_cast %get3A_548 : i32 to index
      %get3A_550 = arith.index_cast %mul3A_547 : i32 to index
      %get3A_551 = tpu.vector_load %arg6[%get3A_549, %get3A_550] {strides = array<i32>} : memref<8x6272xf32, #tpu.memory_space<vmem>>, vector<1x16xf32>,
      %get3A_552 = vector.shape_cast %get3A_551 : vector<1x16xf32> to vector<16xf32>
      %mul3A_553 = arith.constant 16 : i32
      %mul3A_554 = arith.muli %scan3A_545, %mul3A_553 : i32
      %get3A_555 = arith.constant 0 : i32
      %get3A_556 = arith.index_cast %get3A_555 : i32 to index
      %get3A_557 = arith.index_cast %mul3A_554 : i32 to index
      %get3A_558 = tpu.vector_load %arg7[%get3A_556, %get3A_557] {strides = array<i32>} : memref<8x6272xf32, #tpu.memory_space<vmem>>, vector<1x16xf32>,
      %get3A_559 = vector.shape_cast %get3A_558 : vector<1x16xf32> to vector<16xf32>
      %mul3A_560 = vector.broadcast %squeeze3A_80 : f32 to vector<16xf32>
      %mul3A_561 = arith.mulf %get3A_552, %mul3A_560 : vector<16xf32>
      %add3A_562 = vector.broadcast %squeeze3A_78 : f32 to vector<16xf32>
      %add3A_563 = arith.addf %add3A_562, %mul3A_561 : vector<16xf32>
      %mul3A_564 = arith.mulf %get3A_552, %add3A_563 : vector<16xf32>
      %add3A_565 = vector.broadcast %squeeze3A_76 : f32 to vector<16xf32>
      %add3A_566 = arith.addf %add3A_565, %mul3A_564 : vector<16xf32>
      %mul3A_567 = arith.mulf %get3A_552, %add3A_566 : vector<16xf32>
      %add3A_568 = vector.broadcast %squeeze3A : f32 to vector<16xf32>
      %add3A_569 = arith.addf %add3A_568, %mul3A_567 : vector<16xf32>
      %sub3A_570 = arith.subf %add3A_569, %get3A_559 : vector<16xf32>
      %lt3A_571 = arith.cmpi slt, %scan3A_545, %select_n3A_70 : i32
      %mul3A_572 = arith.mulf %sub3A_570, %sub3A_570 : vector<16xf32>
      %jit3A_573 = arith.constant 0.000000e+00 : f32
      %broadcast_in_dim3A_574 = vector.broadcast %jit3A_573 : f32 to vector<16xf32>
      %select_n3A_575 = arith.select %lt3A_571, %mul3A_572, %broadcast_in_dim3A_574 : vector<16xf32>
      %add3A_576 = arith.addf %add3A_543, %select_n3A_575 : vector<16xf32>
      %scan3A_577 = arith.constant 4 : i32
      %scan3A_578 = arith.addi %scan3A_445, %scan3A_577 : i32
      %mul3A_579 = arith.constant 16 : i32
      %mul3A_580 = arith.muli %scan3A_578, %mul3A_579 : i32
      %get3A_581 = arith.constant 0 : i32
      %get3A_582 = arith.index_cast %get3A_581 : i32 to index
      %get3A_583 = arith.index_cast %mul3A_580 : i32 to index
      %get3A_584 = tpu.vector_load %arg6[%get3A_582, %get3A_583] {strides = array<i32>} : memref<8x6272xf32, #tpu.memory_space<vmem>>, vector<1x16xf32>,
      %get3A_585 = vector.shape_cast %get3A_584 : vector<1x16xf32> to vector<16xf32>
      %mul3A_586 = arith.constant 16 : i32
      %mul3A_587 = arith.muli %scan3A_578, %mul3A_586 : i32
      %get3A_588 = arith.constant 0 : i32
      %get3A_589 = arith.index_cast %get3A_588 : i32 to index
      %get3A_590 = arith.index_cast %mul3A_587 : i32 to index
      %get3A_591 = tpu.vector_load %arg7[%get3A_589, %get3A_590] {strides = array<i32>} : memref<8x6272xf32, #tpu.memory_space<vmem>>, vector<1x16xf32>,
      %get3A_592 = vector.shape_cast %get3A_591 : vector<1x16xf32> to vector<16xf32>
      %mul3A_593 = vector.broadcast %squeeze3A_80 : f32 to vector<16xf32>
      %mul3A_594 = arith.mulf %get3A_585, %mul3A_593 : vector<16xf32>
      %add3A_595 = vector.broadcast %squeeze3A_78 : f32 to vector<16xf32>
      %add3A_596 = arith.addf %add3A_595, %mul3A_594 : vector<16xf32>
      %mul3A_597 = arith.mulf %get3A_585, %add3A_596 : vector<16xf32>
      %add3A_598 = vector.broadcast %squeeze3A_76 : f32 to vector<16xf32>
      %add3A_599 = arith.addf %add3A_598, %mul3A_597 : vector<16xf32>
      %mul3A_600 = arith.mulf %get3A_585, %add3A_599 : vector<16xf32>
      %add3A_601 = vector.broadcast %squeeze3A : f32 to vector<16xf32>
      %add3A_602 = arith.addf %add3A_601, %mul3A_600 : vector<16xf32>
      %sub3A_603 = arith.subf %add3A_602, %get3A_592 : vector<16xf32>
      %lt3A_604 = arith.cmpi slt, %scan3A_578, %select_n3A_70 : i32
      %mul3A_605 = arith.mulf %sub3A_603, %sub3A_603 : vector<16xf32>
      %jit3A_606 = arith.constant 0.000000e+00 : f32
      %broadcast_in_dim3A_607 = vector.broadcast %jit3A_606 : f32 to vector<16xf32>
      %select_n3A_608 = arith.select %lt3A_604, %mul3A_605, %broadcast_in_dim3A_607 : vector<16xf32>
      %add3A_609 = arith.addf %add3A_576, %select_n3A_608 : vector<16xf32>
      %scan3A_610 = arith.constant 5 : i32
      %scan3A_611 = arith.addi %scan3A_445, %scan3A_610 : i32
      %mul3A_612 = arith.constant 16 : i32
      %mul3A_613 = arith.muli %scan3A_611, %mul3A_612 : i32
      %get3A_614 = arith.constant 0 : i32
      %get3A_615 = arith.index_cast %get3A_614 : i32 to index
      %get3A_616 = arith.index_cast %mul3A_613 : i32 to index
      %get3A_617 = tpu.vector_load %arg6[%get3A_615, %get3A_616] {strides = array<i32>} : memref<8x6272xf32, #tpu.memory_space<vmem>>, vector<1x16xf32>,
      %get3A_618 = vector.shape_cast %get3A_617 : vector<1x16xf32> to vector<16xf32>
      %mul3A_619 = arith.constant 16 : i32
      %mul3A_620 = arith.muli %scan3A_611, %mul3A_619 : i32
      %get3A_621 = arith.constant 0 : i32
      %get3A_622 = arith.index_cast %get3A_621 : i32 to index
      %get3A_623 = arith.index_cast %mul3A_620 : i32 to index
      %get3A_624 = tpu.vector_load %arg7[%get3A_622, %get3A_623] {strides = array<i32>} : memref<8x6272xf32, #tpu.memory_space<vmem>>, vector<1x16xf32>,
      %get3A_625 = vector.shape_cast %get3A_624 : vector<1x16xf32> to vector<16xf32>
      %mul3A_626 = vector.broadcast %squeeze3A_80 : f32 to vector<16xf32>
      %mul3A_627 = arith.mulf %get3A_618, %mul3A_626 : vector<16xf32>
      %add3A_628 = vector.broadcast %squeeze3A_78 : f32 to vector<16xf32>
      %add3A_629 = arith.addf %add3A_628, %mul3A_627 : vector<16xf32>
      %mul3A_630 = arith.mulf %get3A_618, %add3A_629 : vector<16xf32>
      %add3A_631 = vector.broadcast %squeeze3A_76 : f32 to vector<16xf32>
      %add3A_632 = arith.addf %add3A_631, %mul3A_630 : vector<16xf32>
      %mul3A_633 = arith.mulf %get3A_618, %add3A_632 : vector<16xf32>
      %add3A_634 = vector.broadcast %squeeze3A : f32 to vector<16xf32>
      %add3A_635 = arith.addf %add3A_634, %mul3A_633 : vector<16xf32>
      %sub3A_636 = arith.subf %add3A_635, %get3A_625 : vector<16xf32>
      %lt3A_637 = arith.cmpi slt, %scan3A_611, %select_n3A_70 : i32
      %mul3A_638 = arith.mulf %sub3A_636, %sub3A_636 : vector<16xf32>
      %jit3A_639 = arith.constant 0.000000e+00 : f32
      %broadcast_in_dim3A_640 = vector.broadcast %jit3A_639 : f32 to vector<16xf32>
      %select_n3A_641 = arith.select %lt3A_637, %mul3A_638, %broadcast_in_dim3A_640 : vector<16xf32>
      %add3A_642 = arith.addf %add3A_609, %select_n3A_641 : vector<16xf32>
      %scan3A_643 = arith.constant 6 : i32
      %scan3A_644 = arith.addi %scan3A_445, %scan3A_643 : i32
      %mul3A_645 = arith.constant 16 : i32
      %mul3A_646 = arith.muli %scan3A_644, %mul3A_645 : i32
      %get3A_647 = arith.constant 0 : i32
      %get3A_648 = arith.index_cast %get3A_647 : i32 to index
      %get3A_649 = arith.index_cast %mul3A_646 : i32 to index
      %get3A_650 = tpu.vector_load %arg6[%get3A_648, %get3A_649] {strides = array<i32>} : memref<8x6272xf32, #tpu.memory_space<vmem>>, vector<1x16xf32>,
      %get3A_651 = vector.shape_cast %get3A_650 : vector<1x16xf32> to vector<16xf32>
      %mul3A_652 = arith.constant 16 : i32
      %mul3A_653 = arith.muli %scan3A_644, %mul3A_652 : i32
      %get3A_654 = arith.constant 0 : i32
      %get3A_655 = arith.index_cast %get3A_654 : i32 to index
      %get3A_656 = arith.index_cast %mul3A_653 : i32 to index
      %get3A_657 = tpu.vector_load %arg7[%get3A_655, %get3A_656] {strides = array<i32>} : memref<8x6272xf32, #tpu.memory_space<vmem>>, vector<1x16xf32>,
      %get3A_658 = vector.shape_cast %get3A_657 : vector<1x16xf32> to vector<16xf32>
      %mul3A_659 = vector.broadcast %squeeze3A_80 : f32 to vector<16xf32>
      %mul3A_660 = arith.mulf %get3A_651, %mul3A_659 : vector<16xf32>
      %add3A_661 = vector.broadcast %squeeze3A_78 : f32 to vector<16xf32>
      %add3A_662 = arith.addf %add3A_661, %mul3A_660 : vector<16xf32>
      %mul3A_663 = arith.mulf %get3A_651, %add3A_662 : vector<16xf32>
      %add3A_664 = vector.broadcast %squeeze3A_76 : f32 to vector<16xf32>
      %add3A_665 = arith.addf %add3A_664, %mul3A_663 : vector<16xf32>
      %mul3A_666 = arith.mulf %get3A_651, %add3A_665 : vector<16xf32>
      %add3A_667 = vector.broadcast %squeeze3A : f32 to vector<16xf32>
      %add3A_668 = arith.addf %add3A_667, %mul3A_666 : vector<16xf32>
      %sub3A_669 = arith.subf %add3A_668, %get3A_658 : vector<16xf32>
      %lt3A_670 = arith.cmpi slt, %scan3A_644, %select_n3A_70 : i32
      %mul3A_671 = arith.mulf %sub3A_669, %sub3A_669 : vector<16xf32>
      %jit3A_672 = arith.constant 0.000000e+00 : f32
      %broadcast_in_dim3A_673 = vector.broadcast %jit3A_672 : f32 to vector<16xf32>
      %select_n3A_674 = arith.select %lt3A_670, %mul3A_671, %broadcast_in_dim3A_673 : vector<16xf32>
      %add3A_675 = arith.addf %add3A_642, %select_n3A_674 : vector<16xf32>
      %scan3A_676 = arith.constant 7 : i32
      %scan3A_677 = arith.addi %scan3A_445, %scan3A_676 : i32
      %mul3A_678 = arith.constant 16 : i32
      %mul3A_679 = arith.muli %scan3A_677, %mul3A_678 : i32
      %get3A_680 = arith.constant 0 : i32
      %get3A_681 = arith.index_cast %get3A_680 : i32 to index
      %get3A_682 = arith.index_cast %mul3A_679 : i32 to index
      %get3A_683 = tpu.vector_load %arg6[%get3A_681, %get3A_682] {strides = array<i32>} : memref<8x6272xf32, #tpu.memory_space<vmem>>, vector<1x16xf32>,
      %get3A_684 = vector.shape_cast %get3A_683 : vector<1x16xf32> to vector<16xf32>
      %mul3A_685 = arith.constant 16 : i32
      %mul3A_686 = arith.muli %scan3A_677, %mul3A_685 : i32
      %get3A_687 = arith.constant 0 : i32
      %get3A_688 = arith.index_cast %get3A_687 : i32 to index
      %get3A_689 = arith.index_cast %mul3A_686 : i32 to index
      %get3A_690 = tpu.vector_load %arg7[%get3A_688, %get3A_689] {strides = array<i32>} : memref<8x6272xf32, #tpu.memory_space<vmem>>, vector<1x16xf32>,
      %get3A_691 = vector.shape_cast %get3A_690 : vector<1x16xf32> to vector<16xf32>
      %mul3A_692 = vector.broadcast %squeeze3A_80 : f32 to vector<16xf32>
      %mul3A_693 = arith.mulf %get3A_684, %mul3A_692 : vector<16xf32>
      %add3A_694 = vector.broadcast %squeeze3A_78 : f32 to vector<16xf32>
      %add3A_695 = arith.addf %add3A_694, %mul3A_693 : vector<16xf32>
      %mul3A_696 = arith.mulf %get3A_684, %add3A_695 : vector<16xf32>
      %add3A_697 = vector.broadcast %squeeze3A_76 : f32 to vector<16xf32>
      %add3A_698 = arith.addf %add3A_697, %mul3A_696 : vector<16xf32>
      %mul3A_699 = arith.mulf %get3A_684, %add3A_698 : vector<16xf32>
      %add3A_700 = vector.broadcast %squeeze3A : f32 to vector<16xf32>
      %add3A_701 = arith.addf %add3A_700, %mul3A_699 : vector<16xf32>
      %sub3A_702 = arith.subf %add3A_701, %get3A_691 : vector<16xf32>
      %lt3A_703 = arith.cmpi slt, %scan3A_677, %select_n3A_70 : i32
      %mul3A_704 = arith.mulf %sub3A_702, %sub3A_702 : vector<16xf32>
      %jit3A_705 = arith.constant 0.000000e+00 : f32
      %broadcast_in_dim3A_706 = vector.broadcast %jit3A_705 : f32 to vector<16xf32>
      %select_n3A_707 = arith.select %lt3A_703, %mul3A_704, %broadcast_in_dim3A_706 : vector<16xf32>
      %add3A_708 = arith.addf %add3A_675, %select_n3A_707 : vector<16xf32>
      scf.yield %add3A_708 : vector<16xf32>
    }
    %scan3A_85 = arith.constant 392 : i32
    %get3A_86 = arith.constant 1 : i32
    %get3A_87 = arith.index_cast %get3A_86 : i32 to index
    %get3A_88 = arith.constant 0 : index
    %get3A_89 = tpu.vector_load %arg8[%get3A_87, %get3A_88] {strides = array<i32>} : memref<8x16xf32, #tpu.memory_space<vmem>>, vector<1x16xf32>,
    %get3A_90 = vector.shape_cast %get3A_89 : vector<1x16xf32> to vector<16xf32>
    %slice3A_91 = vector.extract_strided_slice %get3A_90 {offsets = [0], sizes = [1], strides = [1]} : vector<16xf32> to vector<1xf32>
    %squeeze3A_92 = vector.extract %slice3A_91[0] : f32 from vector<1xf32>
    %slice3A_93 = vector.extract_strided_slice %get3A_90 {offsets = [1], sizes = [1], strides = [1]} : vector<16xf32> to vector<1xf32>
    %squeeze3A_94 = vector.extract %slice3A_93[0] : f32 from vector<1xf32>
    %slice3A_95 = vector.extract_strided_slice %get3A_90 {offsets = [2], sizes = [1], strides = [1]} : vector<16xf32> to vector<1xf32>
    %squeeze3A_96 = vector.extract %slice3A_95[0] : f32 from vector<1xf32>
    %slice3A_97 = vector.extract_strided_slice %get3A_90 {offsets = [3], sizes = [1], strides = [1]} : vector<16xf32> to vector<1xf32>
    %squeeze3A_98 = vector.extract %slice3A_97[0] : f32 from vector<1xf32>
    %scan3A_99 = arith.constant 0 : i32
    %scan3A_100 = arith.constant 392 : i32
    %scan3A_101 = arith.addi %scan3A_99, %scan3A_100 : i32
    %scan3A_102 = arith.constant 8 : i32
    %scan3A_103 = scf.for %scan3A_445 = %scan3A_99 to %scan3A_101 step %scan3A_102 iter_args(%scan3A_446 = %broadcast_in_dim3A_37) -> (vector<16xf32>)  : i32 {
      %mul3A_447 = arith.constant 16 : i32
      %mul3A_448 = arith.muli %scan3A_445, %mul3A_447 : i32
      %get3A_449 = arith.constant 1 : i32
      %get3A_450 = arith.index_cast %get3A_449 : i32 to index
      %get3A_451 = arith.index_cast %mul3A_448 : i32 to index
      %get3A_452 = tpu.vector_load %arg6[%get3A_450, %get3A_451] {strides = array<i32>} : memref<8x6272xf32, #tpu.memory_space<vmem>>, vector<1x16xf32>,
      %get3A_453 = vector.shape_cast %get3A_452 : vector<1x16xf32> to vector<16xf32>
      %mul3A_454 = arith.constant 16 : i32
      %mul3A_455 = arith.muli %scan3A_445, %mul3A_454 : i32
      %get3A_456 = arith.constant 1 : i32
      %get3A_457 = arith.index_cast %get3A_456 : i32 to index
      %get3A_458 = arith.index_cast %mul3A_455 : i32 to index
      %get3A_459 = tpu.vector_load %arg7[%get3A_457, %get3A_458] {strides = array<i32>} : memref<8x6272xf32, #tpu.memory_space<vmem>>, vector<1x16xf32>,
      %get3A_460 = vector.shape_cast %get3A_459 : vector<1x16xf32> to vector<16xf32>
      %mul3A_461 = vector.broadcast %squeeze3A_98 : f32 to vector<16xf32>
      %mul3A_462 = arith.mulf %get3A_453, %mul3A_461 : vector<16xf32>
      %add3A_463 = vector.broadcast %squeeze3A_96 : f32 to vector<16xf32>
      %add3A_464 = arith.addf %add3A_463, %mul3A_462 : vector<16xf32>
      %mul3A_465 = arith.mulf %get3A_453, %add3A_464 : vector<16xf32>
      %add3A_466 = vector.broadcast %squeeze3A_94 : f32 to vector<16xf32>
      %add3A_467 = arith.addf %add3A_466, %mul3A_465 : vector<16xf32>
      %mul3A_468 = arith.mulf %get3A_453, %add3A_467 : vector<16xf32>
      %add3A_469 = vector.broadcast %squeeze3A_92 : f32 to vector<16xf32>
      %add3A_470 = arith.addf %add3A_469, %mul3A_468 : vector<16xf32>
      %sub3A_471 = arith.subf %add3A_470, %get3A_460 : vector<16xf32>
      %lt3A_472 = arith.cmpi slt, %scan3A_445, %select_n3A_70 : i32
      %mul3A_473 = arith.mulf %sub3A_471, %sub3A_471 : vector<16xf32>
      %jit3A_474 = arith.constant 0.000000e+00 : f32
      %broadcast_in_dim3A_475 = vector.broadcast %jit3A_474 : f32 to vector<16xf32>
      %select_n3A_476 = arith.select %lt3A_472, %mul3A_473, %broadcast_in_dim3A_475 : vector<16xf32>
      %add3A_477 = arith.addf %scan3A_446, %select_n3A_476 : vector<16xf32>
      %scan3A_478 = arith.constant 1 : i32
      %scan3A_479 = arith.addi %scan3A_445, %scan3A_478 : i32
      %mul3A_480 = arith.constant 16 : i32
      %mul3A_481 = arith.muli %scan3A_479, %mul3A_480 : i32
      %get3A_482 = arith.constant 1 : i32
      %get3A_483 = arith.index_cast %get3A_482 : i32 to index
      %get3A_484 = arith.index_cast %mul3A_481 : i32 to index
      %get3A_485 = tpu.vector_load %arg6[%get3A_483, %get3A_484] {strides = array<i32>} : memref<8x6272xf32, #tpu.memory_space<vmem>>, vector<1x16xf32>,
      %get3A_486 = vector.shape_cast %get3A_485 : vector<1x16xf32> to vector<16xf32>
      %mul3A_487 = arith.constant 16 : i32
      %mul3A_488 = arith.muli %scan3A_479, %mul3A_487 : i32
      %get3A_489 = arith.constant 1 : i32
      %get3A_490 = arith.index_cast %get3A_489 : i32 to index
      %get3A_491 = arith.index_cast %mul3A_488 : i32 to index
      %get3A_492 = tpu.vector_load %arg7[%get3A_490, %get3A_491] {strides = array<i32>} : memref<8x6272xf32, #tpu.memory_space<vmem>>, vector<1x16xf32>,
      %get3A_493 = vector.shape_cast %get3A_492 : vector<1x16xf32> to vector<16xf32>
      %mul3A_494 = vector.broadcast %squeeze3A_98 : f32 to vector<16xf32>
      %mul3A_495 = arith.mulf %get3A_486, %mul3A_494 : vector<16xf32>
      %add3A_496 = vector.broadcast %squeeze3A_96 : f32 to vector<16xf32>
      %add3A_497 = arith.addf %add3A_496, %mul3A_495 : vector<16xf32>
      %mul3A_498 = arith.mulf %get3A_486, %add3A_497 : vector<16xf32>
      %add3A_499 = vector.broadcast %squeeze3A_94 : f32 to vector<16xf32>
      %add3A_500 = arith.addf %add3A_499, %mul3A_498 : vector<16xf32>
      %mul3A_501 = arith.mulf %get3A_486, %add3A_500 : vector<16xf32>
      %add3A_502 = vector.broadcast %squeeze3A_92 : f32 to vector<16xf32>
      %add3A_503 = arith.addf %add3A_502, %mul3A_501 : vector<16xf32>
      %sub3A_504 = arith.subf %add3A_503, %get3A_493 : vector<16xf32>
      %lt3A_505 = arith.cmpi slt, %scan3A_479, %select_n3A_70 : i32
      %mul3A_506 = arith.mulf %sub3A_504, %sub3A_504 : vector<16xf32>
      %jit3A_507 = arith.constant 0.000000e+00 : f32
      %broadcast_in_dim3A_508 = vector.broadcast %jit3A_507 : f32 to vector<16xf32>
      %select_n3A_509 = arith.select %lt3A_505, %mul3A_506, %broadcast_in_dim3A_508 : vector<16xf32>
      %add3A_510 = arith.addf %add3A_477, %select_n3A_509 : vector<16xf32>
      %scan3A_511 = arith.constant 2 : i32
      %scan3A_512 = arith.addi %scan3A_445, %scan3A_511 : i32
      %mul3A_513 = arith.constant 16 : i32
      %mul3A_514 = arith.muli %scan3A_512, %mul3A_513 : i32
      %get3A_515 = arith.constant 1 : i32
      %get3A_516 = arith.index_cast %get3A_515 : i32 to index
      %get3A_517 = arith.index_cast %mul3A_514 : i32 to index
      %get3A_518 = tpu.vector_load %arg6[%get3A_516, %get3A_517] {strides = array<i32>} : memref<8x6272xf32, #tpu.memory_space<vmem>>, vector<1x16xf32>,
      %get3A_519 = vector.shape_cast %get3A_518 : vector<1x16xf32> to vector<16xf32>
      %mul3A_520 = arith.constant 16 : i32
      %mul3A_521 = arith.muli %scan3A_512, %mul3A_520 : i32
      %get3A_522 = arith.constant 1 : i32
      %get3A_523 = arith.index_cast %get3A_522 : i32 to index
      %get3A_524 = arith.index_cast %mul3A_521 : i32 to index
      %get3A_525 = tpu.vector_load %arg7[%get3A_523, %get3A_524] {strides = array<i32>} : memref<8x6272xf32, #tpu.memory_space<vmem>>, vector<1x16xf32>,
      %get3A_526 = vector.shape_cast %get3A_525 : vector<1x16xf32> to vector<16xf32>
      %mul3A_527 = vector.broadcast %squeeze3A_98 : f32 to vector<16xf32>
      %mul3A_528 = arith.mulf %get3A_519, %mul3A_527 : vector<16xf32>
      %add3A_529 = vector.broadcast %squeeze3A_96 : f32 to vector<16xf32>
      %add3A_530 = arith.addf %add3A_529, %mul3A_528 : vector<16xf32>
      %mul3A_531 = arith.mulf %get3A_519, %add3A_530 : vector<16xf32>
      %add3A_532 = vector.broadcast %squeeze3A_94 : f32 to vector<16xf32>
      %add3A_533 = arith.addf %add3A_532, %mul3A_531 : vector<16xf32>
      %mul3A_534 = arith.mulf %get3A_519, %add3A_533 : vector<16xf32>
      %add3A_535 = vector.broadcast %squeeze3A_92 : f32 to vector<16xf32>
      %add3A_536 = arith.addf %add3A_535, %mul3A_534 : vector<16xf32>
      %sub3A_537 = arith.subf %add3A_536, %get3A_526 : vector<16xf32>
      %lt3A_538 = arith.cmpi slt, %scan3A_512, %select_n3A_70 : i32
      %mul3A_539 = arith.mulf %sub3A_537, %sub3A_537 : vector<16xf32>
      %jit3A_540 = arith.constant 0.000000e+00 : f32
      %broadcast_in_dim3A_541 = vector.broadcast %jit3A_540 : f32 to vector<16xf32>
      %select_n3A_542 = arith.select %lt3A_538, %mul3A_539, %broadcast_in_dim3A_541 : vector<16xf32>
      %add3A_543 = arith.addf %add3A_510, %select_n3A_542 : vector<16xf32>
      %scan3A_544 = arith.constant 3 : i32
      %scan3A_545 = arith.addi %scan3A_445, %scan3A_544 : i32
      %mul3A_546 = arith.constant 16 : i32
      %mul3A_547 = arith.muli %scan3A_545, %mul3A_546 : i32
      %get3A_548 = arith.constant 1 : i32
      %get3A_549 = arith.index_cast %get3A_548 : i32 to index
      %get3A_550 = arith.index_cast %mul3A_547 : i32 to index
      %get3A_551 = tpu.vector_load %arg6[%get3A_549, %get3A_550] {strides = array<i32>} : memref<8x6272xf32, #tpu.memory_space<vmem>>, vector<1x16xf32>,
      %get3A_552 = vector.shape_cast %get3A_551 : vector<1x16xf32> to vector<16xf32>
      %mul3A_553 = arith.constant 16 : i32
      %mul3A_554 = arith.muli %scan3A_545, %mul3A_553 : i32
      %get3A_555 = arith.constant 1 : i32
      %get3A_556 = arith.index_cast %get3A_555 : i32 to index
      %get3A_557 = arith.index_cast %mul3A_554 : i32 to index
      %get3A_558 = tpu.vector_load %arg7[%get3A_556, %get3A_557] {strides = array<i32>} : memref<8x6272xf32, #tpu.memory_space<vmem>>, vector<1x16xf32>,
      %get3A_559 = vector.shape_cast %get3A_558 : vector<1x16xf32> to vector<16xf32>
      %mul3A_560 = vector.broadcast %squeeze3A_98 : f32 to vector<16xf32>
      %mul3A_561 = arith.mulf %get3A_552, %mul3A_560 : vector<16xf32>
      %add3A_562 = vector.broadcast %squeeze3A_96 : f32 to vector<16xf32>
      %add3A_563 = arith.addf %add3A_562, %mul3A_561 : vector<16xf32>
      %mul3A_564 = arith.mulf %get3A_552, %add3A_563 : vector<16xf32>
      %add3A_565 = vector.broadcast %squeeze3A_94 : f32 to vector<16xf32>
      %add3A_566 = arith.addf %add3A_565, %mul3A_564 : vector<16xf32>
      %mul3A_567 = arith.mulf %get3A_552, %add3A_566 : vector<16xf32>
      %add3A_568 = vector.broadcast %squeeze3A_92 : f32 to vector<16xf32>
      %add3A_569 = arith.addf %add3A_568, %mul3A_567 : vector<16xf32>
      %sub3A_570 = arith.subf %add3A_569, %get3A_559 : vector<16xf32>
      %lt3A_571 = arith.cmpi slt, %scan3A_545, %select_n3A_70 : i32
      %mul3A_572 = arith.mulf %sub3A_570, %sub3A_570 : vector<16xf32>
      %jit3A_573 = arith.constant 0.000000e+00 : f32
      %broadcast_in_dim3A_574 = vector.broadcast %jit3A_573 : f32 to vector<16xf32>
      %select_n3A_575 = arith.select %lt3A_571, %mul3A_572, %broadcast_in_dim3A_574 : vector<16xf32>
      %add3A_576 = arith.addf %add3A_543, %select_n3A_575 : vector<16xf32>
      %scan3A_577 = arith.constant 4 : i32
      %scan3A_578 = arith.addi %scan3A_445, %scan3A_577 : i32
      %mul3A_579 = arith.constant 16 : i32
      %mul3A_580 = arith.muli %scan3A_578, %mul3A_579 : i32
      %get3A_581 = arith.constant 1 : i32
      %get3A_582 = arith.index_cast %get3A_581 : i32 to index
      %get3A_583 = arith.index_cast %mul3A_580 : i32 to index
      %get3A_584 = tpu.vector_load %arg6[%get3A_582, %get3A_583] {strides = array<i32>} : memref<8x6272xf32, #tpu.memory_space<vmem>>, vector<1x16xf32>,
      %get3A_585 = vector.shape_cast %get3A_584 : vector<1x16xf32> to vector<16xf32>
      %mul3A_586 = arith.constant 16 : i32
      %mul3A_587 = arith.muli %scan3A_578, %mul3A_586 : i32
      %get3A_588 = arith.constant 1 : i32
      %get3A_589 = arith.index_cast %get3A_588 : i32 to index
      %get3A_590 = arith.index_cast %mul3A_587 : i32 to index
      %get3A_591 = tpu.vector_load %arg7[%get3A_589, %get3A_590] {strides = array<i32>} : memref<8x6272xf32, #tpu.memory_space<vmem>>, vector<1x16xf32>,
      %get3A_592 = vector.shape_cast %get3A_591 : vector<1x16xf32> to vector<16xf32>
      %mul3A_593 = vector.broadcast %squeeze3A_98 : f32 to vector<16xf32>
      %mul3A_594 = arith.mulf %get3A_585, %mul3A_593 : vector<16xf32>
      %add3A_595 = vector.broadcast %squeeze3A_96 : f32 to vector<16xf32>
      %add3A_596 = arith.addf %add3A_595, %mul3A_594 : vector<16xf32>
      %mul3A_597 = arith.mulf %get3A_585, %add3A_596 : vector<16xf32>
      %add3A_598 = vector.broadcast %squeeze3A_94 : f32 to vector<16xf32>
      %add3A_599 = arith.addf %add3A_598, %mul3A_597 : vector<16xf32>
      %mul3A_600 = arith.mulf %get3A_585, %add3A_599 : vector<16xf32>
      %add3A_601 = vector.broadcast %squeeze3A_92 : f32 to vector<16xf32>
      %add3A_602 = arith.addf %add3A_601, %mul3A_600 : vector<16xf32>
      %sub3A_603 = arith.subf %add3A_602, %get3A_592 : vector<16xf32>
      %lt3A_604 = arith.cmpi slt, %scan3A_578, %select_n3A_70 : i32
      %mul3A_605 = arith.mulf %sub3A_603, %sub3A_603 : vector<16xf32>
      %jit3A_606 = arith.constant 0.000000e+00 : f32
      %broadcast_in_dim3A_607 = vector.broadcast %jit3A_606 : f32 to vector<16xf32>
      %select_n3A_608 = arith.select %lt3A_604, %mul3A_605, %broadcast_in_dim3A_607 : vector<16xf32>
      %add3A_609 = arith.addf %add3A_576, %select_n3A_608 : vector<16xf32>
      %scan3A_610 = arith.constant 5 : i32
      %scan3A_611 = arith.addi %scan3A_445, %scan3A_610 : i32
      %mul3A_612 = arith.constant 16 : i32
      %mul3A_613 = arith.muli %scan3A_611, %mul3A_612 : i32
      %get3A_614 = arith.constant 1 : i32
      %get3A_615 = arith.index_cast %get3A_614 : i32 to index
      %get3A_616 = arith.index_cast %mul3A_613 : i32 to index
      %get3A_617 = tpu.vector_load %arg6[%get3A_615, %get3A_616] {strides = array<i32>} : memref<8x6272xf32, #tpu.memory_space<vmem>>, vector<1x16xf32>,
      %get3A_618 = vector.shape_cast %get3A_617 : vector<1x16xf32> to vector<16xf32>
      %mul3A_619 = arith.constant 16 : i32
      %mul3A_620 = arith.muli %scan3A_611, %mul3A_619 : i32
      %get3A_621 = arith.constant 1 : i32
      %get3A_622 = arith.index_cast %get3A_621 : i32 to index
      %get3A_623 = arith.index_cast %mul3A_620 : i32 to index
      %get3A_624 = tpu.vector_load %arg7[%get3A_622, %get3A_623] {strides = array<i32>} : memref<8x6272xf32, #tpu.memory_space<vmem>>, vector<1x16xf32>,
      %get3A_625 = vector.shape_cast %get3A_624 : vector<1x16xf32> to vector<16xf32>
      %mul3A_626 = vector.broadcast %squeeze3A_98 : f32 to vector<16xf32>
      %mul3A_627 = arith.mulf %get3A_618, %mul3A_626 : vector<16xf32>
      %add3A_628 = vector.broadcast %squeeze3A_96 : f32 to vector<16xf32>
      %add3A_629 = arith.addf %add3A_628, %mul3A_627 : vector<16xf32>
      %mul3A_630 = arith.mulf %get3A_618, %add3A_629 : vector<16xf32>
      %add3A_631 = vector.broadcast %squeeze3A_94 : f32 to vector<16xf32>
      %add3A_632 = arith.addf %add3A_631, %mul3A_630 : vector<16xf32>
      %mul3A_633 = arith.mulf %get3A_618, %add3A_632 : vector<16xf32>
      %add3A_634 = vector.broadcast %squeeze3A_92 : f32 to vector<16xf32>
      %add3A_635 = arith.addf %add3A_634, %mul3A_633 : vector<16xf32>
      %sub3A_636 = arith.subf %add3A_635, %get3A_625 : vector<16xf32>
      %lt3A_637 = arith.cmpi slt, %scan3A_611, %select_n3A_70 : i32
      %mul3A_638 = arith.mulf %sub3A_636, %sub3A_636 : vector<16xf32>
      %jit3A_639 = arith.constant 0.000000e+00 : f32
      %broadcast_in_dim3A_640 = vector.broadcast %jit3A_639 : f32 to vector<16xf32>
      %select_n3A_641 = arith.select %lt3A_637, %mul3A_638, %broadcast_in_dim3A_640 : vector<16xf32>
      %add3A_642 = arith.addf %add3A_609, %select_n3A_641 : vector<16xf32>
      %scan3A_643 = arith.constant 6 : i32
      %scan3A_644 = arith.addi %scan3A_445, %scan3A_643 : i32
      %mul3A_645 = arith.constant 16 : i32
      %mul3A_646 = arith.muli %scan3A_644, %mul3A_645 : i32
      %get3A_647 = arith.constant 1 : i32
      %get3A_648 = arith.index_cast %get3A_647 : i32 to index
      %get3A_649 = arith.index_cast %mul3A_646 : i32 to index
      %get3A_650 = tpu.vector_load %arg6[%get3A_648, %get3A_649] {strides = array<i32>} : memref<8x6272xf32, #tpu.memory_space<vmem>>, vector<1x16xf32>,
      %get3A_651 = vector.shape_cast %get3A_650 : vector<1x16xf32> to vector<16xf32>
      %mul3A_652 = arith.constant 16 : i32
      %mul3A_653 = arith.muli %scan3A_644, %mul3A_652 : i32
      %get3A_654 = arith.constant 1 : i32
      %get3A_655 = arith.index_cast %get3A_654 : i32 to index
      %get3A_656 = arith.index_cast %mul3A_653 : i32 to index
      %get3A_657 = tpu.vector_load %arg7[%get3A_655, %get3A_656] {strides = array<i32>} : memref<8x6272xf32, #tpu.memory_space<vmem>>, vector<1x16xf32>,
      %get3A_658 = vector.shape_cast %get3A_657 : vector<1x16xf32> to vector<16xf32>
      %mul3A_659 = vector.broadcast %squeeze3A_98 : f32 to vector<16xf32>
      %mul3A_660 = arith.mulf %get3A_651, %mul3A_659 : vector<16xf32>
      %add3A_661 = vector.broadcast %squeeze3A_96 : f32 to vector<16xf32>
      %add3A_662 = arith.addf %add3A_661, %mul3A_660 : vector<16xf32>
      %mul3A_663 = arith.mulf %get3A_651, %add3A_662 : vector<16xf32>
      %add3A_664 = vector.broadcast %squeeze3A_94 : f32 to vector<16xf32>
      %add3A_665 = arith.addf %add3A_664, %mul3A_663 : vector<16xf32>
      %mul3A_666 = arith.mulf %get3A_651, %add3A_665 : vector<16xf32>
      %add3A_667 = vector.broadcast %squeeze3A_92 : f32 to vector<16xf32>
      %add3A_668 = arith.addf %add3A_667, %mul3A_666 : vector<16xf32>
      %sub3A_669 = arith.subf %add3A_668, %get3A_658 : vector<16xf32>
      %lt3A_670 = arith.cmpi slt, %scan3A_644, %select_n3A_70 : i32
      %mul3A_671 = arith.mulf %sub3A_669, %sub3A_669 : vector<16xf32>
      %jit3A_672 = arith.constant 0.000000e+00 : f32
      %broadcast_in_dim3A_673 = vector.broadcast %jit3A_672 : f32 to vector<16xf32>
      %select_n3A_674 = arith.select %lt3A_670, %mul3A_671, %broadcast_in_dim3A_673 : vector<16xf32>
      %add3A_675 = arith.addf %add3A_642, %select_n3A_674 : vector<16xf32>
      %scan3A_676 = arith.constant 7 : i32
      %scan3A_677 = arith.addi %scan3A_445, %scan3A_676 : i32
      %mul3A_678 = arith.constant 16 : i32
      %mul3A_679 = arith.muli %scan3A_677, %mul3A_678 : i32
      %get3A_680 = arith.constant 1 : i32
      %get3A_681 = arith.index_cast %get3A_680 : i32 to index
      %get3A_682 = arith.index_cast %mul3A_679 : i32 to index
      %get3A_683 = tpu.vector_load %arg6[%get3A_681, %get3A_682] {strides = array<i32>} : memref<8x6272xf32, #tpu.memory_space<vmem>>, vector<1x16xf32>,
      %get3A_684 = vector.shape_cast %get3A_683 : vector<1x16xf32> to vector<16xf32>
      %mul3A_685 = arith.constant 16 : i32
      %mul3A_686 = arith.muli %scan3A_677, %mul3A_685 : i32
      %get3A_687 = arith.constant 1 : i32
      %get3A_688 = arith.index_cast %get3A_687 : i32 to index
      %get3A_689 = arith.index_cast %mul3A_686 : i32 to index
      %get3A_690 = tpu.vector_load %arg7[%get3A_688, %get3A_689] {strides = array<i32>} : memref<8x6272xf32, #tpu.memory_space<vmem>>, vector<1x16xf32>,
      %get3A_691 = vector.shape_cast %get3A_690 : vector<1x16xf32> to vector<16xf32>
      %mul3A_692 = vector.broadcast %squeeze3A_98 : f32 to vector<16xf32>
      %mul3A_693 = arith.mulf %get3A_684, %mul3A_692 : vector<16xf32>
      %add3A_694 = vector.broadcast %squeeze3A_96 : f32 to vector<16xf32>
      %add3A_695 = arith.addf %add3A_694, %mul3A_693 : vector<16xf32>
      %mul3A_696 = arith.mulf %get3A_684, %add3A_695 : vector<16xf32>
      %add3A_697 = vector.broadcast %squeeze3A_94 : f32 to vector<16xf32>
      %add3A_698 = arith.addf %add3A_697, %mul3A_696 : vector<16xf32>
      %mul3A_699 = arith.mulf %get3A_684, %add3A_698 : vector<16xf32>
      %add3A_700 = vector.broadcast %squeeze3A_92 : f32 to vector<16xf32>
      %add3A_701 = arith.addf %add3A_700, %mul3A_699 : vector<16xf32>
      %sub3A_702 = arith.subf %add3A_701, %get3A_691 : vector<16xf32>
      %lt3A_703 = arith.cmpi slt, %scan3A_677, %select_n3A_70 : i32
      %mul3A_704 = arith.mulf %sub3A_702, %sub3A_702 : vector<16xf32>
      %jit3A_705 = arith.constant 0.000000e+00 : f32
      %broadcast_in_dim3A_706 = vector.broadcast %jit3A_705 : f32 to vector<16xf32>
      %select_n3A_707 = arith.select %lt3A_703, %mul3A_704, %broadcast_in_dim3A_706 : vector<16xf32>
      %add3A_708 = arith.addf %add3A_675, %select_n3A_707 : vector<16xf32>
      scf.yield %add3A_708 : vector<16xf32>
    }
    %scan3A_104 = arith.constant 392 : i32
    %get3A_105 = arith.constant 2 : i32
    %get3A_106 = arith.index_cast %get3A_105 : i32 to index
    %get3A_107 = arith.constant 0 : index
    %get3A_108 = tpu.vector_load %arg8[%get3A_106, %get3A_107] {strides = array<i32>} : memref<8x16xf32, #tpu.memory_space<vmem>>, vector<1x16xf32>,
    %get3A_109 = vector.shape_cast %get3A_108 : vector<1x16xf32> to vector<16xf32>
    %slice3A_110 = vector.extract_strided_slice %get3A_109 {offsets = [0], sizes = [1], strides = [1]} : vector<16xf32> to vector<1xf32>
    %squeeze3A_111 = vector.extract %slice3A_110[0] : f32 from vector<1xf32>
    %slice3A_112 = vector.extract_strided_slice %get3A_109 {offsets = [1], sizes = [1], strides = [1]} : vector<16xf32> to vector<1xf32>
    %squeeze3A_113 = vector.extract %slice3A_112[0] : f32 from vector<1xf32>
    %slice3A_114 = vector.extract_strided_slice %get3A_109 {offsets = [2], sizes = [1], strides = [1]} : vector<16xf32> to vector<1xf32>
    %squeeze3A_115 = vector.extract %slice3A_114[0] : f32 from vector<1xf32>
    %slice3A_116 = vector.extract_strided_slice %get3A_109 {offsets = [3], sizes = [1], strides = [1]} : vector<16xf32> to vector<1xf32>
    %squeeze3A_117 = vector.extract %slice3A_116[0] : f32 from vector<1xf32>
    %scan3A_118 = arith.constant 0 : i32
    %scan3A_119 = arith.constant 392 : i32
    %scan3A_120 = arith.addi %scan3A_118, %scan3A_119 : i32
    %scan3A_121 = arith.constant 8 : i32
    %scan3A_122 = scf.for %scan3A_445 = %scan3A_118 to %scan3A_120 step %scan3A_121 iter_args(%scan3A_446 = %broadcast_in_dim3A_39) -> (vector<16xf32>)  : i32 {
      %mul3A_447 = arith.constant 16 : i32
      %mul3A_448 = arith.muli %scan3A_445, %mul3A_447 : i32
      %get3A_449 = arith.constant 2 : i32
      %get3A_450 = arith.index_cast %get3A_449 : i32 to index
      %get3A_451 = arith.index_cast %mul3A_448 : i32 to index
      %get3A_452 = tpu.vector_load %arg6[%get3A_450, %get3A_451] {strides = array<i32>} : memref<8x6272xf32, #tpu.memory_space<vmem>>, vector<1x16xf32>,
      %get3A_453 = vector.shape_cast %get3A_452 : vector<1x16xf32> to vector<16xf32>
      %mul3A_454 = arith.constant 16 : i32
      %mul3A_455 = arith.muli %scan3A_445, %mul3A_454 : i32
      %get3A_456 = arith.constant 2 : i32
      %get3A_457 = arith.index_cast %get3A_456 : i32 to index
      %get3A_458 = arith.index_cast %mul3A_455 : i32 to index
      %get3A_459 = tpu.vector_load %arg7[%get3A_457, %get3A_458] {strides = array<i32>} : memref<8x6272xf32, #tpu.memory_space<vmem>>, vector<1x16xf32>,
      %get3A_460 = vector.shape_cast %get3A_459 : vector<1x16xf32> to vector<16xf32>
      %mul3A_461 = vector.broadcast %squeeze3A_117 : f32 to vector<16xf32>
      %mul3A_462 = arith.mulf %get3A_453, %mul3A_461 : vector<16xf32>
      %add3A_463 = vector.broadcast %squeeze3A_115 : f32 to vector<16xf32>
      %add3A_464 = arith.addf %add3A_463, %mul3A_462 : vector<16xf32>
      %mul3A_465 = arith.mulf %get3A_453, %add3A_464 : vector<16xf32>
      %add3A_466 = vector.broadcast %squeeze3A_113 : f32 to vector<16xf32>
      %add3A_467 = arith.addf %add3A_466, %mul3A_465 : vector<16xf32>
      %mul3A_468 = arith.mulf %get3A_453, %add3A_467 : vector<16xf32>
      %add3A_469 = vector.broadcast %squeeze3A_111 : f32 to vector<16xf32>
      %add3A_470 = arith.addf %add3A_469, %mul3A_468 : vector<16xf32>
      %sub3A_471 = arith.subf %add3A_470, %get3A_460 : vector<16xf32>
      %lt3A_472 = arith.cmpi slt, %scan3A_445, %select_n3A_70 : i32
      %mul3A_473 = arith.mulf %sub3A_471, %sub3A_471 : vector<16xf32>
      %jit3A_474 = arith.constant 0.000000e+00 : f32
      %broadcast_in_dim3A_475 = vector.broadcast %jit3A_474 : f32 to vector<16xf32>
      %select_n3A_476 = arith.select %lt3A_472, %mul3A_473, %broadcast_in_dim3A_475 : vector<16xf32>
      %add3A_477 = arith.addf %scan3A_446, %select_n3A_476 : vector<16xf32>
      %scan3A_478 = arith.constant 1 : i32
      %scan3A_479 = arith.addi %scan3A_445, %scan3A_478 : i32
      %mul3A_480 = arith.constant 16 : i32
      %mul3A_481 = arith.muli %scan3A_479, %mul3A_480 : i32
      %get3A_482 = arith.constant 2 : i32
      %get3A_483 = arith.index_cast %get3A_482 : i32 to index
      %get3A_484 = arith.index_cast %mul3A_481 : i32 to index
      %get3A_485 = tpu.vector_load %arg6[%get3A_483, %get3A_484] {strides = array<i32>} : memref<8x6272xf32, #tpu.memory_space<vmem>>, vector<1x16xf32>,
      %get3A_486 = vector.shape_cast %get3A_485 : vector<1x16xf32> to vector<16xf32>
      %mul3A_487 = arith.constant 16 : i32
      %mul3A_488 = arith.muli %scan3A_479, %mul3A_487 : i32
      %get3A_489 = arith.constant 2 : i32
      %get3A_490 = arith.index_cast %get3A_489 : i32 to index
      %get3A_491 = arith.index_cast %mul3A_488 : i32 to index
      %get3A_492 = tpu.vector_load %arg7[%get3A_490, %get3A_491] {strides = array<i32>} : memref<8x6272xf32, #tpu.memory_space<vmem>>, vector<1x16xf32>,
      %get3A_493 = vector.shape_cast %get3A_492 : vector<1x16xf32> to vector<16xf32>
      %mul3A_494 = vector.broadcast %squeeze3A_117 : f32 to vector<16xf32>
      %mul3A_495 = arith.mulf %get3A_486, %mul3A_494 : vector<16xf32>
      %add3A_496 = vector.broadcast %squeeze3A_115 : f32 to vector<16xf32>
      %add3A_497 = arith.addf %add3A_496, %mul3A_495 : vector<16xf32>
      %mul3A_498 = arith.mulf %get3A_486, %add3A_497 : vector<16xf32>
      %add3A_499 = vector.broadcast %squeeze3A_113 : f32 to vector<16xf32>
      %add3A_500 = arith.addf %add3A_499, %mul3A_498 : vector<16xf32>
      %mul3A_501 = arith.mulf %get3A_486, %add3A_500 : vector<16xf32>
      %add3A_502 = vector.broadcast %squeeze3A_111 : f32 to vector<16xf32>
      %add3A_503 = arith.addf %add3A_502, %mul3A_501 : vector<16xf32>
      %sub3A_504 = arith.subf %add3A_503, %get3A_493 : vector<16xf32>
      %lt3A_505 = arith.cmpi slt, %scan3A_479, %select_n3A_70 : i32
      %mul3A_506 = arith.mulf %sub3A_504, %sub3A_504 : vector<16xf32>
      %jit3A_507 = arith.constant 0.000000e+00 : f32
      %broadcast_in_dim3A_508 = vector.broadcast %jit3A_507 : f32 to vector<16xf32>
      %select_n3A_509 = arith.select %lt3A_505, %mul3A_506, %broadcast_in_dim3A_508 : vector<16xf32>
      %add3A_510 = arith.addf %add3A_477, %select_n3A_509 : vector<16xf32>
      %scan3A_511 = arith.constant 2 : i32
      %scan3A_512 = arith.addi %scan3A_445, %scan3A_511 : i32
      %mul3A_513 = arith.constant 16 : i32
      %mul3A_514 = arith.muli %scan3A_512, %mul3A_513 : i32
      %get3A_515 = arith.constant 2 : i32
      %get3A_516 = arith.index_cast %get3A_515 : i32 to index
      %get3A_517 = arith.index_cast %mul3A_514 : i32 to index
      %get3A_518 = tpu.vector_load %arg6[%get3A_516, %get3A_517] {strides = array<i32>} : memref<8x6272xf32, #tpu.memory_space<vmem>>, vector<1x16xf32>,
      %get3A_519 = vector.shape_cast %get3A_518 : vector<1x16xf32> to vector<16xf32>
      %mul3A_520 = arith.constant 16 : i32
      %mul3A_521 = arith.muli %scan3A_512, %mul3A_520 : i32
      %get3A_522 = arith.constant 2 : i32
      %get3A_523 = arith.index_cast %get3A_522 : i32 to index
      %get3A_524 = arith.index_cast %mul3A_521 : i32 to index
      %get3A_525 = tpu.vector_load %arg7[%get3A_523, %get3A_524] {strides = array<i32>} : memref<8x6272xf32, #tpu.memory_space<vmem>>, vector<1x16xf32>,
      %get3A_526 = vector.shape_cast %get3A_525 : vector<1x16xf32> to vector<16xf32>
      %mul3A_527 = vector.broadcast %squeeze3A_117 : f32 to vector<16xf32>
      %mul3A_528 = arith.mulf %get3A_519, %mul3A_527 : vector<16xf32>
      %add3A_529 = vector.broadcast %squeeze3A_115 : f32 to vector<16xf32>
      %add3A_530 = arith.addf %add3A_529, %mul3A_528 : vector<16xf32>
      %mul3A_531 = arith.mulf %get3A_519, %add3A_530 : vector<16xf32>
      %add3A_532 = vector.broadcast %squeeze3A_113 : f32 to vector<16xf32>
      %add3A_533 = arith.addf %add3A_532, %mul3A_531 : vector<16xf32>
      %mul3A_534 = arith.mulf %get3A_519, %add3A_533 : vector<16xf32>
      %add3A_535 = vector.broadcast %squeeze3A_111 : f32 to vector<16xf32>
      %add3A_536 = arith.addf %add3A_535, %mul3A_534 : vector<16xf32>
      %sub3A_537 = arith.subf %add3A_536, %get3A_526 : vector<16xf32>
      %lt3A_538 = arith.cmpi slt, %scan3A_512, %select_n3A_70 : i32
      %mul3A_539 = arith.mulf %sub3A_537, %sub3A_537 : vector<16xf32>
      %jit3A_540 = arith.constant 0.000000e+00 : f32
      %broadcast_in_dim3A_541 = vector.broadcast %jit3A_540 : f32 to vector<16xf32>
      %select_n3A_542 = arith.select %lt3A_538, %mul3A_539, %broadcast_in_dim3A_541 : vector<16xf32>
      %add3A_543 = arith.addf %add3A_510, %select_n3A_542 : vector<16xf32>
      %scan3A_544 = arith.constant 3 : i32
      %scan3A_545 = arith.addi %scan3A_445, %scan3A_544 : i32
      %mul3A_546 = arith.constant 16 : i32
      %mul3A_547 = arith.muli %scan3A_545, %mul3A_546 : i32
      %get3A_548 = arith.constant 2 : i32
      %get3A_549 = arith.index_cast %get3A_548 : i32 to index
      %get3A_550 = arith.index_cast %mul3A_547 : i32 to index
      %get3A_551 = tpu.vector_load %arg6[%get3A_549, %get3A_550] {strides = array<i32>} : memref<8x6272xf32, #tpu.memory_space<vmem>>, vector<1x16xf32>,
      %get3A_552 = vector.shape_cast %get3A_551 : vector<1x16xf32> to vector<16xf32>
      %mul3A_553 = arith.constant 16 : i32
      %mul3A_554 = arith.muli %scan3A_545, %mul3A_553 : i32
      %get3A_555 = arith.constant 2 : i32
      %get3A_556 = arith.index_cast %get3A_555 : i32 to index
      %get3A_557 = arith.index_cast %mul3A_554 : i32 to index
      %get3A_558 = tpu.vector_load %arg7[%get3A_556, %get3A_557] {strides = array<i32>} : memref<8x6272xf32, #tpu.memory_space<vmem>>, vector<1x16xf32>,
      %get3A_559 = vector.shape_cast %get3A_558 : vector<1x16xf32> to vector<16xf32>
      %mul3A_560 = vector.broadcast %squeeze3A_117 : f32 to vector<16xf32>
      %mul3A_561 = arith.mulf %get3A_552, %mul3A_560 : vector<16xf32>
      %add3A_562 = vector.broadcast %squeeze3A_115 : f32 to vector<16xf32>
      %add3A_563 = arith.addf %add3A_562, %mul3A_561 : vector<16xf32>
      %mul3A_564 = arith.mulf %get3A_552, %add3A_563 : vector<16xf32>
      %add3A_565 = vector.broadcast %squeeze3A_113 : f32 to vector<16xf32>
      %add3A_566 = arith.addf %add3A_565, %mul3A_564 : vector<16xf32>
      %mul3A_567 = arith.mulf %get3A_552, %add3A_566 : vector<16xf32>
      %add3A_568 = vector.broadcast %squeeze3A_111 : f32 to vector<16xf32>
      %add3A_569 = arith.addf %add3A_568, %mul3A_567 : vector<16xf32>
      %sub3A_570 = arith.subf %add3A_569, %get3A_559 : vector<16xf32>
      %lt3A_571 = arith.cmpi slt, %scan3A_545, %select_n3A_70 : i32
      %mul3A_572 = arith.mulf %sub3A_570, %sub3A_570 : vector<16xf32>
      %jit3A_573 = arith.constant 0.000000e+00 : f32
      %broadcast_in_dim3A_574 = vector.broadcast %jit3A_573 : f32 to vector<16xf32>
      %select_n3A_575 = arith.select %lt3A_571, %mul3A_572, %broadcast_in_dim3A_574 : vector<16xf32>
      %add3A_576 = arith.addf %add3A_543, %select_n3A_575 : vector<16xf32>
      %scan3A_577 = arith.constant 4 : i32
      %scan3A_578 = arith.addi %scan3A_445, %scan3A_577 : i32
      %mul3A_579 = arith.constant 16 : i32
      %mul3A_580 = arith.muli %scan3A_578, %mul3A_579 : i32
      %get3A_581 = arith.constant 2 : i32
      %get3A_582 = arith.index_cast %get3A_581 : i32 to index
      %get3A_583 = arith.index_cast %mul3A_580 : i32 to index
      %get3A_584 = tpu.vector_load %arg6[%get3A_582, %get3A_583] {strides = array<i32>} : memref<8x6272xf32, #tpu.memory_space<vmem>>, vector<1x16xf32>,
      %get3A_585 = vector.shape_cast %get3A_584 : vector<1x16xf32> to vector<16xf32>
      %mul3A_586 = arith.constant 16 : i32
      %mul3A_587 = arith.muli %scan3A_578, %mul3A_586 : i32
      %get3A_588 = arith.constant 2 : i32
      %get3A_589 = arith.index_cast %get3A_588 : i32 to index
      %get3A_590 = arith.index_cast %mul3A_587 : i32 to index
      %get3A_591 = tpu.vector_load %arg7[%get3A_589, %get3A_590] {strides = array<i32>} : memref<8x6272xf32, #tpu.memory_space<vmem>>, vector<1x16xf32>,
      %get3A_592 = vector.shape_cast %get3A_591 : vector<1x16xf32> to vector<16xf32>
      %mul3A_593 = vector.broadcast %squeeze3A_117 : f32 to vector<16xf32>
      %mul3A_594 = arith.mulf %get3A_585, %mul3A_593 : vector<16xf32>
      %add3A_595 = vector.broadcast %squeeze3A_115 : f32 to vector<16xf32>
      %add3A_596 = arith.addf %add3A_595, %mul3A_594 : vector<16xf32>
      %mul3A_597 = arith.mulf %get3A_585, %add3A_596 : vector<16xf32>
      %add3A_598 = vector.broadcast %squeeze3A_113 : f32 to vector<16xf32>
      %add3A_599 = arith.addf %add3A_598, %mul3A_597 : vector<16xf32>
      %mul3A_600 = arith.mulf %get3A_585, %add3A_599 : vector<16xf32>
      %add3A_601 = vector.broadcast %squeeze3A_111 : f32 to vector<16xf32>
      %add3A_602 = arith.addf %add3A_601, %mul3A_600 : vector<16xf32>
      %sub3A_603 = arith.subf %add3A_602, %get3A_592 : vector<16xf32>
      %lt3A_604 = arith.cmpi slt, %scan3A_578, %select_n3A_70 : i32
      %mul3A_605 = arith.mulf %sub3A_603, %sub3A_603 : vector<16xf32>
      %jit3A_606 = arith.constant 0.000000e+00 : f32
      %broadcast_in_dim3A_607 = vector.broadcast %jit3A_606 : f32 to vector<16xf32>
      %select_n3A_608 = arith.select %lt3A_604, %mul3A_605, %broadcast_in_dim3A_607 : vector<16xf32>
      %add3A_609 = arith.addf %add3A_576, %select_n3A_608 : vector<16xf32>
      %scan3A_610 = arith.constant 5 : i32
      %scan3A_611 = arith.addi %scan3A_445, %scan3A_610 : i32
      %mul3A_612 = arith.constant 16 : i32
      %mul3A_613 = arith.muli %scan3A_611, %mul3A_612 : i32
      %get3A_614 = arith.constant 2 : i32
      %get3A_615 = arith.index_cast %get3A_614 : i32 to index
      %get3A_616 = arith.index_cast %mul3A_613 : i32 to index
      %get3A_617 = tpu.vector_load %arg6[%get3A_615, %get3A_616] {strides = array<i32>} : memref<8x6272xf32, #tpu.memory_space<vmem>>, vector<1x16xf32>,
      %get3A_618 = vector.shape_cast %get3A_617 : vector<1x16xf32> to vector<16xf32>
      %mul3A_619 = arith.constant 16 : i32
      %mul3A_620 = arith.muli %scan3A_611, %mul3A_619 : i32
      %get3A_621 = arith.constant 2 : i32
      %get3A_622 = arith.index_cast %get3A_621 : i32 to index
      %get3A_623 = arith.index_cast %mul3A_620 : i32 to index
      %get3A_624 = tpu.vector_load %arg7[%get3A_622, %get3A_623] {strides = array<i32>} : memref<8x6272xf32, #tpu.memory_space<vmem>>, vector<1x16xf32>,
      %get3A_625 = vector.shape_cast %get3A_624 : vector<1x16xf32> to vector<16xf32>
      %mul3A_626 = vector.broadcast %squeeze3A_117 : f32 to vector<16xf32>
      %mul3A_627 = arith.mulf %get3A_618, %mul3A_626 : vector<16xf32>
      %add3A_628 = vector.broadcast %squeeze3A_115 : f32 to vector<16xf32>
      %add3A_629 = arith.addf %add3A_628, %mul3A_627 : vector<16xf32>
      %mul3A_630 = arith.mulf %get3A_618, %add3A_629 : vector<16xf32>
      %add3A_631 = vector.broadcast %squeeze3A_113 : f32 to vector<16xf32>
      %add3A_632 = arith.addf %add3A_631, %mul3A_630 : vector<16xf32>
      %mul3A_633 = arith.mulf %get3A_618, %add3A_632 : vector<16xf32>
      %add3A_634 = vector.broadcast %squeeze3A_111 : f32 to vector<16xf32>
      %add3A_635 = arith.addf %add3A_634, %mul3A_633 : vector<16xf32>
      %sub3A_636 = arith.subf %add3A_635, %get3A_625 : vector<16xf32>
      %lt3A_637 = arith.cmpi slt, %scan3A_611, %select_n3A_70 : i32
      %mul3A_638 = arith.mulf %sub3A_636, %sub3A_636 : vector<16xf32>
      %jit3A_639 = arith.constant 0.000000e+00 : f32
      %broadcast_in_dim3A_640 = vector.broadcast %jit3A_639 : f32 to vector<16xf32>
      %select_n3A_641 = arith.select %lt3A_637, %mul3A_638, %broadcast_in_dim3A_640 : vector<16xf32>
      %add3A_642 = arith.addf %add3A_609, %select_n3A_641 : vector<16xf32>
      %scan3A_643 = arith.constant 6 : i32
      %scan3A_644 = arith.addi %scan3A_445, %scan3A_643 : i32
      %mul3A_645 = arith.constant 16 : i32
      %mul3A_646 = arith.muli %scan3A_644, %mul3A_645 : i32
      %get3A_647 = arith.constant 2 : i32
      %get3A_648 = arith.index_cast %get3A_647 : i32 to index
      %get3A_649 = arith.index_cast %mul3A_646 : i32 to index
      %get3A_650 = tpu.vector_load %arg6[%get3A_648, %get3A_649] {strides = array<i32>} : memref<8x6272xf32, #tpu.memory_space<vmem>>, vector<1x16xf32>,
      %get3A_651 = vector.shape_cast %get3A_650 : vector<1x16xf32> to vector<16xf32>
      %mul3A_652 = arith.constant 16 : i32
      %mul3A_653 = arith.muli %scan3A_644, %mul3A_652 : i32
      %get3A_654 = arith.constant 2 : i32
      %get3A_655 = arith.index_cast %get3A_654 : i32 to index
      %get3A_656 = arith.index_cast %mul3A_653 : i32 to index
      %get3A_657 = tpu.vector_load %arg7[%get3A_655, %get3A_656] {strides = array<i32>} : memref<8x6272xf32, #tpu.memory_space<vmem>>, vector<1x16xf32>,
      %get3A_658 = vector.shape_cast %get3A_657 : vector<1x16xf32> to vector<16xf32>
      %mul3A_659 = vector.broadcast %squeeze3A_117 : f32 to vector<16xf32>
      %mul3A_660 = arith.mulf %get3A_651, %mul3A_659 : vector<16xf32>
      %add3A_661 = vector.broadcast %squeeze3A_115 : f32 to vector<16xf32>
      %add3A_662 = arith.addf %add3A_661, %mul3A_660 : vector<16xf32>
      %mul3A_663 = arith.mulf %get3A_651, %add3A_662 : vector<16xf32>
      %add3A_664 = vector.broadcast %squeeze3A_113 : f32 to vector<16xf32>
      %add3A_665 = arith.addf %add3A_664, %mul3A_663 : vector<16xf32>
      %mul3A_666 = arith.mulf %get3A_651, %add3A_665 : vector<16xf32>
      %add3A_667 = vector.broadcast %squeeze3A_111 : f32 to vector<16xf32>
      %add3A_668 = arith.addf %add3A_667, %mul3A_666 : vector<16xf32>
      %sub3A_669 = arith.subf %add3A_668, %get3A_658 : vector<16xf32>
      %lt3A_670 = arith.cmpi slt, %scan3A_644, %select_n3A_70 : i32
      %mul3A_671 = arith.mulf %sub3A_669, %sub3A_669 : vector<16xf32>
      %jit3A_672 = arith.constant 0.000000e+00 : f32
      %broadcast_in_dim3A_673 = vector.broadcast %jit3A_672 : f32 to vector<16xf32>
      %select_n3A_674 = arith.select %lt3A_670, %mul3A_671, %broadcast_in_dim3A_673 : vector<16xf32>
      %add3A_675 = arith.addf %add3A_642, %select_n3A_674 : vector<16xf32>
      %scan3A_676 = arith.constant 7 : i32
      %scan3A_677 = arith.addi %scan3A_445, %scan3A_676 : i32
      %mul3A_678 = arith.constant 16 : i32
      %mul3A_679 = arith.muli %scan3A_677, %mul3A_678 : i32
      %get3A_680 = arith.constant 2 : i32
      %get3A_681 = arith.index_cast %get3A_680 : i32 to index
      %get3A_682 = arith.index_cast %mul3A_679 : i32 to index
      %get3A_683 = tpu.vector_load %arg6[%get3A_681, %get3A_682] {strides = array<i32>} : memref<8x6272xf32, #tpu.memory_space<vmem>>, vector<1x16xf32>,
      %get3A_684 = vector.shape_cast %get3A_683 : vector<1x16xf32> to vector<16xf32>
      %mul3A_685 = arith.constant 16 : i32
      %mul3A_686 = arith.muli %scan3A_677, %mul3A_685 : i32
      %get3A_687 = arith.constant 2 : i32
      %get3A_688 = arith.index_cast %get3A_687 : i32 to index
      %get3A_689 = arith.index_cast %mul3A_686 : i32 to index
      %get3A_690 = tpu.vector_load %arg7[%get3A_688, %get3A_689] {strides = array<i32>} : memref<8x6272xf32, #tpu.memory_space<vmem>>, vector<1x16xf32>,
      %get3A_691 = vector.shape_cast %get3A_690 : vector<1x16xf32> to vector<16xf32>
      %mul3A_692 = vector.broadcast %squeeze3A_117 : f32 to vector<16xf32>
      %mul3A_693 = arith.mulf %get3A_684, %mul3A_692 : vector<16xf32>
      %add3A_694 = vector.broadcast %squeeze3A_115 : f32 to vector<16xf32>
      %add3A_695 = arith.addf %add3A_694, %mul3A_693 : vector<16xf32>
      %mul3A_696 = arith.mulf %get3A_684, %add3A_695 : vector<16xf32>
      %add3A_697 = vector.broadcast %squeeze3A_113 : f32 to vector<16xf32>
      %add3A_698 = arith.addf %add3A_697, %mul3A_696 : vector<16xf32>
      %mul3A_699 = arith.mulf %get3A_684, %add3A_698 : vector<16xf32>
      %add3A_700 = vector.broadcast %squeeze3A_111 : f32 to vector<16xf32>
      %add3A_701 = arith.addf %add3A_700, %mul3A_699 : vector<16xf32>
      %sub3A_702 = arith.subf %add3A_701, %get3A_691 : vector<16xf32>
      %lt3A_703 = arith.cmpi slt, %scan3A_677, %select_n3A_70 : i32
      %mul3A_704 = arith.mulf %sub3A_702, %sub3A_702 : vector<16xf32>
      %jit3A_705 = arith.constant 0.000000e+00 : f32
      %broadcast_in_dim3A_706 = vector.broadcast %jit3A_705 : f32 to vector<16xf32>
      %select_n3A_707 = arith.select %lt3A_703, %mul3A_704, %broadcast_in_dim3A_706 : vector<16xf32>
      %add3A_708 = arith.addf %add3A_675, %select_n3A_707 : vector<16xf32>
      scf.yield %add3A_708 : vector<16xf32>
    }
    %scan3A_123 = arith.constant 392 : i32
    %get3A_124 = arith.constant 3 : i32
    %get3A_125 = arith.index_cast %get3A_124 : i32 to index
    %get3A_126 = arith.constant 0 : index
    %get3A_127 = tpu.vector_load %arg8[%get3A_125, %get3A_126] {strides = array<i32>} : memref<8x16xf32, #tpu.memory_space<vmem>>, vector<1x16xf32>,
    %get3A_128 = vector.shape_cast %get3A_127 : vector<1x16xf32> to vector<16xf32>
    %slice3A_129 = vector.extract_strided_slice %get3A_128 {offsets = [0], sizes = [1], strides = [1]} : vector<16xf32> to vector<1xf32>
    %squeeze3A_130 = vector.extract %slice3A_129[0] : f32 from vector<1xf32>
    %slice3A_131 = vector.extract_strided_slice %get3A_128 {offsets = [1], sizes = [1], strides = [1]} : vector<16xf32> to vector<1xf32>
    %squeeze3A_132 = vector.extract %slice3A_131[0] : f32 from vector<1xf32>
    %slice3A_133 = vector.extract_strided_slice %get3A_128 {offsets = [2], sizes = [1], strides = [1]} : vector<16xf32> to vector<1xf32>
    %squeeze3A_134 = vector.extract %slice3A_133[0] : f32 from vector<1xf32>
    %slice3A_135 = vector.extract_strided_slice %get3A_128 {offsets = [3], sizes = [1], strides = [1]} : vector<16xf32> to vector<1xf32>
    %squeeze3A_136 = vector.extract %slice3A_135[0] : f32 from vector<1xf32>
    %scan3A_137 = arith.constant 0 : i32
    %scan3A_138 = arith.constant 392 : i32
    %scan3A_139 = arith.addi %scan3A_137, %scan3A_138 : i32
    %scan3A_140 = arith.constant 8 : i32
    %scan3A_141 = scf.for %scan3A_445 = %scan3A_137 to %scan3A_139 step %scan3A_140 iter_args(%scan3A_446 = %broadcast_in_dim3A_41) -> (vector<16xf32>)  : i32 {
      %mul3A_447 = arith.constant 16 : i32
      %mul3A_448 = arith.muli %scan3A_445, %mul3A_447 : i32
      %get3A_449 = arith.constant 3 : i32
      %get3A_450 = arith.index_cast %get3A_449 : i32 to index
      %get3A_451 = arith.index_cast %mul3A_448 : i32 to index
      %get3A_452 = tpu.vector_load %arg6[%get3A_450, %get3A_451] {strides = array<i32>} : memref<8x6272xf32, #tpu.memory_space<vmem>>, vector<1x16xf32>,
      %get3A_453 = vector.shape_cast %get3A_452 : vector<1x16xf32> to vector<16xf32>
      %mul3A_454 = arith.constant 16 : i32
      %mul3A_455 = arith.muli %scan3A_445, %mul3A_454 : i32
      %get3A_456 = arith.constant 3 : i32
      %get3A_457 = arith.index_cast %get3A_456 : i32 to index
      %get3A_458 = arith.index_cast %mul3A_455 : i32 to index
      %get3A_459 = tpu.vector_load %arg7[%get3A_457, %get3A_458] {strides = array<i32>} : memref<8x6272xf32, #tpu.memory_space<vmem>>, vector<1x16xf32>,
      %get3A_460 = vector.shape_cast %get3A_459 : vector<1x16xf32> to vector<16xf32>
      %mul3A_461 = vector.broadcast %squeeze3A_136 : f32 to vector<16xf32>
      %mul3A_462 = arith.mulf %get3A_453, %mul3A_461 : vector<16xf32>
      %add3A_463 = vector.broadcast %squeeze3A_134 : f32 to vector<16xf32>
      %add3A_464 = arith.addf %add3A_463, %mul3A_462 : vector<16xf32>
      %mul3A_465 = arith.mulf %get3A_453, %add3A_464 : vector<16xf32>
      %add3A_466 = vector.broadcast %squeeze3A_132 : f32 to vector<16xf32>
      %add3A_467 = arith.addf %add3A_466, %mul3A_465 : vector<16xf32>
      %mul3A_468 = arith.mulf %get3A_453, %add3A_467 : vector<16xf32>
      %add3A_469 = vector.broadcast %squeeze3A_130 : f32 to vector<16xf32>
      %add3A_470 = arith.addf %add3A_469, %mul3A_468 : vector<16xf32>
      %sub3A_471 = arith.subf %add3A_470, %get3A_460 : vector<16xf32>
      %lt3A_472 = arith.cmpi slt, %scan3A_445, %select_n3A_70 : i32
      %mul3A_473 = arith.mulf %sub3A_471, %sub3A_471 : vector<16xf32>
      %jit3A_474 = arith.constant 0.000000e+00 : f32
      %broadcast_in_dim3A_475 = vector.broadcast %jit3A_474 : f32 to vector<16xf32>
      %select_n3A_476 = arith.select %lt3A_472, %mul3A_473, %broadcast_in_dim3A_475 : vector<16xf32>
      %add3A_477 = arith.addf %scan3A_446, %select_n3A_476 : vector<16xf32>
      %scan3A_478 = arith.constant 1 : i32
      %scan3A_479 = arith.addi %scan3A_445, %scan3A_478 : i32
      %mul3A_480 = arith.constant 16 : i32
      %mul3A_481 = arith.muli %scan3A_479, %mul3A_480 : i32
      %get3A_482 = arith.constant 3 : i32
      %get3A_483 = arith.index_cast %get3A_482 : i32 to index
      %get3A_484 = arith.index_cast %mul3A_481 : i32 to index
      %get3A_485 = tpu.vector_load %arg6[%get3A_483, %get3A_484] {strides = array<i32>} : memref<8x6272xf32, #tpu.memory_space<vmem>>, vector<1x16xf32>,
      %get3A_486 = vector.shape_cast %get3A_485 : vector<1x16xf32> to vector<16xf32>
      %mul3A_487 = arith.constant 16 : i32
      %mul3A_488 = arith.muli %scan3A_479, %mul3A_487 : i32
      %get3A_489 = arith.constant 3 : i32
      %get3A_490 = arith.index_cast %get3A_489 : i32 to index
      %get3A_491 = arith.index_cast %mul3A_488 : i32 to index
      %get3A_492 = tpu.vector_load %arg7[%get3A_490, %get3A_491] {strides = array<i32>} : memref<8x6272xf32, #tpu.memory_space<vmem>>, vector<1x16xf32>,
      %get3A_493 = vector.shape_cast %get3A_492 : vector<1x16xf32> to vector<16xf32>
      %mul3A_494 = vector.broadcast %squeeze3A_136 : f32 to vector<16xf32>
      %mul3A_495 = arith.mulf %get3A_486, %mul3A_494 : vector<16xf32>
      %add3A_496 = vector.broadcast %squeeze3A_134 : f32 to vector<16xf32>
      %add3A_497 = arith.addf %add3A_496, %mul3A_495 : vector<16xf32>
      %mul3A_498 = arith.mulf %get3A_486, %add3A_497 : vector<16xf32>
      %add3A_499 = vector.broadcast %squeeze3A_132 : f32 to vector<16xf32>
      %add3A_500 = arith.addf %add3A_499, %mul3A_498 : vector<16xf32>
      %mul3A_501 = arith.mulf %get3A_486, %add3A_500 : vector<16xf32>
      %add3A_502 = vector.broadcast %squeeze3A_130 : f32 to vector<16xf32>
      %add3A_503 = arith.addf %add3A_502, %mul3A_501 : vector<16xf32>
      %sub3A_504 = arith.subf %add3A_503, %get3A_493 : vector<16xf32>
      %lt3A_505 = arith.cmpi slt, %scan3A_479, %select_n3A_70 : i32
      %mul3A_506 = arith.mulf %sub3A_504, %sub3A_504 : vector<16xf32>
      %jit3A_507 = arith.constant 0.000000e+00 : f32
      %broadcast_in_dim3A_508 = vector.broadcast %jit3A_507 : f32 to vector<16xf32>
      %select_n3A_509 = arith.select %lt3A_505, %mul3A_506, %broadcast_in_dim3A_508 : vector<16xf32>
      %add3A_510 = arith.addf %add3A_477, %select_n3A_509 : vector<16xf32>
      %scan3A_511 = arith.constant 2 : i32
      %scan3A_512 = arith.addi %scan3A_445, %scan3A_511 : i32
      %mul3A_513 = arith.constant 16 : i32
      %mul3A_514 = arith.muli %scan3A_512, %mul3A_513 : i32
      %get3A_515 = arith.constant 3 : i32
      %get3A_516 = arith.index_cast %get3A_515 : i32 to index
      %get3A_517 = arith.index_cast %mul3A_514 : i32 to index
      %get3A_518 = tpu.vector_load %arg6[%get3A_516, %get3A_517] {strides = array<i32>} : memref<8x6272xf32, #tpu.memory_space<vmem>>, vector<1x16xf32>,
      %get3A_519 = vector.shape_cast %get3A_518 : vector<1x16xf32> to vector<16xf32>
      %mul3A_520 = arith.constant 16 : i32
      %mul3A_521 = arith.muli %scan3A_512, %mul3A_520 : i32
      %get3A_522 = arith.constant 3 : i32
      %get3A_523 = arith.index_cast %get3A_522 : i32 to index
      %get3A_524 = arith.index_cast %mul3A_521 : i32 to index
      %get3A_525 = tpu.vector_load %arg7[%get3A_523, %get3A_524] {strides = array<i32>} : memref<8x6272xf32, #tpu.memory_space<vmem>>, vector<1x16xf32>,
      %get3A_526 = vector.shape_cast %get3A_525 : vector<1x16xf32> to vector<16xf32>
      %mul3A_527 = vector.broadcast %squeeze3A_136 : f32 to vector<16xf32>
      %mul3A_528 = arith.mulf %get3A_519, %mul3A_527 : vector<16xf32>
      %add3A_529 = vector.broadcast %squeeze3A_134 : f32 to vector<16xf32>
      %add3A_530 = arith.addf %add3A_529, %mul3A_528 : vector<16xf32>
      %mul3A_531 = arith.mulf %get3A_519, %add3A_530 : vector<16xf32>
      %add3A_532 = vector.broadcast %squeeze3A_132 : f32 to vector<16xf32>
      %add3A_533 = arith.addf %add3A_532, %mul3A_531 : vector<16xf32>
      %mul3A_534 = arith.mulf %get3A_519, %add3A_533 : vector<16xf32>
      %add3A_535 = vector.broadcast %squeeze3A_130 : f32 to vector<16xf32>
      %add3A_536 = arith.addf %add3A_535, %mul3A_534 : vector<16xf32>
      %sub3A_537 = arith.subf %add3A_536, %get3A_526 : vector<16xf32>
      %lt3A_538 = arith.cmpi slt, %scan3A_512, %select_n3A_70 : i32
      %mul3A_539 = arith.mulf %sub3A_537, %sub3A_537 : vector<16xf32>
      %jit3A_540 = arith.constant 0.000000e+00 : f32
      %broadcast_in_dim3A_541 = vector.broadcast %jit3A_540 : f32 to vector<16xf32>
      %select_n3A_542 = arith.select %lt3A_538, %mul3A_539, %broadcast_in_dim3A_541 : vector<16xf32>
      %add3A_543 = arith.addf %add3A_510, %select_n3A_542 : vector<16xf32>
      %scan3A_544 = arith.constant 3 : i32
      %scan3A_545 = arith.addi %scan3A_445, %scan3A_544 : i32
      %mul3A_546 = arith.constant 16 : i32
      %mul3A_547 = arith.muli %scan3A_545, %mul3A_546 : i32
      %get3A_548 = arith.constant 3 : i32
      %get3A_549 = arith.index_cast %get3A_548 : i32 to index
      %get3A_550 = arith.index_cast %mul3A_547 : i32 to index
      %get3A_551 = tpu.vector_load %arg6[%get3A_549, %get3A_550] {strides = array<i32>} : memref<8x6272xf32, #tpu.memory_space<vmem>>, vector<1x16xf32>,
      %get3A_552 = vector.shape_cast %get3A_551 : vector<1x16xf32> to vector<16xf32>
      %mul3A_553 = arith.constant 16 : i32
      %mul3A_554 = arith.muli %scan3A_545, %mul3A_553 : i32
      %get3A_555 = arith.constant 3 : i32
      %get3A_556 = arith.index_cast %get3A_555 : i32 to index
      %get3A_557 = arith.index_cast %mul3A_554 : i32 to index
      %get3A_558 = tpu.vector_load %arg7[%get3A_556, %get3A_557] {strides = array<i32>} : memref<8x6272xf32, #tpu.memory_space<vmem>>, vector<1x16xf32>,
      %get3A_559 = vector.shape_cast %get3A_558 : vector<1x16xf32> to vector<16xf32>
      %mul3A_560 = vector.broadcast %squeeze3A_136 : f32 to vector<16xf32>
      %mul3A_561 = arith.mulf %get3A_552, %mul3A_560 : vector<16xf32>
      %add3A_562 = vector.broadcast %squeeze3A_134 : f32 to vector<16xf32>
      %add3A_563 = arith.addf %add3A_562, %mul3A_561 : vector<16xf32>
      %mul3A_564 = arith.mulf %get3A_552, %add3A_563 : vector<16xf32>
      %add3A_565 = vector.broadcast %squeeze3A_132 : f32 to vector<16xf32>
      %add3A_566 = arith.addf %add3A_565, %mul3A_564 : vector<16xf32>
      %mul3A_567 = arith.mulf %get3A_552, %add3A_566 : vector<16xf32>
      %add3A_568 = vector.broadcast %squeeze3A_130 : f32 to vector<16xf32>
      %add3A_569 = arith.addf %add3A_568, %mul3A_567 : vector<16xf32>
      %sub3A_570 = arith.subf %add3A_569, %get3A_559 : vector<16xf32>
      %lt3A_571 = arith.cmpi slt, %scan3A_545, %select_n3A_70 : i32
      %mul3A_572 = arith.mulf %sub3A_570, %sub3A_570 : vector<16xf32>
      %jit3A_573 = arith.constant 0.000000e+00 : f32
      %broadcast_in_dim3A_574 = vector.broadcast %jit3A_573 : f32 to vector<16xf32>
      %select_n3A_575 = arith.select %lt3A_571, %mul3A_572, %broadcast_in_dim3A_574 : vector<16xf32>
      %add3A_576 = arith.addf %add3A_543, %select_n3A_575 : vector<16xf32>
      %scan3A_577 = arith.constant 4 : i32
      %scan3A_578 = arith.addi %scan3A_445, %scan3A_577 : i32
      %mul3A_579 = arith.constant 16 : i32
      %mul3A_580 = arith.muli %scan3A_578, %mul3A_579 : i32
      %get3A_581 = arith.constant 3 : i32
      %get3A_582 = arith.index_cast %get3A_581 : i32 to index
      %get3A_583 = arith.index_cast %mul3A_580 : i32 to index
      %get3A_584 = tpu.vector_load %arg6[%get3A_582, %get3A_583] {strides = array<i32>} : memref<8x6272xf32, #tpu.memory_space<vmem>>, vector<1x16xf32>,
      %get3A_585 = vector.shape_cast %get3A_584 : vector<1x16xf32> to vector<16xf32>
      %mul3A_586 = arith.constant 16 : i32
      %mul3A_587 = arith.muli %scan3A_578, %mul3A_586 : i32
      %get3A_588 = arith.constant 3 : i32
      %get3A_589 = arith.index_cast %get3A_588 : i32 to index
      %get3A_590 = arith.index_cast %mul3A_587 : i32 to index
      %get3A_591 = tpu.vector_load %arg7[%get3A_589, %get3A_590] {strides = array<i32>} : memref<8x6272xf32, #tpu.memory_space<vmem>>, vector<1x16xf32>,
      %get3A_592 = vector.shape_cast %get3A_591 : vector<1x16xf32> to vector<16xf32>
      %mul3A_593 = vector.broadcast %squeeze3A_136 : f32 to vector<16xf32>
      %mul3A_594 = arith.mulf %get3A_585, %mul3A_593 : vector<16xf32>
      %add3A_595 = vector.broadcast %squeeze3A_134 : f32 to vector<16xf32>
      %add3A_596 = arith.addf %add3A_595, %mul3A_594 : vector<16xf32>
      %mul3A_597 = arith.mulf %get3A_585, %add3A_596 : vector<16xf32>
      %add3A_598 = vector.broadcast %squeeze3A_132 : f32 to vector<16xf32>
      %add3A_599 = arith.addf %add3A_598, %mul3A_597 : vector<16xf32>
      %mul3A_600 = arith.mulf %get3A_585, %add3A_599 : vector<16xf32>
      %add3A_601 = vector.broadcast %squeeze3A_130 : f32 to vector<16xf32>
      %add3A_602 = arith.addf %add3A_601, %mul3A_600 : vector<16xf32>
      %sub3A_603 = arith.subf %add3A_602, %get3A_592 : vector<16xf32>
      %lt3A_604 = arith.cmpi slt, %scan3A_578, %select_n3A_70 : i32
      %mul3A_605 = arith.mulf %sub3A_603, %sub3A_603 : vector<16xf32>
      %jit3A_606 = arith.constant 0.000000e+00 : f32
      %broadcast_in_dim3A_607 = vector.broadcast %jit3A_606 : f32 to vector<16xf32>
      %select_n3A_608 = arith.select %lt3A_604, %mul3A_605, %broadcast_in_dim3A_607 : vector<16xf32>
      %add3A_609 = arith.addf %add3A_576, %select_n3A_608 : vector<16xf32>
      %scan3A_610 = arith.constant 5 : i32
      %scan3A_611 = arith.addi %scan3A_445, %scan3A_610 : i32
      %mul3A_612 = arith.constant 16 : i32
      %mul3A_613 = arith.muli %scan3A_611, %mul3A_612 : i32
      %get3A_614 = arith.constant 3 : i32
      %get3A_615 = arith.index_cast %get3A_614 : i32 to index
      %get3A_616 = arith.index_cast %mul3A_613 : i32 to index
      %get3A_617 = tpu.vector_load %arg6[%get3A_615, %get3A_616] {strides = array<i32>} : memref<8x6272xf32, #tpu.memory_space<vmem>>, vector<1x16xf32>,
      %get3A_618 = vector.shape_cast %get3A_617 : vector<1x16xf32> to vector<16xf32>
      %mul3A_619 = arith.constant 16 : i32
      %mul3A_620 = arith.muli %scan3A_611, %mul3A_619 : i32
      %get3A_621 = arith.constant 3 : i32
      %get3A_622 = arith.index_cast %get3A_621 : i32 to index
      %get3A_623 = arith.index_cast %mul3A_620 : i32 to index
      %get3A_624 = tpu.vector_load %arg7[%get3A_622, %get3A_623] {strides = array<i32>} : memref<8x6272xf32, #tpu.memory_space<vmem>>, vector<1x16xf32>,
      %get3A_625 = vector.shape_cast %get3A_624 : vector<1x16xf32> to vector<16xf32>
      %mul3A_626 = vector.broadcast %squeeze3A_136 : f32 to vector<16xf32>
      %mul3A_627 = arith.mulf %get3A_618, %mul3A_626 : vector<16xf32>
      %add3A_628 = vector.broadcast %squeeze3A_134 : f32 to vector<16xf32>
      %add3A_629 = arith.addf %add3A_628, %mul3A_627 : vector<16xf32>
      %mul3A_630 = arith.mulf %get3A_618, %add3A_629 : vector<16xf32>
      %add3A_631 = vector.broadcast %squeeze3A_132 : f32 to vector<16xf32>
      %add3A_632 = arith.addf %add3A_631, %mul3A_630 : vector<16xf32>
      %mul3A_633 = arith.mulf %get3A_618, %add3A_632 : vector<16xf32>
      %add3A_634 = vector.broadcast %squeeze3A_130 : f32 to vector<16xf32>
      %add3A_635 = arith.addf %add3A_634, %mul3A_633 : vector<16xf32>
      %sub3A_636 = arith.subf %add3A_635, %get3A_625 : vector<16xf32>
      %lt3A_637 = arith.cmpi slt, %scan3A_611, %select_n3A_70 : i32
      %mul3A_638 = arith.mulf %sub3A_636, %sub3A_636 : vector<16xf32>
      %jit3A_639 = arith.constant 0.000000e+00 : f32
      %broadcast_in_dim3A_640 = vector.broadcast %jit3A_639 : f32 to vector<16xf32>
      %select_n3A_641 = arith.select %lt3A_637, %mul3A_638, %broadcast_in_dim3A_640 : vector<16xf32>
      %add3A_642 = arith.addf %add3A_609, %select_n3A_641 : vector<16xf32>
      %scan3A_643 = arith.constant 6 : i32
      %scan3A_644 = arith.addi %scan3A_445, %scan3A_643 : i32
      %mul3A_645 = arith.constant 16 : i32
      %mul3A_646 = arith.muli %scan3A_644, %mul3A_645 : i32
      %get3A_647 = arith.constant 3 : i32
      %get3A_648 = arith.index_cast %get3A_647 : i32 to index
      %get3A_649 = arith.index_cast %mul3A_646 : i32 to index
      %get3A_650 = tpu.vector_load %arg6[%get3A_648, %get3A_649] {strides = array<i32>} : memref<8x6272xf32, #tpu.memory_space<vmem>>, vector<1x16xf32>,
      %get3A_651 = vector.shape_cast %get3A_650 : vector<1x16xf32> to vector<16xf32>
      %mul3A_652 = arith.constant 16 : i32
      %mul3A_653 = arith.muli %scan3A_644, %mul3A_652 : i32
      %get3A_654 = arith.constant 3 : i32
      %get3A_655 = arith.index_cast %get3A_654 : i32 to index
      %get3A_656 = arith.index_cast %mul3A_653 : i32 to index
      %get3A_657 = tpu.vector_load %arg7[%get3A_655, %get3A_656] {strides = array<i32>} : memref<8x6272xf32, #tpu.memory_space<vmem>>, vector<1x16xf32>,
      %get3A_658 = vector.shape_cast %get3A_657 : vector<1x16xf32> to vector<16xf32>
      %mul3A_659 = vector.broadcast %squeeze3A_136 : f32 to vector<16xf32>
      %mul3A_660 = arith.mulf %get3A_651, %mul3A_659 : vector<16xf32>
      %add3A_661 = vector.broadcast %squeeze3A_134 : f32 to vector<16xf32>
      %add3A_662 = arith.addf %add3A_661, %mul3A_660 : vector<16xf32>
      %mul3A_663 = arith.mulf %get3A_651, %add3A_662 : vector<16xf32>
      %add3A_664 = vector.broadcast %squeeze3A_132 : f32 to vector<16xf32>
      %add3A_665 = arith.addf %add3A_664, %mul3A_663 : vector<16xf32>
      %mul3A_666 = arith.mulf %get3A_651, %add3A_665 : vector<16xf32>
      %add3A_667 = vector.broadcast %squeeze3A_130 : f32 to vector<16xf32>
      %add3A_668 = arith.addf %add3A_667, %mul3A_666 : vector<16xf32>
      %sub3A_669 = arith.subf %add3A_668, %get3A_658 : vector<16xf32>
      %lt3A_670 = arith.cmpi slt, %scan3A_644, %select_n3A_70 : i32
      %mul3A_671 = arith.mulf %sub3A_669, %sub3A_669 : vector<16xf32>
      %jit3A_672 = arith.constant 0.000000e+00 : f32
      %broadcast_in_dim3A_673 = vector.broadcast %jit3A_672 : f32 to vector<16xf32>
      %select_n3A_674 = arith.select %lt3A_670, %mul3A_671, %broadcast_in_dim3A_673 : vector<16xf32>
      %add3A_675 = arith.addf %add3A_642, %select_n3A_674 : vector<16xf32>
      %scan3A_676 = arith.constant 7 : i32
      %scan3A_677 = arith.addi %scan3A_445, %scan3A_676 : i32
      %mul3A_678 = arith.constant 16 : i32
      %mul3A_679 = arith.muli %scan3A_677, %mul3A_678 : i32
      %get3A_680 = arith.constant 3 : i32
      %get3A_681 = arith.index_cast %get3A_680 : i32 to index
      %get3A_682 = arith.index_cast %mul3A_679 : i32 to index
      %get3A_683 = tpu.vector_load %arg6[%get3A_681, %get3A_682] {strides = array<i32>} : memref<8x6272xf32, #tpu.memory_space<vmem>>, vector<1x16xf32>,
      %get3A_684 = vector.shape_cast %get3A_683 : vector<1x16xf32> to vector<16xf32>
      %mul3A_685 = arith.constant 16 : i32
      %mul3A_686 = arith.muli %scan3A_677, %mul3A_685 : i32
      %get3A_687 = arith.constant 3 : i32
      %get3A_688 = arith.index_cast %get3A_687 : i32 to index
      %get3A_689 = arith.index_cast %mul3A_686 : i32 to index
      %get3A_690 = tpu.vector_load %arg7[%get3A_688, %get3A_689] {strides = array<i32>} : memref<8x6272xf32, #tpu.memory_space<vmem>>, vector<1x16xf32>,
      %get3A_691 = vector.shape_cast %get3A_690 : vector<1x16xf32> to vector<16xf32>
      %mul3A_692 = vector.broadcast %squeeze3A_136 : f32 to vector<16xf32>
      %mul3A_693 = arith.mulf %get3A_684, %mul3A_692 : vector<16xf32>
      %add3A_694 = vector.broadcast %squeeze3A_134 : f32 to vector<16xf32>
      %add3A_695 = arith.addf %add3A_694, %mul3A_693 : vector<16xf32>
      %mul3A_696 = arith.mulf %get3A_684, %add3A_695 : vector<16xf32>
      %add3A_697 = vector.broadcast %squeeze3A_132 : f32 to vector<16xf32>
      %add3A_698 = arith.addf %add3A_697, %mul3A_696 : vector<16xf32>
      %mul3A_699 = arith.mulf %get3A_684, %add3A_698 : vector<16xf32>
      %add3A_700 = vector.broadcast %squeeze3A_130 : f32 to vector<16xf32>
      %add3A_701 = arith.addf %add3A_700, %mul3A_699 : vector<16xf32>
      %sub3A_702 = arith.subf %add3A_701, %get3A_691 : vector<16xf32>
      %lt3A_703 = arith.cmpi slt, %scan3A_677, %select_n3A_70 : i32
      %mul3A_704 = arith.mulf %sub3A_702, %sub3A_702 : vector<16xf32>
      %jit3A_705 = arith.constant 0.000000e+00 : f32
      %broadcast_in_dim3A_706 = vector.broadcast %jit3A_705 : f32 to vector<16xf32>
      %select_n3A_707 = arith.select %lt3A_703, %mul3A_704, %broadcast_in_dim3A_706 : vector<16xf32>
      %add3A_708 = arith.addf %add3A_675, %select_n3A_707 : vector<16xf32>
      scf.yield %add3A_708 : vector<16xf32>
    }
    %scan3A_142 = arith.constant 392 : i32
    %get3A_143 = arith.constant 4 : i32
    %get3A_144 = arith.index_cast %get3A_143 : i32 to index
    %get3A_145 = arith.constant 0 : index
    %get3A_146 = tpu.vector_load %arg8[%get3A_144, %get3A_145] {strides = array<i32>} : memref<8x16xf32, #tpu.memory_space<vmem>>, vector<1x16xf32>,
    %get3A_147 = vector.shape_cast %get3A_146 : vector<1x16xf32> to vector<16xf32>
    %slice3A_148 = vector.extract_strided_slice %get3A_147 {offsets = [0], sizes = [1], strides = [1]} : vector<16xf32> to vector<1xf32>
    %squeeze3A_149 = vector.extract %slice3A_148[0] : f32 from vector<1xf32>
    %slice3A_150 = vector.extract_strided_slice %get3A_147 {offsets = [1], sizes = [1], strides = [1]} : vector<16xf32> to vector<1xf32>
    %squeeze3A_151 = vector.extract %slice3A_150[0] : f32 from vector<1xf32>
    %slice3A_152 = vector.extract_strided_slice %get3A_147 {offsets = [2], sizes = [1], strides = [1]} : vector<16xf32> to vector<1xf32>
    %squeeze3A_153 = vector.extract %slice3A_152[0] : f32 from vector<1xf32>
    %slice3A_154 = vector.extract_strided_slice %get3A_147 {offsets = [3], sizes = [1], strides = [1]} : vector<16xf32> to vector<1xf32>
    %squeeze3A_155 = vector.extract %slice3A_154[0] : f32 from vector<1xf32>
    %scan3A_156 = arith.constant 0 : i32
    %scan3A_157 = arith.constant 392 : i32
    %scan3A_158 = arith.addi %scan3A_156, %scan3A_157 : i32
    %scan3A_159 = arith.constant 8 : i32
    %scan3A_160 = scf.for %scan3A_445 = %scan3A_156 to %scan3A_158 step %scan3A_159 iter_args(%scan3A_446 = %broadcast_in_dim3A_43) -> (vector<16xf32>)  : i32 {
      %mul3A_447 = arith.constant 16 : i32
      %mul3A_448 = arith.muli %scan3A_445, %mul3A_447 : i32
      %get3A_449 = arith.constant 4 : i32
      %get3A_450 = arith.index_cast %get3A_449 : i32 to index
      %get3A_451 = arith.index_cast %mul3A_448 : i32 to index
      %get3A_452 = tpu.vector_load %arg6[%get3A_450, %get3A_451] {strides = array<i32>} : memref<8x6272xf32, #tpu.memory_space<vmem>>, vector<1x16xf32>,
      %get3A_453 = vector.shape_cast %get3A_452 : vector<1x16xf32> to vector<16xf32>
      %mul3A_454 = arith.constant 16 : i32
      %mul3A_455 = arith.muli %scan3A_445, %mul3A_454 : i32
      %get3A_456 = arith.constant 4 : i32
      %get3A_457 = arith.index_cast %get3A_456 : i32 to index
      %get3A_458 = arith.index_cast %mul3A_455 : i32 to index
      %get3A_459 = tpu.vector_load %arg7[%get3A_457, %get3A_458] {strides = array<i32>} : memref<8x6272xf32, #tpu.memory_space<vmem>>, vector<1x16xf32>,
      %get3A_460 = vector.shape_cast %get3A_459 : vector<1x16xf32> to vector<16xf32>
      %mul3A_461 = vector.broadcast %squeeze3A_155 : f32 to vector<16xf32>
      %mul3A_462 = arith.mulf %get3A_453, %mul3A_461 : vector<16xf32>
      %add3A_463 = vector.broadcast %squeeze3A_153 : f32 to vector<16xf32>
      %add3A_464 = arith.addf %add3A_463, %mul3A_462 : vector<16xf32>
      %mul3A_465 = arith.mulf %get3A_453, %add3A_464 : vector<16xf32>
      %add3A_466 = vector.broadcast %squeeze3A_151 : f32 to vector<16xf32>
      %add3A_467 = arith.addf %add3A_466, %mul3A_465 : vector<16xf32>
      %mul3A_468 = arith.mulf %get3A_453, %add3A_467 : vector<16xf32>
      %add3A_469 = vector.broadcast %squeeze3A_149 : f32 to vector<16xf32>
      %add3A_470 = arith.addf %add3A_469, %mul3A_468 : vector<16xf32>
      %sub3A_471 = arith.subf %add3A_470, %get3A_460 : vector<16xf32>
      %lt3A_472 = arith.cmpi slt, %scan3A_445, %select_n3A_70 : i32
      %mul3A_473 = arith.mulf %sub3A_471, %sub3A_471 : vector<16xf32>
      %jit3A_474 = arith.constant 0.000000e+00 : f32
      %broadcast_in_dim3A_475 = vector.broadcast %jit3A_474 : f32 to vector<16xf32>
      %select_n3A_476 = arith.select %lt3A_472, %mul3A_473, %broadcast_in_dim3A_475 : vector<16xf32>
      %add3A_477 = arith.addf %scan3A_446, %select_n3A_476 : vector<16xf32>
      %scan3A_478 = arith.constant 1 : i32
      %scan3A_479 = arith.addi %scan3A_445, %scan3A_478 : i32
      %mul3A_480 = arith.constant 16 : i32
      %mul3A_481 = arith.muli %scan3A_479, %mul3A_480 : i32
      %get3A_482 = arith.constant 4 : i32
      %get3A_483 = arith.index_cast %get3A_482 : i32 to index
      %get3A_484 = arith.index_cast %mul3A_481 : i32 to index
      %get3A_485 = tpu.vector_load %arg6[%get3A_483, %get3A_484] {strides = array<i32>} : memref<8x6272xf32, #tpu.memory_space<vmem>>, vector<1x16xf32>,
      %get3A_486 = vector.shape_cast %get3A_485 : vector<1x16xf32> to vector<16xf32>
      %mul3A_487 = arith.constant 16 : i32
      %mul3A_488 = arith.muli %scan3A_479, %mul3A_487 : i32
      %get3A_489 = arith.constant 4 : i32
      %get3A_490 = arith.index_cast %get3A_489 : i32 to index
      %get3A_491 = arith.index_cast %mul3A_488 : i32 to index
      %get3A_492 = tpu.vector_load %arg7[%get3A_490, %get3A_491] {strides = array<i32>} : memref<8x6272xf32, #tpu.memory_space<vmem>>, vector<1x16xf32>,
      %get3A_493 = vector.shape_cast %get3A_492 : vector<1x16xf32> to vector<16xf32>
      %mul3A_494 = vector.broadcast %squeeze3A_155 : f32 to vector<16xf32>
      %mul3A_495 = arith.mulf %get3A_486, %mul3A_494 : vector<16xf32>
      %add3A_496 = vector.broadcast %squeeze3A_153 : f32 to vector<16xf32>
      %add3A_497 = arith.addf %add3A_496, %mul3A_495 : vector<16xf32>
      %mul3A_498 = arith.mulf %get3A_486, %add3A_497 : vector<16xf32>
      %add3A_499 = vector.broadcast %squeeze3A_151 : f32 to vector<16xf32>
      %add3A_500 = arith.addf %add3A_499, %mul3A_498 : vector<16xf32>
      %mul3A_501 = arith.mulf %get3A_486, %add3A_500 : vector<16xf32>
      %add3A_502 = vector.broadcast %squeeze3A_149 : f32 to vector<16xf32>
      %add3A_503 = arith.addf %add3A_502, %mul3A_501 : vector<16xf32>
      %sub3A_504 = arith.subf %add3A_503, %get3A_493 : vector<16xf32>
      %lt3A_505 = arith.cmpi slt, %scan3A_479, %select_n3A_70 : i32
      %mul3A_506 = arith.mulf %sub3A_504, %sub3A_504 : vector<16xf32>
      %jit3A_507 = arith.constant 0.000000e+00 : f32
      %broadcast_in_dim3A_508 = vector.broadcast %jit3A_507 : f32 to vector<16xf32>
      %select_n3A_509 = arith.select %lt3A_505, %mul3A_506, %broadcast_in_dim3A_508 : vector<16xf32>
      %add3A_510 = arith.addf %add3A_477, %select_n3A_509 : vector<16xf32>
      %scan3A_511 = arith.constant 2 : i32
      %scan3A_512 = arith.addi %scan3A_445, %scan3A_511 : i32
      %mul3A_513 = arith.constant 16 : i32
      %mul3A_514 = arith.muli %scan3A_512, %mul3A_513 : i32
      %get3A_515 = arith.constant 4 : i32
      %get3A_516 = arith.index_cast %get3A_515 : i32 to index
      %get3A_517 = arith.index_cast %mul3A_514 : i32 to index
      %get3A_518 = tpu.vector_load %arg6[%get3A_516, %get3A_517] {strides = array<i32>} : memref<8x6272xf32, #tpu.memory_space<vmem>>, vector<1x16xf32>,
      %get3A_519 = vector.shape_cast %get3A_518 : vector<1x16xf32> to vector<16xf32>
      %mul3A_520 = arith.constant 16 : i32
      %mul3A_521 = arith.muli %scan3A_512, %mul3A_520 : i32
      %get3A_522 = arith.constant 4 : i32
      %get3A_523 = arith.index_cast %get3A_522 : i32 to index
      %get3A_524 = arith.index_cast %mul3A_521 : i32 to index
      %get3A_525 = tpu.vector_load %arg7[%get3A_523, %get3A_524] {strides = array<i32>} : memref<8x6272xf32, #tpu.memory_space<vmem>>, vector<1x16xf32>,
      %get3A_526 = vector.shape_cast %get3A_525 : vector<1x16xf32> to vector<16xf32>
      %mul3A_527 = vector.broadcast %squeeze3A_155 : f32 to vector<16xf32>
      %mul3A_528 = arith.mulf %get3A_519, %mul3A_527 : vector<16xf32>
      %add3A_529 = vector.broadcast %squeeze3A_153 : f32 to vector<16xf32>
      %add3A_530 = arith.addf %add3A_529, %mul3A_528 : vector<16xf32>
      %mul3A_531 = arith.mulf %get3A_519, %add3A_530 : vector<16xf32>
      %add3A_532 = vector.broadcast %squeeze3A_151 : f32 to vector<16xf32>
      %add3A_533 = arith.addf %add3A_532, %mul3A_531 : vector<16xf32>
      %mul3A_534 = arith.mulf %get3A_519, %add3A_533 : vector<16xf32>
      %add3A_535 = vector.broadcast %squeeze3A_149 : f32 to vector<16xf32>
      %add3A_536 = arith.addf %add3A_535, %mul3A_534 : vector<16xf32>
      %sub3A_537 = arith.subf %add3A_536, %get3A_526 : vector<16xf32>
      %lt3A_538 = arith.cmpi slt, %scan3A_512, %select_n3A_70 : i32
      %mul3A_539 = arith.mulf %sub3A_537, %sub3A_537 : vector<16xf32>
      %jit3A_540 = arith.constant 0.000000e+00 : f32
      %broadcast_in_dim3A_541 = vector.broadcast %jit3A_540 : f32 to vector<16xf32>
      %select_n3A_542 = arith.select %lt3A_538, %mul3A_539, %broadcast_in_dim3A_541 : vector<16xf32>
      %add3A_543 = arith.addf %add3A_510, %select_n3A_542 : vector<16xf32>
      %scan3A_544 = arith.constant 3 : i32
      %scan3A_545 = arith.addi %scan3A_445, %scan3A_544 : i32
      %mul3A_546 = arith.constant 16 : i32
      %mul3A_547 = arith.muli %scan3A_545, %mul3A_546 : i32
      %get3A_548 = arith.constant 4 : i32
      %get3A_549 = arith.index_cast %get3A_548 : i32 to index
      %get3A_550 = arith.index_cast %mul3A_547 : i32 to index
      %get3A_551 = tpu.vector_load %arg6[%get3A_549, %get3A_550] {strides = array<i32>} : memref<8x6272xf32, #tpu.memory_space<vmem>>, vector<1x16xf32>,
      %get3A_552 = vector.shape_cast %get3A_551 : vector<1x16xf32> to vector<16xf32>
      %mul3A_553 = arith.constant 16 : i32
      %mul3A_554 = arith.muli %scan3A_545, %mul3A_553 : i32
      %get3A_555 = arith.constant 4 : i32
      %get3A_556 = arith.index_cast %get3A_555 : i32 to index
      %get3A_557 = arith.index_cast %mul3A_554 : i32 to index
      %get3A_558 = tpu.vector_load %arg7[%get3A_556, %get3A_557] {strides = array<i32>} : memref<8x6272xf32, #tpu.memory_space<vmem>>, vector<1x16xf32>,
      %get3A_559 = vector.shape_cast %get3A_558 : vector<1x16xf32> to vector<16xf32>
      %mul3A_560 = vector.broadcast %squeeze3A_155 : f32 to vector<16xf32>
      %mul3A_561 = arith.mulf %get3A_552, %mul3A_560 : vector<16xf32>
      %add3A_562 = vector.broadcast %squeeze3A_153 : f32 to vector<16xf32>
      %add3A_563 = arith.addf %add3A_562, %mul3A_561 : vector<16xf32>
      %mul3A_564 = arith.mulf %get3A_552, %add3A_563 : vector<16xf32>
      %add3A_565 = vector.broadcast %squeeze3A_151 : f32 to vector<16xf32>
      %add3A_566 = arith.addf %add3A_565, %mul3A_564 : vector<16xf32>
      %mul3A_567 = arith.mulf %get3A_552, %add3A_566 : vector<16xf32>
      %add3A_568 = vector.broadcast %squeeze3A_149 : f32 to vector<16xf32>
      %add3A_569 = arith.addf %add3A_568, %mul3A_567 : vector<16xf32>
      %sub3A_570 = arith.subf %add3A_569, %get3A_559 : vector<16xf32>
      %lt3A_571 = arith.cmpi slt, %scan3A_545, %select_n3A_70 : i32
      %mul3A_572 = arith.mulf %sub3A_570, %sub3A_570 : vector<16xf32>
      %jit3A_573 = arith.constant 0.000000e+00 : f32
      %broadcast_in_dim3A_574 = vector.broadcast %jit3A_573 : f32 to vector<16xf32>
      %select_n3A_575 = arith.select %lt3A_571, %mul3A_572, %broadcast_in_dim3A_574 : vector<16xf32>
      %add3A_576 = arith.addf %add3A_543, %select_n3A_575 : vector<16xf32>
      %scan3A_577 = arith.constant 4 : i32
      %scan3A_578 = arith.addi %scan3A_445, %scan3A_577 : i32
      %mul3A_579 = arith.constant 16 : i32
      %mul3A_580 = arith.muli %scan3A_578, %mul3A_579 : i32
      %get3A_581 = arith.constant 4 : i32
      %get3A_582 = arith.index_cast %get3A_581 : i32 to index
      %get3A_583 = arith.index_cast %mul3A_580 : i32 to index
      %get3A_584 = tpu.vector_load %arg6[%get3A_582, %get3A_583] {strides = array<i32>} : memref<8x6272xf32, #tpu.memory_space<vmem>>, vector<1x16xf32>,
      %get3A_585 = vector.shape_cast %get3A_584 : vector<1x16xf32> to vector<16xf32>
      %mul3A_586 = arith.constant 16 : i32
      %mul3A_587 = arith.muli %scan3A_578, %mul3A_586 : i32
      %get3A_588 = arith.constant 4 : i32
      %get3A_589 = arith.index_cast %get3A_588 : i32 to index
      %get3A_590 = arith.index_cast %mul3A_587 : i32 to index
      %get3A_591 = tpu.vector_load %arg7[%get3A_589, %get3A_590] {strides = array<i32>} : memref<8x6272xf32, #tpu.memory_space<vmem>>, vector<1x16xf32>,
      %get3A_592 = vector.shape_cast %get3A_591 : vector<1x16xf32> to vector<16xf32>
      %mul3A_593 = vector.broadcast %squeeze3A_155 : f32 to vector<16xf32>
      %mul3A_594 = arith.mulf %get3A_585, %mul3A_593 : vector<16xf32>
      %add3A_595 = vector.broadcast %squeeze3A_153 : f32 to vector<16xf32>
      %add3A_596 = arith.addf %add3A_595, %mul3A_594 : vector<16xf32>
      %mul3A_597 = arith.mulf %get3A_585, %add3A_596 : vector<16xf32>
      %add3A_598 = vector.broadcast %squeeze3A_151 : f32 to vector<16xf32>
      %add3A_599 = arith.addf %add3A_598, %mul3A_597 : vector<16xf32>
      %mul3A_600 = arith.mulf %get3A_585, %add3A_599 : vector<16xf32>
      %add3A_601 = vector.broadcast %squeeze3A_149 : f32 to vector<16xf32>
      %add3A_602 = arith.addf %add3A_601, %mul3A_600 : vector<16xf32>
      %sub3A_603 = arith.subf %add3A_602, %get3A_592 : vector<16xf32>
      %lt3A_604 = arith.cmpi slt, %scan3A_578, %select_n3A_70 : i32
      %mul3A_605 = arith.mulf %sub3A_603, %sub3A_603 : vector<16xf32>
      %jit3A_606 = arith.constant 0.000000e+00 : f32
      %broadcast_in_dim3A_607 = vector.broadcast %jit3A_606 : f32 to vector<16xf32>
      %select_n3A_608 = arith.select %lt3A_604, %mul3A_605, %broadcast_in_dim3A_607 : vector<16xf32>
      %add3A_609 = arith.addf %add3A_576, %select_n3A_608 : vector<16xf32>
      %scan3A_610 = arith.constant 5 : i32
      %scan3A_611 = arith.addi %scan3A_445, %scan3A_610 : i32
      %mul3A_612 = arith.constant 16 : i32
      %mul3A_613 = arith.muli %scan3A_611, %mul3A_612 : i32
      %get3A_614 = arith.constant 4 : i32
      %get3A_615 = arith.index_cast %get3A_614 : i32 to index
      %get3A_616 = arith.index_cast %mul3A_613 : i32 to index
      %get3A_617 = tpu.vector_load %arg6[%get3A_615, %get3A_616] {strides = array<i32>} : memref<8x6272xf32, #tpu.memory_space<vmem>>, vector<1x16xf32>,
      %get3A_618 = vector.shape_cast %get3A_617 : vector<1x16xf32> to vector<16xf32>
      %mul3A_619 = arith.constant 16 : i32
      %mul3A_620 = arith.muli %scan3A_611, %mul3A_619 : i32
      %get3A_621 = arith.constant 4 : i32
      %get3A_622 = arith.index_cast %get3A_621 : i32 to index
      %get3A_623 = arith.index_cast %mul3A_620 : i32 to index
      %get3A_624 = tpu.vector_load %arg7[%get3A_622, %get3A_623] {strides = array<i32>} : memref<8x6272xf32, #tpu.memory_space<vmem>>, vector<1x16xf32>,
      %get3A_625 = vector.shape_cast %get3A_624 : vector<1x16xf32> to vector<16xf32>
      %mul3A_626 = vector.broadcast %squeeze3A_155 : f32 to vector<16xf32>
      %mul3A_627 = arith.mulf %get3A_618, %mul3A_626 : vector<16xf32>
      %add3A_628 = vector.broadcast %squeeze3A_153 : f32 to vector<16xf32>
      %add3A_629 = arith.addf %add3A_628, %mul3A_627 : vector<16xf32>
      %mul3A_630 = arith.mulf %get3A_618, %add3A_629 : vector<16xf32>
      %add3A_631 = vector.broadcast %squeeze3A_151 : f32 to vector<16xf32>
      %add3A_632 = arith.addf %add3A_631, %mul3A_630 : vector<16xf32>
      %mul3A_633 = arith.mulf %get3A_618, %add3A_632 : vector<16xf32>
      %add3A_634 = vector.broadcast %squeeze3A_149 : f32 to vector<16xf32>
      %add3A_635 = arith.addf %add3A_634, %mul3A_633 : vector<16xf32>
      %sub3A_636 = arith.subf %add3A_635, %get3A_625 : vector<16xf32>
      %lt3A_637 = arith.cmpi slt, %scan3A_611, %select_n3A_70 : i32
      %mul3A_638 = arith.mulf %sub3A_636, %sub3A_636 : vector<16xf32>
      %jit3A_639 = arith.constant 0.000000e+00 : f32
      %broadcast_in_dim3A_640 = vector.broadcast %jit3A_639 : f32 to vector<16xf32>
      %select_n3A_641 = arith.select %lt3A_637, %mul3A_638, %broadcast_in_dim3A_640 : vector<16xf32>
      %add3A_642 = arith.addf %add3A_609, %select_n3A_641 : vector<16xf32>
      %scan3A_643 = arith.constant 6 : i32
      %scan3A_644 = arith.addi %scan3A_445, %scan3A_643 : i32
      %mul3A_645 = arith.constant 16 : i32
      %mul3A_646 = arith.muli %scan3A_644, %mul3A_645 : i32
      %get3A_647 = arith.constant 4 : i32
      %get3A_648 = arith.index_cast %get3A_647 : i32 to index
      %get3A_649 = arith.index_cast %mul3A_646 : i32 to index
      %get3A_650 = tpu.vector_load %arg6[%get3A_648, %get3A_649] {strides = array<i32>} : memref<8x6272xf32, #tpu.memory_space<vmem>>, vector<1x16xf32>,
      %get3A_651 = vector.shape_cast %get3A_650 : vector<1x16xf32> to vector<16xf32>
      %mul3A_652 = arith.constant 16 : i32
      %mul3A_653 = arith.muli %scan3A_644, %mul3A_652 : i32
      %get3A_654 = arith.constant 4 : i32
      %get3A_655 = arith.index_cast %get3A_654 : i32 to index
      %get3A_656 = arith.index_cast %mul3A_653 : i32 to index
      %get3A_657 = tpu.vector_load %arg7[%get3A_655, %get3A_656] {strides = array<i32>} : memref<8x6272xf32, #tpu.memory_space<vmem>>, vector<1x16xf32>,
      %get3A_658 = vector.shape_cast %get3A_657 : vector<1x16xf32> to vector<16xf32>
      %mul3A_659 = vector.broadcast %squeeze3A_155 : f32 to vector<16xf32>
      %mul3A_660 = arith.mulf %get3A_651, %mul3A_659 : vector<16xf32>
      %add3A_661 = vector.broadcast %squeeze3A_153 : f32 to vector<16xf32>
      %add3A_662 = arith.addf %add3A_661, %mul3A_660 : vector<16xf32>
      %mul3A_663 = arith.mulf %get3A_651, %add3A_662 : vector<16xf32>
      %add3A_664 = vector.broadcast %squeeze3A_151 : f32 to vector<16xf32>
      %add3A_665 = arith.addf %add3A_664, %mul3A_663 : vector<16xf32>
      %mul3A_666 = arith.mulf %get3A_651, %add3A_665 : vector<16xf32>
      %add3A_667 = vector.broadcast %squeeze3A_149 : f32 to vector<16xf32>
      %add3A_668 = arith.addf %add3A_667, %mul3A_666 : vector<16xf32>
      %sub3A_669 = arith.subf %add3A_668, %get3A_658 : vector<16xf32>
      %lt3A_670 = arith.cmpi slt, %scan3A_644, %select_n3A_70 : i32
      %mul3A_671 = arith.mulf %sub3A_669, %sub3A_669 : vector<16xf32>
      %jit3A_672 = arith.constant 0.000000e+00 : f32
      %broadcast_in_dim3A_673 = vector.broadcast %jit3A_672 : f32 to vector<16xf32>
      %select_n3A_674 = arith.select %lt3A_670, %mul3A_671, %broadcast_in_dim3A_673 : vector<16xf32>
      %add3A_675 = arith.addf %add3A_642, %select_n3A_674 : vector<16xf32>
      %scan3A_676 = arith.constant 7 : i32
      %scan3A_677 = arith.addi %scan3A_445, %scan3A_676 : i32
      %mul3A_678 = arith.constant 16 : i32
      %mul3A_679 = arith.muli %scan3A_677, %mul3A_678 : i32
      %get3A_680 = arith.constant 4 : i32
      %get3A_681 = arith.index_cast %get3A_680 : i32 to index
      %get3A_682 = arith.index_cast %mul3A_679 : i32 to index
      %get3A_683 = tpu.vector_load %arg6[%get3A_681, %get3A_682] {strides = array<i32>} : memref<8x6272xf32, #tpu.memory_space<vmem>>, vector<1x16xf32>,
      %get3A_684 = vector.shape_cast %get3A_683 : vector<1x16xf32> to vector<16xf32>
      %mul3A_685 = arith.constant 16 : i32
      %mul3A_686 = arith.muli %scan3A_677, %mul3A_685 : i32
      %get3A_687 = arith.constant 4 : i32
      %get3A_688 = arith.index_cast %get3A_687 : i32 to index
      %get3A_689 = arith.index_cast %mul3A_686 : i32 to index
      %get3A_690 = tpu.vector_load %arg7[%get3A_688, %get3A_689] {strides = array<i32>} : memref<8x6272xf32, #tpu.memory_space<vmem>>, vector<1x16xf32>,
      %get3A_691 = vector.shape_cast %get3A_690 : vector<1x16xf32> to vector<16xf32>
      %mul3A_692 = vector.broadcast %squeeze3A_155 : f32 to vector<16xf32>
      %mul3A_693 = arith.mulf %get3A_684, %mul3A_692 : vector<16xf32>
      %add3A_694 = vector.broadcast %squeeze3A_153 : f32 to vector<16xf32>
      %add3A_695 = arith.addf %add3A_694, %mul3A_693 : vector<16xf32>
      %mul3A_696 = arith.mulf %get3A_684, %add3A_695 : vector<16xf32>
      %add3A_697 = vector.broadcast %squeeze3A_151 : f32 to vector<16xf32>
      %add3A_698 = arith.addf %add3A_697, %mul3A_696 : vector<16xf32>
      %mul3A_699 = arith.mulf %get3A_684, %add3A_698 : vector<16xf32>
      %add3A_700 = vector.broadcast %squeeze3A_149 : f32 to vector<16xf32>
      %add3A_701 = arith.addf %add3A_700, %mul3A_699 : vector<16xf32>
      %sub3A_702 = arith.subf %add3A_701, %get3A_691 : vector<16xf32>
      %lt3A_703 = arith.cmpi slt, %scan3A_677, %select_n3A_70 : i32
      %mul3A_704 = arith.mulf %sub3A_702, %sub3A_702 : vector<16xf32>
      %jit3A_705 = arith.constant 0.000000e+00 : f32
      %broadcast_in_dim3A_706 = vector.broadcast %jit3A_705 : f32 to vector<16xf32>
      %select_n3A_707 = arith.select %lt3A_703, %mul3A_704, %broadcast_in_dim3A_706 : vector<16xf32>
      %add3A_708 = arith.addf %add3A_675, %select_n3A_707 : vector<16xf32>
      scf.yield %add3A_708 : vector<16xf32>
    }
    %scan3A_161 = arith.constant 392 : i32
    %get3A_162 = arith.constant 5 : i32
    %get3A_163 = arith.index_cast %get3A_162 : i32 to index
    %get3A_164 = arith.constant 0 : index
    %get3A_165 = tpu.vector_load %arg8[%get3A_163, %get3A_164] {strides = array<i32>} : memref<8x16xf32, #tpu.memory_space<vmem>>, vector<1x16xf32>,
    %get3A_166 = vector.shape_cast %get3A_165 : vector<1x16xf32> to vector<16xf32>
    %slice3A_167 = vector.extract_strided_slice %get3A_166 {offsets = [0], sizes = [1], strides = [1]} : vector<16xf32> to vector<1xf32>
    %squeeze3A_168 = vector.extract %slice3A_167[0] : f32 from vector<1xf32>
    %slice3A_169 = vector.extract_strided_slice %get3A_166 {offsets = [1], sizes = [1], strides = [1]} : vector<16xf32> to vector<1xf32>
    %squeeze3A_170 = vector.extract %slice3A_169[0] : f32 from vector<1xf32>
    %slice3A_171 = vector.extract_strided_slice %get3A_166 {offsets = [2], sizes = [1], strides = [1]} : vector<16xf32> to vector<1xf32>
    %squeeze3A_172 = vector.extract %slice3A_171[0] : f32 from vector<1xf32>
    %slice3A_173 = vector.extract_strided_slice %get3A_166 {offsets = [3], sizes = [1], strides = [1]} : vector<16xf32> to vector<1xf32>
    %squeeze3A_174 = vector.extract %slice3A_173[0] : f32 from vector<1xf32>
    %scan3A_175 = arith.constant 0 : i32
    %scan3A_176 = arith.constant 392 : i32
    %scan3A_177 = arith.addi %scan3A_175, %scan3A_176 : i32
    %scan3A_178 = arith.constant 8 : i32
    %scan3A_179 = scf.for %scan3A_445 = %scan3A_175 to %scan3A_177 step %scan3A_178 iter_args(%scan3A_446 = %broadcast_in_dim3A_45) -> (vector<16xf32>)  : i32 {
      %mul3A_447 = arith.constant 16 : i32
      %mul3A_448 = arith.muli %scan3A_445, %mul3A_447 : i32
      %get3A_449 = arith.constant 5 : i32
      %get3A_450 = arith.index_cast %get3A_449 : i32 to index
      %get3A_451 = arith.index_cast %mul3A_448 : i32 to index
      %get3A_452 = tpu.vector_load %arg6[%get3A_450, %get3A_451] {strides = array<i32>} : memref<8x6272xf32, #tpu.memory_space<vmem>>, vector<1x16xf32>,
      %get3A_453 = vector.shape_cast %get3A_452 : vector<1x16xf32> to vector<16xf32>
      %mul3A_454 = arith.constant 16 : i32
      %mul3A_455 = arith.muli %scan3A_445, %mul3A_454 : i32
      %get3A_456 = arith.constant 5 : i32
      %get3A_457 = arith.index_cast %get3A_456 : i32 to index
      %get3A_458 = arith.index_cast %mul3A_455 : i32 to index
      %get3A_459 = tpu.vector_load %arg7[%get3A_457, %get3A_458] {strides = array<i32>} : memref<8x6272xf32, #tpu.memory_space<vmem>>, vector<1x16xf32>,
      %get3A_460 = vector.shape_cast %get3A_459 : vector<1x16xf32> to vector<16xf32>
      %mul3A_461 = vector.broadcast %squeeze3A_174 : f32 to vector<16xf32>
      %mul3A_462 = arith.mulf %get3A_453, %mul3A_461 : vector<16xf32>
      %add3A_463 = vector.broadcast %squeeze3A_172 : f32 to vector<16xf32>
      %add3A_464 = arith.addf %add3A_463, %mul3A_462 : vector<16xf32>
      %mul3A_465 = arith.mulf %get3A_453, %add3A_464 : vector<16xf32>
      %add3A_466 = vector.broadcast %squeeze3A_170 : f32 to vector<16xf32>
      %add3A_467 = arith.addf %add3A_466, %mul3A_465 : vector<16xf32>
      %mul3A_468 = arith.mulf %get3A_453, %add3A_467 : vector<16xf32>
      %add3A_469 = vector.broadcast %squeeze3A_168 : f32 to vector<16xf32>
      %add3A_470 = arith.addf %add3A_469, %mul3A_468 : vector<16xf32>
      %sub3A_471 = arith.subf %add3A_470, %get3A_460 : vector<16xf32>
      %lt3A_472 = arith.cmpi slt, %scan3A_445, %select_n3A_70 : i32
      %mul3A_473 = arith.mulf %sub3A_471, %sub3A_471 : vector<16xf32>
      %jit3A_474 = arith.constant 0.000000e+00 : f32
      %broadcast_in_dim3A_475 = vector.broadcast %jit3A_474 : f32 to vector<16xf32>
      %select_n3A_476 = arith.select %lt3A_472, %mul3A_473, %broadcast_in_dim3A_475 : vector<16xf32>
      %add3A_477 = arith.addf %scan3A_446, %select_n3A_476 : vector<16xf32>
      %scan3A_478 = arith.constant 1 : i32
      %scan3A_479 = arith.addi %scan3A_445, %scan3A_478 : i32
      %mul3A_480 = arith.constant 16 : i32
      %mul3A_481 = arith.muli %scan3A_479, %mul3A_480 : i32
      %get3A_482 = arith.constant 5 : i32
      %get3A_483 = arith.index_cast %get3A_482 : i32 to index
      %get3A_484 = arith.index_cast %mul3A_481 : i32 to index
      %get3A_485 = tpu.vector_load %arg6[%get3A_483, %get3A_484] {strides = array<i32>} : memref<8x6272xf32, #tpu.memory_space<vmem>>, vector<1x16xf32>,
      %get3A_486 = vector.shape_cast %get3A_485 : vector<1x16xf32> to vector<16xf32>
      %mul3A_487 = arith.constant 16 : i32
      %mul3A_488 = arith.muli %scan3A_479, %mul3A_487 : i32
      %get3A_489 = arith.constant 5 : i32
      %get3A_490 = arith.index_cast %get3A_489 : i32 to index
      %get3A_491 = arith.index_cast %mul3A_488 : i32 to index
      %get3A_492 = tpu.vector_load %arg7[%get3A_490, %get3A_491] {strides = array<i32>} : memref<8x6272xf32, #tpu.memory_space<vmem>>, vector<1x16xf32>,
      %get3A_493 = vector.shape_cast %get3A_492 : vector<1x16xf32> to vector<16xf32>
      %mul3A_494 = vector.broadcast %squeeze3A_174 : f32 to vector<16xf32>
      %mul3A_495 = arith.mulf %get3A_486, %mul3A_494 : vector<16xf32>
      %add3A_496 = vector.broadcast %squeeze3A_172 : f32 to vector<16xf32>
      %add3A_497 = arith.addf %add3A_496, %mul3A_495 : vector<16xf32>
      %mul3A_498 = arith.mulf %get3A_486, %add3A_497 : vector<16xf32>
      %add3A_499 = vector.broadcast %squeeze3A_170 : f32 to vector<16xf32>
      %add3A_500 = arith.addf %add3A_499, %mul3A_498 : vector<16xf32>
      %mul3A_501 = arith.mulf %get3A_486, %add3A_500 : vector<16xf32>
      %add3A_502 = vector.broadcast %squeeze3A_168 : f32 to vector<16xf32>
      %add3A_503 = arith.addf %add3A_502, %mul3A_501 : vector<16xf32>
      %sub3A_504 = arith.subf %add3A_503, %get3A_493 : vector<16xf32>
      %lt3A_505 = arith.cmpi slt, %scan3A_479, %select_n3A_70 : i32
      %mul3A_506 = arith.mulf %sub3A_504, %sub3A_504 : vector<16xf32>
      %jit3A_507 = arith.constant 0.000000e+00 : f32
      %broadcast_in_dim3A_508 = vector.broadcast %jit3A_507 : f32 to vector<16xf32>
      %select_n3A_509 = arith.select %lt3A_505, %mul3A_506, %broadcast_in_dim3A_508 : vector<16xf32>
      %add3A_510 = arith.addf %add3A_477, %select_n3A_509 : vector<16xf32>
      %scan3A_511 = arith.constant 2 : i32
      %scan3A_512 = arith.addi %scan3A_445, %scan3A_511 : i32
      %mul3A_513 = arith.constant 16 : i32
      %mul3A_514 = arith.muli %scan3A_512, %mul3A_513 : i32
      %get3A_515 = arith.constant 5 : i32
      %get3A_516 = arith.index_cast %get3A_515 : i32 to index
      %get3A_517 = arith.index_cast %mul3A_514 : i32 to index
      %get3A_518 = tpu.vector_load %arg6[%get3A_516, %get3A_517] {strides = array<i32>} : memref<8x6272xf32, #tpu.memory_space<vmem>>, vector<1x16xf32>,
      %get3A_519 = vector.shape_cast %get3A_518 : vector<1x16xf32> to vector<16xf32>
      %mul3A_520 = arith.constant 16 : i32
      %mul3A_521 = arith.muli %scan3A_512, %mul3A_520 : i32
      %get3A_522 = arith.constant 5 : i32
      %get3A_523 = arith.index_cast %get3A_522 : i32 to index
      %get3A_524 = arith.index_cast %mul3A_521 : i32 to index
      %get3A_525 = tpu.vector_load %arg7[%get3A_523, %get3A_524] {strides = array<i32>} : memref<8x6272xf32, #tpu.memory_space<vmem>>, vector<1x16xf32>,
      %get3A_526 = vector.shape_cast %get3A_525 : vector<1x16xf32> to vector<16xf32>
      %mul3A_527 = vector.broadcast %squeeze3A_174 : f32 to vector<16xf32>
      %mul3A_528 = arith.mulf %get3A_519, %mul3A_527 : vector<16xf32>
      %add3A_529 = vector.broadcast %squeeze3A_172 : f32 to vector<16xf32>
      %add3A_530 = arith.addf %add3A_529, %mul3A_528 : vector<16xf32>
      %mul3A_531 = arith.mulf %get3A_519, %add3A_530 : vector<16xf32>
      %add3A_532 = vector.broadcast %squeeze3A_170 : f32 to vector<16xf32>
      %add3A_533 = arith.addf %add3A_532, %mul3A_531 : vector<16xf32>
      %mul3A_534 = arith.mulf %get3A_519, %add3A_533 : vector<16xf32>
      %add3A_535 = vector.broadcast %squeeze3A_168 : f32 to vector<16xf32>
      %add3A_536 = arith.addf %add3A_535, %mul3A_534 : vector<16xf32>
      %sub3A_537 = arith.subf %add3A_536, %get3A_526 : vector<16xf32>
      %lt3A_538 = arith.cmpi slt, %scan3A_512, %select_n3A_70 : i32
      %mul3A_539 = arith.mulf %sub3A_537, %sub3A_537 : vector<16xf32>
      %jit3A_540 = arith.constant 0.000000e+00 : f32
      %broadcast_in_dim3A_541 = vector.broadcast %jit3A_540 : f32 to vector<16xf32>
      %select_n3A_542 = arith.select %lt3A_538, %mul3A_539, %broadcast_in_dim3A_541 : vector<16xf32>
      %add3A_543 = arith.addf %add3A_510, %select_n3A_542 : vector<16xf32>
      %scan3A_544 = arith.constant 3 : i32
      %scan3A_545 = arith.addi %scan3A_445, %scan3A_544 : i32
      %mul3A_546 = arith.constant 16 : i32
      %mul3A_547 = arith.muli %scan3A_545, %mul3A_546 : i32
      %get3A_548 = arith.constant 5 : i32
      %get3A_549 = arith.index_cast %get3A_548 : i32 to index
      %get3A_550 = arith.index_cast %mul3A_547 : i32 to index
      %get3A_551 = tpu.vector_load %arg6[%get3A_549, %get3A_550] {strides = array<i32>} : memref<8x6272xf32, #tpu.memory_space<vmem>>, vector<1x16xf32>,
      %get3A_552 = vector.shape_cast %get3A_551 : vector<1x16xf32> to vector<16xf32>
      %mul3A_553 = arith.constant 16 : i32
      %mul3A_554 = arith.muli %scan3A_545, %mul3A_553 : i32
      %get3A_555 = arith.constant 5 : i32
      %get3A_556 = arith.index_cast %get3A_555 : i32 to index
      %get3A_557 = arith.index_cast %mul3A_554 : i32 to index
      %get3A_558 = tpu.vector_load %arg7[%get3A_556, %get3A_557] {strides = array<i32>} : memref<8x6272xf32, #tpu.memory_space<vmem>>, vector<1x16xf32>,
      %get3A_559 = vector.shape_cast %get3A_558 : vector<1x16xf32> to vector<16xf32>
      %mul3A_560 = vector.broadcast %squeeze3A_174 : f32 to vector<16xf32>
      %mul3A_561 = arith.mulf %get3A_552, %mul3A_560 : vector<16xf32>
      %add3A_562 = vector.broadcast %squeeze3A_172 : f32 to vector<16xf32>
      %add3A_563 = arith.addf %add3A_562, %mul3A_561 : vector<16xf32>
      %mul3A_564 = arith.mulf %get3A_552, %add3A_563 : vector<16xf32>
      %add3A_565 = vector.broadcast %squeeze3A_170 : f32 to vector<16xf32>
      %add3A_566 = arith.addf %add3A_565, %mul3A_564 : vector<16xf32>
      %mul3A_567 = arith.mulf %get3A_552, %add3A_566 : vector<16xf32>
      %add3A_568 = vector.broadcast %squeeze3A_168 : f32 to vector<16xf32>
      %add3A_569 = arith.addf %add3A_568, %mul3A_567 : vector<16xf32>
      %sub3A_570 = arith.subf %add3A_569, %get3A_559 : vector<16xf32>
      %lt3A_571 = arith.cmpi slt, %scan3A_545, %select_n3A_70 : i32
      %mul3A_572 = arith.mulf %sub3A_570, %sub3A_570 : vector<16xf32>
      %jit3A_573 = arith.constant 0.000000e+00 : f32
      %broadcast_in_dim3A_574 = vector.broadcast %jit3A_573 : f32 to vector<16xf32>
      %select_n3A_575 = arith.select %lt3A_571, %mul3A_572, %broadcast_in_dim3A_574 : vector<16xf32>
      %add3A_576 = arith.addf %add3A_543, %select_n3A_575 : vector<16xf32>
      %scan3A_577 = arith.constant 4 : i32
      %scan3A_578 = arith.addi %scan3A_445, %scan3A_577 : i32
      %mul3A_579 = arith.constant 16 : i32
      %mul3A_580 = arith.muli %scan3A_578, %mul3A_579 : i32
      %get3A_581 = arith.constant 5 : i32
      %get3A_582 = arith.index_cast %get3A_581 : i32 to index
      %get3A_583 = arith.index_cast %mul3A_580 : i32 to index
      %get3A_584 = tpu.vector_load %arg6[%get3A_582, %get3A_583] {strides = array<i32>} : memref<8x6272xf32, #tpu.memory_space<vmem>>, vector<1x16xf32>,
      %get3A_585 = vector.shape_cast %get3A_584 : vector<1x16xf32> to vector<16xf32>
      %mul3A_586 = arith.constant 16 : i32
      %mul3A_587 = arith.muli %scan3A_578, %mul3A_586 : i32
      %get3A_588 = arith.constant 5 : i32
      %get3A_589 = arith.index_cast %get3A_588 : i32 to index
      %get3A_590 = arith.index_cast %mul3A_587 : i32 to index
      %get3A_591 = tpu.vector_load %arg7[%get3A_589, %get3A_590] {strides = array<i32>} : memref<8x6272xf32, #tpu.memory_space<vmem>>, vector<1x16xf32>,
      %get3A_592 = vector.shape_cast %get3A_591 : vector<1x16xf32> to vector<16xf32>
      %mul3A_593 = vector.broadcast %squeeze3A_174 : f32 to vector<16xf32>
      %mul3A_594 = arith.mulf %get3A_585, %mul3A_593 : vector<16xf32>
      %add3A_595 = vector.broadcast %squeeze3A_172 : f32 to vector<16xf32>
      %add3A_596 = arith.addf %add3A_595, %mul3A_594 : vector<16xf32>
      %mul3A_597 = arith.mulf %get3A_585, %add3A_596 : vector<16xf32>
      %add3A_598 = vector.broadcast %squeeze3A_170 : f32 to vector<16xf32>
      %add3A_599 = arith.addf %add3A_598, %mul3A_597 : vector<16xf32>
      %mul3A_600 = arith.mulf %get3A_585, %add3A_599 : vector<16xf32>
      %add3A_601 = vector.broadcast %squeeze3A_168 : f32 to vector<16xf32>
      %add3A_602 = arith.addf %add3A_601, %mul3A_600 : vector<16xf32>
      %sub3A_603 = arith.subf %add3A_602, %get3A_592 : vector<16xf32>
      %lt3A_604 = arith.cmpi slt, %scan3A_578, %select_n3A_70 : i32
      %mul3A_605 = arith.mulf %sub3A_603, %sub3A_603 : vector<16xf32>
      %jit3A_606 = arith.constant 0.000000e+00 : f32
      %broadcast_in_dim3A_607 = vector.broadcast %jit3A_606 : f32 to vector<16xf32>
      %select_n3A_608 = arith.select %lt3A_604, %mul3A_605, %broadcast_in_dim3A_607 : vector<16xf32>
      %add3A_609 = arith.addf %add3A_576, %select_n3A_608 : vector<16xf32>
      %scan3A_610 = arith.constant 5 : i32
      %scan3A_611 = arith.addi %scan3A_445, %scan3A_610 : i32
      %mul3A_612 = arith.constant 16 : i32
      %mul3A_613 = arith.muli %scan3A_611, %mul3A_612 : i32
      %get3A_614 = arith.constant 5 : i32
      %get3A_615 = arith.index_cast %get3A_614 : i32 to index
      %get3A_616 = arith.index_cast %mul3A_613 : i32 to index
      %get3A_617 = tpu.vector_load %arg6[%get3A_615, %get3A_616] {strides = array<i32>} : memref<8x6272xf32, #tpu.memory_space<vmem>>, vector<1x16xf32>,
      %get3A_618 = vector.shape_cast %get3A_617 : vector<1x16xf32> to vector<16xf32>
      %mul3A_619 = arith.constant 16 : i32
      %mul3A_620 = arith.muli %scan3A_611, %mul3A_619 : i32
      %get3A_621 = arith.constant 5 : i32
      %get3A_622 = arith.index_cast %get3A_621 : i32 to index
      %get3A_623 = arith.index_cast %mul3A_620 : i32 to index
      %get3A_624 = tpu.vector_load %arg7[%get3A_622, %get3A_623] {strides = array<i32>} : memref<8x6272xf32, #tpu.memory_space<vmem>>, vector<1x16xf32>,
      %get3A_625 = vector.shape_cast %get3A_624 : vector<1x16xf32> to vector<16xf32>
      %mul3A_626 = vector.broadcast %squeeze3A_174 : f32 to vector<16xf32>
      %mul3A_627 = arith.mulf %get3A_618, %mul3A_626 : vector<16xf32>
      %add3A_628 = vector.broadcast %squeeze3A_172 : f32 to vector<16xf32>
      %add3A_629 = arith.addf %add3A_628, %mul3A_627 : vector<16xf32>
      %mul3A_630 = arith.mulf %get3A_618, %add3A_629 : vector<16xf32>
      %add3A_631 = vector.broadcast %squeeze3A_170 : f32 to vector<16xf32>
      %add3A_632 = arith.addf %add3A_631, %mul3A_630 : vector<16xf32>
      %mul3A_633 = arith.mulf %get3A_618, %add3A_632 : vector<16xf32>
      %add3A_634 = vector.broadcast %squeeze3A_168 : f32 to vector<16xf32>
      %add3A_635 = arith.addf %add3A_634, %mul3A_633 : vector<16xf32>
      %sub3A_636 = arith.subf %add3A_635, %get3A_625 : vector<16xf32>
      %lt3A_637 = arith.cmpi slt, %scan3A_611, %select_n3A_70 : i32
      %mul3A_638 = arith.mulf %sub3A_636, %sub3A_636 : vector<16xf32>
      %jit3A_639 = arith.constant 0.000000e+00 : f32
      %broadcast_in_dim3A_640 = vector.broadcast %jit3A_639 : f32 to vector<16xf32>
      %select_n3A_641 = arith.select %lt3A_637, %mul3A_638, %broadcast_in_dim3A_640 : vector<16xf32>
      %add3A_642 = arith.addf %add3A_609, %select_n3A_641 : vector<16xf32>
      %scan3A_643 = arith.constant 6 : i32
      %scan3A_644 = arith.addi %scan3A_445, %scan3A_643 : i32
      %mul3A_645 = arith.constant 16 : i32
      %mul3A_646 = arith.muli %scan3A_644, %mul3A_645 : i32
      %get3A_647 = arith.constant 5 : i32
      %get3A_648 = arith.index_cast %get3A_647 : i32 to index
      %get3A_649 = arith.index_cast %mul3A_646 : i32 to index
      %get3A_650 = tpu.vector_load %arg6[%get3A_648, %get3A_649] {strides = array<i32>} : memref<8x6272xf32, #tpu.memory_space<vmem>>, vector<1x16xf32>,
      %get3A_651 = vector.shape_cast %get3A_650 : vector<1x16xf32> to vector<16xf32>
      %mul3A_652 = arith.constant 16 : i32
      %mul3A_653 = arith.muli %scan3A_644, %mul3A_652 : i32
      %get3A_654 = arith.constant 5 : i32
      %get3A_655 = arith.index_cast %get3A_654 : i32 to index
      %get3A_656 = arith.index_cast %mul3A_653 : i32 to index
      %get3A_657 = tpu.vector_load %arg7[%get3A_655, %get3A_656] {strides = array<i32>} : memref<8x6272xf32, #tpu.memory_space<vmem>>, vector<1x16xf32>,
      %get3A_658 = vector.shape_cast %get3A_657 : vector<1x16xf32> to vector<16xf32>
      %mul3A_659 = vector.broadcast %squeeze3A_174 : f32 to vector<16xf32>
      %mul3A_660 = arith.mulf %get3A_651, %mul3A_659 : vector<16xf32>
      %add3A_661 = vector.broadcast %squeeze3A_172 : f32 to vector<16xf32>
      %add3A_662 = arith.addf %add3A_661, %mul3A_660 : vector<16xf32>
      %mul3A_663 = arith.mulf %get3A_651, %add3A_662 : vector<16xf32>
      %add3A_664 = vector.broadcast %squeeze3A_170 : f32 to vector<16xf32>
      %add3A_665 = arith.addf %add3A_664, %mul3A_663 : vector<16xf32>
      %mul3A_666 = arith.mulf %get3A_651, %add3A_665 : vector<16xf32>
      %add3A_667 = vector.broadcast %squeeze3A_168 : f32 to vector<16xf32>
      %add3A_668 = arith.addf %add3A_667, %mul3A_666 : vector<16xf32>
      %sub3A_669 = arith.subf %add3A_668, %get3A_658 : vector<16xf32>
      %lt3A_670 = arith.cmpi slt, %scan3A_644, %select_n3A_70 : i32
      %mul3A_671 = arith.mulf %sub3A_669, %sub3A_669 : vector<16xf32>
      %jit3A_672 = arith.constant 0.000000e+00 : f32
      %broadcast_in_dim3A_673 = vector.broadcast %jit3A_672 : f32 to vector<16xf32>
      %select_n3A_674 = arith.select %lt3A_670, %mul3A_671, %broadcast_in_dim3A_673 : vector<16xf32>
      %add3A_675 = arith.addf %add3A_642, %select_n3A_674 : vector<16xf32>
      %scan3A_676 = arith.constant 7 : i32
      %scan3A_677 = arith.addi %scan3A_445, %scan3A_676 : i32
      %mul3A_678 = arith.constant 16 : i32
      %mul3A_679 = arith.muli %scan3A_677, %mul3A_678 : i32
      %get3A_680 = arith.constant 5 : i32
      %get3A_681 = arith.index_cast %get3A_680 : i32 to index
      %get3A_682 = arith.index_cast %mul3A_679 : i32 to index
      %get3A_683 = tpu.vector_load %arg6[%get3A_681, %get3A_682] {strides = array<i32>} : memref<8x6272xf32, #tpu.memory_space<vmem>>, vector<1x16xf32>,
      %get3A_684 = vector.shape_cast %get3A_683 : vector<1x16xf32> to vector<16xf32>
      %mul3A_685 = arith.constant 16 : i32
      %mul3A_686 = arith.muli %scan3A_677, %mul3A_685 : i32
      %get3A_687 = arith.constant 5 : i32
      %get3A_688 = arith.index_cast %get3A_687 : i32 to index
      %get3A_689 = arith.index_cast %mul3A_686 : i32 to index
      %get3A_690 = tpu.vector_load %arg7[%get3A_688, %get3A_689] {strides = array<i32>} : memref<8x6272xf32, #tpu.memory_space<vmem>>, vector<1x16xf32>,
      %get3A_691 = vector.shape_cast %get3A_690 : vector<1x16xf32> to vector<16xf32>
      %mul3A_692 = vector.broadcast %squeeze3A_174 : f32 to vector<16xf32>
      %mul3A_693 = arith.mulf %get3A_684, %mul3A_692 : vector<16xf32>
      %add3A_694 = vector.broadcast %squeeze3A_172 : f32 to vector<16xf32>
      %add3A_695 = arith.addf %add3A_694, %mul3A_693 : vector<16xf32>
      %mul3A_696 = arith.mulf %get3A_684, %add3A_695 : vector<16xf32>
      %add3A_697 = vector.broadcast %squeeze3A_170 : f32 to vector<16xf32>
      %add3A_698 = arith.addf %add3A_697, %mul3A_696 : vector<16xf32>
      %mul3A_699 = arith.mulf %get3A_684, %add3A_698 : vector<16xf32>
      %add3A_700 = vector.broadcast %squeeze3A_168 : f32 to vector<16xf32>
      %add3A_701 = arith.addf %add3A_700, %mul3A_699 : vector<16xf32>
      %sub3A_702 = arith.subf %add3A_701, %get3A_691 : vector<16xf32>
      %lt3A_703 = arith.cmpi slt, %scan3A_677, %select_n3A_70 : i32
      %mul3A_704 = arith.mulf %sub3A_702, %sub3A_702 : vector<16xf32>
      %jit3A_705 = arith.constant 0.000000e+00 : f32
      %broadcast_in_dim3A_706 = vector.broadcast %jit3A_705 : f32 to vector<16xf32>
      %select_n3A_707 = arith.select %lt3A_703, %mul3A_704, %broadcast_in_dim3A_706 : vector<16xf32>
      %add3A_708 = arith.addf %add3A_675, %select_n3A_707 : vector<16xf32>
      scf.yield %add3A_708 : vector<16xf32>
    }
    %scan3A_180 = arith.constant 392 : i32
    %get3A_181 = arith.constant 6 : i32
    %get3A_182 = arith.index_cast %get3A_181 : i32 to index
    %get3A_183 = arith.constant 0 : index
    %get3A_184 = tpu.vector_load %arg8[%get3A_182, %get3A_183] {strides = array<i32>} : memref<8x16xf32, #tpu.memory_space<vmem>>, vector<1x16xf32>,
    %get3A_185 = vector.shape_cast %get3A_184 : vector<1x16xf32> to vector<16xf32>
    %slice3A_186 = vector.extract_strided_slice %get3A_185 {offsets = [0], sizes = [1], strides = [1]} : vector<16xf32> to vector<1xf32>
    %squeeze3A_187 = vector.extract %slice3A_186[0] : f32 from vector<1xf32>
    %slice3A_188 = vector.extract_strided_slice %get3A_185 {offsets = [1], sizes = [1], strides = [1]} : vector<16xf32> to vector<1xf32>
    %squeeze3A_189 = vector.extract %slice3A_188[0] : f32 from vector<1xf32>
    %slice3A_190 = vector.extract_strided_slice %get3A_185 {offsets = [2], sizes = [1], strides = [1]} : vector<16xf32> to vector<1xf32>
    %squeeze3A_191 = vector.extract %slice3A_190[0] : f32 from vector<1xf32>
    %slice3A_192 = vector.extract_strided_slice %get3A_185 {offsets = [3], sizes = [1], strides = [1]} : vector<16xf32> to vector<1xf32>
    %squeeze3A_193 = vector.extract %slice3A_192[0] : f32 from vector<1xf32>
    %scan3A_194 = arith.constant 0 : i32
    %scan3A_195 = arith.constant 392 : i32
    %scan3A_196 = arith.addi %scan3A_194, %scan3A_195 : i32
    %scan3A_197 = arith.constant 8 : i32
    %scan3A_198 = scf.for %scan3A_445 = %scan3A_194 to %scan3A_196 step %scan3A_197 iter_args(%scan3A_446 = %broadcast_in_dim3A_47) -> (vector<16xf32>)  : i32 {
      %mul3A_447 = arith.constant 16 : i32
      %mul3A_448 = arith.muli %scan3A_445, %mul3A_447 : i32
      %get3A_449 = arith.constant 6 : i32
      %get3A_450 = arith.index_cast %get3A_449 : i32 to index
      %get3A_451 = arith.index_cast %mul3A_448 : i32 to index
      %get3A_452 = tpu.vector_load %arg6[%get3A_450, %get3A_451] {strides = array<i32>} : memref<8x6272xf32, #tpu.memory_space<vmem>>, vector<1x16xf32>,
      %get3A_453 = vector.shape_cast %get3A_452 : vector<1x16xf32> to vector<16xf32>
      %mul3A_454 = arith.constant 16 : i32
      %mul3A_455 = arith.muli %scan3A_445, %mul3A_454 : i32
      %get3A_456 = arith.constant 6 : i32
      %get3A_457 = arith.index_cast %get3A_456 : i32 to index
      %get3A_458 = arith.index_cast %mul3A_455 : i32 to index
      %get3A_459 = tpu.vector_load %arg7[%get3A_457, %get3A_458] {strides = array<i32>} : memref<8x6272xf32, #tpu.memory_space<vmem>>, vector<1x16xf32>,
      %get3A_460 = vector.shape_cast %get3A_459 : vector<1x16xf32> to vector<16xf32>
      %mul3A_461 = vector.broadcast %squeeze3A_193 : f32 to vector<16xf32>
      %mul3A_462 = arith.mulf %get3A_453, %mul3A_461 : vector<16xf32>
      %add3A_463 = vector.broadcast %squeeze3A_191 : f32 to vector<16xf32>
      %add3A_464 = arith.addf %add3A_463, %mul3A_462 : vector<16xf32>
      %mul3A_465 = arith.mulf %get3A_453, %add3A_464 : vector<16xf32>
      %add3A_466 = vector.broadcast %squeeze3A_189 : f32 to vector<16xf32>
      %add3A_467 = arith.addf %add3A_466, %mul3A_465 : vector<16xf32>
      %mul3A_468 = arith.mulf %get3A_453, %add3A_467 : vector<16xf32>
      %add3A_469 = vector.broadcast %squeeze3A_187 : f32 to vector<16xf32>
      %add3A_470 = arith.addf %add3A_469, %mul3A_468 : vector<16xf32>
      %sub3A_471 = arith.subf %add3A_470, %get3A_460 : vector<16xf32>
      %lt3A_472 = arith.cmpi slt, %scan3A_445, %select_n3A_70 : i32
      %mul3A_473 = arith.mulf %sub3A_471, %sub3A_471 : vector<16xf32>
      %jit3A_474 = arith.constant 0.000000e+00 : f32
      %broadcast_in_dim3A_475 = vector.broadcast %jit3A_474 : f32 to vector<16xf32>
      %select_n3A_476 = arith.select %lt3A_472, %mul3A_473, %broadcast_in_dim3A_475 : vector<16xf32>
      %add3A_477 = arith.addf %scan3A_446, %select_n3A_476 : vector<16xf32>
      %scan3A_478 = arith.constant 1 : i32
      %scan3A_479 = arith.addi %scan3A_445, %scan3A_478 : i32
      %mul3A_480 = arith.constant 16 : i32
      %mul3A_481 = arith.muli %scan3A_479, %mul3A_480 : i32
      %get3A_482 = arith.constant 6 : i32
      %get3A_483 = arith.index_cast %get3A_482 : i32 to index
      %get3A_484 = arith.index_cast %mul3A_481 : i32 to index
      %get3A_485 = tpu.vector_load %arg6[%get3A_483, %get3A_484] {strides = array<i32>} : memref<8x6272xf32, #tpu.memory_space<vmem>>, vector<1x16xf32>,
      %get3A_486 = vector.shape_cast %get3A_485 : vector<1x16xf32> to vector<16xf32>
      %mul3A_487 = arith.constant 16 : i32
      %mul3A_488 = arith.muli %scan3A_479, %mul3A_487 : i32
      %get3A_489 = arith.constant 6 : i32
      %get3A_490 = arith.index_cast %get3A_489 : i32 to index
      %get3A_491 = arith.index_cast %mul3A_488 : i32 to index
      %get3A_492 = tpu.vector_load %arg7[%get3A_490, %get3A_491] {strides = array<i32>} : memref<8x6272xf32, #tpu.memory_space<vmem>>, vector<1x16xf32>,
      %get3A_493 = vector.shape_cast %get3A_492 : vector<1x16xf32> to vector<16xf32>
      %mul3A_494 = vector.broadcast %squeeze3A_193 : f32 to vector<16xf32>
      %mul3A_495 = arith.mulf %get3A_486, %mul3A_494 : vector<16xf32>
      %add3A_496 = vector.broadcast %squeeze3A_191 : f32 to vector<16xf32>
      %add3A_497 = arith.addf %add3A_496, %mul3A_495 : vector<16xf32>
      %mul3A_498 = arith.mulf %get3A_486, %add3A_497 : vector<16xf32>
      %add3A_499 = vector.broadcast %squeeze3A_189 : f32 to vector<16xf32>
      %add3A_500 = arith.addf %add3A_499, %mul3A_498 : vector<16xf32>
      %mul3A_501 = arith.mulf %get3A_486, %add3A_500 : vector<16xf32>
      %add3A_502 = vector.broadcast %squeeze3A_187 : f32 to vector<16xf32>
      %add3A_503 = arith.addf %add3A_502, %mul3A_501 : vector<16xf32>
      %sub3A_504 = arith.subf %add3A_503, %get3A_493 : vector<16xf32>
      %lt3A_505 = arith.cmpi slt, %scan3A_479, %select_n3A_70 : i32
      %mul3A_506 = arith.mulf %sub3A_504, %sub3A_504 : vector<16xf32>
      %jit3A_507 = arith.constant 0.000000e+00 : f32
      %broadcast_in_dim3A_508 = vector.broadcast %jit3A_507 : f32 to vector<16xf32>
      %select_n3A_509 = arith.select %lt3A_505, %mul3A_506, %broadcast_in_dim3A_508 : vector<16xf32>
      %add3A_510 = arith.addf %add3A_477, %select_n3A_509 : vector<16xf32>
      %scan3A_511 = arith.constant 2 : i32
      %scan3A_512 = arith.addi %scan3A_445, %scan3A_511 : i32
      %mul3A_513 = arith.constant 16 : i32
      %mul3A_514 = arith.muli %scan3A_512, %mul3A_513 : i32
      %get3A_515 = arith.constant 6 : i32
      %get3A_516 = arith.index_cast %get3A_515 : i32 to index
      %get3A_517 = arith.index_cast %mul3A_514 : i32 to index
      %get3A_518 = tpu.vector_load %arg6[%get3A_516, %get3A_517] {strides = array<i32>} : memref<8x6272xf32, #tpu.memory_space<vmem>>, vector<1x16xf32>,
      %get3A_519 = vector.shape_cast %get3A_518 : vector<1x16xf32> to vector<16xf32>
      %mul3A_520 = arith.constant 16 : i32
      %mul3A_521 = arith.muli %scan3A_512, %mul3A_520 : i32
      %get3A_522 = arith.constant 6 : i32
      %get3A_523 = arith.index_cast %get3A_522 : i32 to index
      %get3A_524 = arith.index_cast %mul3A_521 : i32 to index
      %get3A_525 = tpu.vector_load %arg7[%get3A_523, %get3A_524] {strides = array<i32>} : memref<8x6272xf32, #tpu.memory_space<vmem>>, vector<1x16xf32>,
      %get3A_526 = vector.shape_cast %get3A_525 : vector<1x16xf32> to vector<16xf32>
      %mul3A_527 = vector.broadcast %squeeze3A_193 : f32 to vector<16xf32>
      %mul3A_528 = arith.mulf %get3A_519, %mul3A_527 : vector<16xf32>
      %add3A_529 = vector.broadcast %squeeze3A_191 : f32 to vector<16xf32>
      %add3A_530 = arith.addf %add3A_529, %mul3A_528 : vector<16xf32>
      %mul3A_531 = arith.mulf %get3A_519, %add3A_530 : vector<16xf32>
      %add3A_532 = vector.broadcast %squeeze3A_189 : f32 to vector<16xf32>
      %add3A_533 = arith.addf %add3A_532, %mul3A_531 : vector<16xf32>
      %mul3A_534 = arith.mulf %get3A_519, %add3A_533 : vector<16xf32>
      %add3A_535 = vector.broadcast %squeeze3A_187 : f32 to vector<16xf32>
      %add3A_536 = arith.addf %add3A_535, %mul3A_534 : vector<16xf32>
      %sub3A_537 = arith.subf %add3A_536, %get3A_526 : vector<16xf32>
      %lt3A_538 = arith.cmpi slt, %scan3A_512, %select_n3A_70 : i32
      %mul3A_539 = arith.mulf %sub3A_537, %sub3A_537 : vector<16xf32>
      %jit3A_540 = arith.constant 0.000000e+00 : f32
      %broadcast_in_dim3A_541 = vector.broadcast %jit3A_540 : f32 to vector<16xf32>
      %select_n3A_542 = arith.select %lt3A_538, %mul3A_539, %broadcast_in_dim3A_541 : vector<16xf32>
      %add3A_543 = arith.addf %add3A_510, %select_n3A_542 : vector<16xf32>
      %scan3A_544 = arith.constant 3 : i32
      %scan3A_545 = arith.addi %scan3A_445, %scan3A_544 : i32
      %mul3A_546 = arith.constant 16 : i32
      %mul3A_547 = arith.muli %scan3A_545, %mul3A_546 : i32
      %get3A_548 = arith.constant 6 : i32
      %get3A_549 = arith.index_cast %get3A_548 : i32 to index
      %get3A_550 = arith.index_cast %mul3A_547 : i32 to index
      %get3A_551 = tpu.vector_load %arg6[%get3A_549, %get3A_550] {strides = array<i32>} : memref<8x6272xf32, #tpu.memory_space<vmem>>, vector<1x16xf32>,
      %get3A_552 = vector.shape_cast %get3A_551 : vector<1x16xf32> to vector<16xf32>
      %mul3A_553 = arith.constant 16 : i32
      %mul3A_554 = arith.muli %scan3A_545, %mul3A_553 : i32
      %get3A_555 = arith.constant 6 : i32
      %get3A_556 = arith.index_cast %get3A_555 : i32 to index
      %get3A_557 = arith.index_cast %mul3A_554 : i32 to index
      %get3A_558 = tpu.vector_load %arg7[%get3A_556, %get3A_557] {strides = array<i32>} : memref<8x6272xf32, #tpu.memory_space<vmem>>, vector<1x16xf32>,
      %get3A_559 = vector.shape_cast %get3A_558 : vector<1x16xf32> to vector<16xf32>
      %mul3A_560 = vector.broadcast %squeeze3A_193 : f32 to vector<16xf32>
      %mul3A_561 = arith.mulf %get3A_552, %mul3A_560 : vector<16xf32>
      %add3A_562 = vector.broadcast %squeeze3A_191 : f32 to vector<16xf32>
      %add3A_563 = arith.addf %add3A_562, %mul3A_561 : vector<16xf32>
      %mul3A_564 = arith.mulf %get3A_552, %add3A_563 : vector<16xf32>
      %add3A_565 = vector.broadcast %squeeze3A_189 : f32 to vector<16xf32>
      %add3A_566 = arith.addf %add3A_565, %mul3A_564 : vector<16xf32>
      %mul3A_567 = arith.mulf %get3A_552, %add3A_566 : vector<16xf32>
      %add3A_568 = vector.broadcast %squeeze3A_187 : f32 to vector<16xf32>
      %add3A_569 = arith.addf %add3A_568, %mul3A_567 : vector<16xf32>
      %sub3A_570 = arith.subf %add3A_569, %get3A_559 : vector<16xf32>
      %lt3A_571 = arith.cmpi slt, %scan3A_545, %select_n3A_70 : i32
      %mul3A_572 = arith.mulf %sub3A_570, %sub3A_570 : vector<16xf32>
      %jit3A_573 = arith.constant 0.000000e+00 : f32
      %broadcast_in_dim3A_574 = vector.broadcast %jit3A_573 : f32 to vector<16xf32>
      %select_n3A_575 = arith.select %lt3A_571, %mul3A_572, %broadcast_in_dim3A_574 : vector<16xf32>
      %add3A_576 = arith.addf %add3A_543, %select_n3A_575 : vector<16xf32>
      %scan3A_577 = arith.constant 4 : i32
      %scan3A_578 = arith.addi %scan3A_445, %scan3A_577 : i32
      %mul3A_579 = arith.constant 16 : i32
      %mul3A_580 = arith.muli %scan3A_578, %mul3A_579 : i32
      %get3A_581 = arith.constant 6 : i32
      %get3A_582 = arith.index_cast %get3A_581 : i32 to index
      %get3A_583 = arith.index_cast %mul3A_580 : i32 to index
      %get3A_584 = tpu.vector_load %arg6[%get3A_582, %get3A_583] {strides = array<i32>} : memref<8x6272xf32, #tpu.memory_space<vmem>>, vector<1x16xf32>,
      %get3A_585 = vector.shape_cast %get3A_584 : vector<1x16xf32> to vector<16xf32>
      %mul3A_586 = arith.constant 16 : i32
      %mul3A_587 = arith.muli %scan3A_578, %mul3A_586 : i32
      %get3A_588 = arith.constant 6 : i32
      %get3A_589 = arith.index_cast %get3A_588 : i32 to index
      %get3A_590 = arith.index_cast %mul3A_587 : i32 to index
      %get3A_591 = tpu.vector_load %arg7[%get3A_589, %get3A_590] {strides = array<i32>} : memref<8x6272xf32, #tpu.memory_space<vmem>>, vector<1x16xf32>,
      %get3A_592 = vector.shape_cast %get3A_591 : vector<1x16xf32> to vector<16xf32>
      %mul3A_593 = vector.broadcast %squeeze3A_193 : f32 to vector<16xf32>
      %mul3A_594 = arith.mulf %get3A_585, %mul3A_593 : vector<16xf32>
      %add3A_595 = vector.broadcast %squeeze3A_191 : f32 to vector<16xf32>
      %add3A_596 = arith.addf %add3A_595, %mul3A_594 : vector<16xf32>
      %mul3A_597 = arith.mulf %get3A_585, %add3A_596 : vector<16xf32>
      %add3A_598 = vector.broadcast %squeeze3A_189 : f32 to vector<16xf32>
      %add3A_599 = arith.addf %add3A_598, %mul3A_597 : vector<16xf32>
      %mul3A_600 = arith.mulf %get3A_585, %add3A_599 : vector<16xf32>
      %add3A_601 = vector.broadcast %squeeze3A_187 : f32 to vector<16xf32>
      %add3A_602 = arith.addf %add3A_601, %mul3A_600 : vector<16xf32>
      %sub3A_603 = arith.subf %add3A_602, %get3A_592 : vector<16xf32>
      %lt3A_604 = arith.cmpi slt, %scan3A_578, %select_n3A_70 : i32
      %mul3A_605 = arith.mulf %sub3A_603, %sub3A_603 : vector<16xf32>
      %jit3A_606 = arith.constant 0.000000e+00 : f32
      %broadcast_in_dim3A_607 = vector.broadcast %jit3A_606 : f32 to vector<16xf32>
      %select_n3A_608 = arith.select %lt3A_604, %mul3A_605, %broadcast_in_dim3A_607 : vector<16xf32>
      %add3A_609 = arith.addf %add3A_576, %select_n3A_608 : vector<16xf32>
      %scan3A_610 = arith.constant 5 : i32
      %scan3A_611 = arith.addi %scan3A_445, %scan3A_610 : i32
      %mul3A_612 = arith.constant 16 : i32
      %mul3A_613 = arith.muli %scan3A_611, %mul3A_612 : i32
      %get3A_614 = arith.constant 6 : i32
      %get3A_615 = arith.index_cast %get3A_614 : i32 to index
      %get3A_616 = arith.index_cast %mul3A_613 : i32 to index
      %get3A_617 = tpu.vector_load %arg6[%get3A_615, %get3A_616] {strides = array<i32>} : memref<8x6272xf32, #tpu.memory_space<vmem>>, vector<1x16xf32>,
      %get3A_618 = vector.shape_cast %get3A_617 : vector<1x16xf32> to vector<16xf32>
      %mul3A_619 = arith.constant 16 : i32
      %mul3A_620 = arith.muli %scan3A_611, %mul3A_619 : i32
      %get3A_621 = arith.constant 6 : i32
      %get3A_622 = arith.index_cast %get3A_621 : i32 to index
      %get3A_623 = arith.index_cast %mul3A_620 : i32 to index
      %get3A_624 = tpu.vector_load %arg7[%get3A_622, %get3A_623] {strides = array<i32>} : memref<8x6272xf32, #tpu.memory_space<vmem>>, vector<1x16xf32>,
      %get3A_625 = vector.shape_cast %get3A_624 : vector<1x16xf32> to vector<16xf32>
      %mul3A_626 = vector.broadcast %squeeze3A_193 : f32 to vector<16xf32>
      %mul3A_627 = arith.mulf %get3A_618, %mul3A_626 : vector<16xf32>
      %add3A_628 = vector.broadcast %squeeze3A_191 : f32 to vector<16xf32>
      %add3A_629 = arith.addf %add3A_628, %mul3A_627 : vector<16xf32>
      %mul3A_630 = arith.mulf %get3A_618, %add3A_629 : vector<16xf32>
      %add3A_631 = vector.broadcast %squeeze3A_189 : f32 to vector<16xf32>
      %add3A_632 = arith.addf %add3A_631, %mul3A_630 : vector<16xf32>
      %mul3A_633 = arith.mulf %get3A_618, %add3A_632 : vector<16xf32>
      %add3A_634 = vector.broadcast %squeeze3A_187 : f32 to vector<16xf32>
      %add3A_635 = arith.addf %add3A_634, %mul3A_633 : vector<16xf32>
      %sub3A_636 = arith.subf %add3A_635, %get3A_625 : vector<16xf32>
      %lt3A_637 = arith.cmpi slt, %scan3A_611, %select_n3A_70 : i32
      %mul3A_638 = arith.mulf %sub3A_636, %sub3A_636 : vector<16xf32>
      %jit3A_639 = arith.constant 0.000000e+00 : f32
      %broadcast_in_dim3A_640 = vector.broadcast %jit3A_639 : f32 to vector<16xf32>
      %select_n3A_641 = arith.select %lt3A_637, %mul3A_638, %broadcast_in_dim3A_640 : vector<16xf32>
      %add3A_642 = arith.addf %add3A_609, %select_n3A_641 : vector<16xf32>
      %scan3A_643 = arith.constant 6 : i32
      %scan3A_644 = arith.addi %scan3A_445, %scan3A_643 : i32
      %mul3A_645 = arith.constant 16 : i32
      %mul3A_646 = arith.muli %scan3A_644, %mul3A_645 : i32
      %get3A_647 = arith.constant 6 : i32
      %get3A_648 = arith.index_cast %get3A_647 : i32 to index
      %get3A_649 = arith.index_cast %mul3A_646 : i32 to index
      %get3A_650 = tpu.vector_load %arg6[%get3A_648, %get3A_649] {strides = array<i32>} : memref<8x6272xf32, #tpu.memory_space<vmem>>, vector<1x16xf32>,
      %get3A_651 = vector.shape_cast %get3A_650 : vector<1x16xf32> to vector<16xf32>
      %mul3A_652 = arith.constant 16 : i32
      %mul3A_653 = arith.muli %scan3A_644, %mul3A_652 : i32
      %get3A_654 = arith.constant 6 : i32
      %get3A_655 = arith.index_cast %get3A_654 : i32 to index
      %get3A_656 = arith.index_cast %mul3A_653 : i32 to index
      %get3A_657 = tpu.vector_load %arg7[%get3A_655, %get3A_656] {strides = array<i32>} : memref<8x6272xf32, #tpu.memory_space<vmem>>, vector<1x16xf32>,
      %get3A_658 = vector.shape_cast %get3A_657 : vector<1x16xf32> to vector<16xf32>
      %mul3A_659 = vector.broadcast %squeeze3A_193 : f32 to vector<16xf32>
      %mul3A_660 = arith.mulf %get3A_651, %mul3A_659 : vector<16xf32>
      %add3A_661 = vector.broadcast %squeeze3A_191 : f32 to vector<16xf32>
      %add3A_662 = arith.addf %add3A_661, %mul3A_660 : vector<16xf32>
      %mul3A_663 = arith.mulf %get3A_651, %add3A_662 : vector<16xf32>
      %add3A_664 = vector.broadcast %squeeze3A_189 : f32 to vector<16xf32>
      %add3A_665 = arith.addf %add3A_664, %mul3A_663 : vector<16xf32>
      %mul3A_666 = arith.mulf %get3A_651, %add3A_665 : vector<16xf32>
      %add3A_667 = vector.broadcast %squeeze3A_187 : f32 to vector<16xf32>
      %add3A_668 = arith.addf %add3A_667, %mul3A_666 : vector<16xf32>
      %sub3A_669 = arith.subf %add3A_668, %get3A_658 : vector<16xf32>
      %lt3A_670 = arith.cmpi slt, %scan3A_644, %select_n3A_70 : i32
      %mul3A_671 = arith.mulf %sub3A_669, %sub3A_669 : vector<16xf32>
      %jit3A_672 = arith.constant 0.000000e+00 : f32
      %broadcast_in_dim3A_673 = vector.broadcast %jit3A_672 : f32 to vector<16xf32>
      %select_n3A_674 = arith.select %lt3A_670, %mul3A_671, %broadcast_in_dim3A_673 : vector<16xf32>
      %add3A_675 = arith.addf %add3A_642, %select_n3A_674 : vector<16xf32>
      %scan3A_676 = arith.constant 7 : i32
      %scan3A_677 = arith.addi %scan3A_445, %scan3A_676 : i32
      %mul3A_678 = arith.constant 16 : i32
      %mul3A_679 = arith.muli %scan3A_677, %mul3A_678 : i32
      %get3A_680 = arith.constant 6 : i32
      %get3A_681 = arith.index_cast %get3A_680 : i32 to index
      %get3A_682 = arith.index_cast %mul3A_679 : i32 to index
      %get3A_683 = tpu.vector_load %arg6[%get3A_681, %get3A_682] {strides = array<i32>} : memref<8x6272xf32, #tpu.memory_space<vmem>>, vector<1x16xf32>,
      %get3A_684 = vector.shape_cast %get3A_683 : vector<1x16xf32> to vector<16xf32>
      %mul3A_685 = arith.constant 16 : i32
      %mul3A_686 = arith.muli %scan3A_677, %mul3A_685 : i32
      %get3A_687 = arith.constant 6 : i32
      %get3A_688 = arith.index_cast %get3A_687 : i32 to index
      %get3A_689 = arith.index_cast %mul3A_686 : i32 to index
      %get3A_690 = tpu.vector_load %arg7[%get3A_688, %get3A_689] {strides = array<i32>} : memref<8x6272xf32, #tpu.memory_space<vmem>>, vector<1x16xf32>,
      %get3A_691 = vector.shape_cast %get3A_690 : vector<1x16xf32> to vector<16xf32>
      %mul3A_692 = vector.broadcast %squeeze3A_193 : f32 to vector<16xf32>
      %mul3A_693 = arith.mulf %get3A_684, %mul3A_692 : vector<16xf32>
      %add3A_694 = vector.broadcast %squeeze3A_191 : f32 to vector<16xf32>
      %add3A_695 = arith.addf %add3A_694, %mul3A_693 : vector<16xf32>
      %mul3A_696 = arith.mulf %get3A_684, %add3A_695 : vector<16xf32>
      %add3A_697 = vector.broadcast %squeeze3A_189 : f32 to vector<16xf32>
      %add3A_698 = arith.addf %add3A_697, %mul3A_696 : vector<16xf32>
      %mul3A_699 = arith.mulf %get3A_684, %add3A_698 : vector<16xf32>
      %add3A_700 = vector.broadcast %squeeze3A_187 : f32 to vector<16xf32>
      %add3A_701 = arith.addf %add3A_700, %mul3A_699 : vector<16xf32>
      %sub3A_702 = arith.subf %add3A_701, %get3A_691 : vector<16xf32>
      %lt3A_703 = arith.cmpi slt, %scan3A_677, %select_n3A_70 : i32
      %mul3A_704 = arith.mulf %sub3A_702, %sub3A_702 : vector<16xf32>
      %jit3A_705 = arith.constant 0.000000e+00 : f32
      %broadcast_in_dim3A_706 = vector.broadcast %jit3A_705 : f32 to vector<16xf32>
      %select_n3A_707 = arith.select %lt3A_703, %mul3A_704, %broadcast_in_dim3A_706 : vector<16xf32>
      %add3A_708 = arith.addf %add3A_675, %select_n3A_707 : vector<16xf32>
      scf.yield %add3A_708 : vector<16xf32>
    }
    %scan3A_199 = arith.constant 392 : i32
    %get3A_200 = arith.constant 7 : i32
    %get3A_201 = arith.index_cast %get3A_200 : i32 to index
    %get3A_202 = arith.constant 0 : index
    %get3A_203 = tpu.vector_load %arg8[%get3A_201, %get3A_202] {strides = array<i32>} : memref<8x16xf32, #tpu.memory_space<vmem>>, vector<1x16xf32>,
    %get3A_204 = vector.shape_cast %get3A_203 : vector<1x16xf32> to vector<16xf32>
    %slice3A_205 = vector.extract_strided_slice %get3A_204 {offsets = [0], sizes = [1], strides = [1]} : vector<16xf32> to vector<1xf32>
    %squeeze3A_206 = vector.extract %slice3A_205[0] : f32 from vector<1xf32>
    %slice3A_207 = vector.extract_strided_slice %get3A_204 {offsets = [1], sizes = [1], strides = [1]} : vector<16xf32> to vector<1xf32>
    %squeeze3A_208 = vector.extract %slice3A_207[0] : f32 from vector<1xf32>
    %slice3A_209 = vector.extract_strided_slice %get3A_204 {offsets = [2], sizes = [1], strides = [1]} : vector<16xf32> to vector<1xf32>
    %squeeze3A_210 = vector.extract %slice3A_209[0] : f32 from vector<1xf32>
    %slice3A_211 = vector.extract_strided_slice %get3A_204 {offsets = [3], sizes = [1], strides = [1]} : vector<16xf32> to vector<1xf32>
    %squeeze3A_212 = vector.extract %slice3A_211[0] : f32 from vector<1xf32>
    %scan3A_213 = arith.constant 0 : i32
    %scan3A_214 = arith.constant 392 : i32
    %scan3A_215 = arith.addi %scan3A_213, %scan3A_214 : i32
    %scan3A_216 = arith.constant 8 : i32
    %scan3A_217 = scf.for %scan3A_445 = %scan3A_213 to %scan3A_215 step %scan3A_216 iter_args(%scan3A_446 = %broadcast_in_dim3A_49) -> (vector<16xf32>)  : i32 {
      %mul3A_447 = arith.constant 16 : i32
      %mul3A_448 = arith.muli %scan3A_445, %mul3A_447 : i32
      %get3A_449 = arith.constant 7 : i32
      %get3A_450 = arith.index_cast %get3A_449 : i32 to index
      %get3A_451 = arith.index_cast %mul3A_448 : i32 to index
      %get3A_452 = tpu.vector_load %arg6[%get3A_450, %get3A_451] {strides = array<i32>} : memref<8x6272xf32, #tpu.memory_space<vmem>>, vector<1x16xf32>,
      %get3A_453 = vector.shape_cast %get3A_452 : vector<1x16xf32> to vector<16xf32>
      %mul3A_454 = arith.constant 16 : i32
      %mul3A_455 = arith.muli %scan3A_445, %mul3A_454 : i32
      %get3A_456 = arith.constant 7 : i32
      %get3A_457 = arith.index_cast %get3A_456 : i32 to index
      %get3A_458 = arith.index_cast %mul3A_455 : i32 to index
      %get3A_459 = tpu.vector_load %arg7[%get3A_457, %get3A_458] {strides = array<i32>} : memref<8x6272xf32, #tpu.memory_space<vmem>>, vector<1x16xf32>,
      %get3A_460 = vector.shape_cast %get3A_459 : vector<1x16xf32> to vector<16xf32>
      %mul3A_461 = vector.broadcast %squeeze3A_212 : f32 to vector<16xf32>
      %mul3A_462 = arith.mulf %get3A_453, %mul3A_461 : vector<16xf32>
      %add3A_463 = vector.broadcast %squeeze3A_210 : f32 to vector<16xf32>
      %add3A_464 = arith.addf %add3A_463, %mul3A_462 : vector<16xf32>
      %mul3A_465 = arith.mulf %get3A_453, %add3A_464 : vector<16xf32>
      %add3A_466 = vector.broadcast %squeeze3A_208 : f32 to vector<16xf32>
      %add3A_467 = arith.addf %add3A_466, %mul3A_465 : vector<16xf32>
      %mul3A_468 = arith.mulf %get3A_453, %add3A_467 : vector<16xf32>
      %add3A_469 = vector.broadcast %squeeze3A_206 : f32 to vector<16xf32>
      %add3A_470 = arith.addf %add3A_469, %mul3A_468 : vector<16xf32>
      %sub3A_471 = arith.subf %add3A_470, %get3A_460 : vector<16xf32>
      %lt3A_472 = arith.cmpi slt, %scan3A_445, %select_n3A_70 : i32
      %mul3A_473 = arith.mulf %sub3A_471, %sub3A_471 : vector<16xf32>
      %jit3A_474 = arith.constant 0.000000e+00 : f32
      %broadcast_in_dim3A_475 = vector.broadcast %jit3A_474 : f32 to vector<16xf32>
      %select_n3A_476 = arith.select %lt3A_472, %mul3A_473, %broadcast_in_dim3A_475 : vector<16xf32>
      %add3A_477 = arith.addf %scan3A_446, %select_n3A_476 : vector<16xf32>
      %scan3A_478 = arith.constant 1 : i32
      %scan3A_479 = arith.addi %scan3A_445, %scan3A_478 : i32
      %mul3A_480 = arith.constant 16 : i32
      %mul3A_481 = arith.muli %scan3A_479, %mul3A_480 : i32
      %get3A_482 = arith.constant 7 : i32
      %get3A_483 = arith.index_cast %get3A_482 : i32 to index
      %get3A_484 = arith.index_cast %mul3A_481 : i32 to index
      %get3A_485 = tpu.vector_load %arg6[%get3A_483, %get3A_484] {strides = array<i32>} : memref<8x6272xf32, #tpu.memory_space<vmem>>, vector<1x16xf32>,
      %get3A_486 = vector.shape_cast %get3A_485 : vector<1x16xf32> to vector<16xf32>
      %mul3A_487 = arith.constant 16 : i32
      %mul3A_488 = arith.muli %scan3A_479, %mul3A_487 : i32
      %get3A_489 = arith.constant 7 : i32
      %get3A_490 = arith.index_cast %get3A_489 : i32 to index
      %get3A_491 = arith.index_cast %mul3A_488 : i32 to index
      %get3A_492 = tpu.vector_load %arg7[%get3A_490, %get3A_491] {strides = array<i32>} : memref<8x6272xf32, #tpu.memory_space<vmem>>, vector<1x16xf32>,
      %get3A_493 = vector.shape_cast %get3A_492 : vector<1x16xf32> to vector<16xf32>
      %mul3A_494 = vector.broadcast %squeeze3A_212 : f32 to vector<16xf32>
      %mul3A_495 = arith.mulf %get3A_486, %mul3A_494 : vector<16xf32>
      %add3A_496 = vector.broadcast %squeeze3A_210 : f32 to vector<16xf32>
      %add3A_497 = arith.addf %add3A_496, %mul3A_495 : vector<16xf32>
      %mul3A_498 = arith.mulf %get3A_486, %add3A_497 : vector<16xf32>
      %add3A_499 = vector.broadcast %squeeze3A_208 : f32 to vector<16xf32>
      %add3A_500 = arith.addf %add3A_499, %mul3A_498 : vector<16xf32>
      %mul3A_501 = arith.mulf %get3A_486, %add3A_500 : vector<16xf32>
      %add3A_502 = vector.broadcast %squeeze3A_206 : f32 to vector<16xf32>
      %add3A_503 = arith.addf %add3A_502, %mul3A_501 : vector<16xf32>
      %sub3A_504 = arith.subf %add3A_503, %get3A_493 : vector<16xf32>
      %lt3A_505 = arith.cmpi slt, %scan3A_479, %select_n3A_70 : i32
      %mul3A_506 = arith.mulf %sub3A_504, %sub3A_504 : vector<16xf32>
      %jit3A_507 = arith.constant 0.000000e+00 : f32
      %broadcast_in_dim3A_508 = vector.broadcast %jit3A_507 : f32 to vector<16xf32>
      %select_n3A_509 = arith.select %lt3A_505, %mul3A_506, %broadcast_in_dim3A_508 : vector<16xf32>
      %add3A_510 = arith.addf %add3A_477, %select_n3A_509 : vector<16xf32>
      %scan3A_511 = arith.constant 2 : i32
      %scan3A_512 = arith.addi %scan3A_445, %scan3A_511 : i32
      %mul3A_513 = arith.constant 16 : i32
      %mul3A_514 = arith.muli %scan3A_512, %mul3A_513 : i32
      %get3A_515 = arith.constant 7 : i32
      %get3A_516 = arith.index_cast %get3A_515 : i32 to index
      %get3A_517 = arith.index_cast %mul3A_514 : i32 to index
      %get3A_518 = tpu.vector_load %arg6[%get3A_516, %get3A_517] {strides = array<i32>} : memref<8x6272xf32, #tpu.memory_space<vmem>>, vector<1x16xf32>,
      %get3A_519 = vector.shape_cast %get3A_518 : vector<1x16xf32> to vector<16xf32>
      %mul3A_520 = arith.constant 16 : i32
      %mul3A_521 = arith.muli %scan3A_512, %mul3A_520 : i32
      %get3A_522 = arith.constant 7 : i32
      %get3A_523 = arith.index_cast %get3A_522 : i32 to index
      %get3A_524 = arith.index_cast %mul3A_521 : i32 to index
      %get3A_525 = tpu.vector_load %arg7[%get3A_523, %get3A_524] {strides = array<i32>} : memref<8x6272xf32, #tpu.memory_space<vmem>>, vector<1x16xf32>,
      %get3A_526 = vector.shape_cast %get3A_525 : vector<1x16xf32> to vector<16xf32>
      %mul3A_527 = vector.broadcast %squeeze3A_212 : f32 to vector<16xf32>
      %mul3A_528 = arith.mulf %get3A_519, %mul3A_527 : vector<16xf32>
      %add3A_529 = vector.broadcast %squeeze3A_210 : f32 to vector<16xf32>
      %add3A_530 = arith.addf %add3A_529, %mul3A_528 : vector<16xf32>
      %mul3A_531 = arith.mulf %get3A_519, %add3A_530 : vector<16xf32>
      %add3A_532 = vector.broadcast %squeeze3A_208 : f32 to vector<16xf32>
      %add3A_533 = arith.addf %add3A_532, %mul3A_531 : vector<16xf32>
      %mul3A_534 = arith.mulf %get3A_519, %add3A_533 : vector<16xf32>
      %add3A_535 = vector.broadcast %squeeze3A_206 : f32 to vector<16xf32>
      %add3A_536 = arith.addf %add3A_535, %mul3A_534 : vector<16xf32>
      %sub3A_537 = arith.subf %add3A_536, %get3A_526 : vector<16xf32>
      %lt3A_538 = arith.cmpi slt, %scan3A_512, %select_n3A_70 : i32
      %mul3A_539 = arith.mulf %sub3A_537, %sub3A_537 : vector<16xf32>
      %jit3A_540 = arith.constant 0.000000e+00 : f32
      %broadcast_in_dim3A_541 = vector.broadcast %jit3A_540 : f32 to vector<16xf32>
      %select_n3A_542 = arith.select %lt3A_538, %mul3A_539, %broadcast_in_dim3A_541 : vector<16xf32>
      %add3A_543 = arith.addf %add3A_510, %select_n3A_542 : vector<16xf32>
      %scan3A_544 = arith.constant 3 : i32
      %scan3A_545 = arith.addi %scan3A_445, %scan3A_544 : i32
      %mul3A_546 = arith.constant 16 : i32
      %mul3A_547 = arith.muli %scan3A_545, %mul3A_546 : i32
      %get3A_548 = arith.constant 7 : i32
      %get3A_549 = arith.index_cast %get3A_548 : i32 to index
      %get3A_550 = arith.index_cast %mul3A_547 : i32 to index
      %get3A_551 = tpu.vector_load %arg6[%get3A_549, %get3A_550] {strides = array<i32>} : memref<8x6272xf32, #tpu.memory_space<vmem>>, vector<1x16xf32>,
      %get3A_552 = vector.shape_cast %get3A_551 : vector<1x16xf32> to vector<16xf32>
      %mul3A_553 = arith.constant 16 : i32
      %mul3A_554 = arith.muli %scan3A_545, %mul3A_553 : i32
      %get3A_555 = arith.constant 7 : i32
      %get3A_556 = arith.index_cast %get3A_555 : i32 to index
      %get3A_557 = arith.index_cast %mul3A_554 : i32 to index
      %get3A_558 = tpu.vector_load %arg7[%get3A_556, %get3A_557] {strides = array<i32>} : memref<8x6272xf32, #tpu.memory_space<vmem>>, vector<1x16xf32>,
      %get3A_559 = vector.shape_cast %get3A_558 : vector<1x16xf32> to vector<16xf32>
      %mul3A_560 = vector.broadcast %squeeze3A_212 : f32 to vector<16xf32>
      %mul3A_561 = arith.mulf %get3A_552, %mul3A_560 : vector<16xf32>
      %add3A_562 = vector.broadcast %squeeze3A_210 : f32 to vector<16xf32>
      %add3A_563 = arith.addf %add3A_562, %mul3A_561 : vector<16xf32>
      %mul3A_564 = arith.mulf %get3A_552, %add3A_563 : vector<16xf32>
      %add3A_565 = vector.broadcast %squeeze3A_208 : f32 to vector<16xf32>
      %add3A_566 = arith.addf %add3A_565, %mul3A_564 : vector<16xf32>
      %mul3A_567 = arith.mulf %get3A_552, %add3A_566 : vector<16xf32>
      %add3A_568 = vector.broadcast %squeeze3A_206 : f32 to vector<16xf32>
      %add3A_569 = arith.addf %add3A_568, %mul3A_567 : vector<16xf32>
      %sub3A_570 = arith.subf %add3A_569, %get3A_559 : vector<16xf32>
      %lt3A_571 = arith.cmpi slt, %scan3A_545, %select_n3A_70 : i32
      %mul3A_572 = arith.mulf %sub3A_570, %sub3A_570 : vector<16xf32>
      %jit3A_573 = arith.constant 0.000000e+00 : f32
      %broadcast_in_dim3A_574 = vector.broadcast %jit3A_573 : f32 to vector<16xf32>
      %select_n3A_575 = arith.select %lt3A_571, %mul3A_572, %broadcast_in_dim3A_574 : vector<16xf32>
      %add3A_576 = arith.addf %add3A_543, %select_n3A_575 : vector<16xf32>
      %scan3A_577 = arith.constant 4 : i32
      %scan3A_578 = arith.addi %scan3A_445, %scan3A_577 : i32
      %mul3A_579 = arith.constant 16 : i32
      %mul3A_580 = arith.muli %scan3A_578, %mul3A_579 : i32
      %get3A_581 = arith.constant 7 : i32
      %get3A_582 = arith.index_cast %get3A_581 : i32 to index
      %get3A_583 = arith.index_cast %mul3A_580 : i32 to index
      %get3A_584 = tpu.vector_load %arg6[%get3A_582, %get3A_583] {strides = array<i32>} : memref<8x6272xf32, #tpu.memory_space<vmem>>, vector<1x16xf32>,
      %get3A_585 = vector.shape_cast %get3A_584 : vector<1x16xf32> to vector<16xf32>
      %mul3A_586 = arith.constant 16 : i32
      %mul3A_587 = arith.muli %scan3A_578, %mul3A_586 : i32
      %get3A_588 = arith.constant 7 : i32
      %get3A_589 = arith.index_cast %get3A_588 : i32 to index
      %get3A_590 = arith.index_cast %mul3A_587 : i32 to index
      %get3A_591 = tpu.vector_load %arg7[%get3A_589, %get3A_590] {strides = array<i32>} : memref<8x6272xf32, #tpu.memory_space<vmem>>, vector<1x16xf32>,
      %get3A_592 = vector.shape_cast %get3A_591 : vector<1x16xf32> to vector<16xf32>
      %mul3A_593 = vector.broadcast %squeeze3A_212 : f32 to vector<16xf32>
      %mul3A_594 = arith.mulf %get3A_585, %mul3A_593 : vector<16xf32>
      %add3A_595 = vector.broadcast %squeeze3A_210 : f32 to vector<16xf32>
      %add3A_596 = arith.addf %add3A_595, %mul3A_594 : vector<16xf32>
      %mul3A_597 = arith.mulf %get3A_585, %add3A_596 : vector<16xf32>
      %add3A_598 = vector.broadcast %squeeze3A_208 : f32 to vector<16xf32>
      %add3A_599 = arith.addf %add3A_598, %mul3A_597 : vector<16xf32>
      %mul3A_600 = arith.mulf %get3A_585, %add3A_599 : vector<16xf32>
      %add3A_601 = vector.broadcast %squeeze3A_206 : f32 to vector<16xf32>
      %add3A_602 = arith.addf %add3A_601, %mul3A_600 : vector<16xf32>
      %sub3A_603 = arith.subf %add3A_602, %get3A_592 : vector<16xf32>
      %lt3A_604 = arith.cmpi slt, %scan3A_578, %select_n3A_70 : i32
      %mul3A_605 = arith.mulf %sub3A_603, %sub3A_603 : vector<16xf32>
      %jit3A_606 = arith.constant 0.000000e+00 : f32
      %broadcast_in_dim3A_607 = vector.broadcast %jit3A_606 : f32 to vector<16xf32>
      %select_n3A_608 = arith.select %lt3A_604, %mul3A_605, %broadcast_in_dim3A_607 : vector<16xf32>
      %add3A_609 = arith.addf %add3A_576, %select_n3A_608 : vector<16xf32>
      %scan3A_610 = arith.constant 5 : i32
      %scan3A_611 = arith.addi %scan3A_445, %scan3A_610 : i32
      %mul3A_612 = arith.constant 16 : i32
      %mul3A_613 = arith.muli %scan3A_611, %mul3A_612 : i32
      %get3A_614 = arith.constant 7 : i32
      %get3A_615 = arith.index_cast %get3A_614 : i32 to index
      %get3A_616 = arith.index_cast %mul3A_613 : i32 to index
      %get3A_617 = tpu.vector_load %arg6[%get3A_615, %get3A_616] {strides = array<i32>} : memref<8x6272xf32, #tpu.memory_space<vmem>>, vector<1x16xf32>,
      %get3A_618 = vector.shape_cast %get3A_617 : vector<1x16xf32> to vector<16xf32>
      %mul3A_619 = arith.constant 16 : i32
      %mul3A_620 = arith.muli %scan3A_611, %mul3A_619 : i32
      %get3A_621 = arith.constant 7 : i32
      %get3A_622 = arith.index_cast %get3A_621 : i32 to index
      %get3A_623 = arith.index_cast %mul3A_620 : i32 to index
      %get3A_624 = tpu.vector_load %arg7[%get3A_622, %get3A_623] {strides = array<i32>} : memref<8x6272xf32, #tpu.memory_space<vmem>>, vector<1x16xf32>,
      %get3A_625 = vector.shape_cast %get3A_624 : vector<1x16xf32> to vector<16xf32>
      %mul3A_626 = vector.broadcast %squeeze3A_212 : f32 to vector<16xf32>
      %mul3A_627 = arith.mulf %get3A_618, %mul3A_626 : vector<16xf32>
      %add3A_628 = vector.broadcast %squeeze3A_210 : f32 to vector<16xf32>
      %add3A_629 = arith.addf %add3A_628, %mul3A_627 : vector<16xf32>
      %mul3A_630 = arith.mulf %get3A_618, %add3A_629 : vector<16xf32>
      %add3A_631 = vector.broadcast %squeeze3A_208 : f32 to vector<16xf32>
      %add3A_632 = arith.addf %add3A_631, %mul3A_630 : vector<16xf32>
      %mul3A_633 = arith.mulf %get3A_618, %add3A_632 : vector<16xf32>
      %add3A_634 = vector.broadcast %squeeze3A_206 : f32 to vector<16xf32>
      %add3A_635 = arith.addf %add3A_634, %mul3A_633 : vector<16xf32>
      %sub3A_636 = arith.subf %add3A_635, %get3A_625 : vector<16xf32>
      %lt3A_637 = arith.cmpi slt, %scan3A_611, %select_n3A_70 : i32
      %mul3A_638 = arith.mulf %sub3A_636, %sub3A_636 : vector<16xf32>
      %jit3A_639 = arith.constant 0.000000e+00 : f32
      %broadcast_in_dim3A_640 = vector.broadcast %jit3A_639 : f32 to vector<16xf32>
      %select_n3A_641 = arith.select %lt3A_637, %mul3A_638, %broadcast_in_dim3A_640 : vector<16xf32>
      %add3A_642 = arith.addf %add3A_609, %select_n3A_641 : vector<16xf32>
      %scan3A_643 = arith.constant 6 : i32
      %scan3A_644 = arith.addi %scan3A_445, %scan3A_643 : i32
      %mul3A_645 = arith.constant 16 : i32
      %mul3A_646 = arith.muli %scan3A_644, %mul3A_645 : i32
      %get3A_647 = arith.constant 7 : i32
      %get3A_648 = arith.index_cast %get3A_647 : i32 to index
      %get3A_649 = arith.index_cast %mul3A_646 : i32 to index
      %get3A_650 = tpu.vector_load %arg6[%get3A_648, %get3A_649] {strides = array<i32>} : memref<8x6272xf32, #tpu.memory_space<vmem>>, vector<1x16xf32>,
      %get3A_651 = vector.shape_cast %get3A_650 : vector<1x16xf32> to vector<16xf32>
      %mul3A_652 = arith.constant 16 : i32
      %mul3A_653 = arith.muli %scan3A_644, %mul3A_652 : i32
      %get3A_654 = arith.constant 7 : i32
      %get3A_655 = arith.index_cast %get3A_654 : i32 to index
      %get3A_656 = arith.index_cast %mul3A_653 : i32 to index
      %get3A_657 = tpu.vector_load %arg7[%get3A_655, %get3A_656] {strides = array<i32>} : memref<8x6272xf32, #tpu.memory_space<vmem>>, vector<1x16xf32>,
      %get3A_658 = vector.shape_cast %get3A_657 : vector<1x16xf32> to vector<16xf32>
      %mul3A_659 = vector.broadcast %squeeze3A_212 : f32 to vector<16xf32>
      %mul3A_660 = arith.mulf %get3A_651, %mul3A_659 : vector<16xf32>
      %add3A_661 = vector.broadcast %squeeze3A_210 : f32 to vector<16xf32>
      %add3A_662 = arith.addf %add3A_661, %mul3A_660 : vector<16xf32>
      %mul3A_663 = arith.mulf %get3A_651, %add3A_662 : vector<16xf32>
      %add3A_664 = vector.broadcast %squeeze3A_208 : f32 to vector<16xf32>
      %add3A_665 = arith.addf %add3A_664, %mul3A_663 : vector<16xf32>
      %mul3A_666 = arith.mulf %get3A_651, %add3A_665 : vector<16xf32>
      %add3A_667 = vector.broadcast %squeeze3A_206 : f32 to vector<16xf32>
      %add3A_668 = arith.addf %add3A_667, %mul3A_666 : vector<16xf32>
      %sub3A_669 = arith.subf %add3A_668, %get3A_658 : vector<16xf32>
      %lt3A_670 = arith.cmpi slt, %scan3A_644, %select_n3A_70 : i32
      %mul3A_671 = arith.mulf %sub3A_669, %sub3A_669 : vector<16xf32>
      %jit3A_672 = arith.constant 0.000000e+00 : f32
      %broadcast_in_dim3A_673 = vector.broadcast %jit3A_672 : f32 to vector<16xf32>
      %select_n3A_674 = arith.select %lt3A_670, %mul3A_671, %broadcast_in_dim3A_673 : vector<16xf32>
      %add3A_675 = arith.addf %add3A_642, %select_n3A_674 : vector<16xf32>
      %scan3A_676 = arith.constant 7 : i32
      %scan3A_677 = arith.addi %scan3A_445, %scan3A_676 : i32
      %mul3A_678 = arith.constant 16 : i32
      %mul3A_679 = arith.muli %scan3A_677, %mul3A_678 : i32
      %get3A_680 = arith.constant 7 : i32
      %get3A_681 = arith.index_cast %get3A_680 : i32 to index
      %get3A_682 = arith.index_cast %mul3A_679 : i32 to index
      %get3A_683 = tpu.vector_load %arg6[%get3A_681, %get3A_682] {strides = array<i32>} : memref<8x6272xf32, #tpu.memory_space<vmem>>, vector<1x16xf32>,
      %get3A_684 = vector.shape_cast %get3A_683 : vector<1x16xf32> to vector<16xf32>
      %mul3A_685 = arith.constant 16 : i32
      %mul3A_686 = arith.muli %scan3A_677, %mul3A_685 : i32
      %get3A_687 = arith.constant 7 : i32
      %get3A_688 = arith.index_cast %get3A_687 : i32 to index
      %get3A_689 = arith.index_cast %mul3A_686 : i32 to index
      %get3A_690 = tpu.vector_load %arg7[%get3A_688, %get3A_689] {strides = array<i32>} : memref<8x6272xf32, #tpu.memory_space<vmem>>, vector<1x16xf32>,
      %get3A_691 = vector.shape_cast %get3A_690 : vector<1x16xf32> to vector<16xf32>
      %mul3A_692 = vector.broadcast %squeeze3A_212 : f32 to vector<16xf32>
      %mul3A_693 = arith.mulf %get3A_684, %mul3A_692 : vector<16xf32>
      %add3A_694 = vector.broadcast %squeeze3A_210 : f32 to vector<16xf32>
      %add3A_695 = arith.addf %add3A_694, %mul3A_693 : vector<16xf32>
      %mul3A_696 = arith.mulf %get3A_684, %add3A_695 : vector<16xf32>
      %add3A_697 = vector.broadcast %squeeze3A_208 : f32 to vector<16xf32>
      %add3A_698 = arith.addf %add3A_697, %mul3A_696 : vector<16xf32>
      %mul3A_699 = arith.mulf %get3A_684, %add3A_698 : vector<16xf32>
      %add3A_700 = vector.broadcast %squeeze3A_206 : f32 to vector<16xf32>
      %add3A_701 = arith.addf %add3A_700, %mul3A_699 : vector<16xf32>
      %sub3A_702 = arith.subf %add3A_701, %get3A_691 : vector<16xf32>
      %lt3A_703 = arith.cmpi slt, %scan3A_677, %select_n3A_70 : i32
      %mul3A_704 = arith.mulf %sub3A_702, %sub3A_702 : vector<16xf32>
      %jit3A_705 = arith.constant 0.000000e+00 : f32
      %broadcast_in_dim3A_706 = vector.broadcast %jit3A_705 : f32 to vector<16xf32>
      %select_n3A_707 = arith.select %lt3A_703, %mul3A_704, %broadcast_in_dim3A_706 : vector<16xf32>
      %add3A_708 = arith.addf %add3A_675, %select_n3A_707 : vector<16xf32>
      scf.yield %add3A_708 : vector<16xf32>
    }
    %scan3A_218 = arith.constant 392 : i32
    %add3A_219 = arith.constant 4 : i32
    %add3A_220 = arith.addi %select_n3A_30, %add3A_219 : i32
    %ge3A_221 = arith.constant 6 : i32
    %ge3A_222 = arith.cmpi sge, %add3A_220, %ge3A_221 : i32
    %min3A_223 = arith.constant 6 : i32
    %min3A_224 = arith.minsi %add3A_220, %min3A_223 : i32
    %mul3A_225 = arith.constant 6272 : i32
    %mul3A_226 = arith.muli %min3A_224, %mul3A_225 : i32
    %sub3A_227 = arith.constant 6 : i32
    %sub3A_228 = arith.subi %add3A_220, %sub3A_227 : i32
    %max3A_229 = arith.constant 0 : i32
    %max3A_230 = arith.maxsi %sub3A_228, %max3A_229 : i32
    %mul3A_231 = arith.constant 6144 : i32
    %mul3A_232 = arith.muli %max3A_230, %mul3A_231 : i32
    %add3A_233 = arith.addi %mul3A_226, %mul3A_232 : i32
    %multiple_of3A_234 = tpu.assume_multiple %add3A_233, 128 : i32
    %not3A_235 = arith.constant true
    %not3A_236 = arith.xori %ge3A_222, %not3A_235 : i1
    %convert_element_type3A_237 = arith.extui %not3A_236 : i1 to i32
    %cond3A_238 = arith.constant 0 : i32
    %cond3A_239 = arith.cmpi ne, %convert_element_type3A_237, %cond3A_238 : i32
    scf.if %cond3A_239 {
      "tpu.region"() ({
        %run_scoped3A = tpu.sem_alloc : memref<!tpu.dma_semaphore, #tpu.memory_space<semaphore_mem>>
        %dma_start3A = tpu.memref_slice %arg2[%multiple_of3A, %multiple_of3A_234] : memref<256x50000xf32, #tpu.memory_space<hbm>> -> memref<8x6272xf32, #tpu.memory_space<hbm>>
        %dma_start3A_445 = tpu.memref_slice %arg2[%multiple_of3A, %multiple_of3A_234] : memref<256x50000xf32, #tpu.memory_space<hbm>> -> memref<8x6272xf32, #tpu.memory_space<hbm>>
        tpu.enqueue_dma source(%dma_start3A_445 : memref<8x6272xf32, #tpu.memory_space<hbm>>) target(%arg6 : memref<8x6272xf32, #tpu.memory_space<vmem>>) target_semaphore(%run_scoped3A : memref<!tpu.dma_semaphore, #tpu.memory_space<semaphore_mem>>)
        %dma_wait3A = tpu.memref_slice %arg2[%multiple_of3A, %multiple_of3A_234] : memref<256x50000xf32, #tpu.memory_space<hbm>> -> memref<8x6272xf32, #tpu.memory_space<hbm>>
        %dma_wait3A_446 = tpu.memref_slice %arg2[%multiple_of3A, %multiple_of3A_234] : memref<256x50000xf32, #tpu.memory_space<hbm>> -> memref<8x6272xf32, #tpu.memory_space<hbm>>
        tpu.wait_dma2 semaphore(%run_scoped3A : memref<!tpu.dma_semaphore, #tpu.memory_space<semaphore_mem>>) src(%dma_wait3A_446 : memref<8x6272xf32, #tpu.memory_space<hbm>>) dst(%arg6 : memref<8x6272xf32, #tpu.memory_space<vmem>>)
        tpu.yield
      }) : () -> ()
      "tpu.region"() ({
        %run_scoped3A = tpu.sem_alloc : memref<!tpu.dma_semaphore, #tpu.memory_space<semaphore_mem>>
        %dma_start3A = tpu.memref_slice %arg3[%multiple_of3A, %multiple_of3A_234] : memref<256x50000xf32, #tpu.memory_space<hbm>> -> memref<8x6272xf32, #tpu.memory_space<hbm>>
        %dma_start3A_445 = tpu.memref_slice %arg3[%multiple_of3A, %multiple_of3A_234] : memref<256x50000xf32, #tpu.memory_space<hbm>> -> memref<8x6272xf32, #tpu.memory_space<hbm>>
        tpu.enqueue_dma source(%dma_start3A_445 : memref<8x6272xf32, #tpu.memory_space<hbm>>) target(%arg7 : memref<8x6272xf32, #tpu.memory_space<vmem>>) target_semaphore(%run_scoped3A : memref<!tpu.dma_semaphore, #tpu.memory_space<semaphore_mem>>)
        %dma_wait3A = tpu.memref_slice %arg3[%multiple_of3A, %multiple_of3A_234] : memref<256x50000xf32, #tpu.memory_space<hbm>> -> memref<8x6272xf32, #tpu.memory_space<hbm>>
        %dma_wait3A_446 = tpu.memref_slice %arg3[%multiple_of3A, %multiple_of3A_234] : memref<256x50000xf32, #tpu.memory_space<hbm>> -> memref<8x6272xf32, #tpu.memory_space<hbm>>
        tpu.wait_dma2 semaphore(%run_scoped3A : memref<!tpu.dma_semaphore, #tpu.memory_space<semaphore_mem>>) src(%dma_wait3A_446 : memref<8x6272xf32, #tpu.memory_space<hbm>>) dst(%arg7 : memref<8x6272xf32, #tpu.memory_space<vmem>>)
        tpu.yield
      }) : () -> ()
    } else {
    }
    %convert_element_type3A_240 = arith.extui %ge3A_222 : i1 to i32
    %cond3A_241 = arith.constant 0 : i32
    %cond3A_242 = arith.cmpi ne, %convert_element_type3A_240, %cond3A_241 : i32
    scf.if %cond3A_242 {
      "tpu.region"() ({
        %run_scoped3A = tpu.sem_alloc : memref<!tpu.dma_semaphore, #tpu.memory_space<semaphore_mem>>
        %dma_start3A = arith.constant 0 : i32
        %dma_start3A_445 = arith.constant 0 : i32
        %dma_start3A_446 = tpu.memref_slice %arg6[%dma_start3A, %dma_start3A_445] : memref<8x6272xf32, #tpu.memory_space<vmem>> -> memref<8x6144xf32, #tpu.memory_space<vmem>>
        %dma_start3A_447 = tpu.memref_slice %arg2[%multiple_of3A, %multiple_of3A_234] : memref<256x50000xf32, #tpu.memory_space<hbm>> -> memref<8x6144xf32, #tpu.memory_space<hbm>>
        %dma_start3A_448 = arith.constant 0 : i32
        %dma_start3A_449 = arith.constant 0 : i32
        %dma_start3A_450 = tpu.memref_slice %arg6[%dma_start3A_448, %dma_start3A_449] : memref<8x6272xf32, #tpu.memory_space<vmem>> -> memref<8x6144xf32, #tpu.memory_space<vmem>>
        %dma_start3A_451 = tpu.memref_slice %arg2[%multiple_of3A, %multiple_of3A_234] : memref<256x50000xf32, #tpu.memory_space<hbm>> -> memref<8x6144xf32, #tpu.memory_space<hbm>>
        tpu.enqueue_dma source(%dma_start3A_451 : memref<8x6144xf32, #tpu.memory_space<hbm>>) target(%dma_start3A_450 : memref<8x6144xf32, #tpu.memory_space<vmem>>) target_semaphore(%run_scoped3A : memref<!tpu.dma_semaphore, #tpu.memory_space<semaphore_mem>>)
        %dma_wait3A = arith.constant 0 : i32
        %dma_wait3A_452 = arith.constant 0 : i32
        %dma_wait3A_453 = tpu.memref_slice %arg6[%dma_wait3A, %dma_wait3A_452] : memref<8x6272xf32, #tpu.memory_space<vmem>> -> memref<8x6144xf32, #tpu.memory_space<vmem>>
        %dma_wait3A_454 = tpu.memref_slice %arg2[%multiple_of3A, %multiple_of3A_234] : memref<256x50000xf32, #tpu.memory_space<hbm>> -> memref<8x6144xf32, #tpu.memory_space<hbm>>
        %dma_wait3A_455 = arith.constant 0 : i32
        %dma_wait3A_456 = arith.constant 0 : i32
        %dma_wait3A_457 = tpu.memref_slice %arg6[%dma_wait3A_455, %dma_wait3A_456] : memref<8x6272xf32, #tpu.memory_space<vmem>> -> memref<8x6144xf32, #tpu.memory_space<vmem>>
        %dma_wait3A_458 = tpu.memref_slice %arg2[%multiple_of3A, %multiple_of3A_234] : memref<256x50000xf32, #tpu.memory_space<hbm>> -> memref<8x6144xf32, #tpu.memory_space<hbm>>
        tpu.wait_dma2 semaphore(%run_scoped3A : memref<!tpu.dma_semaphore, #tpu.memory_space<semaphore_mem>>) src(%dma_wait3A_458 : memref<8x6144xf32, #tpu.memory_space<hbm>>) dst(%dma_wait3A_457 : memref<8x6144xf32, #tpu.memory_space<vmem>>)
        tpu.yield
      }) : () -> ()
      "tpu.region"() ({
        %run_scoped3A = tpu.sem_alloc : memref<!tpu.dma_semaphore, #tpu.memory_space<semaphore_mem>>
        %dma_start3A = arith.constant 0 : i32
        %dma_start3A_445 = arith.constant 0 : i32
        %dma_start3A_446 = tpu.memref_slice %arg7[%dma_start3A, %dma_start3A_445] : memref<8x6272xf32, #tpu.memory_space<vmem>> -> memref<8x6144xf32, #tpu.memory_space<vmem>>
        %dma_start3A_447 = tpu.memref_slice %arg3[%multiple_of3A, %multiple_of3A_234] : memref<256x50000xf32, #tpu.memory_space<hbm>> -> memref<8x6144xf32, #tpu.memory_space<hbm>>
        %dma_start3A_448 = arith.constant 0 : i32
        %dma_start3A_449 = arith.constant 0 : i32
        %dma_start3A_450 = tpu.memref_slice %arg7[%dma_start3A_448, %dma_start3A_449] : memref<8x6272xf32, #tpu.memory_space<vmem>> -> memref<8x6144xf32, #tpu.memory_space<vmem>>
        %dma_start3A_451 = tpu.memref_slice %arg3[%multiple_of3A, %multiple_of3A_234] : memref<256x50000xf32, #tpu.memory_space<hbm>> -> memref<8x6144xf32, #tpu.memory_space<hbm>>
        tpu.enqueue_dma source(%dma_start3A_451 : memref<8x6144xf32, #tpu.memory_space<hbm>>) target(%dma_start3A_450 : memref<8x6144xf32, #tpu.memory_space<vmem>>) target_semaphore(%run_scoped3A : memref<!tpu.dma_semaphore, #tpu.memory_space<semaphore_mem>>)
        %dma_wait3A = arith.constant 0 : i32
        %dma_wait3A_452 = arith.constant 0 : i32
        %dma_wait3A_453 = tpu.memref_slice %arg7[%dma_wait3A, %dma_wait3A_452] : memref<8x6272xf32, #tpu.memory_space<vmem>> -> memref<8x6144xf32, #tpu.memory_space<vmem>>
        %dma_wait3A_454 = tpu.memref_slice %arg3[%multiple_of3A, %multiple_of3A_234] : memref<256x50000xf32, #tpu.memory_space<hbm>> -> memref<8x6144xf32, #tpu.memory_space<hbm>>
        %dma_wait3A_455 = arith.constant 0 : i32
        %dma_wait3A_456 = arith.constant 0 : i32
        %dma_wait3A_457 = tpu.memref_slice %arg7[%dma_wait3A_455, %dma_wait3A_456] : memref<8x6272xf32, #tpu.memory_space<vmem>> -> memref<8x6144xf32, #tpu.memory_space<vmem>>
        %dma_wait3A_458 = tpu.memref_slice %arg3[%multiple_of3A, %multiple_of3A_234] : memref<256x50000xf32, #tpu.memory_space<hbm>> -> memref<8x6144xf32, #tpu.memory_space<hbm>>
        tpu.wait_dma2 semaphore(%run_scoped3A : memref<!tpu.dma_semaphore, #tpu.memory_space<semaphore_mem>>) src(%dma_wait3A_458 : memref<8x6144xf32, #tpu.memory_space<hbm>>) dst(%dma_wait3A_457 : memref<8x6144xf32, #tpu.memory_space<vmem>>)
        tpu.yield
      }) : () -> ()
    } else {
    }
    %jit3A_243 = arith.constant 384 : i32
    %jit3A_244 = arith.constant 392 : i32
    %select_n3A_245 = arith.select %ge3A_222, %jit3A_243, %jit3A_244 : i32
    %get3A_246 = arith.constant 0 : i32
    %get3A_247 = arith.index_cast %get3A_246 : i32 to index
    %get3A_248 = arith.constant 0 : index
    %get3A_249 = tpu.vector_load %arg8[%get3A_247, %get3A_248] {strides = array<i32>} : memref<8x16xf32, #tpu.memory_space<vmem>>, vector<1x16xf32>,
    %get3A_250 = vector.shape_cast %get3A_249 : vector<1x16xf32> to vector<16xf32>
    %slice3A_251 = vector.extract_strided_slice %get3A_250 {offsets = [0], sizes = [1], strides = [1]} : vector<16xf32> to vector<1xf32>
    %squeeze3A_252 = vector.extract %slice3A_251[0] : f32 from vector<1xf32>
    %slice3A_253 = vector.extract_strided_slice %get3A_250 {offsets = [1], sizes = [1], strides = [1]} : vector<16xf32> to vector<1xf32>
    %squeeze3A_254 = vector.extract %slice3A_253[0] : f32 from vector<1xf32>
    %slice3A_255 = vector.extract_strided_slice %get3A_250 {offsets = [2], sizes = [1], strides = [1]} : vector<16xf32> to vector<1xf32>
    %squeeze3A_256 = vector.extract %slice3A_255[0] : f32 from vector<1xf32>
    %slice3A_257 = vector.extract_strided_slice %get3A_250 {offsets = [3], sizes = [1], strides = [1]} : vector<16xf32> to vector<1xf32>
    %squeeze3A_258 = vector.extract %slice3A_257[0] : f32 from vector<1xf32>
    %scan3A_259 = arith.constant 0 : i32
    %scan3A_260 = arith.constant 392 : i32
    %scan3A_261 = arith.addi %scan3A_259, %scan3A_260 : i32
    %scan3A_262 = arith.constant 8 : i32
    %scan3A_263 = scf.for %scan3A_445 = %scan3A_259 to %scan3A_261 step %scan3A_262 iter_args(%scan3A_446 = %scan3A_84) -> (vector<16xf32>)  : i32 {
      %mul3A_447 = arith.constant 16 : i32
      %mul3A_448 = arith.muli %scan3A_445, %mul3A_447 : i32
      %get3A_449 = arith.constant 0 : i32
      %get3A_450 = arith.index_cast %get3A_449 : i32 to index
      %get3A_451 = arith.index_cast %mul3A_448 : i32 to index
      %get3A_452 = tpu.vector_load %arg6[%get3A_450, %get3A_451] {strides = array<i32>} : memref<8x6272xf32, #tpu.memory_space<vmem>>, vector<1x16xf32>,
      %get3A_453 = vector.shape_cast %get3A_452 : vector<1x16xf32> to vector<16xf32>
      %mul3A_454 = arith.constant 16 : i32
      %mul3A_455 = arith.muli %scan3A_445, %mul3A_454 : i32
      %get3A_456 = arith.constant 0 : i32
      %get3A_457 = arith.index_cast %get3A_456 : i32 to index
      %get3A_458 = arith.index_cast %mul3A_455 : i32 to index
      %get3A_459 = tpu.vector_load %arg7[%get3A_457, %get3A_458] {strides = array<i32>} : memref<8x6272xf32, #tpu.memory_space<vmem>>, vector<1x16xf32>,
      %get3A_460 = vector.shape_cast %get3A_459 : vector<1x16xf32> to vector<16xf32>
      %mul3A_461 = vector.broadcast %squeeze3A_258 : f32 to vector<16xf32>
      %mul3A_462 = arith.mulf %get3A_453, %mul3A_461 : vector<16xf32>
      %add3A_463 = vector.broadcast %squeeze3A_256 : f32 to vector<16xf32>
      %add3A_464 = arith.addf %add3A_463, %mul3A_462 : vector<16xf32>
      %mul3A_465 = arith.mulf %get3A_453, %add3A_464 : vector<16xf32>
      %add3A_466 = vector.broadcast %squeeze3A_254 : f32 to vector<16xf32>
      %add3A_467 = arith.addf %add3A_466, %mul3A_465 : vector<16xf32>
      %mul3A_468 = arith.mulf %get3A_453, %add3A_467 : vector<16xf32>
      %add3A_469 = vector.broadcast %squeeze3A_252 : f32 to vector<16xf32>
      %add3A_470 = arith.addf %add3A_469, %mul3A_468 : vector<16xf32>
      %sub3A_471 = arith.subf %add3A_470, %get3A_460 : vector<16xf32>
      %lt3A_472 = arith.cmpi slt, %scan3A_445, %select_n3A_245 : i32
      %mul3A_473 = arith.mulf %sub3A_471, %sub3A_471 : vector<16xf32>
      %jit3A_474 = arith.constant 0.000000e+00 : f32
      %broadcast_in_dim3A_475 = vector.broadcast %jit3A_474 : f32 to vector<16xf32>
      %select_n3A_476 = arith.select %lt3A_472, %mul3A_473, %broadcast_in_dim3A_475 : vector<16xf32>
      %add3A_477 = arith.addf %scan3A_446, %select_n3A_476 : vector<16xf32>
      %scan3A_478 = arith.constant 1 : i32
      %scan3A_479 = arith.addi %scan3A_445, %scan3A_478 : i32
      %mul3A_480 = arith.constant 16 : i32
      %mul3A_481 = arith.muli %scan3A_479, %mul3A_480 : i32
      %get3A_482 = arith.constant 0 : i32
      %get3A_483 = arith.index_cast %get3A_482 : i32 to index
      %get3A_484 = arith.index_cast %mul3A_481 : i32 to index
      %get3A_485 = tpu.vector_load %arg6[%get3A_483, %get3A_484] {strides = array<i32>} : memref<8x6272xf32, #tpu.memory_space<vmem>>, vector<1x16xf32>,
      %get3A_486 = vector.shape_cast %get3A_485 : vector<1x16xf32> to vector<16xf32>
      %mul3A_487 = arith.constant 16 : i32
      %mul3A_488 = arith.muli %scan3A_479, %mul3A_487 : i32
      %get3A_489 = arith.constant 0 : i32
      %get3A_490 = arith.index_cast %get3A_489 : i32 to index
      %get3A_491 = arith.index_cast %mul3A_488 : i32 to index
      %get3A_492 = tpu.vector_load %arg7[%get3A_490, %get3A_491] {strides = array<i32>} : memref<8x6272xf32, #tpu.memory_space<vmem>>, vector<1x16xf32>,
      %get3A_493 = vector.shape_cast %get3A_492 : vector<1x16xf32> to vector<16xf32>
      %mul3A_494 = vector.broadcast %squeeze3A_258 : f32 to vector<16xf32>
      %mul3A_495 = arith.mulf %get3A_486, %mul3A_494 : vector<16xf32>
      %add3A_496 = vector.broadcast %squeeze3A_256 : f32 to vector<16xf32>
      %add3A_497 = arith.addf %add3A_496, %mul3A_495 : vector<16xf32>
      %mul3A_498 = arith.mulf %get3A_486, %add3A_497 : vector<16xf32>
      %add3A_499 = vector.broadcast %squeeze3A_254 : f32 to vector<16xf32>
      %add3A_500 = arith.addf %add3A_499, %mul3A_498 : vector<16xf32>
      %mul3A_501 = arith.mulf %get3A_486, %add3A_500 : vector<16xf32>
      %add3A_502 = vector.broadcast %squeeze3A_252 : f32 to vector<16xf32>
      %add3A_503 = arith.addf %add3A_502, %mul3A_501 : vector<16xf32>
      %sub3A_504 = arith.subf %add3A_503, %get3A_493 : vector<16xf32>
      %lt3A_505 = arith.cmpi slt, %scan3A_479, %select_n3A_245 : i32
      %mul3A_506 = arith.mulf %sub3A_504, %sub3A_504 : vector<16xf32>
      %jit3A_507 = arith.constant 0.000000e+00 : f32
      %broadcast_in_dim3A_508 = vector.broadcast %jit3A_507 : f32 to vector<16xf32>
      %select_n3A_509 = arith.select %lt3A_505, %mul3A_506, %broadcast_in_dim3A_508 : vector<16xf32>
      %add3A_510 = arith.addf %add3A_477, %select_n3A_509 : vector<16xf32>
      %scan3A_511 = arith.constant 2 : i32
      %scan3A_512 = arith.addi %scan3A_445, %scan3A_511 : i32
      %mul3A_513 = arith.constant 16 : i32
      %mul3A_514 = arith.muli %scan3A_512, %mul3A_513 : i32
      %get3A_515 = arith.constant 0 : i32
      %get3A_516 = arith.index_cast %get3A_515 : i32 to index
      %get3A_517 = arith.index_cast %mul3A_514 : i32 to index
      %get3A_518 = tpu.vector_load %arg6[%get3A_516, %get3A_517] {strides = array<i32>} : memref<8x6272xf32, #tpu.memory_space<vmem>>, vector<1x16xf32>,
      %get3A_519 = vector.shape_cast %get3A_518 : vector<1x16xf32> to vector<16xf32>
      %mul3A_520 = arith.constant 16 : i32
      %mul3A_521 = arith.muli %scan3A_512, %mul3A_520 : i32
      %get3A_522 = arith.constant 0 : i32
      %get3A_523 = arith.index_cast %get3A_522 : i32 to index
      %get3A_524 = arith.index_cast %mul3A_521 : i32 to index
      %get3A_525 = tpu.vector_load %arg7[%get3A_523, %get3A_524] {strides = array<i32>} : memref<8x6272xf32, #tpu.memory_space<vmem>>, vector<1x16xf32>,
      %get3A_526 = vector.shape_cast %get3A_525 : vector<1x16xf32> to vector<16xf32>
      %mul3A_527 = vector.broadcast %squeeze3A_258 : f32 to vector<16xf32>
      %mul3A_528 = arith.mulf %get3A_519, %mul3A_527 : vector<16xf32>
      %add3A_529 = vector.broadcast %squeeze3A_256 : f32 to vector<16xf32>
      %add3A_530 = arith.addf %add3A_529, %mul3A_528 : vector<16xf32>
      %mul3A_531 = arith.mulf %get3A_519, %add3A_530 : vector<16xf32>
      %add3A_532 = vector.broadcast %squeeze3A_254 : f32 to vector<16xf32>
      %add3A_533 = arith.addf %add3A_532, %mul3A_531 : vector<16xf32>
      %mul3A_534 = arith.mulf %get3A_519, %add3A_533 : vector<16xf32>
      %add3A_535 = vector.broadcast %squeeze3A_252 : f32 to vector<16xf32>
      %add3A_536 = arith.addf %add3A_535, %mul3A_534 : vector<16xf32>
      %sub3A_537 = arith.subf %add3A_536, %get3A_526 : vector<16xf32>
      %lt3A_538 = arith.cmpi slt, %scan3A_512, %select_n3A_245 : i32
      %mul3A_539 = arith.mulf %sub3A_537, %sub3A_537 : vector<16xf32>
      %jit3A_540 = arith.constant 0.000000e+00 : f32
      %broadcast_in_dim3A_541 = vector.broadcast %jit3A_540 : f32 to vector<16xf32>
      %select_n3A_542 = arith.select %lt3A_538, %mul3A_539, %broadcast_in_dim3A_541 : vector<16xf32>
      %add3A_543 = arith.addf %add3A_510, %select_n3A_542 : vector<16xf32>
      %scan3A_544 = arith.constant 3 : i32
      %scan3A_545 = arith.addi %scan3A_445, %scan3A_544 : i32
      %mul3A_546 = arith.constant 16 : i32
      %mul3A_547 = arith.muli %scan3A_545, %mul3A_546 : i32
      %get3A_548 = arith.constant 0 : i32
      %get3A_549 = arith.index_cast %get3A_548 : i32 to index
      %get3A_550 = arith.index_cast %mul3A_547 : i32 to index
      %get3A_551 = tpu.vector_load %arg6[%get3A_549, %get3A_550] {strides = array<i32>} : memref<8x6272xf32, #tpu.memory_space<vmem>>, vector<1x16xf32>,
      %get3A_552 = vector.shape_cast %get3A_551 : vector<1x16xf32> to vector<16xf32>
      %mul3A_553 = arith.constant 16 : i32
      %mul3A_554 = arith.muli %scan3A_545, %mul3A_553 : i32
      %get3A_555 = arith.constant 0 : i32
      %get3A_556 = arith.index_cast %get3A_555 : i32 to index
      %get3A_557 = arith.index_cast %mul3A_554 : i32 to index
      %get3A_558 = tpu.vector_load %arg7[%get3A_556, %get3A_557] {strides = array<i32>} : memref<8x6272xf32, #tpu.memory_space<vmem>>, vector<1x16xf32>,
      %get3A_559 = vector.shape_cast %get3A_558 : vector<1x16xf32> to vector<16xf32>
      %mul3A_560 = vector.broadcast %squeeze3A_258 : f32 to vector<16xf32>
      %mul3A_561 = arith.mulf %get3A_552, %mul3A_560 : vector<16xf32>
      %add3A_562 = vector.broadcast %squeeze3A_256 : f32 to vector<16xf32>
      %add3A_563 = arith.addf %add3A_562, %mul3A_561 : vector<16xf32>
      %mul3A_564 = arith.mulf %get3A_552, %add3A_563 : vector<16xf32>
      %add3A_565 = vector.broadcast %squeeze3A_254 : f32 to vector<16xf32>
      %add3A_566 = arith.addf %add3A_565, %mul3A_564 : vector<16xf32>
      %mul3A_567 = arith.mulf %get3A_552, %add3A_566 : vector<16xf32>
      %add3A_568 = vector.broadcast %squeeze3A_252 : f32 to vector<16xf32>
      %add3A_569 = arith.addf %add3A_568, %mul3A_567 : vector<16xf32>
      %sub3A_570 = arith.subf %add3A_569, %get3A_559 : vector<16xf32>
      %lt3A_571 = arith.cmpi slt, %scan3A_545, %select_n3A_245 : i32
      %mul3A_572 = arith.mulf %sub3A_570, %sub3A_570 : vector<16xf32>
      %jit3A_573 = arith.constant 0.000000e+00 : f32
      %broadcast_in_dim3A_574 = vector.broadcast %jit3A_573 : f32 to vector<16xf32>
      %select_n3A_575 = arith.select %lt3A_571, %mul3A_572, %broadcast_in_dim3A_574 : vector<16xf32>
      %add3A_576 = arith.addf %add3A_543, %select_n3A_575 : vector<16xf32>
      %scan3A_577 = arith.constant 4 : i32
      %scan3A_578 = arith.addi %scan3A_445, %scan3A_577 : i32
      %mul3A_579 = arith.constant 16 : i32
      %mul3A_580 = arith.muli %scan3A_578, %mul3A_579 : i32
      %get3A_581 = arith.constant 0 : i32
      %get3A_582 = arith.index_cast %get3A_581 : i32 to index
      %get3A_583 = arith.index_cast %mul3A_580 : i32 to index
      %get3A_584 = tpu.vector_load %arg6[%get3A_582, %get3A_583] {strides = array<i32>} : memref<8x6272xf32, #tpu.memory_space<vmem>>, vector<1x16xf32>,
      %get3A_585 = vector.shape_cast %get3A_584 : vector<1x16xf32> to vector<16xf32>
      %mul3A_586 = arith.constant 16 : i32
      %mul3A_587 = arith.muli %scan3A_578, %mul3A_586 : i32
      %get3A_588 = arith.constant 0 : i32
      %get3A_589 = arith.index_cast %get3A_588 : i32 to index
      %get3A_590 = arith.index_cast %mul3A_587 : i32 to index
      %get3A_591 = tpu.vector_load %arg7[%get3A_589, %get3A_590] {strides = array<i32>} : memref<8x6272xf32, #tpu.memory_space<vmem>>, vector<1x16xf32>,
      %get3A_592 = vector.shape_cast %get3A_591 : vector<1x16xf32> to vector<16xf32>
      %mul3A_593 = vector.broadcast %squeeze3A_258 : f32 to vector<16xf32>
      %mul3A_594 = arith.mulf %get3A_585, %mul3A_593 : vector<16xf32>
      %add3A_595 = vector.broadcast %squeeze3A_256 : f32 to vector<16xf32>
      %add3A_596 = arith.addf %add3A_595, %mul3A_594 : vector<16xf32>
      %mul3A_597 = arith.mulf %get3A_585, %add3A_596 : vector<16xf32>
      %add3A_598 = vector.broadcast %squeeze3A_254 : f32 to vector<16xf32>
      %add3A_599 = arith.addf %add3A_598, %mul3A_597 : vector<16xf32>
      %mul3A_600 = arith.mulf %get3A_585, %add3A_599 : vector<16xf32>
      %add3A_601 = vector.broadcast %squeeze3A_252 : f32 to vector<16xf32>
      %add3A_602 = arith.addf %add3A_601, %mul3A_600 : vector<16xf32>
      %sub3A_603 = arith.subf %add3A_602, %get3A_592 : vector<16xf32>
      %lt3A_604 = arith.cmpi slt, %scan3A_578, %select_n3A_245 : i32
      %mul3A_605 = arith.mulf %sub3A_603, %sub3A_603 : vector<16xf32>
      %jit3A_606 = arith.constant 0.000000e+00 : f32
      %broadcast_in_dim3A_607 = vector.broadcast %jit3A_606 : f32 to vector<16xf32>
      %select_n3A_608 = arith.select %lt3A_604, %mul3A_605, %broadcast_in_dim3A_607 : vector<16xf32>
      %add3A_609 = arith.addf %add3A_576, %select_n3A_608 : vector<16xf32>
      %scan3A_610 = arith.constant 5 : i32
      %scan3A_611 = arith.addi %scan3A_445, %scan3A_610 : i32
      %mul3A_612 = arith.constant 16 : i32
      %mul3A_613 = arith.muli %scan3A_611, %mul3A_612 : i32
      %get3A_614 = arith.constant 0 : i32
      %get3A_615 = arith.index_cast %get3A_614 : i32 to index
      %get3A_616 = arith.index_cast %mul3A_613 : i32 to index
      %get3A_617 = tpu.vector_load %arg6[%get3A_615, %get3A_616] {strides = array<i32>} : memref<8x6272xf32, #tpu.memory_space<vmem>>, vector<1x16xf32>,
      %get3A_618 = vector.shape_cast %get3A_617 : vector<1x16xf32> to vector<16xf32>
      %mul3A_619 = arith.constant 16 : i32
      %mul3A_620 = arith.muli %scan3A_611, %mul3A_619 : i32
      %get3A_621 = arith.constant 0 : i32
      %get3A_622 = arith.index_cast %get3A_621 : i32 to index
      %get3A_623 = arith.index_cast %mul3A_620 : i32 to index
      %get3A_624 = tpu.vector_load %arg7[%get3A_622, %get3A_623] {strides = array<i32>} : memref<8x6272xf32, #tpu.memory_space<vmem>>, vector<1x16xf32>,
      %get3A_625 = vector.shape_cast %get3A_624 : vector<1x16xf32> to vector<16xf32>
      %mul3A_626 = vector.broadcast %squeeze3A_258 : f32 to vector<16xf32>
      %mul3A_627 = arith.mulf %get3A_618, %mul3A_626 : vector<16xf32>
      %add3A_628 = vector.broadcast %squeeze3A_256 : f32 to vector<16xf32>
      %add3A_629 = arith.addf %add3A_628, %mul3A_627 : vector<16xf32>
      %mul3A_630 = arith.mulf %get3A_618, %add3A_629 : vector<16xf32>
      %add3A_631 = vector.broadcast %squeeze3A_254 : f32 to vector<16xf32>
      %add3A_632 = arith.addf %add3A_631, %mul3A_630 : vector<16xf32>
      %mul3A_633 = arith.mulf %get3A_618, %add3A_632 : vector<16xf32>
      %add3A_634 = vector.broadcast %squeeze3A_252 : f32 to vector<16xf32>
      %add3A_635 = arith.addf %add3A_634, %mul3A_633 : vector<16xf32>
      %sub3A_636 = arith.subf %add3A_635, %get3A_625 : vector<16xf32>
      %lt3A_637 = arith.cmpi slt, %scan3A_611, %select_n3A_245 : i32
      %mul3A_638 = arith.mulf %sub3A_636, %sub3A_636 : vector<16xf32>
      %jit3A_639 = arith.constant 0.000000e+00 : f32
      %broadcast_in_dim3A_640 = vector.broadcast %jit3A_639 : f32 to vector<16xf32>
      %select_n3A_641 = arith.select %lt3A_637, %mul3A_638, %broadcast_in_dim3A_640 : vector<16xf32>
      %add3A_642 = arith.addf %add3A_609, %select_n3A_641 : vector<16xf32>
      %scan3A_643 = arith.constant 6 : i32
      %scan3A_644 = arith.addi %scan3A_445, %scan3A_643 : i32
      %mul3A_645 = arith.constant 16 : i32
      %mul3A_646 = arith.muli %scan3A_644, %mul3A_645 : i32
      %get3A_647 = arith.constant 0 : i32
      %get3A_648 = arith.index_cast %get3A_647 : i32 to index
      %get3A_649 = arith.index_cast %mul3A_646 : i32 to index
      %get3A_650 = tpu.vector_load %arg6[%get3A_648, %get3A_649] {strides = array<i32>} : memref<8x6272xf32, #tpu.memory_space<vmem>>, vector<1x16xf32>,
      %get3A_651 = vector.shape_cast %get3A_650 : vector<1x16xf32> to vector<16xf32>
      %mul3A_652 = arith.constant 16 : i32
      %mul3A_653 = arith.muli %scan3A_644, %mul3A_652 : i32
      %get3A_654 = arith.constant 0 : i32
      %get3A_655 = arith.index_cast %get3A_654 : i32 to index
      %get3A_656 = arith.index_cast %mul3A_653 : i32 to index
      %get3A_657 = tpu.vector_load %arg7[%get3A_655, %get3A_656] {strides = array<i32>} : memref<8x6272xf32, #tpu.memory_space<vmem>>, vector<1x16xf32>,
      %get3A_658 = vector.shape_cast %get3A_657 : vector<1x16xf32> to vector<16xf32>
      %mul3A_659 = vector.broadcast %squeeze3A_258 : f32 to vector<16xf32>
      %mul3A_660 = arith.mulf %get3A_651, %mul3A_659 : vector<16xf32>
      %add3A_661 = vector.broadcast %squeeze3A_256 : f32 to vector<16xf32>
      %add3A_662 = arith.addf %add3A_661, %mul3A_660 : vector<16xf32>
      %mul3A_663 = arith.mulf %get3A_651, %add3A_662 : vector<16xf32>
      %add3A_664 = vector.broadcast %squeeze3A_254 : f32 to vector<16xf32>
      %add3A_665 = arith.addf %add3A_664, %mul3A_663 : vector<16xf32>
      %mul3A_666 = arith.mulf %get3A_651, %add3A_665 : vector<16xf32>
      %add3A_667 = vector.broadcast %squeeze3A_252 : f32 to vector<16xf32>
      %add3A_668 = arith.addf %add3A_667, %mul3A_666 : vector<16xf32>
      %sub3A_669 = arith.subf %add3A_668, %get3A_658 : vector<16xf32>
      %lt3A_670 = arith.cmpi slt, %scan3A_644, %select_n3A_245 : i32
      %mul3A_671 = arith.mulf %sub3A_669, %sub3A_669 : vector<16xf32>
      %jit3A_672 = arith.constant 0.000000e+00 : f32
      %broadcast_in_dim3A_673 = vector.broadcast %jit3A_672 : f32 to vector<16xf32>
      %select_n3A_674 = arith.select %lt3A_670, %mul3A_671, %broadcast_in_dim3A_673 : vector<16xf32>
      %add3A_675 = arith.addf %add3A_642, %select_n3A_674 : vector<16xf32>
      %scan3A_676 = arith.constant 7 : i32
      %scan3A_677 = arith.addi %scan3A_445, %scan3A_676 : i32
      %mul3A_678 = arith.constant 16 : i32
      %mul3A_679 = arith.muli %scan3A_677, %mul3A_678 : i32
      %get3A_680 = arith.constant 0 : i32
      %get3A_681 = arith.index_cast %get3A_680 : i32 to index
      %get3A_682 = arith.index_cast %mul3A_679 : i32 to index
      %get3A_683 = tpu.vector_load %arg6[%get3A_681, %get3A_682] {strides = array<i32>} : memref<8x6272xf32, #tpu.memory_space<vmem>>, vector<1x16xf32>,
      %get3A_684 = vector.shape_cast %get3A_683 : vector<1x16xf32> to vector<16xf32>
      %mul3A_685 = arith.constant 16 : i32
      %mul3A_686 = arith.muli %scan3A_677, %mul3A_685 : i32
      %get3A_687 = arith.constant 0 : i32
      %get3A_688 = arith.index_cast %get3A_687 : i32 to index
      %get3A_689 = arith.index_cast %mul3A_686 : i32 to index
      %get3A_690 = tpu.vector_load %arg7[%get3A_688, %get3A_689] {strides = array<i32>} : memref<8x6272xf32, #tpu.memory_space<vmem>>, vector<1x16xf32>,
      %get3A_691 = vector.shape_cast %get3A_690 : vector<1x16xf32> to vector<16xf32>
      %mul3A_692 = vector.broadcast %squeeze3A_258 : f32 to vector<16xf32>
      %mul3A_693 = arith.mulf %get3A_684, %mul3A_692 : vector<16xf32>
      %add3A_694 = vector.broadcast %squeeze3A_256 : f32 to vector<16xf32>
      %add3A_695 = arith.addf %add3A_694, %mul3A_693 : vector<16xf32>
      %mul3A_696 = arith.mulf %get3A_684, %add3A_695 : vector<16xf32>
      %add3A_697 = vector.broadcast %squeeze3A_254 : f32 to vector<16xf32>
      %add3A_698 = arith.addf %add3A_697, %mul3A_696 : vector<16xf32>
      %mul3A_699 = arith.mulf %get3A_684, %add3A_698 : vector<16xf32>
      %add3A_700 = vector.broadcast %squeeze3A_252 : f32 to vector<16xf32>
      %add3A_701 = arith.addf %add3A_700, %mul3A_699 : vector<16xf32>
      %sub3A_702 = arith.subf %add3A_701, %get3A_691 : vector<16xf32>
      %lt3A_703 = arith.cmpi slt, %scan3A_677, %select_n3A_245 : i32
      %mul3A_704 = arith.mulf %sub3A_702, %sub3A_702 : vector<16xf32>
      %jit3A_705 = arith.constant 0.000000e+00 : f32
      %broadcast_in_dim3A_706 = vector.broadcast %jit3A_705 : f32 to vector<16xf32>
      %select_n3A_707 = arith.select %lt3A_703, %mul3A_704, %broadcast_in_dim3A_706 : vector<16xf32>
      %add3A_708 = arith.addf %add3A_675, %select_n3A_707 : vector<16xf32>
      scf.yield %add3A_708 : vector<16xf32>
    }
    %scan3A_264 = arith.constant 392 : i32
    %get3A_265 = arith.constant 1 : i32
    %get3A_266 = arith.index_cast %get3A_265 : i32 to index
    %get3A_267 = arith.constant 0 : index
    %get3A_268 = tpu.vector_load %arg8[%get3A_266, %get3A_267] {strides = array<i32>} : memref<8x16xf32, #tpu.memory_space<vmem>>, vector<1x16xf32>,
    %get3A_269 = vector.shape_cast %get3A_268 : vector<1x16xf32> to vector<16xf32>
    %slice3A_270 = vector.extract_strided_slice %get3A_269 {offsets = [0], sizes = [1], strides = [1]} : vector<16xf32> to vector<1xf32>
    %squeeze3A_271 = vector.extract %slice3A_270[0] : f32 from vector<1xf32>
    %slice3A_272 = vector.extract_strided_slice %get3A_269 {offsets = [1], sizes = [1], strides = [1]} : vector<16xf32> to vector<1xf32>
    %squeeze3A_273 = vector.extract %slice3A_272[0] : f32 from vector<1xf32>
    %slice3A_274 = vector.extract_strided_slice %get3A_269 {offsets = [2], sizes = [1], strides = [1]} : vector<16xf32> to vector<1xf32>
    %squeeze3A_275 = vector.extract %slice3A_274[0] : f32 from vector<1xf32>
    %slice3A_276 = vector.extract_strided_slice %get3A_269 {offsets = [3], sizes = [1], strides = [1]} : vector<16xf32> to vector<1xf32>
    %squeeze3A_277 = vector.extract %slice3A_276[0] : f32 from vector<1xf32>
    %scan3A_278 = arith.constant 0 : i32
    %scan3A_279 = arith.constant 392 : i32
    %scan3A_280 = arith.addi %scan3A_278, %scan3A_279 : i32
    %scan3A_281 = arith.constant 8 : i32
    %scan3A_282 = scf.for %scan3A_445 = %scan3A_278 to %scan3A_280 step %scan3A_281 iter_args(%scan3A_446 = %scan3A_103) -> (vector<16xf32>)  : i32 {
      %mul3A_447 = arith.constant 16 : i32
      %mul3A_448 = arith.muli %scan3A_445, %mul3A_447 : i32
      %get3A_449 = arith.constant 1 : i32
      %get3A_450 = arith.index_cast %get3A_449 : i32 to index
      %get3A_451 = arith.index_cast %mul3A_448 : i32 to index
      %get3A_452 = tpu.vector_load %arg6[%get3A_450, %get3A_451] {strides = array<i32>} : memref<8x6272xf32, #tpu.memory_space<vmem>>, vector<1x16xf32>,
      %get3A_453 = vector.shape_cast %get3A_452 : vector<1x16xf32> to vector<16xf32>
      %mul3A_454 = arith.constant 16 : i32
      %mul3A_455 = arith.muli %scan3A_445, %mul3A_454 : i32
      %get3A_456 = arith.constant 1 : i32
      %get3A_457 = arith.index_cast %get3A_456 : i32 to index
      %get3A_458 = arith.index_cast %mul3A_455 : i32 to index
      %get3A_459 = tpu.vector_load %arg7[%get3A_457, %get3A_458] {strides = array<i32>} : memref<8x6272xf32, #tpu.memory_space<vmem>>, vector<1x16xf32>,
      %get3A_460 = vector.shape_cast %get3A_459 : vector<1x16xf32> to vector<16xf32>
      %mul3A_461 = vector.broadcast %squeeze3A_277 : f32 to vector<16xf32>
      %mul3A_462 = arith.mulf %get3A_453, %mul3A_461 : vector<16xf32>
      %add3A_463 = vector.broadcast %squeeze3A_275 : f32 to vector<16xf32>
      %add3A_464 = arith.addf %add3A_463, %mul3A_462 : vector<16xf32>
      %mul3A_465 = arith.mulf %get3A_453, %add3A_464 : vector<16xf32>
      %add3A_466 = vector.broadcast %squeeze3A_273 : f32 to vector<16xf32>
      %add3A_467 = arith.addf %add3A_466, %mul3A_465 : vector<16xf32>
      %mul3A_468 = arith.mulf %get3A_453, %add3A_467 : vector<16xf32>
      %add3A_469 = vector.broadcast %squeeze3A_271 : f32 to vector<16xf32>
      %add3A_470 = arith.addf %add3A_469, %mul3A_468 : vector<16xf32>
      %sub3A_471 = arith.subf %add3A_470, %get3A_460 : vector<16xf32>
      %lt3A_472 = arith.cmpi slt, %scan3A_445, %select_n3A_245 : i32
      %mul3A_473 = arith.mulf %sub3A_471, %sub3A_471 : vector<16xf32>
      %jit3A_474 = arith.constant 0.000000e+00 : f32
      %broadcast_in_dim3A_475 = vector.broadcast %jit3A_474 : f32 to vector<16xf32>
      %select_n3A_476 = arith.select %lt3A_472, %mul3A_473, %broadcast_in_dim3A_475 : vector<16xf32>
      %add3A_477 = arith.addf %scan3A_446, %select_n3A_476 : vector<16xf32>
      %scan3A_478 = arith.constant 1 : i32
      %scan3A_479 = arith.addi %scan3A_445, %scan3A_478 : i32
      %mul3A_480 = arith.constant 16 : i32
      %mul3A_481 = arith.muli %scan3A_479, %mul3A_480 : i32
      %get3A_482 = arith.constant 1 : i32
      %get3A_483 = arith.index_cast %get3A_482 : i32 to index
      %get3A_484 = arith.index_cast %mul3A_481 : i32 to index
      %get3A_485 = tpu.vector_load %arg6[%get3A_483, %get3A_484] {strides = array<i32>} : memref<8x6272xf32, #tpu.memory_space<vmem>>, vector<1x16xf32>,
      %get3A_486 = vector.shape_cast %get3A_485 : vector<1x16xf32> to vector<16xf32>
      %mul3A_487 = arith.constant 16 : i32
      %mul3A_488 = arith.muli %scan3A_479, %mul3A_487 : i32
      %get3A_489 = arith.constant 1 : i32
      %get3A_490 = arith.index_cast %get3A_489 : i32 to index
      %get3A_491 = arith.index_cast %mul3A_488 : i32 to index
      %get3A_492 = tpu.vector_load %arg7[%get3A_490, %get3A_491] {strides = array<i32>} : memref<8x6272xf32, #tpu.memory_space<vmem>>, vector<1x16xf32>,
      %get3A_493 = vector.shape_cast %get3A_492 : vector<1x16xf32> to vector<16xf32>
      %mul3A_494 = vector.broadcast %squeeze3A_277 : f32 to vector<16xf32>
      %mul3A_495 = arith.mulf %get3A_486, %mul3A_494 : vector<16xf32>
      %add3A_496 = vector.broadcast %squeeze3A_275 : f32 to vector<16xf32>
      %add3A_497 = arith.addf %add3A_496, %mul3A_495 : vector<16xf32>
      %mul3A_498 = arith.mulf %get3A_486, %add3A_497 : vector<16xf32>
      %add3A_499 = vector.broadcast %squeeze3A_273 : f32 to vector<16xf32>
      %add3A_500 = arith.addf %add3A_499, %mul3A_498 : vector<16xf32>
      %mul3A_501 = arith.mulf %get3A_486, %add3A_500 : vector<16xf32>
      %add3A_502 = vector.broadcast %squeeze3A_271 : f32 to vector<16xf32>
      %add3A_503 = arith.addf %add3A_502, %mul3A_501 : vector<16xf32>
      %sub3A_504 = arith.subf %add3A_503, %get3A_493 : vector<16xf32>
      %lt3A_505 = arith.cmpi slt, %scan3A_479, %select_n3A_245 : i32
      %mul3A_506 = arith.mulf %sub3A_504, %sub3A_504 : vector<16xf32>
      %jit3A_507 = arith.constant 0.000000e+00 : f32
      %broadcast_in_dim3A_508 = vector.broadcast %jit3A_507 : f32 to vector<16xf32>
      %select_n3A_509 = arith.select %lt3A_505, %mul3A_506, %broadcast_in_dim3A_508 : vector<16xf32>
      %add3A_510 = arith.addf %add3A_477, %select_n3A_509 : vector<16xf32>
      %scan3A_511 = arith.constant 2 : i32
      %scan3A_512 = arith.addi %scan3A_445, %scan3A_511 : i32
      %mul3A_513 = arith.constant 16 : i32
      %mul3A_514 = arith.muli %scan3A_512, %mul3A_513 : i32
      %get3A_515 = arith.constant 1 : i32
      %get3A_516 = arith.index_cast %get3A_515 : i32 to index
      %get3A_517 = arith.index_cast %mul3A_514 : i32 to index
      %get3A_518 = tpu.vector_load %arg6[%get3A_516, %get3A_517] {strides = array<i32>} : memref<8x6272xf32, #tpu.memory_space<vmem>>, vector<1x16xf32>,
      %get3A_519 = vector.shape_cast %get3A_518 : vector<1x16xf32> to vector<16xf32>
      %mul3A_520 = arith.constant 16 : i32
      %mul3A_521 = arith.muli %scan3A_512, %mul3A_520 : i32
      %get3A_522 = arith.constant 1 : i32
      %get3A_523 = arith.index_cast %get3A_522 : i32 to index
      %get3A_524 = arith.index_cast %mul3A_521 : i32 to index
      %get3A_525 = tpu.vector_load %arg7[%get3A_523, %get3A_524] {strides = array<i32>} : memref<8x6272xf32, #tpu.memory_space<vmem>>, vector<1x16xf32>,
      %get3A_526 = vector.shape_cast %get3A_525 : vector<1x16xf32> to vector<16xf32>
      %mul3A_527 = vector.broadcast %squeeze3A_277 : f32 to vector<16xf32>
      %mul3A_528 = arith.mulf %get3A_519, %mul3A_527 : vector<16xf32>
      %add3A_529 = vector.broadcast %squeeze3A_275 : f32 to vector<16xf32>
      %add3A_530 = arith.addf %add3A_529, %mul3A_528 : vector<16xf32>
      %mul3A_531 = arith.mulf %get3A_519, %add3A_530 : vector<16xf32>
      %add3A_532 = vector.broadcast %squeeze3A_273 : f32 to vector<16xf32>
      %add3A_533 = arith.addf %add3A_532, %mul3A_531 : vector<16xf32>
      %mul3A_534 = arith.mulf %get3A_519, %add3A_533 : vector<16xf32>
      %add3A_535 = vector.broadcast %squeeze3A_271 : f32 to vector<16xf32>
      %add3A_536 = arith.addf %add3A_535, %mul3A_534 : vector<16xf32>
      %sub3A_537 = arith.subf %add3A_536, %get3A_526 : vector<16xf32>
      %lt3A_538 = arith.cmpi slt, %scan3A_512, %select_n3A_245 : i32
      %mul3A_539 = arith.mulf %sub3A_537, %sub3A_537 : vector<16xf32>
      %jit3A_540 = arith.constant 0.000000e+00 : f32
      %broadcast_in_dim3A_541 = vector.broadcast %jit3A_540 : f32 to vector<16xf32>
      %select_n3A_542 = arith.select %lt3A_538, %mul3A_539, %broadcast_in_dim3A_541 : vector<16xf32>
      %add3A_543 = arith.addf %add3A_510, %select_n3A_542 : vector<16xf32>
      %scan3A_544 = arith.constant 3 : i32
      %scan3A_545 = arith.addi %scan3A_445, %scan3A_544 : i32
      %mul3A_546 = arith.constant 16 : i32
      %mul3A_547 = arith.muli %scan3A_545, %mul3A_546 : i32
      %get3A_548 = arith.constant 1 : i32
      %get3A_549 = arith.index_cast %get3A_548 : i32 to index
      %get3A_550 = arith.index_cast %mul3A_547 : i32 to index
      %get3A_551 = tpu.vector_load %arg6[%get3A_549, %get3A_550] {strides = array<i32>} : memref<8x6272xf32, #tpu.memory_space<vmem>>, vector<1x16xf32>,
      %get3A_552 = vector.shape_cast %get3A_551 : vector<1x16xf32> to vector<16xf32>
      %mul3A_553 = arith.constant 16 : i32
      %mul3A_554 = arith.muli %scan3A_545, %mul3A_553 : i32
      %get3A_555 = arith.constant 1 : i32
      %get3A_556 = arith.index_cast %get3A_555 : i32 to index
      %get3A_557 = arith.index_cast %mul3A_554 : i32 to index
      %get3A_558 = tpu.vector_load %arg7[%get3A_556, %get3A_557] {strides = array<i32>} : memref<8x6272xf32, #tpu.memory_space<vmem>>, vector<1x16xf32>,
      %get3A_559 = vector.shape_cast %get3A_558 : vector<1x16xf32> to vector<16xf32>
      %mul3A_560 = vector.broadcast %squeeze3A_277 : f32 to vector<16xf32>
      %mul3A_561 = arith.mulf %get3A_552, %mul3A_560 : vector<16xf32>
      %add3A_562 = vector.broadcast %squeeze3A_275 : f32 to vector<16xf32>
      %add3A_563 = arith.addf %add3A_562, %mul3A_561 : vector<16xf32>
      %mul3A_564 = arith.mulf %get3A_552, %add3A_563 : vector<16xf32>
      %add3A_565 = vector.broadcast %squeeze3A_273 : f32 to vector<16xf32>
      %add3A_566 = arith.addf %add3A_565, %mul3A_564 : vector<16xf32>
      %mul3A_567 = arith.mulf %get3A_552, %add3A_566 : vector<16xf32>
      %add3A_568 = vector.broadcast %squeeze3A_271 : f32 to vector<16xf32>
      %add3A_569 = arith.addf %add3A_568, %mul3A_567 : vector<16xf32>
      %sub3A_570 = arith.subf %add3A_569, %get3A_559 : vector<16xf32>
      %lt3A_571 = arith.cmpi slt, %scan3A_545, %select_n3A_245 : i32
      %mul3A_572 = arith.mulf %sub3A_570, %sub3A_570 : vector<16xf32>
      %jit3A_573 = arith.constant 0.000000e+00 : f32
      %broadcast_in_dim3A_574 = vector.broadcast %jit3A_573 : f32 to vector<16xf32>
      %select_n3A_575 = arith.select %lt3A_571, %mul3A_572, %broadcast_in_dim3A_574 : vector<16xf32>
      %add3A_576 = arith.addf %add3A_543, %select_n3A_575 : vector<16xf32>
      %scan3A_577 = arith.constant 4 : i32
      %scan3A_578 = arith.addi %scan3A_445, %scan3A_577 : i32
      %mul3A_579 = arith.constant 16 : i32
      %mul3A_580 = arith.muli %scan3A_578, %mul3A_579 : i32
      %get3A_581 = arith.constant 1 : i32
      %get3A_582 = arith.index_cast %get3A_581 : i32 to index
      %get3A_583 = arith.index_cast %mul3A_580 : i32 to index
      %get3A_584 = tpu.vector_load %arg6[%get3A_582, %get3A_583] {strides = array<i32>} : memref<8x6272xf32, #tpu.memory_space<vmem>>, vector<1x16xf32>,
      %get3A_585 = vector.shape_cast %get3A_584 : vector<1x16xf32> to vector<16xf32>
      %mul3A_586 = arith.constant 16 : i32
      %mul3A_587 = arith.muli %scan3A_578, %mul3A_586 : i32
      %get3A_588 = arith.constant 1 : i32
      %get3A_589 = arith.index_cast %get3A_588 : i32 to index
      %get3A_590 = arith.index_cast %mul3A_587 : i32 to index
      %get3A_591 = tpu.vector_load %arg7[%get3A_589, %get3A_590] {strides = array<i32>} : memref<8x6272xf32, #tpu.memory_space<vmem>>, vector<1x16xf32>,
      %get3A_592 = vector.shape_cast %get3A_591 : vector<1x16xf32> to vector<16xf32>
      %mul3A_593 = vector.broadcast %squeeze3A_277 : f32 to vector<16xf32>
      %mul3A_594 = arith.mulf %get3A_585, %mul3A_593 : vector<16xf32>
      %add3A_595 = vector.broadcast %squeeze3A_275 : f32 to vector<16xf32>
      %add3A_596 = arith.addf %add3A_595, %mul3A_594 : vector<16xf32>
      %mul3A_597 = arith.mulf %get3A_585, %add3A_596 : vector<16xf32>
      %add3A_598 = vector.broadcast %squeeze3A_273 : f32 to vector<16xf32>
      %add3A_599 = arith.addf %add3A_598, %mul3A_597 : vector<16xf32>
      %mul3A_600 = arith.mulf %get3A_585, %add3A_599 : vector<16xf32>
      %add3A_601 = vector.broadcast %squeeze3A_271 : f32 to vector<16xf32>
      %add3A_602 = arith.addf %add3A_601, %mul3A_600 : vector<16xf32>
      %sub3A_603 = arith.subf %add3A_602, %get3A_592 : vector<16xf32>
      %lt3A_604 = arith.cmpi slt, %scan3A_578, %select_n3A_245 : i32
      %mul3A_605 = arith.mulf %sub3A_603, %sub3A_603 : vector<16xf32>
      %jit3A_606 = arith.constant 0.000000e+00 : f32
      %broadcast_in_dim3A_607 = vector.broadcast %jit3A_606 : f32 to vector<16xf32>
      %select_n3A_608 = arith.select %lt3A_604, %mul3A_605, %broadcast_in_dim3A_607 : vector<16xf32>
      %add3A_609 = arith.addf %add3A_576, %select_n3A_608 : vector<16xf32>
      %scan3A_610 = arith.constant 5 : i32
      %scan3A_611 = arith.addi %scan3A_445, %scan3A_610 : i32
      %mul3A_612 = arith.constant 16 : i32
      %mul3A_613 = arith.muli %scan3A_611, %mul3A_612 : i32
      %get3A_614 = arith.constant 1 : i32
      %get3A_615 = arith.index_cast %get3A_614 : i32 to index
      %get3A_616 = arith.index_cast %mul3A_613 : i32 to index
      %get3A_617 = tpu.vector_load %arg6[%get3A_615, %get3A_616] {strides = array<i32>} : memref<8x6272xf32, #tpu.memory_space<vmem>>, vector<1x16xf32>,
      %get3A_618 = vector.shape_cast %get3A_617 : vector<1x16xf32> to vector<16xf32>
      %mul3A_619 = arith.constant 16 : i32
      %mul3A_620 = arith.muli %scan3A_611, %mul3A_619 : i32
      %get3A_621 = arith.constant 1 : i32
      %get3A_622 = arith.index_cast %get3A_621 : i32 to index
      %get3A_623 = arith.index_cast %mul3A_620 : i32 to index
      %get3A_624 = tpu.vector_load %arg7[%get3A_622, %get3A_623] {strides = array<i32>} : memref<8x6272xf32, #tpu.memory_space<vmem>>, vector<1x16xf32>,
      %get3A_625 = vector.shape_cast %get3A_624 : vector<1x16xf32> to vector<16xf32>
      %mul3A_626 = vector.broadcast %squeeze3A_277 : f32 to vector<16xf32>
      %mul3A_627 = arith.mulf %get3A_618, %mul3A_626 : vector<16xf32>
      %add3A_628 = vector.broadcast %squeeze3A_275 : f32 to vector<16xf32>
      %add3A_629 = arith.addf %add3A_628, %mul3A_627 : vector<16xf32>
      %mul3A_630 = arith.mulf %get3A_618, %add3A_629 : vector<16xf32>
      %add3A_631 = vector.broadcast %squeeze3A_273 : f32 to vector<16xf32>
      %add3A_632 = arith.addf %add3A_631, %mul3A_630 : vector<16xf32>
      %mul3A_633 = arith.mulf %get3A_618, %add3A_632 : vector<16xf32>
      %add3A_634 = vector.broadcast %squeeze3A_271 : f32 to vector<16xf32>
      %add3A_635 = arith.addf %add3A_634, %mul3A_633 : vector<16xf32>
      %sub3A_636 = arith.subf %add3A_635, %get3A_625 : vector<16xf32>
      %lt3A_637 = arith.cmpi slt, %scan3A_611, %select_n3A_245 : i32
      %mul3A_638 = arith.mulf %sub3A_636, %sub3A_636 : vector<16xf32>
      %jit3A_639 = arith.constant 0.000000e+00 : f32
      %broadcast_in_dim3A_640 = vector.broadcast %jit3A_639 : f32 to vector<16xf32>
      %select_n3A_641 = arith.select %lt3A_637, %mul3A_638, %broadcast_in_dim3A_640 : vector<16xf32>
      %add3A_642 = arith.addf %add3A_609, %select_n3A_641 : vector<16xf32>
      %scan3A_643 = arith.constant 6 : i32
      %scan3A_644 = arith.addi %scan3A_445, %scan3A_643 : i32
      %mul3A_645 = arith.constant 16 : i32
      %mul3A_646 = arith.muli %scan3A_644, %mul3A_645 : i32
      %get3A_647 = arith.constant 1 : i32
      %get3A_648 = arith.index_cast %get3A_647 : i32 to index
      %get3A_649 = arith.index_cast %mul3A_646 : i32 to index
      %get3A_650 = tpu.vector_load %arg6[%get3A_648, %get3A_649] {strides = array<i32>} : memref<8x6272xf32, #tpu.memory_space<vmem>>, vector<1x16xf32>,
      %get3A_651 = vector.shape_cast %get3A_650 : vector<1x16xf32> to vector<16xf32>
      %mul3A_652 = arith.constant 16 : i32
      %mul3A_653 = arith.muli %scan3A_644, %mul3A_652 : i32
      %get3A_654 = arith.constant 1 : i32
      %get3A_655 = arith.index_cast %get3A_654 : i32 to index
      %get3A_656 = arith.index_cast %mul3A_653 : i32 to index
      %get3A_657 = tpu.vector_load %arg7[%get3A_655, %get3A_656] {strides = array<i32>} : memref<8x6272xf32, #tpu.memory_space<vmem>>, vector<1x16xf32>,
      %get3A_658 = vector.shape_cast %get3A_657 : vector<1x16xf32> to vector<16xf32>
      %mul3A_659 = vector.broadcast %squeeze3A_277 : f32 to vector<16xf32>
      %mul3A_660 = arith.mulf %get3A_651, %mul3A_659 : vector<16xf32>
      %add3A_661 = vector.broadcast %squeeze3A_275 : f32 to vector<16xf32>
      %add3A_662 = arith.addf %add3A_661, %mul3A_660 : vector<16xf32>
      %mul3A_663 = arith.mulf %get3A_651, %add3A_662 : vector<16xf32>
      %add3A_664 = vector.broadcast %squeeze3A_273 : f32 to vector<16xf32>
      %add3A_665 = arith.addf %add3A_664, %mul3A_663 : vector<16xf32>
      %mul3A_666 = arith.mulf %get3A_651, %add3A_665 : vector<16xf32>
      %add3A_667 = vector.broadcast %squeeze3A_271 : f32 to vector<16xf32>
      %add3A_668 = arith.addf %add3A_667, %mul3A_666 : vector<16xf32>
      %sub3A_669 = arith.subf %add3A_668, %get3A_658 : vector<16xf32>
      %lt3A_670 = arith.cmpi slt, %scan3A_644, %select_n3A_245 : i32
      %mul3A_671 = arith.mulf %sub3A_669, %sub3A_669 : vector<16xf32>
      %jit3A_672 = arith.constant 0.000000e+00 : f32
      %broadcast_in_dim3A_673 = vector.broadcast %jit3A_672 : f32 to vector<16xf32>
      %select_n3A_674 = arith.select %lt3A_670, %mul3A_671, %broadcast_in_dim3A_673 : vector<16xf32>
      %add3A_675 = arith.addf %add3A_642, %select_n3A_674 : vector<16xf32>
      %scan3A_676 = arith.constant 7 : i32
      %scan3A_677 = arith.addi %scan3A_445, %scan3A_676 : i32
      %mul3A_678 = arith.constant 16 : i32
      %mul3A_679 = arith.muli %scan3A_677, %mul3A_678 : i32
      %get3A_680 = arith.constant 1 : i32
      %get3A_681 = arith.index_cast %get3A_680 : i32 to index
      %get3A_682 = arith.index_cast %mul3A_679 : i32 to index
      %get3A_683 = tpu.vector_load %arg6[%get3A_681, %get3A_682] {strides = array<i32>} : memref<8x6272xf32, #tpu.memory_space<vmem>>, vector<1x16xf32>,
      %get3A_684 = vector.shape_cast %get3A_683 : vector<1x16xf32> to vector<16xf32>
      %mul3A_685 = arith.constant 16 : i32
      %mul3A_686 = arith.muli %scan3A_677, %mul3A_685 : i32
      %get3A_687 = arith.constant 1 : i32
      %get3A_688 = arith.index_cast %get3A_687 : i32 to index
      %get3A_689 = arith.index_cast %mul3A_686 : i32 to index
      %get3A_690 = tpu.vector_load %arg7[%get3A_688, %get3A_689] {strides = array<i32>} : memref<8x6272xf32, #tpu.memory_space<vmem>>, vector<1x16xf32>,
      %get3A_691 = vector.shape_cast %get3A_690 : vector<1x16xf32> to vector<16xf32>
      %mul3A_692 = vector.broadcast %squeeze3A_277 : f32 to vector<16xf32>
      %mul3A_693 = arith.mulf %get3A_684, %mul3A_692 : vector<16xf32>
      %add3A_694 = vector.broadcast %squeeze3A_275 : f32 to vector<16xf32>
      %add3A_695 = arith.addf %add3A_694, %mul3A_693 : vector<16xf32>
      %mul3A_696 = arith.mulf %get3A_684, %add3A_695 : vector<16xf32>
      %add3A_697 = vector.broadcast %squeeze3A_273 : f32 to vector<16xf32>
      %add3A_698 = arith.addf %add3A_697, %mul3A_696 : vector<16xf32>
      %mul3A_699 = arith.mulf %get3A_684, %add3A_698 : vector<16xf32>
      %add3A_700 = vector.broadcast %squeeze3A_271 : f32 to vector<16xf32>
      %add3A_701 = arith.addf %add3A_700, %mul3A_699 : vector<16xf32>
      %sub3A_702 = arith.subf %add3A_701, %get3A_691 : vector<16xf32>
      %lt3A_703 = arith.cmpi slt, %scan3A_677, %select_n3A_245 : i32
      %mul3A_704 = arith.mulf %sub3A_702, %sub3A_702 : vector<16xf32>
      %jit3A_705 = arith.constant 0.000000e+00 : f32
      %broadcast_in_dim3A_706 = vector.broadcast %jit3A_705 : f32 to vector<16xf32>
      %select_n3A_707 = arith.select %lt3A_703, %mul3A_704, %broadcast_in_dim3A_706 : vector<16xf32>
      %add3A_708 = arith.addf %add3A_675, %select_n3A_707 : vector<16xf32>
      scf.yield %add3A_708 : vector<16xf32>
    }
    %scan3A_283 = arith.constant 392 : i32
    %get3A_284 = arith.constant 2 : i32
    %get3A_285 = arith.index_cast %get3A_284 : i32 to index
    %get3A_286 = arith.constant 0 : index
    %get3A_287 = tpu.vector_load %arg8[%get3A_285, %get3A_286] {strides = array<i32>} : memref<8x16xf32, #tpu.memory_space<vmem>>, vector<1x16xf32>,
    %get3A_288 = vector.shape_cast %get3A_287 : vector<1x16xf32> to vector<16xf32>
    %slice3A_289 = vector.extract_strided_slice %get3A_288 {offsets = [0], sizes = [1], strides = [1]} : vector<16xf32> to vector<1xf32>
    %squeeze3A_290 = vector.extract %slice3A_289[0] : f32 from vector<1xf32>
    %slice3A_291 = vector.extract_strided_slice %get3A_288 {offsets = [1], sizes = [1], strides = [1]} : vector<16xf32> to vector<1xf32>
    %squeeze3A_292 = vector.extract %slice3A_291[0] : f32 from vector<1xf32>
    %slice3A_293 = vector.extract_strided_slice %get3A_288 {offsets = [2], sizes = [1], strides = [1]} : vector<16xf32> to vector<1xf32>
    %squeeze3A_294 = vector.extract %slice3A_293[0] : f32 from vector<1xf32>
    %slice3A_295 = vector.extract_strided_slice %get3A_288 {offsets = [3], sizes = [1], strides = [1]} : vector<16xf32> to vector<1xf32>
    %squeeze3A_296 = vector.extract %slice3A_295[0] : f32 from vector<1xf32>
    %scan3A_297 = arith.constant 0 : i32
    %scan3A_298 = arith.constant 392 : i32
    %scan3A_299 = arith.addi %scan3A_297, %scan3A_298 : i32
    %scan3A_300 = arith.constant 8 : i32
    %scan3A_301 = scf.for %scan3A_445 = %scan3A_297 to %scan3A_299 step %scan3A_300 iter_args(%scan3A_446 = %scan3A_122) -> (vector<16xf32>)  : i32 {
      %mul3A_447 = arith.constant 16 : i32
      %mul3A_448 = arith.muli %scan3A_445, %mul3A_447 : i32
      %get3A_449 = arith.constant 2 : i32
      %get3A_450 = arith.index_cast %get3A_449 : i32 to index
      %get3A_451 = arith.index_cast %mul3A_448 : i32 to index
      %get3A_452 = tpu.vector_load %arg6[%get3A_450, %get3A_451] {strides = array<i32>} : memref<8x6272xf32, #tpu.memory_space<vmem>>, vector<1x16xf32>,
      %get3A_453 = vector.shape_cast %get3A_452 : vector<1x16xf32> to vector<16xf32>
      %mul3A_454 = arith.constant 16 : i32
      %mul3A_455 = arith.muli %scan3A_445, %mul3A_454 : i32
      %get3A_456 = arith.constant 2 : i32
      %get3A_457 = arith.index_cast %get3A_456 : i32 to index
      %get3A_458 = arith.index_cast %mul3A_455 : i32 to index
      %get3A_459 = tpu.vector_load %arg7[%get3A_457, %get3A_458] {strides = array<i32>} : memref<8x6272xf32, #tpu.memory_space<vmem>>, vector<1x16xf32>,
      %get3A_460 = vector.shape_cast %get3A_459 : vector<1x16xf32> to vector<16xf32>
      %mul3A_461 = vector.broadcast %squeeze3A_296 : f32 to vector<16xf32>
      %mul3A_462 = arith.mulf %get3A_453, %mul3A_461 : vector<16xf32>
      %add3A_463 = vector.broadcast %squeeze3A_294 : f32 to vector<16xf32>
      %add3A_464 = arith.addf %add3A_463, %mul3A_462 : vector<16xf32>
      %mul3A_465 = arith.mulf %get3A_453, %add3A_464 : vector<16xf32>
      %add3A_466 = vector.broadcast %squeeze3A_292 : f32 to vector<16xf32>
      %add3A_467 = arith.addf %add3A_466, %mul3A_465 : vector<16xf32>
      %mul3A_468 = arith.mulf %get3A_453, %add3A_467 : vector<16xf32>
      %add3A_469 = vector.broadcast %squeeze3A_290 : f32 to vector<16xf32>
      %add3A_470 = arith.addf %add3A_469, %mul3A_468 : vector<16xf32>
      %sub3A_471 = arith.subf %add3A_470, %get3A_460 : vector<16xf32>
      %lt3A_472 = arith.cmpi slt, %scan3A_445, %select_n3A_245 : i32
      %mul3A_473 = arith.mulf %sub3A_471, %sub3A_471 : vector<16xf32>
      %jit3A_474 = arith.constant 0.000000e+00 : f32
      %broadcast_in_dim3A_475 = vector.broadcast %jit3A_474 : f32 to vector<16xf32>
      %select_n3A_476 = arith.select %lt3A_472, %mul3A_473, %broadcast_in_dim3A_475 : vector<16xf32>
      %add3A_477 = arith.addf %scan3A_446, %select_n3A_476 : vector<16xf32>
      %scan3A_478 = arith.constant 1 : i32
      %scan3A_479 = arith.addi %scan3A_445, %scan3A_478 : i32
      %mul3A_480 = arith.constant 16 : i32
      %mul3A_481 = arith.muli %scan3A_479, %mul3A_480 : i32
      %get3A_482 = arith.constant 2 : i32
      %get3A_483 = arith.index_cast %get3A_482 : i32 to index
      %get3A_484 = arith.index_cast %mul3A_481 : i32 to index
      %get3A_485 = tpu.vector_load %arg6[%get3A_483, %get3A_484] {strides = array<i32>} : memref<8x6272xf32, #tpu.memory_space<vmem>>, vector<1x16xf32>,
      %get3A_486 = vector.shape_cast %get3A_485 : vector<1x16xf32> to vector<16xf32>
      %mul3A_487 = arith.constant 16 : i32
      %mul3A_488 = arith.muli %scan3A_479, %mul3A_487 : i32
      %get3A_489 = arith.constant 2 : i32
      %get3A_490 = arith.index_cast %get3A_489 : i32 to index
      %get3A_491 = arith.index_cast %mul3A_488 : i32 to index
      %get3A_492 = tpu.vector_load %arg7[%get3A_490, %get3A_491] {strides = array<i32>} : memref<8x6272xf32, #tpu.memory_space<vmem>>, vector<1x16xf32>,
      %get3A_493 = vector.shape_cast %get3A_492 : vector<1x16xf32> to vector<16xf32>
      %mul3A_494 = vector.broadcast %squeeze3A_296 : f32 to vector<16xf32>
      %mul3A_495 = arith.mulf %get3A_486, %mul3A_494 : vector<16xf32>
      %add3A_496 = vector.broadcast %squeeze3A_294 : f32 to vector<16xf32>
      %add3A_497 = arith.addf %add3A_496, %mul3A_495 : vector<16xf32>
      %mul3A_498 = arith.mulf %get3A_486, %add3A_497 : vector<16xf32>
      %add3A_499 = vector.broadcast %squeeze3A_292 : f32 to vector<16xf32>
      %add3A_500 = arith.addf %add3A_499, %mul3A_498 : vector<16xf32>
      %mul3A_501 = arith.mulf %get3A_486, %add3A_500 : vector<16xf32>
      %add3A_502 = vector.broadcast %squeeze3A_290 : f32 to vector<16xf32>
      %add3A_503 = arith.addf %add3A_502, %mul3A_501 : vector<16xf32>
      %sub3A_504 = arith.subf %add3A_503, %get3A_493 : vector<16xf32>
      %lt3A_505 = arith.cmpi slt, %scan3A_479, %select_n3A_245 : i32
      %mul3A_506 = arith.mulf %sub3A_504, %sub3A_504 : vector<16xf32>
      %jit3A_507 = arith.constant 0.000000e+00 : f32
      %broadcast_in_dim3A_508 = vector.broadcast %jit3A_507 : f32 to vector<16xf32>
      %select_n3A_509 = arith.select %lt3A_505, %mul3A_506, %broadcast_in_dim3A_508 : vector<16xf32>
      %add3A_510 = arith.addf %add3A_477, %select_n3A_509 : vector<16xf32>
      %scan3A_511 = arith.constant 2 : i32
      %scan3A_512 = arith.addi %scan3A_445, %scan3A_511 : i32
      %mul3A_513 = arith.constant 16 : i32
      %mul3A_514 = arith.muli %scan3A_512, %mul3A_513 : i32
      %get3A_515 = arith.constant 2 : i32
      %get3A_516 = arith.index_cast %get3A_515 : i32 to index
      %get3A_517 = arith.index_cast %mul3A_514 : i32 to index
      %get3A_518 = tpu.vector_load %arg6[%get3A_516, %get3A_517] {strides = array<i32>} : memref<8x6272xf32, #tpu.memory_space<vmem>>, vector<1x16xf32>,
      %get3A_519 = vector.shape_cast %get3A_518 : vector<1x16xf32> to vector<16xf32>
      %mul3A_520 = arith.constant 16 : i32
      %mul3A_521 = arith.muli %scan3A_512, %mul3A_520 : i32
      %get3A_522 = arith.constant 2 : i32
      %get3A_523 = arith.index_cast %get3A_522 : i32 to index
      %get3A_524 = arith.index_cast %mul3A_521 : i32 to index
      %get3A_525 = tpu.vector_load %arg7[%get3A_523, %get3A_524] {strides = array<i32>} : memref<8x6272xf32, #tpu.memory_space<vmem>>, vector<1x16xf32>,
      %get3A_526 = vector.shape_cast %get3A_525 : vector<1x16xf32> to vector<16xf32>
      %mul3A_527 = vector.broadcast %squeeze3A_296 : f32 to vector<16xf32>
      %mul3A_528 = arith.mulf %get3A_519, %mul3A_527 : vector<16xf32>
      %add3A_529 = vector.broadcast %squeeze3A_294 : f32 to vector<16xf32>
      %add3A_530 = arith.addf %add3A_529, %mul3A_528 : vector<16xf32>
      %mul3A_531 = arith.mulf %get3A_519, %add3A_530 : vector<16xf32>
      %add3A_532 = vector.broadcast %squeeze3A_292 : f32 to vector<16xf32>
      %add3A_533 = arith.addf %add3A_532, %mul3A_531 : vector<16xf32>
      %mul3A_534 = arith.mulf %get3A_519, %add3A_533 : vector<16xf32>
      %add3A_535 = vector.broadcast %squeeze3A_290 : f32 to vector<16xf32>
      %add3A_536 = arith.addf %add3A_535, %mul3A_534 : vector<16xf32>
      %sub3A_537 = arith.subf %add3A_536, %get3A_526 : vector<16xf32>
      %lt3A_538 = arith.cmpi slt, %scan3A_512, %select_n3A_245 : i32
      %mul3A_539 = arith.mulf %sub3A_537, %sub3A_537 : vector<16xf32>
      %jit3A_540 = arith.constant 0.000000e+00 : f32
      %broadcast_in_dim3A_541 = vector.broadcast %jit3A_540 : f32 to vector<16xf32>
      %select_n3A_542 = arith.select %lt3A_538, %mul3A_539, %broadcast_in_dim3A_541 : vector<16xf32>
      %add3A_543 = arith.addf %add3A_510, %select_n3A_542 : vector<16xf32>
      %scan3A_544 = arith.constant 3 : i32
      %scan3A_545 = arith.addi %scan3A_445, %scan3A_544 : i32
      %mul3A_546 = arith.constant 16 : i32
      %mul3A_547 = arith.muli %scan3A_545, %mul3A_546 : i32
      %get3A_548 = arith.constant 2 : i32
      %get3A_549 = arith.index_cast %get3A_548 : i32 to index
      %get3A_550 = arith.index_cast %mul3A_547 : i32 to index
      %get3A_551 = tpu.vector_load %arg6[%get3A_549, %get3A_550] {strides = array<i32>} : memref<8x6272xf32, #tpu.memory_space<vmem>>, vector<1x16xf32>,
      %get3A_552 = vector.shape_cast %get3A_551 : vector<1x16xf32> to vector<16xf32>
      %mul3A_553 = arith.constant 16 : i32
      %mul3A_554 = arith.muli %scan3A_545, %mul3A_553 : i32
      %get3A_555 = arith.constant 2 : i32
      %get3A_556 = arith.index_cast %get3A_555 : i32 to index
      %get3A_557 = arith.index_cast %mul3A_554 : i32 to index
      %get3A_558 = tpu.vector_load %arg7[%get3A_556, %get3A_557] {strides = array<i32>} : memref<8x6272xf32, #tpu.memory_space<vmem>>, vector<1x16xf32>,
      %get3A_559 = vector.shape_cast %get3A_558 : vector<1x16xf32> to vector<16xf32>
      %mul3A_560 = vector.broadcast %squeeze3A_296 : f32 to vector<16xf32>
      %mul3A_561 = arith.mulf %get3A_552, %mul3A_560 : vector<16xf32>
      %add3A_562 = vector.broadcast %squeeze3A_294 : f32 to vector<16xf32>
      %add3A_563 = arith.addf %add3A_562, %mul3A_561 : vector<16xf32>
      %mul3A_564 = arith.mulf %get3A_552, %add3A_563 : vector<16xf32>
      %add3A_565 = vector.broadcast %squeeze3A_292 : f32 to vector<16xf32>
      %add3A_566 = arith.addf %add3A_565, %mul3A_564 : vector<16xf32>
      %mul3A_567 = arith.mulf %get3A_552, %add3A_566 : vector<16xf32>
      %add3A_568 = vector.broadcast %squeeze3A_290 : f32 to vector<16xf32>
      %add3A_569 = arith.addf %add3A_568, %mul3A_567 : vector<16xf32>
      %sub3A_570 = arith.subf %add3A_569, %get3A_559 : vector<16xf32>
      %lt3A_571 = arith.cmpi slt, %scan3A_545, %select_n3A_245 : i32
      %mul3A_572 = arith.mulf %sub3A_570, %sub3A_570 : vector<16xf32>
      %jit3A_573 = arith.constant 0.000000e+00 : f32
      %broadcast_in_dim3A_574 = vector.broadcast %jit3A_573 : f32 to vector<16xf32>
      %select_n3A_575 = arith.select %lt3A_571, %mul3A_572, %broadcast_in_dim3A_574 : vector<16xf32>
      %add3A_576 = arith.addf %add3A_543, %select_n3A_575 : vector<16xf32>
      %scan3A_577 = arith.constant 4 : i32
      %scan3A_578 = arith.addi %scan3A_445, %scan3A_577 : i32
      %mul3A_579 = arith.constant 16 : i32
      %mul3A_580 = arith.muli %scan3A_578, %mul3A_579 : i32
      %get3A_581 = arith.constant 2 : i32
      %get3A_582 = arith.index_cast %get3A_581 : i32 to index
      %get3A_583 = arith.index_cast %mul3A_580 : i32 to index
      %get3A_584 = tpu.vector_load %arg6[%get3A_582, %get3A_583] {strides = array<i32>} : memref<8x6272xf32, #tpu.memory_space<vmem>>, vector<1x16xf32>,
      %get3A_585 = vector.shape_cast %get3A_584 : vector<1x16xf32> to vector<16xf32>
      %mul3A_586 = arith.constant 16 : i32
      %mul3A_587 = arith.muli %scan3A_578, %mul3A_586 : i32
      %get3A_588 = arith.constant 2 : i32
      %get3A_589 = arith.index_cast %get3A_588 : i32 to index
      %get3A_590 = arith.index_cast %mul3A_587 : i32 to index
      %get3A_591 = tpu.vector_load %arg7[%get3A_589, %get3A_590] {strides = array<i32>} : memref<8x6272xf32, #tpu.memory_space<vmem>>, vector<1x16xf32>,
      %get3A_592 = vector.shape_cast %get3A_591 : vector<1x16xf32> to vector<16xf32>
      %mul3A_593 = vector.broadcast %squeeze3A_296 : f32 to vector<16xf32>
      %mul3A_594 = arith.mulf %get3A_585, %mul3A_593 : vector<16xf32>
      %add3A_595 = vector.broadcast %squeeze3A_294 : f32 to vector<16xf32>
      %add3A_596 = arith.addf %add3A_595, %mul3A_594 : vector<16xf32>
      %mul3A_597 = arith.mulf %get3A_585, %add3A_596 : vector<16xf32>
      %add3A_598 = vector.broadcast %squeeze3A_292 : f32 to vector<16xf32>
      %add3A_599 = arith.addf %add3A_598, %mul3A_597 : vector<16xf32>
      %mul3A_600 = arith.mulf %get3A_585, %add3A_599 : vector<16xf32>
      %add3A_601 = vector.broadcast %squeeze3A_290 : f32 to vector<16xf32>
      %add3A_602 = arith.addf %add3A_601, %mul3A_600 : vector<16xf32>
      %sub3A_603 = arith.subf %add3A_602, %get3A_592 : vector<16xf32>
      %lt3A_604 = arith.cmpi slt, %scan3A_578, %select_n3A_245 : i32
      %mul3A_605 = arith.mulf %sub3A_603, %sub3A_603 : vector<16xf32>
      %jit3A_606 = arith.constant 0.000000e+00 : f32
      %broadcast_in_dim3A_607 = vector.broadcast %jit3A_606 : f32 to vector<16xf32>
      %select_n3A_608 = arith.select %lt3A_604, %mul3A_605, %broadcast_in_dim3A_607 : vector<16xf32>
      %add3A_609 = arith.addf %add3A_576, %select_n3A_608 : vector<16xf32>
      %scan3A_610 = arith.constant 5 : i32
      %scan3A_611 = arith.addi %scan3A_445, %scan3A_610 : i32
      %mul3A_612 = arith.constant 16 : i32
      %mul3A_613 = arith.muli %scan3A_611, %mul3A_612 : i32
      %get3A_614 = arith.constant 2 : i32
      %get3A_615 = arith.index_cast %get3A_614 : i32 to index
      %get3A_616 = arith.index_cast %mul3A_613 : i32 to index
      %get3A_617 = tpu.vector_load %arg6[%get3A_615, %get3A_616] {strides = array<i32>} : memref<8x6272xf32, #tpu.memory_space<vmem>>, vector<1x16xf32>,
      %get3A_618 = vector.shape_cast %get3A_617 : vector<1x16xf32> to vector<16xf32>
      %mul3A_619 = arith.constant 16 : i32
      %mul3A_620 = arith.muli %scan3A_611, %mul3A_619 : i32
      %get3A_621 = arith.constant 2 : i32
      %get3A_622 = arith.index_cast %get3A_621 : i32 to index
      %get3A_623 = arith.index_cast %mul3A_620 : i32 to index
      %get3A_624 = tpu.vector_load %arg7[%get3A_622, %get3A_623] {strides = array<i32>} : memref<8x6272xf32, #tpu.memory_space<vmem>>, vector<1x16xf32>,
      %get3A_625 = vector.shape_cast %get3A_624 : vector<1x16xf32> to vector<16xf32>
      %mul3A_626 = vector.broadcast %squeeze3A_296 : f32 to vector<16xf32>
      %mul3A_627 = arith.mulf %get3A_618, %mul3A_626 : vector<16xf32>
      %add3A_628 = vector.broadcast %squeeze3A_294 : f32 to vector<16xf32>
      %add3A_629 = arith.addf %add3A_628, %mul3A_627 : vector<16xf32>
      %mul3A_630 = arith.mulf %get3A_618, %add3A_629 : vector<16xf32>
      %add3A_631 = vector.broadcast %squeeze3A_292 : f32 to vector<16xf32>
      %add3A_632 = arith.addf %add3A_631, %mul3A_630 : vector<16xf32>
      %mul3A_633 = arith.mulf %get3A_618, %add3A_632 : vector<16xf32>
      %add3A_634 = vector.broadcast %squeeze3A_290 : f32 to vector<16xf32>
      %add3A_635 = arith.addf %add3A_634, %mul3A_633 : vector<16xf32>
      %sub3A_636 = arith.subf %add3A_635, %get3A_625 : vector<16xf32>
      %lt3A_637 = arith.cmpi slt, %scan3A_611, %select_n3A_245 : i32
      %mul3A_638 = arith.mulf %sub3A_636, %sub3A_636 : vector<16xf32>
      %jit3A_639 = arith.constant 0.000000e+00 : f32
      %broadcast_in_dim3A_640 = vector.broadcast %jit3A_639 : f32 to vector<16xf32>
      %select_n3A_641 = arith.select %lt3A_637, %mul3A_638, %broadcast_in_dim3A_640 : vector<16xf32>
      %add3A_642 = arith.addf %add3A_609, %select_n3A_641 : vector<16xf32>
      %scan3A_643 = arith.constant 6 : i32
      %scan3A_644 = arith.addi %scan3A_445, %scan3A_643 : i32
      %mul3A_645 = arith.constant 16 : i32
      %mul3A_646 = arith.muli %scan3A_644, %mul3A_645 : i32
      %get3A_647 = arith.constant 2 : i32
      %get3A_648 = arith.index_cast %get3A_647 : i32 to index
      %get3A_649 = arith.index_cast %mul3A_646 : i32 to index
      %get3A_650 = tpu.vector_load %arg6[%get3A_648, %get3A_649] {strides = array<i32>} : memref<8x6272xf32, #tpu.memory_space<vmem>>, vector<1x16xf32>,
      %get3A_651 = vector.shape_cast %get3A_650 : vector<1x16xf32> to vector<16xf32>
      %mul3A_652 = arith.constant 16 : i32
      %mul3A_653 = arith.muli %scan3A_644, %mul3A_652 : i32
      %get3A_654 = arith.constant 2 : i32
      %get3A_655 = arith.index_cast %get3A_654 : i32 to index
      %get3A_656 = arith.index_cast %mul3A_653 : i32 to index
      %get3A_657 = tpu.vector_load %arg7[%get3A_655, %get3A_656] {strides = array<i32>} : memref<8x6272xf32, #tpu.memory_space<vmem>>, vector<1x16xf32>,
      %get3A_658 = vector.shape_cast %get3A_657 : vector<1x16xf32> to vector<16xf32>
      %mul3A_659 = vector.broadcast %squeeze3A_296 : f32 to vector<16xf32>
      %mul3A_660 = arith.mulf %get3A_651, %mul3A_659 : vector<16xf32>
      %add3A_661 = vector.broadcast %squeeze3A_294 : f32 to vector<16xf32>
      %add3A_662 = arith.addf %add3A_661, %mul3A_660 : vector<16xf32>
      %mul3A_663 = arith.mulf %get3A_651, %add3A_662 : vector<16xf32>
      %add3A_664 = vector.broadcast %squeeze3A_292 : f32 to vector<16xf32>
      %add3A_665 = arith.addf %add3A_664, %mul3A_663 : vector<16xf32>
      %mul3A_666 = arith.mulf %get3A_651, %add3A_665 : vector<16xf32>
      %add3A_667 = vector.broadcast %squeeze3A_290 : f32 to vector<16xf32>
      %add3A_668 = arith.addf %add3A_667, %mul3A_666 : vector<16xf32>
      %sub3A_669 = arith.subf %add3A_668, %get3A_658 : vector<16xf32>
      %lt3A_670 = arith.cmpi slt, %scan3A_644, %select_n3A_245 : i32
      %mul3A_671 = arith.mulf %sub3A_669, %sub3A_669 : vector<16xf32>
      %jit3A_672 = arith.constant 0.000000e+00 : f32
      %broadcast_in_dim3A_673 = vector.broadcast %jit3A_672 : f32 to vector<16xf32>
      %select_n3A_674 = arith.select %lt3A_670, %mul3A_671, %broadcast_in_dim3A_673 : vector<16xf32>
      %add3A_675 = arith.addf %add3A_642, %select_n3A_674 : vector<16xf32>
      %scan3A_676 = arith.constant 7 : i32
      %scan3A_677 = arith.addi %scan3A_445, %scan3A_676 : i32
      %mul3A_678 = arith.constant 16 : i32
      %mul3A_679 = arith.muli %scan3A_677, %mul3A_678 : i32
      %get3A_680 = arith.constant 2 : i32
      %get3A_681 = arith.index_cast %get3A_680 : i32 to index
      %get3A_682 = arith.index_cast %mul3A_679 : i32 to index
      %get3A_683 = tpu.vector_load %arg6[%get3A_681, %get3A_682] {strides = array<i32>} : memref<8x6272xf32, #tpu.memory_space<vmem>>, vector<1x16xf32>,
      %get3A_684 = vector.shape_cast %get3A_683 : vector<1x16xf32> to vector<16xf32>
      %mul3A_685 = arith.constant 16 : i32
      %mul3A_686 = arith.muli %scan3A_677, %mul3A_685 : i32
      %get3A_687 = arith.constant 2 : i32
      %get3A_688 = arith.index_cast %get3A_687 : i32 to index
      %get3A_689 = arith.index_cast %mul3A_686 : i32 to index
      %get3A_690 = tpu.vector_load %arg7[%get3A_688, %get3A_689] {strides = array<i32>} : memref<8x6272xf32, #tpu.memory_space<vmem>>, vector<1x16xf32>,
      %get3A_691 = vector.shape_cast %get3A_690 : vector<1x16xf32> to vector<16xf32>
      %mul3A_692 = vector.broadcast %squeeze3A_296 : f32 to vector<16xf32>
      %mul3A_693 = arith.mulf %get3A_684, %mul3A_692 : vector<16xf32>
      %add3A_694 = vector.broadcast %squeeze3A_294 : f32 to vector<16xf32>
      %add3A_695 = arith.addf %add3A_694, %mul3A_693 : vector<16xf32>
      %mul3A_696 = arith.mulf %get3A_684, %add3A_695 : vector<16xf32>
      %add3A_697 = vector.broadcast %squeeze3A_292 : f32 to vector<16xf32>
      %add3A_698 = arith.addf %add3A_697, %mul3A_696 : vector<16xf32>
      %mul3A_699 = arith.mulf %get3A_684, %add3A_698 : vector<16xf32>
      %add3A_700 = vector.broadcast %squeeze3A_290 : f32 to vector<16xf32>
      %add3A_701 = arith.addf %add3A_700, %mul3A_699 : vector<16xf32>
      %sub3A_702 = arith.subf %add3A_701, %get3A_691 : vector<16xf32>
      %lt3A_703 = arith.cmpi slt, %scan3A_677, %select_n3A_245 : i32
      %mul3A_704 = arith.mulf %sub3A_702, %sub3A_702 : vector<16xf32>
      %jit3A_705 = arith.constant 0.000000e+00 : f32
      %broadcast_in_dim3A_706 = vector.broadcast %jit3A_705 : f32 to vector<16xf32>
      %select_n3A_707 = arith.select %lt3A_703, %mul3A_704, %broadcast_in_dim3A_706 : vector<16xf32>
      %add3A_708 = arith.addf %add3A_675, %select_n3A_707 : vector<16xf32>
      scf.yield %add3A_708 : vector<16xf32>
    }
    %scan3A_302 = arith.constant 392 : i32
    %get3A_303 = arith.constant 3 : i32
    %get3A_304 = arith.index_cast %get3A_303 : i32 to index
    %get3A_305 = arith.constant 0 : index
    %get3A_306 = tpu.vector_load %arg8[%get3A_304, %get3A_305] {strides = array<i32>} : memref<8x16xf32, #tpu.memory_space<vmem>>, vector<1x16xf32>,
    %get3A_307 = vector.shape_cast %get3A_306 : vector<1x16xf32> to vector<16xf32>
    %slice3A_308 = vector.extract_strided_slice %get3A_307 {offsets = [0], sizes = [1], strides = [1]} : vector<16xf32> to vector<1xf32>
    %squeeze3A_309 = vector.extract %slice3A_308[0] : f32 from vector<1xf32>
    %slice3A_310 = vector.extract_strided_slice %get3A_307 {offsets = [1], sizes = [1], strides = [1]} : vector<16xf32> to vector<1xf32>
    %squeeze3A_311 = vector.extract %slice3A_310[0] : f32 from vector<1xf32>
    %slice3A_312 = vector.extract_strided_slice %get3A_307 {offsets = [2], sizes = [1], strides = [1]} : vector<16xf32> to vector<1xf32>
    %squeeze3A_313 = vector.extract %slice3A_312[0] : f32 from vector<1xf32>
    %slice3A_314 = vector.extract_strided_slice %get3A_307 {offsets = [3], sizes = [1], strides = [1]} : vector<16xf32> to vector<1xf32>
    %squeeze3A_315 = vector.extract %slice3A_314[0] : f32 from vector<1xf32>
    %scan3A_316 = arith.constant 0 : i32
    %scan3A_317 = arith.constant 392 : i32
    %scan3A_318 = arith.addi %scan3A_316, %scan3A_317 : i32
    %scan3A_319 = arith.constant 8 : i32
    %scan3A_320 = scf.for %scan3A_445 = %scan3A_316 to %scan3A_318 step %scan3A_319 iter_args(%scan3A_446 = %scan3A_141) -> (vector<16xf32>)  : i32 {
      %mul3A_447 = arith.constant 16 : i32
      %mul3A_448 = arith.muli %scan3A_445, %mul3A_447 : i32
      %get3A_449 = arith.constant 3 : i32
      %get3A_450 = arith.index_cast %get3A_449 : i32 to index
      %get3A_451 = arith.index_cast %mul3A_448 : i32 to index
      %get3A_452 = tpu.vector_load %arg6[%get3A_450, %get3A_451] {strides = array<i32>} : memref<8x6272xf32, #tpu.memory_space<vmem>>, vector<1x16xf32>,
      %get3A_453 = vector.shape_cast %get3A_452 : vector<1x16xf32> to vector<16xf32>
      %mul3A_454 = arith.constant 16 : i32
      %mul3A_455 = arith.muli %scan3A_445, %mul3A_454 : i32
      %get3A_456 = arith.constant 3 : i32
      %get3A_457 = arith.index_cast %get3A_456 : i32 to index
      %get3A_458 = arith.index_cast %mul3A_455 : i32 to index
      %get3A_459 = tpu.vector_load %arg7[%get3A_457, %get3A_458] {strides = array<i32>} : memref<8x6272xf32, #tpu.memory_space<vmem>>, vector<1x16xf32>,
      %get3A_460 = vector.shape_cast %get3A_459 : vector<1x16xf32> to vector<16xf32>
      %mul3A_461 = vector.broadcast %squeeze3A_315 : f32 to vector<16xf32>
      %mul3A_462 = arith.mulf %get3A_453, %mul3A_461 : vector<16xf32>
      %add3A_463 = vector.broadcast %squeeze3A_313 : f32 to vector<16xf32>
      %add3A_464 = arith.addf %add3A_463, %mul3A_462 : vector<16xf32>
      %mul3A_465 = arith.mulf %get3A_453, %add3A_464 : vector<16xf32>
      %add3A_466 = vector.broadcast %squeeze3A_311 : f32 to vector<16xf32>
      %add3A_467 = arith.addf %add3A_466, %mul3A_465 : vector<16xf32>
      %mul3A_468 = arith.mulf %get3A_453, %add3A_467 : vector<16xf32>
      %add3A_469 = vector.broadcast %squeeze3A_309 : f32 to vector<16xf32>
      %add3A_470 = arith.addf %add3A_469, %mul3A_468 : vector<16xf32>
      %sub3A_471 = arith.subf %add3A_470, %get3A_460 : vector<16xf32>
      %lt3A_472 = arith.cmpi slt, %scan3A_445, %select_n3A_245 : i32
      %mul3A_473 = arith.mulf %sub3A_471, %sub3A_471 : vector<16xf32>
      %jit3A_474 = arith.constant 0.000000e+00 : f32
      %broadcast_in_dim3A_475 = vector.broadcast %jit3A_474 : f32 to vector<16xf32>
      %select_n3A_476 = arith.select %lt3A_472, %mul3A_473, %broadcast_in_dim3A_475 : vector<16xf32>
      %add3A_477 = arith.addf %scan3A_446, %select_n3A_476 : vector<16xf32>
      %scan3A_478 = arith.constant 1 : i32
      %scan3A_479 = arith.addi %scan3A_445, %scan3A_478 : i32
      %mul3A_480 = arith.constant 16 : i32
      %mul3A_481 = arith.muli %scan3A_479, %mul3A_480 : i32
      %get3A_482 = arith.constant 3 : i32
      %get3A_483 = arith.index_cast %get3A_482 : i32 to index
      %get3A_484 = arith.index_cast %mul3A_481 : i32 to index
      %get3A_485 = tpu.vector_load %arg6[%get3A_483, %get3A_484] {strides = array<i32>} : memref<8x6272xf32, #tpu.memory_space<vmem>>, vector<1x16xf32>,
      %get3A_486 = vector.shape_cast %get3A_485 : vector<1x16xf32> to vector<16xf32>
      %mul3A_487 = arith.constant 16 : i32
      %mul3A_488 = arith.muli %scan3A_479, %mul3A_487 : i32
      %get3A_489 = arith.constant 3 : i32
      %get3A_490 = arith.index_cast %get3A_489 : i32 to index
      %get3A_491 = arith.index_cast %mul3A_488 : i32 to index
      %get3A_492 = tpu.vector_load %arg7[%get3A_490, %get3A_491] {strides = array<i32>} : memref<8x6272xf32, #tpu.memory_space<vmem>>, vector<1x16xf32>,
      %get3A_493 = vector.shape_cast %get3A_492 : vector<1x16xf32> to vector<16xf32>
      %mul3A_494 = vector.broadcast %squeeze3A_315 : f32 to vector<16xf32>
      %mul3A_495 = arith.mulf %get3A_486, %mul3A_494 : vector<16xf32>
      %add3A_496 = vector.broadcast %squeeze3A_313 : f32 to vector<16xf32>
      %add3A_497 = arith.addf %add3A_496, %mul3A_495 : vector<16xf32>
      %mul3A_498 = arith.mulf %get3A_486, %add3A_497 : vector<16xf32>
      %add3A_499 = vector.broadcast %squeeze3A_311 : f32 to vector<16xf32>
      %add3A_500 = arith.addf %add3A_499, %mul3A_498 : vector<16xf32>
      %mul3A_501 = arith.mulf %get3A_486, %add3A_500 : vector<16xf32>
      %add3A_502 = vector.broadcast %squeeze3A_309 : f32 to vector<16xf32>
      %add3A_503 = arith.addf %add3A_502, %mul3A_501 : vector<16xf32>
      %sub3A_504 = arith.subf %add3A_503, %get3A_493 : vector<16xf32>
      %lt3A_505 = arith.cmpi slt, %scan3A_479, %select_n3A_245 : i32
      %mul3A_506 = arith.mulf %sub3A_504, %sub3A_504 : vector<16xf32>
      %jit3A_507 = arith.constant 0.000000e+00 : f32
      %broadcast_in_dim3A_508 = vector.broadcast %jit3A_507 : f32 to vector<16xf32>
      %select_n3A_509 = arith.select %lt3A_505, %mul3A_506, %broadcast_in_dim3A_508 : vector<16xf32>
      %add3A_510 = arith.addf %add3A_477, %select_n3A_509 : vector<16xf32>
      %scan3A_511 = arith.constant 2 : i32
      %scan3A_512 = arith.addi %scan3A_445, %scan3A_511 : i32
      %mul3A_513 = arith.constant 16 : i32
      %mul3A_514 = arith.muli %scan3A_512, %mul3A_513 : i32
      %get3A_515 = arith.constant 3 : i32
      %get3A_516 = arith.index_cast %get3A_515 : i32 to index
      %get3A_517 = arith.index_cast %mul3A_514 : i32 to index
      %get3A_518 = tpu.vector_load %arg6[%get3A_516, %get3A_517] {strides = array<i32>} : memref<8x6272xf32, #tpu.memory_space<vmem>>, vector<1x16xf32>,
      %get3A_519 = vector.shape_cast %get3A_518 : vector<1x16xf32> to vector<16xf32>
      %mul3A_520 = arith.constant 16 : i32
      %mul3A_521 = arith.muli %scan3A_512, %mul3A_520 : i32
      %get3A_522 = arith.constant 3 : i32
      %get3A_523 = arith.index_cast %get3A_522 : i32 to index
      %get3A_524 = arith.index_cast %mul3A_521 : i32 to index
      %get3A_525 = tpu.vector_load %arg7[%get3A_523, %get3A_524] {strides = array<i32>} : memref<8x6272xf32, #tpu.memory_space<vmem>>, vector<1x16xf32>,
      %get3A_526 = vector.shape_cast %get3A_525 : vector<1x16xf32> to vector<16xf32>
      %mul3A_527 = vector.broadcast %squeeze3A_315 : f32 to vector<16xf32>
      %mul3A_528 = arith.mulf %get3A_519, %mul3A_527 : vector<16xf32>
      %add3A_529 = vector.broadcast %squeeze3A_313 : f32 to vector<16xf32>
      %add3A_530 = arith.addf %add3A_529, %mul3A_528 : vector<16xf32>
      %mul3A_531 = arith.mulf %get3A_519, %add3A_530 : vector<16xf32>
      %add3A_532 = vector.broadcast %squeeze3A_311 : f32 to vector<16xf32>
      %add3A_533 = arith.addf %add3A_532, %mul3A_531 : vector<16xf32>
      %mul3A_534 = arith.mulf %get3A_519, %add3A_533 : vector<16xf32>
      %add3A_535 = vector.broadcast %squeeze3A_309 : f32 to vector<16xf32>
      %add3A_536 = arith.addf %add3A_535, %mul3A_534 : vector<16xf32>
      %sub3A_537 = arith.subf %add3A_536, %get3A_526 : vector<16xf32>
      %lt3A_538 = arith.cmpi slt, %scan3A_512, %select_n3A_245 : i32
      %mul3A_539 = arith.mulf %sub3A_537, %sub3A_537 : vector<16xf32>
      %jit3A_540 = arith.constant 0.000000e+00 : f32
      %broadcast_in_dim3A_541 = vector.broadcast %jit3A_540 : f32 to vector<16xf32>
      %select_n3A_542 = arith.select %lt3A_538, %mul3A_539, %broadcast_in_dim3A_541 : vector<16xf32>
      %add3A_543 = arith.addf %add3A_510, %select_n3A_542 : vector<16xf32>
      %scan3A_544 = arith.constant 3 : i32
      %scan3A_545 = arith.addi %scan3A_445, %scan3A_544 : i32
      %mul3A_546 = arith.constant 16 : i32
      %mul3A_547 = arith.muli %scan3A_545, %mul3A_546 : i32
      %get3A_548 = arith.constant 3 : i32
      %get3A_549 = arith.index_cast %get3A_548 : i32 to index
      %get3A_550 = arith.index_cast %mul3A_547 : i32 to index
      %get3A_551 = tpu.vector_load %arg6[%get3A_549, %get3A_550] {strides = array<i32>} : memref<8x6272xf32, #tpu.memory_space<vmem>>, vector<1x16xf32>,
      %get3A_552 = vector.shape_cast %get3A_551 : vector<1x16xf32> to vector<16xf32>
      %mul3A_553 = arith.constant 16 : i32
      %mul3A_554 = arith.muli %scan3A_545, %mul3A_553 : i32
      %get3A_555 = arith.constant 3 : i32
      %get3A_556 = arith.index_cast %get3A_555 : i32 to index
      %get3A_557 = arith.index_cast %mul3A_554 : i32 to index
      %get3A_558 = tpu.vector_load %arg7[%get3A_556, %get3A_557] {strides = array<i32>} : memref<8x6272xf32, #tpu.memory_space<vmem>>, vector<1x16xf32>,
      %get3A_559 = vector.shape_cast %get3A_558 : vector<1x16xf32> to vector<16xf32>
      %mul3A_560 = vector.broadcast %squeeze3A_315 : f32 to vector<16xf32>
      %mul3A_561 = arith.mulf %get3A_552, %mul3A_560 : vector<16xf32>
      %add3A_562 = vector.broadcast %squeeze3A_313 : f32 to vector<16xf32>
      %add3A_563 = arith.addf %add3A_562, %mul3A_561 : vector<16xf32>
      %mul3A_564 = arith.mulf %get3A_552, %add3A_563 : vector<16xf32>
      %add3A_565 = vector.broadcast %squeeze3A_311 : f32 to vector<16xf32>
      %add3A_566 = arith.addf %add3A_565, %mul3A_564 : vector<16xf32>
      %mul3A_567 = arith.mulf %get3A_552, %add3A_566 : vector<16xf32>
      %add3A_568 = vector.broadcast %squeeze3A_309 : f32 to vector<16xf32>
      %add3A_569 = arith.addf %add3A_568, %mul3A_567 : vector<16xf32>
      %sub3A_570 = arith.subf %add3A_569, %get3A_559 : vector<16xf32>
      %lt3A_571 = arith.cmpi slt, %scan3A_545, %select_n3A_245 : i32
      %mul3A_572 = arith.mulf %sub3A_570, %sub3A_570 : vector<16xf32>
      %jit3A_573 = arith.constant 0.000000e+00 : f32
      %broadcast_in_dim3A_574 = vector.broadcast %jit3A_573 : f32 to vector<16xf32>
      %select_n3A_575 = arith.select %lt3A_571, %mul3A_572, %broadcast_in_dim3A_574 : vector<16xf32>
      %add3A_576 = arith.addf %add3A_543, %select_n3A_575 : vector<16xf32>
      %scan3A_577 = arith.constant 4 : i32
      %scan3A_578 = arith.addi %scan3A_445, %scan3A_577 : i32
      %mul3A_579 = arith.constant 16 : i32
      %mul3A_580 = arith.muli %scan3A_578, %mul3A_579 : i32
      %get3A_581 = arith.constant 3 : i32
      %get3A_582 = arith.index_cast %get3A_581 : i32 to index
      %get3A_583 = arith.index_cast %mul3A_580 : i32 to index
      %get3A_584 = tpu.vector_load %arg6[%get3A_582, %get3A_583] {strides = array<i32>} : memref<8x6272xf32, #tpu.memory_space<vmem>>, vector<1x16xf32>,
      %get3A_585 = vector.shape_cast %get3A_584 : vector<1x16xf32> to vector<16xf32>
      %mul3A_586 = arith.constant 16 : i32
      %mul3A_587 = arith.muli %scan3A_578, %mul3A_586 : i32
      %get3A_588 = arith.constant 3 : i32
      %get3A_589 = arith.index_cast %get3A_588 : i32 to index
      %get3A_590 = arith.index_cast %mul3A_587 : i32 to index
      %get3A_591 = tpu.vector_load %arg7[%get3A_589, %get3A_590] {strides = array<i32>} : memref<8x6272xf32, #tpu.memory_space<vmem>>, vector<1x16xf32>,
      %get3A_592 = vector.shape_cast %get3A_591 : vector<1x16xf32> to vector<16xf32>
      %mul3A_593 = vector.broadcast %squeeze3A_315 : f32 to vector<16xf32>
      %mul3A_594 = arith.mulf %get3A_585, %mul3A_593 : vector<16xf32>
      %add3A_595 = vector.broadcast %squeeze3A_313 : f32 to vector<16xf32>
      %add3A_596 = arith.addf %add3A_595, %mul3A_594 : vector<16xf32>
      %mul3A_597 = arith.mulf %get3A_585, %add3A_596 : vector<16xf32>
      %add3A_598 = vector.broadcast %squeeze3A_311 : f32 to vector<16xf32>
      %add3A_599 = arith.addf %add3A_598, %mul3A_597 : vector<16xf32>
      %mul3A_600 = arith.mulf %get3A_585, %add3A_599 : vector<16xf32>
      %add3A_601 = vector.broadcast %squeeze3A_309 : f32 to vector<16xf32>
      %add3A_602 = arith.addf %add3A_601, %mul3A_600 : vector<16xf32>
      %sub3A_603 = arith.subf %add3A_602, %get3A_592 : vector<16xf32>
      %lt3A_604 = arith.cmpi slt, %scan3A_578, %select_n3A_245 : i32
      %mul3A_605 = arith.mulf %sub3A_603, %sub3A_603 : vector<16xf32>
      %jit3A_606 = arith.constant 0.000000e+00 : f32
      %broadcast_in_dim3A_607 = vector.broadcast %jit3A_606 : f32 to vector<16xf32>
      %select_n3A_608 = arith.select %lt3A_604, %mul3A_605, %broadcast_in_dim3A_607 : vector<16xf32>
      %add3A_609 = arith.addf %add3A_576, %select_n3A_608 : vector<16xf32>
      %scan3A_610 = arith.constant 5 : i32
      %scan3A_611 = arith.addi %scan3A_445, %scan3A_610 : i32
      %mul3A_612 = arith.constant 16 : i32
      %mul3A_613 = arith.muli %scan3A_611, %mul3A_612 : i32
      %get3A_614 = arith.constant 3 : i32
      %get3A_615 = arith.index_cast %get3A_614 : i32 to index
      %get3A_616 = arith.index_cast %mul3A_613 : i32 to index
      %get3A_617 = tpu.vector_load %arg6[%get3A_615, %get3A_616] {strides = array<i32>} : memref<8x6272xf32, #tpu.memory_space<vmem>>, vector<1x16xf32>,
      %get3A_618 = vector.shape_cast %get3A_617 : vector<1x16xf32> to vector<16xf32>
      %mul3A_619 = arith.constant 16 : i32
      %mul3A_620 = arith.muli %scan3A_611, %mul3A_619 : i32
      %get3A_621 = arith.constant 3 : i32
      %get3A_622 = arith.index_cast %get3A_621 : i32 to index
      %get3A_623 = arith.index_cast %mul3A_620 : i32 to index
      %get3A_624 = tpu.vector_load %arg7[%get3A_622, %get3A_623] {strides = array<i32>} : memref<8x6272xf32, #tpu.memory_space<vmem>>, vector<1x16xf32>,
      %get3A_625 = vector.shape_cast %get3A_624 : vector<1x16xf32> to vector<16xf32>
      %mul3A_626 = vector.broadcast %squeeze3A_315 : f32 to vector<16xf32>
      %mul3A_627 = arith.mulf %get3A_618, %mul3A_626 : vector<16xf32>
      %add3A_628 = vector.broadcast %squeeze3A_313 : f32 to vector<16xf32>
      %add3A_629 = arith.addf %add3A_628, %mul3A_627 : vector<16xf32>
      %mul3A_630 = arith.mulf %get3A_618, %add3A_629 : vector<16xf32>
      %add3A_631 = vector.broadcast %squeeze3A_311 : f32 to vector<16xf32>
      %add3A_632 = arith.addf %add3A_631, %mul3A_630 : vector<16xf32>
      %mul3A_633 = arith.mulf %get3A_618, %add3A_632 : vector<16xf32>
      %add3A_634 = vector.broadcast %squeeze3A_309 : f32 to vector<16xf32>
      %add3A_635 = arith.addf %add3A_634, %mul3A_633 : vector<16xf32>
      %sub3A_636 = arith.subf %add3A_635, %get3A_625 : vector<16xf32>
      %lt3A_637 = arith.cmpi slt, %scan3A_611, %select_n3A_245 : i32
      %mul3A_638 = arith.mulf %sub3A_636, %sub3A_636 : vector<16xf32>
      %jit3A_639 = arith.constant 0.000000e+00 : f32
      %broadcast_in_dim3A_640 = vector.broadcast %jit3A_639 : f32 to vector<16xf32>
      %select_n3A_641 = arith.select %lt3A_637, %mul3A_638, %broadcast_in_dim3A_640 : vector<16xf32>
      %add3A_642 = arith.addf %add3A_609, %select_n3A_641 : vector<16xf32>
      %scan3A_643 = arith.constant 6 : i32
      %scan3A_644 = arith.addi %scan3A_445, %scan3A_643 : i32
      %mul3A_645 = arith.constant 16 : i32
      %mul3A_646 = arith.muli %scan3A_644, %mul3A_645 : i32
      %get3A_647 = arith.constant 3 : i32
      %get3A_648 = arith.index_cast %get3A_647 : i32 to index
      %get3A_649 = arith.index_cast %mul3A_646 : i32 to index
      %get3A_650 = tpu.vector_load %arg6[%get3A_648, %get3A_649] {strides = array<i32>} : memref<8x6272xf32, #tpu.memory_space<vmem>>, vector<1x16xf32>,
      %get3A_651 = vector.shape_cast %get3A_650 : vector<1x16xf32> to vector<16xf32>
      %mul3A_652 = arith.constant 16 : i32
      %mul3A_653 = arith.muli %scan3A_644, %mul3A_652 : i32
      %get3A_654 = arith.constant 3 : i32
      %get3A_655 = arith.index_cast %get3A_654 : i32 to index
      %get3A_656 = arith.index_cast %mul3A_653 : i32 to index
      %get3A_657 = tpu.vector_load %arg7[%get3A_655, %get3A_656] {strides = array<i32>} : memref<8x6272xf32, #tpu.memory_space<vmem>>, vector<1x16xf32>,
      %get3A_658 = vector.shape_cast %get3A_657 : vector<1x16xf32> to vector<16xf32>
      %mul3A_659 = vector.broadcast %squeeze3A_315 : f32 to vector<16xf32>
      %mul3A_660 = arith.mulf %get3A_651, %mul3A_659 : vector<16xf32>
      %add3A_661 = vector.broadcast %squeeze3A_313 : f32 to vector<16xf32>
      %add3A_662 = arith.addf %add3A_661, %mul3A_660 : vector<16xf32>
      %mul3A_663 = arith.mulf %get3A_651, %add3A_662 : vector<16xf32>
      %add3A_664 = vector.broadcast %squeeze3A_311 : f32 to vector<16xf32>
      %add3A_665 = arith.addf %add3A_664, %mul3A_663 : vector<16xf32>
      %mul3A_666 = arith.mulf %get3A_651, %add3A_665 : vector<16xf32>
      %add3A_667 = vector.broadcast %squeeze3A_309 : f32 to vector<16xf32>
      %add3A_668 = arith.addf %add3A_667, %mul3A_666 : vector<16xf32>
      %sub3A_669 = arith.subf %add3A_668, %get3A_658 : vector<16xf32>
      %lt3A_670 = arith.cmpi slt, %scan3A_644, %select_n3A_245 : i32
      %mul3A_671 = arith.mulf %sub3A_669, %sub3A_669 : vector<16xf32>
      %jit3A_672 = arith.constant 0.000000e+00 : f32
      %broadcast_in_dim3A_673 = vector.broadcast %jit3A_672 : f32 to vector<16xf32>
      %select_n3A_674 = arith.select %lt3A_670, %mul3A_671, %broadcast_in_dim3A_673 : vector<16xf32>
      %add3A_675 = arith.addf %add3A_642, %select_n3A_674 : vector<16xf32>
      %scan3A_676 = arith.constant 7 : i32
      %scan3A_677 = arith.addi %scan3A_445, %scan3A_676 : i32
      %mul3A_678 = arith.constant 16 : i32
      %mul3A_679 = arith.muli %scan3A_677, %mul3A_678 : i32
      %get3A_680 = arith.constant 3 : i32
      %get3A_681 = arith.index_cast %get3A_680 : i32 to index
      %get3A_682 = arith.index_cast %mul3A_679 : i32 to index
      %get3A_683 = tpu.vector_load %arg6[%get3A_681, %get3A_682] {strides = array<i32>} : memref<8x6272xf32, #tpu.memory_space<vmem>>, vector<1x16xf32>,
      %get3A_684 = vector.shape_cast %get3A_683 : vector<1x16xf32> to vector<16xf32>
      %mul3A_685 = arith.constant 16 : i32
      %mul3A_686 = arith.muli %scan3A_677, %mul3A_685 : i32
      %get3A_687 = arith.constant 3 : i32
      %get3A_688 = arith.index_cast %get3A_687 : i32 to index
      %get3A_689 = arith.index_cast %mul3A_686 : i32 to index
      %get3A_690 = tpu.vector_load %arg7[%get3A_688, %get3A_689] {strides = array<i32>} : memref<8x6272xf32, #tpu.memory_space<vmem>>, vector<1x16xf32>,
      %get3A_691 = vector.shape_cast %get3A_690 : vector<1x16xf32> to vector<16xf32>
      %mul3A_692 = vector.broadcast %squeeze3A_315 : f32 to vector<16xf32>
      %mul3A_693 = arith.mulf %get3A_684, %mul3A_692 : vector<16xf32>
      %add3A_694 = vector.broadcast %squeeze3A_313 : f32 to vector<16xf32>
      %add3A_695 = arith.addf %add3A_694, %mul3A_693 : vector<16xf32>
      %mul3A_696 = arith.mulf %get3A_684, %add3A_695 : vector<16xf32>
      %add3A_697 = vector.broadcast %squeeze3A_311 : f32 to vector<16xf32>
      %add3A_698 = arith.addf %add3A_697, %mul3A_696 : vector<16xf32>
      %mul3A_699 = arith.mulf %get3A_684, %add3A_698 : vector<16xf32>
      %add3A_700 = vector.broadcast %squeeze3A_309 : f32 to vector<16xf32>
      %add3A_701 = arith.addf %add3A_700, %mul3A_699 : vector<16xf32>
      %sub3A_702 = arith.subf %add3A_701, %get3A_691 : vector<16xf32>
      %lt3A_703 = arith.cmpi slt, %scan3A_677, %select_n3A_245 : i32
      %mul3A_704 = arith.mulf %sub3A_702, %sub3A_702 : vector<16xf32>
      %jit3A_705 = arith.constant 0.000000e+00 : f32
      %broadcast_in_dim3A_706 = vector.broadcast %jit3A_705 : f32 to vector<16xf32>
      %select_n3A_707 = arith.select %lt3A_703, %mul3A_704, %broadcast_in_dim3A_706 : vector<16xf32>
      %add3A_708 = arith.addf %add3A_675, %select_n3A_707 : vector<16xf32>
      scf.yield %add3A_708 : vector<16xf32>
    }
    %scan3A_321 = arith.constant 392 : i32
    %get3A_322 = arith.constant 4 : i32
    %get3A_323 = arith.index_cast %get3A_322 : i32 to index
    %get3A_324 = arith.constant 0 : index
    %get3A_325 = tpu.vector_load %arg8[%get3A_323, %get3A_324] {strides = array<i32>} : memref<8x16xf32, #tpu.memory_space<vmem>>, vector<1x16xf32>,
    %get3A_326 = vector.shape_cast %get3A_325 : vector<1x16xf32> to vector<16xf32>
    %slice3A_327 = vector.extract_strided_slice %get3A_326 {offsets = [0], sizes = [1], strides = [1]} : vector<16xf32> to vector<1xf32>
    %squeeze3A_328 = vector.extract %slice3A_327[0] : f32 from vector<1xf32>
    %slice3A_329 = vector.extract_strided_slice %get3A_326 {offsets = [1], sizes = [1], strides = [1]} : vector<16xf32> to vector<1xf32>
    %squeeze3A_330 = vector.extract %slice3A_329[0] : f32 from vector<1xf32>
    %slice3A_331 = vector.extract_strided_slice %get3A_326 {offsets = [2], sizes = [1], strides = [1]} : vector<16xf32> to vector<1xf32>
    %squeeze3A_332 = vector.extract %slice3A_331[0] : f32 from vector<1xf32>
    %slice3A_333 = vector.extract_strided_slice %get3A_326 {offsets = [3], sizes = [1], strides = [1]} : vector<16xf32> to vector<1xf32>
    %squeeze3A_334 = vector.extract %slice3A_333[0] : f32 from vector<1xf32>
    %scan3A_335 = arith.constant 0 : i32
    %scan3A_336 = arith.constant 392 : i32
    %scan3A_337 = arith.addi %scan3A_335, %scan3A_336 : i32
    %scan3A_338 = arith.constant 8 : i32
    %scan3A_339 = scf.for %scan3A_445 = %scan3A_335 to %scan3A_337 step %scan3A_338 iter_args(%scan3A_446 = %scan3A_160) -> (vector<16xf32>)  : i32 {
      %mul3A_447 = arith.constant 16 : i32
      %mul3A_448 = arith.muli %scan3A_445, %mul3A_447 : i32
      %get3A_449 = arith.constant 4 : i32
      %get3A_450 = arith.index_cast %get3A_449 : i32 to index
      %get3A_451 = arith.index_cast %mul3A_448 : i32 to index
      %get3A_452 = tpu.vector_load %arg6[%get3A_450, %get3A_451] {strides = array<i32>} : memref<8x6272xf32, #tpu.memory_space<vmem>>, vector<1x16xf32>,
      %get3A_453 = vector.shape_cast %get3A_452 : vector<1x16xf32> to vector<16xf32>
      %mul3A_454 = arith.constant 16 : i32
      %mul3A_455 = arith.muli %scan3A_445, %mul3A_454 : i32
      %get3A_456 = arith.constant 4 : i32
      %get3A_457 = arith.index_cast %get3A_456 : i32 to index
      %get3A_458 = arith.index_cast %mul3A_455 : i32 to index
      %get3A_459 = tpu.vector_load %arg7[%get3A_457, %get3A_458] {strides = array<i32>} : memref<8x6272xf32, #tpu.memory_space<vmem>>, vector<1x16xf32>,
      %get3A_460 = vector.shape_cast %get3A_459 : vector<1x16xf32> to vector<16xf32>
      %mul3A_461 = vector.broadcast %squeeze3A_334 : f32 to vector<16xf32>
      %mul3A_462 = arith.mulf %get3A_453, %mul3A_461 : vector<16xf32>
      %add3A_463 = vector.broadcast %squeeze3A_332 : f32 to vector<16xf32>
      %add3A_464 = arith.addf %add3A_463, %mul3A_462 : vector<16xf32>
      %mul3A_465 = arith.mulf %get3A_453, %add3A_464 : vector<16xf32>
      %add3A_466 = vector.broadcast %squeeze3A_330 : f32 to vector<16xf32>
      %add3A_467 = arith.addf %add3A_466, %mul3A_465 : vector<16xf32>
      %mul3A_468 = arith.mulf %get3A_453, %add3A_467 : vector<16xf32>
      %add3A_469 = vector.broadcast %squeeze3A_328 : f32 to vector<16xf32>
      %add3A_470 = arith.addf %add3A_469, %mul3A_468 : vector<16xf32>
      %sub3A_471 = arith.subf %add3A_470, %get3A_460 : vector<16xf32>
      %lt3A_472 = arith.cmpi slt, %scan3A_445, %select_n3A_245 : i32
      %mul3A_473 = arith.mulf %sub3A_471, %sub3A_471 : vector<16xf32>
      %jit3A_474 = arith.constant 0.000000e+00 : f32
      %broadcast_in_dim3A_475 = vector.broadcast %jit3A_474 : f32 to vector<16xf32>
      %select_n3A_476 = arith.select %lt3A_472, %mul3A_473, %broadcast_in_dim3A_475 : vector<16xf32>
      %add3A_477 = arith.addf %scan3A_446, %select_n3A_476 : vector<16xf32>
      %scan3A_478 = arith.constant 1 : i32
      %scan3A_479 = arith.addi %scan3A_445, %scan3A_478 : i32
      %mul3A_480 = arith.constant 16 : i32
      %mul3A_481 = arith.muli %scan3A_479, %mul3A_480 : i32
      %get3A_482 = arith.constant 4 : i32
      %get3A_483 = arith.index_cast %get3A_482 : i32 to index
      %get3A_484 = arith.index_cast %mul3A_481 : i32 to index
      %get3A_485 = tpu.vector_load %arg6[%get3A_483, %get3A_484] {strides = array<i32>} : memref<8x6272xf32, #tpu.memory_space<vmem>>, vector<1x16xf32>,
      %get3A_486 = vector.shape_cast %get3A_485 : vector<1x16xf32> to vector<16xf32>
      %mul3A_487 = arith.constant 16 : i32
      %mul3A_488 = arith.muli %scan3A_479, %mul3A_487 : i32
      %get3A_489 = arith.constant 4 : i32
      %get3A_490 = arith.index_cast %get3A_489 : i32 to index
      %get3A_491 = arith.index_cast %mul3A_488 : i32 to index
      %get3A_492 = tpu.vector_load %arg7[%get3A_490, %get3A_491] {strides = array<i32>} : memref<8x6272xf32, #tpu.memory_space<vmem>>, vector<1x16xf32>,
      %get3A_493 = vector.shape_cast %get3A_492 : vector<1x16xf32> to vector<16xf32>
      %mul3A_494 = vector.broadcast %squeeze3A_334 : f32 to vector<16xf32>
      %mul3A_495 = arith.mulf %get3A_486, %mul3A_494 : vector<16xf32>
      %add3A_496 = vector.broadcast %squeeze3A_332 : f32 to vector<16xf32>
      %add3A_497 = arith.addf %add3A_496, %mul3A_495 : vector<16xf32>
      %mul3A_498 = arith.mulf %get3A_486, %add3A_497 : vector<16xf32>
      %add3A_499 = vector.broadcast %squeeze3A_330 : f32 to vector<16xf32>
      %add3A_500 = arith.addf %add3A_499, %mul3A_498 : vector<16xf32>
      %mul3A_501 = arith.mulf %get3A_486, %add3A_500 : vector<16xf32>
      %add3A_502 = vector.broadcast %squeeze3A_328 : f32 to vector<16xf32>
      %add3A_503 = arith.addf %add3A_502, %mul3A_501 : vector<16xf32>
      %sub3A_504 = arith.subf %add3A_503, %get3A_493 : vector<16xf32>
      %lt3A_505 = arith.cmpi slt, %scan3A_479, %select_n3A_245 : i32
      %mul3A_506 = arith.mulf %sub3A_504, %sub3A_504 : vector<16xf32>
      %jit3A_507 = arith.constant 0.000000e+00 : f32
      %broadcast_in_dim3A_508 = vector.broadcast %jit3A_507 : f32 to vector<16xf32>
      %select_n3A_509 = arith.select %lt3A_505, %mul3A_506, %broadcast_in_dim3A_508 : vector<16xf32>
      %add3A_510 = arith.addf %add3A_477, %select_n3A_509 : vector<16xf32>
      %scan3A_511 = arith.constant 2 : i32
      %scan3A_512 = arith.addi %scan3A_445, %scan3A_511 : i32
      %mul3A_513 = arith.constant 16 : i32
      %mul3A_514 = arith.muli %scan3A_512, %mul3A_513 : i32
      %get3A_515 = arith.constant 4 : i32
      %get3A_516 = arith.index_cast %get3A_515 : i32 to index
      %get3A_517 = arith.index_cast %mul3A_514 : i32 to index
      %get3A_518 = tpu.vector_load %arg6[%get3A_516, %get3A_517] {strides = array<i32>} : memref<8x6272xf32, #tpu.memory_space<vmem>>, vector<1x16xf32>,
      %get3A_519 = vector.shape_cast %get3A_518 : vector<1x16xf32> to vector<16xf32>
      %mul3A_520 = arith.constant 16 : i32
      %mul3A_521 = arith.muli %scan3A_512, %mul3A_520 : i32
      %get3A_522 = arith.constant 4 : i32
      %get3A_523 = arith.index_cast %get3A_522 : i32 to index
      %get3A_524 = arith.index_cast %mul3A_521 : i32 to index
      %get3A_525 = tpu.vector_load %arg7[%get3A_523, %get3A_524] {strides = array<i32>} : memref<8x6272xf32, #tpu.memory_space<vmem>>, vector<1x16xf32>,
      %get3A_526 = vector.shape_cast %get3A_525 : vector<1x16xf32> to vector<16xf32>
      %mul3A_527 = vector.broadcast %squeeze3A_334 : f32 to vector<16xf32>
      %mul3A_528 = arith.mulf %get3A_519, %mul3A_527 : vector<16xf32>
      %add3A_529 = vector.broadcast %squeeze3A_332 : f32 to vector<16xf32>
      %add3A_530 = arith.addf %add3A_529, %mul3A_528 : vector<16xf32>
      %mul3A_531 = arith.mulf %get3A_519, %add3A_530 : vector<16xf32>
      %add3A_532 = vector.broadcast %squeeze3A_330 : f32 to vector<16xf32>
      %add3A_533 = arith.addf %add3A_532, %mul3A_531 : vector<16xf32>
      %mul3A_534 = arith.mulf %get3A_519, %add3A_533 : vector<16xf32>
      %add3A_535 = vector.broadcast %squeeze3A_328 : f32 to vector<16xf32>
      %add3A_536 = arith.addf %add3A_535, %mul3A_534 : vector<16xf32>
      %sub3A_537 = arith.subf %add3A_536, %get3A_526 : vector<16xf32>
      %lt3A_538 = arith.cmpi slt, %scan3A_512, %select_n3A_245 : i32
      %mul3A_539 = arith.mulf %sub3A_537, %sub3A_537 : vector<16xf32>
      %jit3A_540 = arith.constant 0.000000e+00 : f32
      %broadcast_in_dim3A_541 = vector.broadcast %jit3A_540 : f32 to vector<16xf32>
      %select_n3A_542 = arith.select %lt3A_538, %mul3A_539, %broadcast_in_dim3A_541 : vector<16xf32>
      %add3A_543 = arith.addf %add3A_510, %select_n3A_542 : vector<16xf32>
      %scan3A_544 = arith.constant 3 : i32
      %scan3A_545 = arith.addi %scan3A_445, %scan3A_544 : i32
      %mul3A_546 = arith.constant 16 : i32
      %mul3A_547 = arith.muli %scan3A_545, %mul3A_546 : i32
      %get3A_548 = arith.constant 4 : i32
      %get3A_549 = arith.index_cast %get3A_548 : i32 to index
      %get3A_550 = arith.index_cast %mul3A_547 : i32 to index
      %get3A_551 = tpu.vector_load %arg6[%get3A_549, %get3A_550] {strides = array<i32>} : memref<8x6272xf32, #tpu.memory_space<vmem>>, vector<1x16xf32>,
      %get3A_552 = vector.shape_cast %get3A_551 : vector<1x16xf32> to vector<16xf32>
      %mul3A_553 = arith.constant 16 : i32
      %mul3A_554 = arith.muli %scan3A_545, %mul3A_553 : i32
      %get3A_555 = arith.constant 4 : i32
      %get3A_556 = arith.index_cast %get3A_555 : i32 to index
      %get3A_557 = arith.index_cast %mul3A_554 : i32 to index
      %get3A_558 = tpu.vector_load %arg7[%get3A_556, %get3A_557] {strides = array<i32>} : memref<8x6272xf32, #tpu.memory_space<vmem>>, vector<1x16xf32>,
      %get3A_559 = vector.shape_cast %get3A_558 : vector<1x16xf32> to vector<16xf32>
      %mul3A_560 = vector.broadcast %squeeze3A_334 : f32 to vector<16xf32>
      %mul3A_561 = arith.mulf %get3A_552, %mul3A_560 : vector<16xf32>
      %add3A_562 = vector.broadcast %squeeze3A_332 : f32 to vector<16xf32>
      %add3A_563 = arith.addf %add3A_562, %mul3A_561 : vector<16xf32>
      %mul3A_564 = arith.mulf %get3A_552, %add3A_563 : vector<16xf32>
      %add3A_565 = vector.broadcast %squeeze3A_330 : f32 to vector<16xf32>
      %add3A_566 = arith.addf %add3A_565, %mul3A_564 : vector<16xf32>
      %mul3A_567 = arith.mulf %get3A_552, %add3A_566 : vector<16xf32>
      %add3A_568 = vector.broadcast %squeeze3A_328 : f32 to vector<16xf32>
      %add3A_569 = arith.addf %add3A_568, %mul3A_567 : vector<16xf32>
      %sub3A_570 = arith.subf %add3A_569, %get3A_559 : vector<16xf32>
      %lt3A_571 = arith.cmpi slt, %scan3A_545, %select_n3A_245 : i32
      %mul3A_572 = arith.mulf %sub3A_570, %sub3A_570 : vector<16xf32>
      %jit3A_573 = arith.constant 0.000000e+00 : f32
      %broadcast_in_dim3A_574 = vector.broadcast %jit3A_573 : f32 to vector<16xf32>
      %select_n3A_575 = arith.select %lt3A_571, %mul3A_572, %broadcast_in_dim3A_574 : vector<16xf32>
      %add3A_576 = arith.addf %add3A_543, %select_n3A_575 : vector<16xf32>
      %scan3A_577 = arith.constant 4 : i32
      %scan3A_578 = arith.addi %scan3A_445, %scan3A_577 : i32
      %mul3A_579 = arith.constant 16 : i32
      %mul3A_580 = arith.muli %scan3A_578, %mul3A_579 : i32
      %get3A_581 = arith.constant 4 : i32
      %get3A_582 = arith.index_cast %get3A_581 : i32 to index
      %get3A_583 = arith.index_cast %mul3A_580 : i32 to index
      %get3A_584 = tpu.vector_load %arg6[%get3A_582, %get3A_583] {strides = array<i32>} : memref<8x6272xf32, #tpu.memory_space<vmem>>, vector<1x16xf32>,
      %get3A_585 = vector.shape_cast %get3A_584 : vector<1x16xf32> to vector<16xf32>
      %mul3A_586 = arith.constant 16 : i32
      %mul3A_587 = arith.muli %scan3A_578, %mul3A_586 : i32
      %get3A_588 = arith.constant 4 : i32
      %get3A_589 = arith.index_cast %get3A_588 : i32 to index
      %get3A_590 = arith.index_cast %mul3A_587 : i32 to index
      %get3A_591 = tpu.vector_load %arg7[%get3A_589, %get3A_590] {strides = array<i32>} : memref<8x6272xf32, #tpu.memory_space<vmem>>, vector<1x16xf32>,
      %get3A_592 = vector.shape_cast %get3A_591 : vector<1x16xf32> to vector<16xf32>
      %mul3A_593 = vector.broadcast %squeeze3A_334 : f32 to vector<16xf32>
      %mul3A_594 = arith.mulf %get3A_585, %mul3A_593 : vector<16xf32>
      %add3A_595 = vector.broadcast %squeeze3A_332 : f32 to vector<16xf32>
      %add3A_596 = arith.addf %add3A_595, %mul3A_594 : vector<16xf32>
      %mul3A_597 = arith.mulf %get3A_585, %add3A_596 : vector<16xf32>
      %add3A_598 = vector.broadcast %squeeze3A_330 : f32 to vector<16xf32>
      %add3A_599 = arith.addf %add3A_598, %mul3A_597 : vector<16xf32>
      %mul3A_600 = arith.mulf %get3A_585, %add3A_599 : vector<16xf32>
      %add3A_601 = vector.broadcast %squeeze3A_328 : f32 to vector<16xf32>
      %add3A_602 = arith.addf %add3A_601, %mul3A_600 : vector<16xf32>
      %sub3A_603 = arith.subf %add3A_602, %get3A_592 : vector<16xf32>
      %lt3A_604 = arith.cmpi slt, %scan3A_578, %select_n3A_245 : i32
      %mul3A_605 = arith.mulf %sub3A_603, %sub3A_603 : vector<16xf32>
      %jit3A_606 = arith.constant 0.000000e+00 : f32
      %broadcast_in_dim3A_607 = vector.broadcast %jit3A_606 : f32 to vector<16xf32>
      %select_n3A_608 = arith.select %lt3A_604, %mul3A_605, %broadcast_in_dim3A_607 : vector<16xf32>
      %add3A_609 = arith.addf %add3A_576, %select_n3A_608 : vector<16xf32>
      %scan3A_610 = arith.constant 5 : i32
      %scan3A_611 = arith.addi %scan3A_445, %scan3A_610 : i32
      %mul3A_612 = arith.constant 16 : i32
      %mul3A_613 = arith.muli %scan3A_611, %mul3A_612 : i32
      %get3A_614 = arith.constant 4 : i32
      %get3A_615 = arith.index_cast %get3A_614 : i32 to index
      %get3A_616 = arith.index_cast %mul3A_613 : i32 to index
      %get3A_617 = tpu.vector_load %arg6[%get3A_615, %get3A_616] {strides = array<i32>} : memref<8x6272xf32, #tpu.memory_space<vmem>>, vector<1x16xf32>,
      %get3A_618 = vector.shape_cast %get3A_617 : vector<1x16xf32> to vector<16xf32>
      %mul3A_619 = arith.constant 16 : i32
      %mul3A_620 = arith.muli %scan3A_611, %mul3A_619 : i32
      %get3A_621 = arith.constant 4 : i32
      %get3A_622 = arith.index_cast %get3A_621 : i32 to index
      %get3A_623 = arith.index_cast %mul3A_620 : i32 to index
      %get3A_624 = tpu.vector_load %arg7[%get3A_622, %get3A_623] {strides = array<i32>} : memref<8x6272xf32, #tpu.memory_space<vmem>>, vector<1x16xf32>,
      %get3A_625 = vector.shape_cast %get3A_624 : vector<1x16xf32> to vector<16xf32>
      %mul3A_626 = vector.broadcast %squeeze3A_334 : f32 to vector<16xf32>
      %mul3A_627 = arith.mulf %get3A_618, %mul3A_626 : vector<16xf32>
      %add3A_628 = vector.broadcast %squeeze3A_332 : f32 to vector<16xf32>
      %add3A_629 = arith.addf %add3A_628, %mul3A_627 : vector<16xf32>
      %mul3A_630 = arith.mulf %get3A_618, %add3A_629 : vector<16xf32>
      %add3A_631 = vector.broadcast %squeeze3A_330 : f32 to vector<16xf32>
      %add3A_632 = arith.addf %add3A_631, %mul3A_630 : vector<16xf32>
      %mul3A_633 = arith.mulf %get3A_618, %add3A_632 : vector<16xf32>
      %add3A_634 = vector.broadcast %squeeze3A_328 : f32 to vector<16xf32>
      %add3A_635 = arith.addf %add3A_634, %mul3A_633 : vector<16xf32>
      %sub3A_636 = arith.subf %add3A_635, %get3A_625 : vector<16xf32>
      %lt3A_637 = arith.cmpi slt, %scan3A_611, %select_n3A_245 : i32
      %mul3A_638 = arith.mulf %sub3A_636, %sub3A_636 : vector<16xf32>
      %jit3A_639 = arith.constant 0.000000e+00 : f32
      %broadcast_in_dim3A_640 = vector.broadcast %jit3A_639 : f32 to vector<16xf32>
      %select_n3A_641 = arith.select %lt3A_637, %mul3A_638, %broadcast_in_dim3A_640 : vector<16xf32>
      %add3A_642 = arith.addf %add3A_609, %select_n3A_641 : vector<16xf32>
      %scan3A_643 = arith.constant 6 : i32
      %scan3A_644 = arith.addi %scan3A_445, %scan3A_643 : i32
      %mul3A_645 = arith.constant 16 : i32
      %mul3A_646 = arith.muli %scan3A_644, %mul3A_645 : i32
      %get3A_647 = arith.constant 4 : i32
      %get3A_648 = arith.index_cast %get3A_647 : i32 to index
      %get3A_649 = arith.index_cast %mul3A_646 : i32 to index
      %get3A_650 = tpu.vector_load %arg6[%get3A_648, %get3A_649] {strides = array<i32>} : memref<8x6272xf32, #tpu.memory_space<vmem>>, vector<1x16xf32>,
      %get3A_651 = vector.shape_cast %get3A_650 : vector<1x16xf32> to vector<16xf32>
      %mul3A_652 = arith.constant 16 : i32
      %mul3A_653 = arith.muli %scan3A_644, %mul3A_652 : i32
      %get3A_654 = arith.constant 4 : i32
      %get3A_655 = arith.index_cast %get3A_654 : i32 to index
      %get3A_656 = arith.index_cast %mul3A_653 : i32 to index
      %get3A_657 = tpu.vector_load %arg7[%get3A_655, %get3A_656] {strides = array<i32>} : memref<8x6272xf32, #tpu.memory_space<vmem>>, vector<1x16xf32>,
      %get3A_658 = vector.shape_cast %get3A_657 : vector<1x16xf32> to vector<16xf32>
      %mul3A_659 = vector.broadcast %squeeze3A_334 : f32 to vector<16xf32>
      %mul3A_660 = arith.mulf %get3A_651, %mul3A_659 : vector<16xf32>
      %add3A_661 = vector.broadcast %squeeze3A_332 : f32 to vector<16xf32>
      %add3A_662 = arith.addf %add3A_661, %mul3A_660 : vector<16xf32>
      %mul3A_663 = arith.mulf %get3A_651, %add3A_662 : vector<16xf32>
      %add3A_664 = vector.broadcast %squeeze3A_330 : f32 to vector<16xf32>
      %add3A_665 = arith.addf %add3A_664, %mul3A_663 : vector<16xf32>
      %mul3A_666 = arith.mulf %get3A_651, %add3A_665 : vector<16xf32>
      %add3A_667 = vector.broadcast %squeeze3A_328 : f32 to vector<16xf32>
      %add3A_668 = arith.addf %add3A_667, %mul3A_666 : vector<16xf32>
      %sub3A_669 = arith.subf %add3A_668, %get3A_658 : vector<16xf32>
      %lt3A_670 = arith.cmpi slt, %scan3A_644, %select_n3A_245 : i32
      %mul3A_671 = arith.mulf %sub3A_669, %sub3A_669 : vector<16xf32>
      %jit3A_672 = arith.constant 0.000000e+00 : f32
      %broadcast_in_dim3A_673 = vector.broadcast %jit3A_672 : f32 to vector<16xf32>
      %select_n3A_674 = arith.select %lt3A_670, %mul3A_671, %broadcast_in_dim3A_673 : vector<16xf32>
      %add3A_675 = arith.addf %add3A_642, %select_n3A_674 : vector<16xf32>
      %scan3A_676 = arith.constant 7 : i32
      %scan3A_677 = arith.addi %scan3A_445, %scan3A_676 : i32
      %mul3A_678 = arith.constant 16 : i32
      %mul3A_679 = arith.muli %scan3A_677, %mul3A_678 : i32
      %get3A_680 = arith.constant 4 : i32
      %get3A_681 = arith.index_cast %get3A_680 : i32 to index
      %get3A_682 = arith.index_cast %mul3A_679 : i32 to index
      %get3A_683 = tpu.vector_load %arg6[%get3A_681, %get3A_682] {strides = array<i32>} : memref<8x6272xf32, #tpu.memory_space<vmem>>, vector<1x16xf32>,
      %get3A_684 = vector.shape_cast %get3A_683 : vector<1x16xf32> to vector<16xf32>
      %mul3A_685 = arith.constant 16 : i32
      %mul3A_686 = arith.muli %scan3A_677, %mul3A_685 : i32
      %get3A_687 = arith.constant 4 : i32
      %get3A_688 = arith.index_cast %get3A_687 : i32 to index
      %get3A_689 = arith.index_cast %mul3A_686 : i32 to index
      %get3A_690 = tpu.vector_load %arg7[%get3A_688, %get3A_689] {strides = array<i32>} : memref<8x6272xf32, #tpu.memory_space<vmem>>, vector<1x16xf32>,
      %get3A_691 = vector.shape_cast %get3A_690 : vector<1x16xf32> to vector<16xf32>
      %mul3A_692 = vector.broadcast %squeeze3A_334 : f32 to vector<16xf32>
      %mul3A_693 = arith.mulf %get3A_684, %mul3A_692 : vector<16xf32>
      %add3A_694 = vector.broadcast %squeeze3A_332 : f32 to vector<16xf32>
      %add3A_695 = arith.addf %add3A_694, %mul3A_693 : vector<16xf32>
      %mul3A_696 = arith.mulf %get3A_684, %add3A_695 : vector<16xf32>
      %add3A_697 = vector.broadcast %squeeze3A_330 : f32 to vector<16xf32>
      %add3A_698 = arith.addf %add3A_697, %mul3A_696 : vector<16xf32>
      %mul3A_699 = arith.mulf %get3A_684, %add3A_698 : vector<16xf32>
      %add3A_700 = vector.broadcast %squeeze3A_328 : f32 to vector<16xf32>
      %add3A_701 = arith.addf %add3A_700, %mul3A_699 : vector<16xf32>
      %sub3A_702 = arith.subf %add3A_701, %get3A_691 : vector<16xf32>
      %lt3A_703 = arith.cmpi slt, %scan3A_677, %select_n3A_245 : i32
      %mul3A_704 = arith.mulf %sub3A_702, %sub3A_702 : vector<16xf32>
      %jit3A_705 = arith.constant 0.000000e+00 : f32
      %broadcast_in_dim3A_706 = vector.broadcast %jit3A_705 : f32 to vector<16xf32>
      %select_n3A_707 = arith.select %lt3A_703, %mul3A_704, %broadcast_in_dim3A_706 : vector<16xf32>
      %add3A_708 = arith.addf %add3A_675, %select_n3A_707 : vector<16xf32>
      scf.yield %add3A_708 : vector<16xf32>
    }
    %scan3A_340 = arith.constant 392 : i32
    %get3A_341 = arith.constant 5 : i32
    %get3A_342 = arith.index_cast %get3A_341 : i32 to index
    %get3A_343 = arith.constant 0 : index
    %get3A_344 = tpu.vector_load %arg8[%get3A_342, %get3A_343] {strides = array<i32>} : memref<8x16xf32, #tpu.memory_space<vmem>>, vector<1x16xf32>,
    %get3A_345 = vector.shape_cast %get3A_344 : vector<1x16xf32> to vector<16xf32>
    %slice3A_346 = vector.extract_strided_slice %get3A_345 {offsets = [0], sizes = [1], strides = [1]} : vector<16xf32> to vector<1xf32>
    %squeeze3A_347 = vector.extract %slice3A_346[0] : f32 from vector<1xf32>
    %slice3A_348 = vector.extract_strided_slice %get3A_345 {offsets = [1], sizes = [1], strides = [1]} : vector<16xf32> to vector<1xf32>
    %squeeze3A_349 = vector.extract %slice3A_348[0] : f32 from vector<1xf32>
    %slice3A_350 = vector.extract_strided_slice %get3A_345 {offsets = [2], sizes = [1], strides = [1]} : vector<16xf32> to vector<1xf32>
    %squeeze3A_351 = vector.extract %slice3A_350[0] : f32 from vector<1xf32>
    %slice3A_352 = vector.extract_strided_slice %get3A_345 {offsets = [3], sizes = [1], strides = [1]} : vector<16xf32> to vector<1xf32>
    %squeeze3A_353 = vector.extract %slice3A_352[0] : f32 from vector<1xf32>
    %scan3A_354 = arith.constant 0 : i32
    %scan3A_355 = arith.constant 392 : i32
    %scan3A_356 = arith.addi %scan3A_354, %scan3A_355 : i32
    %scan3A_357 = arith.constant 8 : i32
    %scan3A_358 = scf.for %scan3A_445 = %scan3A_354 to %scan3A_356 step %scan3A_357 iter_args(%scan3A_446 = %scan3A_179) -> (vector<16xf32>)  : i32 {
      %mul3A_447 = arith.constant 16 : i32
      %mul3A_448 = arith.muli %scan3A_445, %mul3A_447 : i32
      %get3A_449 = arith.constant 5 : i32
      %get3A_450 = arith.index_cast %get3A_449 : i32 to index
      %get3A_451 = arith.index_cast %mul3A_448 : i32 to index
      %get3A_452 = tpu.vector_load %arg6[%get3A_450, %get3A_451] {strides = array<i32>} : memref<8x6272xf32, #tpu.memory_space<vmem>>, vector<1x16xf32>,
      %get3A_453 = vector.shape_cast %get3A_452 : vector<1x16xf32> to vector<16xf32>
      %mul3A_454 = arith.constant 16 : i32
      %mul3A_455 = arith.muli %scan3A_445, %mul3A_454 : i32
      %get3A_456 = arith.constant 5 : i32
      %get3A_457 = arith.index_cast %get3A_456 : i32 to index
      %get3A_458 = arith.index_cast %mul3A_455 : i32 to index
      %get3A_459 = tpu.vector_load %arg7[%get3A_457, %get3A_458] {strides = array<i32>} : memref<8x6272xf32, #tpu.memory_space<vmem>>, vector<1x16xf32>,
      %get3A_460 = vector.shape_cast %get3A_459 : vector<1x16xf32> to vector<16xf32>
      %mul3A_461 = vector.broadcast %squeeze3A_353 : f32 to vector<16xf32>
      %mul3A_462 = arith.mulf %get3A_453, %mul3A_461 : vector<16xf32>
      %add3A_463 = vector.broadcast %squeeze3A_351 : f32 to vector<16xf32>
      %add3A_464 = arith.addf %add3A_463, %mul3A_462 : vector<16xf32>
      %mul3A_465 = arith.mulf %get3A_453, %add3A_464 : vector<16xf32>
      %add3A_466 = vector.broadcast %squeeze3A_349 : f32 to vector<16xf32>
      %add3A_467 = arith.addf %add3A_466, %mul3A_465 : vector<16xf32>
      %mul3A_468 = arith.mulf %get3A_453, %add3A_467 : vector<16xf32>
      %add3A_469 = vector.broadcast %squeeze3A_347 : f32 to vector<16xf32>
      %add3A_470 = arith.addf %add3A_469, %mul3A_468 : vector<16xf32>
      %sub3A_471 = arith.subf %add3A_470, %get3A_460 : vector<16xf32>
      %lt3A_472 = arith.cmpi slt, %scan3A_445, %select_n3A_245 : i32
      %mul3A_473 = arith.mulf %sub3A_471, %sub3A_471 : vector<16xf32>
      %jit3A_474 = arith.constant 0.000000e+00 : f32
      %broadcast_in_dim3A_475 = vector.broadcast %jit3A_474 : f32 to vector<16xf32>
      %select_n3A_476 = arith.select %lt3A_472, %mul3A_473, %broadcast_in_dim3A_475 : vector<16xf32>
      %add3A_477 = arith.addf %scan3A_446, %select_n3A_476 : vector<16xf32>
      %scan3A_478 = arith.constant 1 : i32
      %scan3A_479 = arith.addi %scan3A_445, %scan3A_478 : i32
      %mul3A_480 = arith.constant 16 : i32
      %mul3A_481 = arith.muli %scan3A_479, %mul3A_480 : i32
      %get3A_482 = arith.constant 5 : i32
      %get3A_483 = arith.index_cast %get3A_482 : i32 to index
      %get3A_484 = arith.index_cast %mul3A_481 : i32 to index
      %get3A_485 = tpu.vector_load %arg6[%get3A_483, %get3A_484] {strides = array<i32>} : memref<8x6272xf32, #tpu.memory_space<vmem>>, vector<1x16xf32>,
      %get3A_486 = vector.shape_cast %get3A_485 : vector<1x16xf32> to vector<16xf32>
      %mul3A_487 = arith.constant 16 : i32
      %mul3A_488 = arith.muli %scan3A_479, %mul3A_487 : i32
      %get3A_489 = arith.constant 5 : i32
      %get3A_490 = arith.index_cast %get3A_489 : i32 to index
      %get3A_491 = arith.index_cast %mul3A_488 : i32 to index
      %get3A_492 = tpu.vector_load %arg7[%get3A_490, %get3A_491] {strides = array<i32>} : memref<8x6272xf32, #tpu.memory_space<vmem>>, vector<1x16xf32>,
      %get3A_493 = vector.shape_cast %get3A_492 : vector<1x16xf32> to vector<16xf32>
      %mul3A_494 = vector.broadcast %squeeze3A_353 : f32 to vector<16xf32>
      %mul3A_495 = arith.mulf %get3A_486, %mul3A_494 : vector<16xf32>
      %add3A_496 = vector.broadcast %squeeze3A_351 : f32 to vector<16xf32>
      %add3A_497 = arith.addf %add3A_496, %mul3A_495 : vector<16xf32>
      %mul3A_498 = arith.mulf %get3A_486, %add3A_497 : vector<16xf32>
      %add3A_499 = vector.broadcast %squeeze3A_349 : f32 to vector<16xf32>
      %add3A_500 = arith.addf %add3A_499, %mul3A_498 : vector<16xf32>
      %mul3A_501 = arith.mulf %get3A_486, %add3A_500 : vector<16xf32>
      %add3A_502 = vector.broadcast %squeeze3A_347 : f32 to vector<16xf32>
      %add3A_503 = arith.addf %add3A_502, %mul3A_501 : vector<16xf32>
      %sub3A_504 = arith.subf %add3A_503, %get3A_493 : vector<16xf32>
      %lt3A_505 = arith.cmpi slt, %scan3A_479, %select_n3A_245 : i32
      %mul3A_506 = arith.mulf %sub3A_504, %sub3A_504 : vector<16xf32>
      %jit3A_507 = arith.constant 0.000000e+00 : f32
      %broadcast_in_dim3A_508 = vector.broadcast %jit3A_507 : f32 to vector<16xf32>
      %select_n3A_509 = arith.select %lt3A_505, %mul3A_506, %broadcast_in_dim3A_508 : vector<16xf32>
      %add3A_510 = arith.addf %add3A_477, %select_n3A_509 : vector<16xf32>
      %scan3A_511 = arith.constant 2 : i32
      %scan3A_512 = arith.addi %scan3A_445, %scan3A_511 : i32
      %mul3A_513 = arith.constant 16 : i32
      %mul3A_514 = arith.muli %scan3A_512, %mul3A_513 : i32
      %get3A_515 = arith.constant 5 : i32
      %get3A_516 = arith.index_cast %get3A_515 : i32 to index
      %get3A_517 = arith.index_cast %mul3A_514 : i32 to index
      %get3A_518 = tpu.vector_load %arg6[%get3A_516, %get3A_517] {strides = array<i32>} : memref<8x6272xf32, #tpu.memory_space<vmem>>, vector<1x16xf32>,
      %get3A_519 = vector.shape_cast %get3A_518 : vector<1x16xf32> to vector<16xf32>
      %mul3A_520 = arith.constant 16 : i32
      %mul3A_521 = arith.muli %scan3A_512, %mul3A_520 : i32
      %get3A_522 = arith.constant 5 : i32
      %get3A_523 = arith.index_cast %get3A_522 : i32 to index
      %get3A_524 = arith.index_cast %mul3A_521 : i32 to index
      %get3A_525 = tpu.vector_load %arg7[%get3A_523, %get3A_524] {strides = array<i32>} : memref<8x6272xf32, #tpu.memory_space<vmem>>, vector<1x16xf32>,
      %get3A_526 = vector.shape_cast %get3A_525 : vector<1x16xf32> to vector<16xf32>
      %mul3A_527 = vector.broadcast %squeeze3A_353 : f32 to vector<16xf32>
      %mul3A_528 = arith.mulf %get3A_519, %mul3A_527 : vector<16xf32>
      %add3A_529 = vector.broadcast %squeeze3A_351 : f32 to vector<16xf32>
      %add3A_530 = arith.addf %add3A_529, %mul3A_528 : vector<16xf32>
      %mul3A_531 = arith.mulf %get3A_519, %add3A_530 : vector<16xf32>
      %add3A_532 = vector.broadcast %squeeze3A_349 : f32 to vector<16xf32>
      %add3A_533 = arith.addf %add3A_532, %mul3A_531 : vector<16xf32>
      %mul3A_534 = arith.mulf %get3A_519, %add3A_533 : vector<16xf32>
      %add3A_535 = vector.broadcast %squeeze3A_347 : f32 to vector<16xf32>
      %add3A_536 = arith.addf %add3A_535, %mul3A_534 : vector<16xf32>
      %sub3A_537 = arith.subf %add3A_536, %get3A_526 : vector<16xf32>
      %lt3A_538 = arith.cmpi slt, %scan3A_512, %select_n3A_245 : i32
      %mul3A_539 = arith.mulf %sub3A_537, %sub3A_537 : vector<16xf32>
      %jit3A_540 = arith.constant 0.000000e+00 : f32
      %broadcast_in_dim3A_541 = vector.broadcast %jit3A_540 : f32 to vector<16xf32>
      %select_n3A_542 = arith.select %lt3A_538, %mul3A_539, %broadcast_in_dim3A_541 : vector<16xf32>
      %add3A_543 = arith.addf %add3A_510, %select_n3A_542 : vector<16xf32>
      %scan3A_544 = arith.constant 3 : i32
      %scan3A_545 = arith.addi %scan3A_445, %scan3A_544 : i32
      %mul3A_546 = arith.constant 16 : i32
      %mul3A_547 = arith.muli %scan3A_545, %mul3A_546 : i32
      %get3A_548 = arith.constant 5 : i32
      %get3A_549 = arith.index_cast %get3A_548 : i32 to index
      %get3A_550 = arith.index_cast %mul3A_547 : i32 to index
      %get3A_551 = tpu.vector_load %arg6[%get3A_549, %get3A_550] {strides = array<i32>} : memref<8x6272xf32, #tpu.memory_space<vmem>>, vector<1x16xf32>,
      %get3A_552 = vector.shape_cast %get3A_551 : vector<1x16xf32> to vector<16xf32>
      %mul3A_553 = arith.constant 16 : i32
      %mul3A_554 = arith.muli %scan3A_545, %mul3A_553 : i32
      %get3A_555 = arith.constant 5 : i32
      %get3A_556 = arith.index_cast %get3A_555 : i32 to index
      %get3A_557 = arith.index_cast %mul3A_554 : i32 to index
      %get3A_558 = tpu.vector_load %arg7[%get3A_556, %get3A_557] {strides = array<i32>} : memref<8x6272xf32, #tpu.memory_space<vmem>>, vector<1x16xf32>,
      %get3A_559 = vector.shape_cast %get3A_558 : vector<1x16xf32> to vector<16xf32>
      %mul3A_560 = vector.broadcast %squeeze3A_353 : f32 to vector<16xf32>
      %mul3A_561 = arith.mulf %get3A_552, %mul3A_560 : vector<16xf32>
      %add3A_562 = vector.broadcast %squeeze3A_351 : f32 to vector<16xf32>
      %add3A_563 = arith.addf %add3A_562, %mul3A_561 : vector<16xf32>
      %mul3A_564 = arith.mulf %get3A_552, %add3A_563 : vector<16xf32>
      %add3A_565 = vector.broadcast %squeeze3A_349 : f32 to vector<16xf32>
      %add3A_566 = arith.addf %add3A_565, %mul3A_564 : vector<16xf32>
      %mul3A_567 = arith.mulf %get3A_552, %add3A_566 : vector<16xf32>
      %add3A_568 = vector.broadcast %squeeze3A_347 : f32 to vector<16xf32>
      %add3A_569 = arith.addf %add3A_568, %mul3A_567 : vector<16xf32>
      %sub3A_570 = arith.subf %add3A_569, %get3A_559 : vector<16xf32>
      %lt3A_571 = arith.cmpi slt, %scan3A_545, %select_n3A_245 : i32
      %mul3A_572 = arith.mulf %sub3A_570, %sub3A_570 : vector<16xf32>
      %jit3A_573 = arith.constant 0.000000e+00 : f32
      %broadcast_in_dim3A_574 = vector.broadcast %jit3A_573 : f32 to vector<16xf32>
      %select_n3A_575 = arith.select %lt3A_571, %mul3A_572, %broadcast_in_dim3A_574 : vector<16xf32>
      %add3A_576 = arith.addf %add3A_543, %select_n3A_575 : vector<16xf32>
      %scan3A_577 = arith.constant 4 : i32
      %scan3A_578 = arith.addi %scan3A_445, %scan3A_577 : i32
      %mul3A_579 = arith.constant 16 : i32
      %mul3A_580 = arith.muli %scan3A_578, %mul3A_579 : i32
      %get3A_581 = arith.constant 5 : i32
      %get3A_582 = arith.index_cast %get3A_581 : i32 to index
      %get3A_583 = arith.index_cast %mul3A_580 : i32 to index
      %get3A_584 = tpu.vector_load %arg6[%get3A_582, %get3A_583] {strides = array<i32>} : memref<8x6272xf32, #tpu.memory_space<vmem>>, vector<1x16xf32>,
      %get3A_585 = vector.shape_cast %get3A_584 : vector<1x16xf32> to vector<16xf32>
      %mul3A_586 = arith.constant 16 : i32
      %mul3A_587 = arith.muli %scan3A_578, %mul3A_586 : i32
      %get3A_588 = arith.constant 5 : i32
      %get3A_589 = arith.index_cast %get3A_588 : i32 to index
      %get3A_590 = arith.index_cast %mul3A_587 : i32 to index
      %get3A_591 = tpu.vector_load %arg7[%get3A_589, %get3A_590] {strides = array<i32>} : memref<8x6272xf32, #tpu.memory_space<vmem>>, vector<1x16xf32>,
      %get3A_592 = vector.shape_cast %get3A_591 : vector<1x16xf32> to vector<16xf32>
      %mul3A_593 = vector.broadcast %squeeze3A_353 : f32 to vector<16xf32>
      %mul3A_594 = arith.mulf %get3A_585, %mul3A_593 : vector<16xf32>
      %add3A_595 = vector.broadcast %squeeze3A_351 : f32 to vector<16xf32>
      %add3A_596 = arith.addf %add3A_595, %mul3A_594 : vector<16xf32>
      %mul3A_597 = arith.mulf %get3A_585, %add3A_596 : vector<16xf32>
      %add3A_598 = vector.broadcast %squeeze3A_349 : f32 to vector<16xf32>
      %add3A_599 = arith.addf %add3A_598, %mul3A_597 : vector<16xf32>
      %mul3A_600 = arith.mulf %get3A_585, %add3A_599 : vector<16xf32>
      %add3A_601 = vector.broadcast %squeeze3A_347 : f32 to vector<16xf32>
      %add3A_602 = arith.addf %add3A_601, %mul3A_600 : vector<16xf32>
      %sub3A_603 = arith.subf %add3A_602, %get3A_592 : vector<16xf32>
      %lt3A_604 = arith.cmpi slt, %scan3A_578, %select_n3A_245 : i32
      %mul3A_605 = arith.mulf %sub3A_603, %sub3A_603 : vector<16xf32>
      %jit3A_606 = arith.constant 0.000000e+00 : f32
      %broadcast_in_dim3A_607 = vector.broadcast %jit3A_606 : f32 to vector<16xf32>
      %select_n3A_608 = arith.select %lt3A_604, %mul3A_605, %broadcast_in_dim3A_607 : vector<16xf32>
      %add3A_609 = arith.addf %add3A_576, %select_n3A_608 : vector<16xf32>
      %scan3A_610 = arith.constant 5 : i32
      %scan3A_611 = arith.addi %scan3A_445, %scan3A_610 : i32
      %mul3A_612 = arith.constant 16 : i32
      %mul3A_613 = arith.muli %scan3A_611, %mul3A_612 : i32
      %get3A_614 = arith.constant 5 : i32
      %get3A_615 = arith.index_cast %get3A_614 : i32 to index
      %get3A_616 = arith.index_cast %mul3A_613 : i32 to index
      %get3A_617 = tpu.vector_load %arg6[%get3A_615, %get3A_616] {strides = array<i32>} : memref<8x6272xf32, #tpu.memory_space<vmem>>, vector<1x16xf32>,
      %get3A_618 = vector.shape_cast %get3A_617 : vector<1x16xf32> to vector<16xf32>
      %mul3A_619 = arith.constant 16 : i32
      %mul3A_620 = arith.muli %scan3A_611, %mul3A_619 : i32
      %get3A_621 = arith.constant 5 : i32
      %get3A_622 = arith.index_cast %get3A_621 : i32 to index
      %get3A_623 = arith.index_cast %mul3A_620 : i32 to index
      %get3A_624 = tpu.vector_load %arg7[%get3A_622, %get3A_623] {strides = array<i32>} : memref<8x6272xf32, #tpu.memory_space<vmem>>, vector<1x16xf32>,
      %get3A_625 = vector.shape_cast %get3A_624 : vector<1x16xf32> to vector<16xf32>
      %mul3A_626 = vector.broadcast %squeeze3A_353 : f32 to vector<16xf32>
      %mul3A_627 = arith.mulf %get3A_618, %mul3A_626 : vector<16xf32>
      %add3A_628 = vector.broadcast %squeeze3A_351 : f32 to vector<16xf32>
      %add3A_629 = arith.addf %add3A_628, %mul3A_627 : vector<16xf32>
      %mul3A_630 = arith.mulf %get3A_618, %add3A_629 : vector<16xf32>
      %add3A_631 = vector.broadcast %squeeze3A_349 : f32 to vector<16xf32>
      %add3A_632 = arith.addf %add3A_631, %mul3A_630 : vector<16xf32>
      %mul3A_633 = arith.mulf %get3A_618, %add3A_632 : vector<16xf32>
      %add3A_634 = vector.broadcast %squeeze3A_347 : f32 to vector<16xf32>
      %add3A_635 = arith.addf %add3A_634, %mul3A_633 : vector<16xf32>
      %sub3A_636 = arith.subf %add3A_635, %get3A_625 : vector<16xf32>
      %lt3A_637 = arith.cmpi slt, %scan3A_611, %select_n3A_245 : i32
      %mul3A_638 = arith.mulf %sub3A_636, %sub3A_636 : vector<16xf32>
      %jit3A_639 = arith.constant 0.000000e+00 : f32
      %broadcast_in_dim3A_640 = vector.broadcast %jit3A_639 : f32 to vector<16xf32>
      %select_n3A_641 = arith.select %lt3A_637, %mul3A_638, %broadcast_in_dim3A_640 : vector<16xf32>
      %add3A_642 = arith.addf %add3A_609, %select_n3A_641 : vector<16xf32>
      %scan3A_643 = arith.constant 6 : i32
      %scan3A_644 = arith.addi %scan3A_445, %scan3A_643 : i32
      %mul3A_645 = arith.constant 16 : i32
      %mul3A_646 = arith.muli %scan3A_644, %mul3A_645 : i32
      %get3A_647 = arith.constant 5 : i32
      %get3A_648 = arith.index_cast %get3A_647 : i32 to index
      %get3A_649 = arith.index_cast %mul3A_646 : i32 to index
      %get3A_650 = tpu.vector_load %arg6[%get3A_648, %get3A_649] {strides = array<i32>} : memref<8x6272xf32, #tpu.memory_space<vmem>>, vector<1x16xf32>,
      %get3A_651 = vector.shape_cast %get3A_650 : vector<1x16xf32> to vector<16xf32>
      %mul3A_652 = arith.constant 16 : i32
      %mul3A_653 = arith.muli %scan3A_644, %mul3A_652 : i32
      %get3A_654 = arith.constant 5 : i32
      %get3A_655 = arith.index_cast %get3A_654 : i32 to index
      %get3A_656 = arith.index_cast %mul3A_653 : i32 to index
      %get3A_657 = tpu.vector_load %arg7[%get3A_655, %get3A_656] {strides = array<i32>} : memref<8x6272xf32, #tpu.memory_space<vmem>>, vector<1x16xf32>,
      %get3A_658 = vector.shape_cast %get3A_657 : vector<1x16xf32> to vector<16xf32>
      %mul3A_659 = vector.broadcast %squeeze3A_353 : f32 to vector<16xf32>
      %mul3A_660 = arith.mulf %get3A_651, %mul3A_659 : vector<16xf32>
      %add3A_661 = vector.broadcast %squeeze3A_351 : f32 to vector<16xf32>
      %add3A_662 = arith.addf %add3A_661, %mul3A_660 : vector<16xf32>
      %mul3A_663 = arith.mulf %get3A_651, %add3A_662 : vector<16xf32>
      %add3A_664 = vector.broadcast %squeeze3A_349 : f32 to vector<16xf32>
      %add3A_665 = arith.addf %add3A_664, %mul3A_663 : vector<16xf32>
      %mul3A_666 = arith.mulf %get3A_651, %add3A_665 : vector<16xf32>
      %add3A_667 = vector.broadcast %squeeze3A_347 : f32 to vector<16xf32>
      %add3A_668 = arith.addf %add3A_667, %mul3A_666 : vector<16xf32>
      %sub3A_669 = arith.subf %add3A_668, %get3A_658 : vector<16xf32>
      %lt3A_670 = arith.cmpi slt, %scan3A_644, %select_n3A_245 : i32
      %mul3A_671 = arith.mulf %sub3A_669, %sub3A_669 : vector<16xf32>
      %jit3A_672 = arith.constant 0.000000e+00 : f32
      %broadcast_in_dim3A_673 = vector.broadcast %jit3A_672 : f32 to vector<16xf32>
      %select_n3A_674 = arith.select %lt3A_670, %mul3A_671, %broadcast_in_dim3A_673 : vector<16xf32>
      %add3A_675 = arith.addf %add3A_642, %select_n3A_674 : vector<16xf32>
      %scan3A_676 = arith.constant 7 : i32
      %scan3A_677 = arith.addi %scan3A_445, %scan3A_676 : i32
      %mul3A_678 = arith.constant 16 : i32
      %mul3A_679 = arith.muli %scan3A_677, %mul3A_678 : i32
      %get3A_680 = arith.constant 5 : i32
      %get3A_681 = arith.index_cast %get3A_680 : i32 to index
      %get3A_682 = arith.index_cast %mul3A_679 : i32 to index
      %get3A_683 = tpu.vector_load %arg6[%get3A_681, %get3A_682] {strides = array<i32>} : memref<8x6272xf32, #tpu.memory_space<vmem>>, vector<1x16xf32>,
      %get3A_684 = vector.shape_cast %get3A_683 : vector<1x16xf32> to vector<16xf32>
      %mul3A_685 = arith.constant 16 : i32
      %mul3A_686 = arith.muli %scan3A_677, %mul3A_685 : i32
      %get3A_687 = arith.constant 5 : i32
      %get3A_688 = arith.index_cast %get3A_687 : i32 to index
      %get3A_689 = arith.index_cast %mul3A_686 : i32 to index
      %get3A_690 = tpu.vector_load %arg7[%get3A_688, %get3A_689] {strides = array<i32>} : memref<8x6272xf32, #tpu.memory_space<vmem>>, vector<1x16xf32>,
      %get3A_691 = vector.shape_cast %get3A_690 : vector<1x16xf32> to vector<16xf32>
      %mul3A_692 = vector.broadcast %squeeze3A_353 : f32 to vector<16xf32>
      %mul3A_693 = arith.mulf %get3A_684, %mul3A_692 : vector<16xf32>
      %add3A_694 = vector.broadcast %squeeze3A_351 : f32 to vector<16xf32>
      %add3A_695 = arith.addf %add3A_694, %mul3A_693 : vector<16xf32>
      %mul3A_696 = arith.mulf %get3A_684, %add3A_695 : vector<16xf32>
      %add3A_697 = vector.broadcast %squeeze3A_349 : f32 to vector<16xf32>
      %add3A_698 = arith.addf %add3A_697, %mul3A_696 : vector<16xf32>
      %mul3A_699 = arith.mulf %get3A_684, %add3A_698 : vector<16xf32>
      %add3A_700 = vector.broadcast %squeeze3A_347 : f32 to vector<16xf32>
      %add3A_701 = arith.addf %add3A_700, %mul3A_699 : vector<16xf32>
      %sub3A_702 = arith.subf %add3A_701, %get3A_691 : vector<16xf32>
      %lt3A_703 = arith.cmpi slt, %scan3A_677, %select_n3A_245 : i32
      %mul3A_704 = arith.mulf %sub3A_702, %sub3A_702 : vector<16xf32>
      %jit3A_705 = arith.constant 0.000000e+00 : f32
      %broadcast_in_dim3A_706 = vector.broadcast %jit3A_705 : f32 to vector<16xf32>
      %select_n3A_707 = arith.select %lt3A_703, %mul3A_704, %broadcast_in_dim3A_706 : vector<16xf32>
      %add3A_708 = arith.addf %add3A_675, %select_n3A_707 : vector<16xf32>
      scf.yield %add3A_708 : vector<16xf32>
    }
    %scan3A_359 = arith.constant 392 : i32
    %get3A_360 = arith.constant 6 : i32
    %get3A_361 = arith.index_cast %get3A_360 : i32 to index
    %get3A_362 = arith.constant 0 : index
    %get3A_363 = tpu.vector_load %arg8[%get3A_361, %get3A_362] {strides = array<i32>} : memref<8x16xf32, #tpu.memory_space<vmem>>, vector<1x16xf32>,
    %get3A_364 = vector.shape_cast %get3A_363 : vector<1x16xf32> to vector<16xf32>
    %slice3A_365 = vector.extract_strided_slice %get3A_364 {offsets = [0], sizes = [1], strides = [1]} : vector<16xf32> to vector<1xf32>
    %squeeze3A_366 = vector.extract %slice3A_365[0] : f32 from vector<1xf32>
    %slice3A_367 = vector.extract_strided_slice %get3A_364 {offsets = [1], sizes = [1], strides = [1]} : vector<16xf32> to vector<1xf32>
    %squeeze3A_368 = vector.extract %slice3A_367[0] : f32 from vector<1xf32>
    %slice3A_369 = vector.extract_strided_slice %get3A_364 {offsets = [2], sizes = [1], strides = [1]} : vector<16xf32> to vector<1xf32>
    %squeeze3A_370 = vector.extract %slice3A_369[0] : f32 from vector<1xf32>
    %slice3A_371 = vector.extract_strided_slice %get3A_364 {offsets = [3], sizes = [1], strides = [1]} : vector<16xf32> to vector<1xf32>
    %squeeze3A_372 = vector.extract %slice3A_371[0] : f32 from vector<1xf32>
    %scan3A_373 = arith.constant 0 : i32
    %scan3A_374 = arith.constant 392 : i32
    %scan3A_375 = arith.addi %scan3A_373, %scan3A_374 : i32
    %scan3A_376 = arith.constant 8 : i32
    %scan3A_377 = scf.for %scan3A_445 = %scan3A_373 to %scan3A_375 step %scan3A_376 iter_args(%scan3A_446 = %scan3A_198) -> (vector<16xf32>)  : i32 {
      %mul3A_447 = arith.constant 16 : i32
      %mul3A_448 = arith.muli %scan3A_445, %mul3A_447 : i32
      %get3A_449 = arith.constant 6 : i32
      %get3A_450 = arith.index_cast %get3A_449 : i32 to index
      %get3A_451 = arith.index_cast %mul3A_448 : i32 to index
      %get3A_452 = tpu.vector_load %arg6[%get3A_450, %get3A_451] {strides = array<i32>} : memref<8x6272xf32, #tpu.memory_space<vmem>>, vector<1x16xf32>,
      %get3A_453 = vector.shape_cast %get3A_452 : vector<1x16xf32> to vector<16xf32>
      %mul3A_454 = arith.constant 16 : i32
      %mul3A_455 = arith.muli %scan3A_445, %mul3A_454 : i32
      %get3A_456 = arith.constant 6 : i32
      %get3A_457 = arith.index_cast %get3A_456 : i32 to index
      %get3A_458 = arith.index_cast %mul3A_455 : i32 to index
      %get3A_459 = tpu.vector_load %arg7[%get3A_457, %get3A_458] {strides = array<i32>} : memref<8x6272xf32, #tpu.memory_space<vmem>>, vector<1x16xf32>,
      %get3A_460 = vector.shape_cast %get3A_459 : vector<1x16xf32> to vector<16xf32>
      %mul3A_461 = vector.broadcast %squeeze3A_372 : f32 to vector<16xf32>
      %mul3A_462 = arith.mulf %get3A_453, %mul3A_461 : vector<16xf32>
      %add3A_463 = vector.broadcast %squeeze3A_370 : f32 to vector<16xf32>
      %add3A_464 = arith.addf %add3A_463, %mul3A_462 : vector<16xf32>
      %mul3A_465 = arith.mulf %get3A_453, %add3A_464 : vector<16xf32>
      %add3A_466 = vector.broadcast %squeeze3A_368 : f32 to vector<16xf32>
      %add3A_467 = arith.addf %add3A_466, %mul3A_465 : vector<16xf32>
      %mul3A_468 = arith.mulf %get3A_453, %add3A_467 : vector<16xf32>
      %add3A_469 = vector.broadcast %squeeze3A_366 : f32 to vector<16xf32>
      %add3A_470 = arith.addf %add3A_469, %mul3A_468 : vector<16xf32>
      %sub3A_471 = arith.subf %add3A_470, %get3A_460 : vector<16xf32>
      %lt3A_472 = arith.cmpi slt, %scan3A_445, %select_n3A_245 : i32
      %mul3A_473 = arith.mulf %sub3A_471, %sub3A_471 : vector<16xf32>
      %jit3A_474 = arith.constant 0.000000e+00 : f32
      %broadcast_in_dim3A_475 = vector.broadcast %jit3A_474 : f32 to vector<16xf32>
      %select_n3A_476 = arith.select %lt3A_472, %mul3A_473, %broadcast_in_dim3A_475 : vector<16xf32>
      %add3A_477 = arith.addf %scan3A_446, %select_n3A_476 : vector<16xf32>
      %scan3A_478 = arith.constant 1 : i32
      %scan3A_479 = arith.addi %scan3A_445, %scan3A_478 : i32
      %mul3A_480 = arith.constant 16 : i32
      %mul3A_481 = arith.muli %scan3A_479, %mul3A_480 : i32
      %get3A_482 = arith.constant 6 : i32
      %get3A_483 = arith.index_cast %get3A_482 : i32 to index
      %get3A_484 = arith.index_cast %mul3A_481 : i32 to index
      %get3A_485 = tpu.vector_load %arg6[%get3A_483, %get3A_484] {strides = array<i32>} : memref<8x6272xf32, #tpu.memory_space<vmem>>, vector<1x16xf32>,
      %get3A_486 = vector.shape_cast %get3A_485 : vector<1x16xf32> to vector<16xf32>
      %mul3A_487 = arith.constant 16 : i32
      %mul3A_488 = arith.muli %scan3A_479, %mul3A_487 : i32
      %get3A_489 = arith.constant 6 : i32
      %get3A_490 = arith.index_cast %get3A_489 : i32 to index
      %get3A_491 = arith.index_cast %mul3A_488 : i32 to index
      %get3A_492 = tpu.vector_load %arg7[%get3A_490, %get3A_491] {strides = array<i32>} : memref<8x6272xf32, #tpu.memory_space<vmem>>, vector<1x16xf32>,
      %get3A_493 = vector.shape_cast %get3A_492 : vector<1x16xf32> to vector<16xf32>
      %mul3A_494 = vector.broadcast %squeeze3A_372 : f32 to vector<16xf32>
      %mul3A_495 = arith.mulf %get3A_486, %mul3A_494 : vector<16xf32>
      %add3A_496 = vector.broadcast %squeeze3A_370 : f32 to vector<16xf32>
      %add3A_497 = arith.addf %add3A_496, %mul3A_495 : vector<16xf32>
      %mul3A_498 = arith.mulf %get3A_486, %add3A_497 : vector<16xf32>
      %add3A_499 = vector.broadcast %squeeze3A_368 : f32 to vector<16xf32>
      %add3A_500 = arith.addf %add3A_499, %mul3A_498 : vector<16xf32>
      %mul3A_501 = arith.mulf %get3A_486, %add3A_500 : vector<16xf32>
      %add3A_502 = vector.broadcast %squeeze3A_366 : f32 to vector<16xf32>
      %add3A_503 = arith.addf %add3A_502, %mul3A_501 : vector<16xf32>
      %sub3A_504 = arith.subf %add3A_503, %get3A_493 : vector<16xf32>
      %lt3A_505 = arith.cmpi slt, %scan3A_479, %select_n3A_245 : i32
      %mul3A_506 = arith.mulf %sub3A_504, %sub3A_504 : vector<16xf32>
      %jit3A_507 = arith.constant 0.000000e+00 : f32
      %broadcast_in_dim3A_508 = vector.broadcast %jit3A_507 : f32 to vector<16xf32>
      %select_n3A_509 = arith.select %lt3A_505, %mul3A_506, %broadcast_in_dim3A_508 : vector<16xf32>
      %add3A_510 = arith.addf %add3A_477, %select_n3A_509 : vector<16xf32>
      %scan3A_511 = arith.constant 2 : i32
      %scan3A_512 = arith.addi %scan3A_445, %scan3A_511 : i32
      %mul3A_513 = arith.constant 16 : i32
      %mul3A_514 = arith.muli %scan3A_512, %mul3A_513 : i32
      %get3A_515 = arith.constant 6 : i32
      %get3A_516 = arith.index_cast %get3A_515 : i32 to index
      %get3A_517 = arith.index_cast %mul3A_514 : i32 to index
      %get3A_518 = tpu.vector_load %arg6[%get3A_516, %get3A_517] {strides = array<i32>} : memref<8x6272xf32, #tpu.memory_space<vmem>>, vector<1x16xf32>,
      %get3A_519 = vector.shape_cast %get3A_518 : vector<1x16xf32> to vector<16xf32>
      %mul3A_520 = arith.constant 16 : i32
      %mul3A_521 = arith.muli %scan3A_512, %mul3A_520 : i32
      %get3A_522 = arith.constant 6 : i32
      %get3A_523 = arith.index_cast %get3A_522 : i32 to index
      %get3A_524 = arith.index_cast %mul3A_521 : i32 to index
      %get3A_525 = tpu.vector_load %arg7[%get3A_523, %get3A_524] {strides = array<i32>} : memref<8x6272xf32, #tpu.memory_space<vmem>>, vector<1x16xf32>,
      %get3A_526 = vector.shape_cast %get3A_525 : vector<1x16xf32> to vector<16xf32>
      %mul3A_527 = vector.broadcast %squeeze3A_372 : f32 to vector<16xf32>
      %mul3A_528 = arith.mulf %get3A_519, %mul3A_527 : vector<16xf32>
      %add3A_529 = vector.broadcast %squeeze3A_370 : f32 to vector<16xf32>
      %add3A_530 = arith.addf %add3A_529, %mul3A_528 : vector<16xf32>
      %mul3A_531 = arith.mulf %get3A_519, %add3A_530 : vector<16xf32>
      %add3A_532 = vector.broadcast %squeeze3A_368 : f32 to vector<16xf32>
      %add3A_533 = arith.addf %add3A_532, %mul3A_531 : vector<16xf32>
      %mul3A_534 = arith.mulf %get3A_519, %add3A_533 : vector<16xf32>
      %add3A_535 = vector.broadcast %squeeze3A_366 : f32 to vector<16xf32>
      %add3A_536 = arith.addf %add3A_535, %mul3A_534 : vector<16xf32>
      %sub3A_537 = arith.subf %add3A_536, %get3A_526 : vector<16xf32>
      %lt3A_538 = arith.cmpi slt, %scan3A_512, %select_n3A_245 : i32
      %mul3A_539 = arith.mulf %sub3A_537, %sub3A_537 : vector<16xf32>
      %jit3A_540 = arith.constant 0.000000e+00 : f32
      %broadcast_in_dim3A_541 = vector.broadcast %jit3A_540 : f32 to vector<16xf32>
      %select_n3A_542 = arith.select %lt3A_538, %mul3A_539, %broadcast_in_dim3A_541 : vector<16xf32>
      %add3A_543 = arith.addf %add3A_510, %select_n3A_542 : vector<16xf32>
      %scan3A_544 = arith.constant 3 : i32
      %scan3A_545 = arith.addi %scan3A_445, %scan3A_544 : i32
      %mul3A_546 = arith.constant 16 : i32
      %mul3A_547 = arith.muli %scan3A_545, %mul3A_546 : i32
      %get3A_548 = arith.constant 6 : i32
      %get3A_549 = arith.index_cast %get3A_548 : i32 to index
      %get3A_550 = arith.index_cast %mul3A_547 : i32 to index
      %get3A_551 = tpu.vector_load %arg6[%get3A_549, %get3A_550] {strides = array<i32>} : memref<8x6272xf32, #tpu.memory_space<vmem>>, vector<1x16xf32>,
      %get3A_552 = vector.shape_cast %get3A_551 : vector<1x16xf32> to vector<16xf32>
      %mul3A_553 = arith.constant 16 : i32
      %mul3A_554 = arith.muli %scan3A_545, %mul3A_553 : i32
      %get3A_555 = arith.constant 6 : i32
      %get3A_556 = arith.index_cast %get3A_555 : i32 to index
      %get3A_557 = arith.index_cast %mul3A_554 : i32 to index
      %get3A_558 = tpu.vector_load %arg7[%get3A_556, %get3A_557] {strides = array<i32>} : memref<8x6272xf32, #tpu.memory_space<vmem>>, vector<1x16xf32>,
      %get3A_559 = vector.shape_cast %get3A_558 : vector<1x16xf32> to vector<16xf32>
      %mul3A_560 = vector.broadcast %squeeze3A_372 : f32 to vector<16xf32>
      %mul3A_561 = arith.mulf %get3A_552, %mul3A_560 : vector<16xf32>
      %add3A_562 = vector.broadcast %squeeze3A_370 : f32 to vector<16xf32>
      %add3A_563 = arith.addf %add3A_562, %mul3A_561 : vector<16xf32>
      %mul3A_564 = arith.mulf %get3A_552, %add3A_563 : vector<16xf32>
      %add3A_565 = vector.broadcast %squeeze3A_368 : f32 to vector<16xf32>
      %add3A_566 = arith.addf %add3A_565, %mul3A_564 : vector<16xf32>
      %mul3A_567 = arith.mulf %get3A_552, %add3A_566 : vector<16xf32>
      %add3A_568 = vector.broadcast %squeeze3A_366 : f32 to vector<16xf32>
      %add3A_569 = arith.addf %add3A_568, %mul3A_567 : vector<16xf32>
      %sub3A_570 = arith.subf %add3A_569, %get3A_559 : vector<16xf32>
      %lt3A_571 = arith.cmpi slt, %scan3A_545, %select_n3A_245 : i32
      %mul3A_572 = arith.mulf %sub3A_570, %sub3A_570 : vector<16xf32>
      %jit3A_573 = arith.constant 0.000000e+00 : f32
      %broadcast_in_dim3A_574 = vector.broadcast %jit3A_573 : f32 to vector<16xf32>
      %select_n3A_575 = arith.select %lt3A_571, %mul3A_572, %broadcast_in_dim3A_574 : vector<16xf32>
      %add3A_576 = arith.addf %add3A_543, %select_n3A_575 : vector<16xf32>
      %scan3A_577 = arith.constant 4 : i32
      %scan3A_578 = arith.addi %scan3A_445, %scan3A_577 : i32
      %mul3A_579 = arith.constant 16 : i32
      %mul3A_580 = arith.muli %scan3A_578, %mul3A_579 : i32
      %get3A_581 = arith.constant 6 : i32
      %get3A_582 = arith.index_cast %get3A_581 : i32 to index
      %get3A_583 = arith.index_cast %mul3A_580 : i32 to index
      %get3A_584 = tpu.vector_load %arg6[%get3A_582, %get3A_583] {strides = array<i32>} : memref<8x6272xf32, #tpu.memory_space<vmem>>, vector<1x16xf32>,
      %get3A_585 = vector.shape_cast %get3A_584 : vector<1x16xf32> to vector<16xf32>
      %mul3A_586 = arith.constant 16 : i32
      %mul3A_587 = arith.muli %scan3A_578, %mul3A_586 : i32
      %get3A_588 = arith.constant 6 : i32
      %get3A_589 = arith.index_cast %get3A_588 : i32 to index
      %get3A_590 = arith.index_cast %mul3A_587 : i32 to index
      %get3A_591 = tpu.vector_load %arg7[%get3A_589, %get3A_590] {strides = array<i32>} : memref<8x6272xf32, #tpu.memory_space<vmem>>, vector<1x16xf32>,
      %get3A_592 = vector.shape_cast %get3A_591 : vector<1x16xf32> to vector<16xf32>
      %mul3A_593 = vector.broadcast %squeeze3A_372 : f32 to vector<16xf32>
      %mul3A_594 = arith.mulf %get3A_585, %mul3A_593 : vector<16xf32>
      %add3A_595 = vector.broadcast %squeeze3A_370 : f32 to vector<16xf32>
      %add3A_596 = arith.addf %add3A_595, %mul3A_594 : vector<16xf32>
      %mul3A_597 = arith.mulf %get3A_585, %add3A_596 : vector<16xf32>
      %add3A_598 = vector.broadcast %squeeze3A_368 : f32 to vector<16xf32>
      %add3A_599 = arith.addf %add3A_598, %mul3A_597 : vector<16xf32>
      %mul3A_600 = arith.mulf %get3A_585, %add3A_599 : vector<16xf32>
      %add3A_601 = vector.broadcast %squeeze3A_366 : f32 to vector<16xf32>
      %add3A_602 = arith.addf %add3A_601, %mul3A_600 : vector<16xf32>
      %sub3A_603 = arith.subf %add3A_602, %get3A_592 : vector<16xf32>
      %lt3A_604 = arith.cmpi slt, %scan3A_578, %select_n3A_245 : i32
      %mul3A_605 = arith.mulf %sub3A_603, %sub3A_603 : vector<16xf32>
      %jit3A_606 = arith.constant 0.000000e+00 : f32
      %broadcast_in_dim3A_607 = vector.broadcast %jit3A_606 : f32 to vector<16xf32>
      %select_n3A_608 = arith.select %lt3A_604, %mul3A_605, %broadcast_in_dim3A_607 : vector<16xf32>
      %add3A_609 = arith.addf %add3A_576, %select_n3A_608 : vector<16xf32>
      %scan3A_610 = arith.constant 5 : i32
      %scan3A_611 = arith.addi %scan3A_445, %scan3A_610 : i32
      %mul3A_612 = arith.constant 16 : i32
      %mul3A_613 = arith.muli %scan3A_611, %mul3A_612 : i32
      %get3A_614 = arith.constant 6 : i32
      %get3A_615 = arith.index_cast %get3A_614 : i32 to index
      %get3A_616 = arith.index_cast %mul3A_613 : i32 to index
      %get3A_617 = tpu.vector_load %arg6[%get3A_615, %get3A_616] {strides = array<i32>} : memref<8x6272xf32, #tpu.memory_space<vmem>>, vector<1x16xf32>,
      %get3A_618 = vector.shape_cast %get3A_617 : vector<1x16xf32> to vector<16xf32>
      %mul3A_619 = arith.constant 16 : i32
      %mul3A_620 = arith.muli %scan3A_611, %mul3A_619 : i32
      %get3A_621 = arith.constant 6 : i32
      %get3A_622 = arith.index_cast %get3A_621 : i32 to index
      %get3A_623 = arith.index_cast %mul3A_620 : i32 to index
      %get3A_624 = tpu.vector_load %arg7[%get3A_622, %get3A_623] {strides = array<i32>} : memref<8x6272xf32, #tpu.memory_space<vmem>>, vector<1x16xf32>,
      %get3A_625 = vector.shape_cast %get3A_624 : vector<1x16xf32> to vector<16xf32>
      %mul3A_626 = vector.broadcast %squeeze3A_372 : f32 to vector<16xf32>
      %mul3A_627 = arith.mulf %get3A_618, %mul3A_626 : vector<16xf32>
      %add3A_628 = vector.broadcast %squeeze3A_370 : f32 to vector<16xf32>
      %add3A_629 = arith.addf %add3A_628, %mul3A_627 : vector<16xf32>
      %mul3A_630 = arith.mulf %get3A_618, %add3A_629 : vector<16xf32>
      %add3A_631 = vector.broadcast %squeeze3A_368 : f32 to vector<16xf32>
      %add3A_632 = arith.addf %add3A_631, %mul3A_630 : vector<16xf32>
      %mul3A_633 = arith.mulf %get3A_618, %add3A_632 : vector<16xf32>
      %add3A_634 = vector.broadcast %squeeze3A_366 : f32 to vector<16xf32>
      %add3A_635 = arith.addf %add3A_634, %mul3A_633 : vector<16xf32>
      %sub3A_636 = arith.subf %add3A_635, %get3A_625 : vector<16xf32>
      %lt3A_637 = arith.cmpi slt, %scan3A_611, %select_n3A_245 : i32
      %mul3A_638 = arith.mulf %sub3A_636, %sub3A_636 : vector<16xf32>
      %jit3A_639 = arith.constant 0.000000e+00 : f32
      %broadcast_in_dim3A_640 = vector.broadcast %jit3A_639 : f32 to vector<16xf32>
      %select_n3A_641 = arith.select %lt3A_637, %mul3A_638, %broadcast_in_dim3A_640 : vector<16xf32>
      %add3A_642 = arith.addf %add3A_609, %select_n3A_641 : vector<16xf32>
      %scan3A_643 = arith.constant 6 : i32
      %scan3A_644 = arith.addi %scan3A_445, %scan3A_643 : i32
      %mul3A_645 = arith.constant 16 : i32
      %mul3A_646 = arith.muli %scan3A_644, %mul3A_645 : i32
      %get3A_647 = arith.constant 6 : i32
      %get3A_648 = arith.index_cast %get3A_647 : i32 to index
      %get3A_649 = arith.index_cast %mul3A_646 : i32 to index
      %get3A_650 = tpu.vector_load %arg6[%get3A_648, %get3A_649] {strides = array<i32>} : memref<8x6272xf32, #tpu.memory_space<vmem>>, vector<1x16xf32>,
      %get3A_651 = vector.shape_cast %get3A_650 : vector<1x16xf32> to vector<16xf32>
      %mul3A_652 = arith.constant 16 : i32
      %mul3A_653 = arith.muli %scan3A_644, %mul3A_652 : i32
      %get3A_654 = arith.constant 6 : i32
      %get3A_655 = arith.index_cast %get3A_654 : i32 to index
      %get3A_656 = arith.index_cast %mul3A_653 : i32 to index
      %get3A_657 = tpu.vector_load %arg7[%get3A_655, %get3A_656] {strides = array<i32>} : memref<8x6272xf32, #tpu.memory_space<vmem>>, vector<1x16xf32>,
      %get3A_658 = vector.shape_cast %get3A_657 : vector<1x16xf32> to vector<16xf32>
      %mul3A_659 = vector.broadcast %squeeze3A_372 : f32 to vector<16xf32>
      %mul3A_660 = arith.mulf %get3A_651, %mul3A_659 : vector<16xf32>
      %add3A_661 = vector.broadcast %squeeze3A_370 : f32 to vector<16xf32>
      %add3A_662 = arith.addf %add3A_661, %mul3A_660 : vector<16xf32>
      %mul3A_663 = arith.mulf %get3A_651, %add3A_662 : vector<16xf32>
      %add3A_664 = vector.broadcast %squeeze3A_368 : f32 to vector<16xf32>
      %add3A_665 = arith.addf %add3A_664, %mul3A_663 : vector<16xf32>
      %mul3A_666 = arith.mulf %get3A_651, %add3A_665 : vector<16xf32>
      %add3A_667 = vector.broadcast %squeeze3A_366 : f32 to vector<16xf32>
      %add3A_668 = arith.addf %add3A_667, %mul3A_666 : vector<16xf32>
      %sub3A_669 = arith.subf %add3A_668, %get3A_658 : vector<16xf32>
      %lt3A_670 = arith.cmpi slt, %scan3A_644, %select_n3A_245 : i32
      %mul3A_671 = arith.mulf %sub3A_669, %sub3A_669 : vector<16xf32>
      %jit3A_672 = arith.constant 0.000000e+00 : f32
      %broadcast_in_dim3A_673 = vector.broadcast %jit3A_672 : f32 to vector<16xf32>
      %select_n3A_674 = arith.select %lt3A_670, %mul3A_671, %broadcast_in_dim3A_673 : vector<16xf32>
      %add3A_675 = arith.addf %add3A_642, %select_n3A_674 : vector<16xf32>
      %scan3A_676 = arith.constant 7 : i32
      %scan3A_677 = arith.addi %scan3A_445, %scan3A_676 : i32
      %mul3A_678 = arith.constant 16 : i32
      %mul3A_679 = arith.muli %scan3A_677, %mul3A_678 : i32
      %get3A_680 = arith.constant 6 : i32
      %get3A_681 = arith.index_cast %get3A_680 : i32 to index
      %get3A_682 = arith.index_cast %mul3A_679 : i32 to index
      %get3A_683 = tpu.vector_load %arg6[%get3A_681, %get3A_682] {strides = array<i32>} : memref<8x6272xf32, #tpu.memory_space<vmem>>, vector<1x16xf32>,
      %get3A_684 = vector.shape_cast %get3A_683 : vector<1x16xf32> to vector<16xf32>
      %mul3A_685 = arith.constant 16 : i32
      %mul3A_686 = arith.muli %scan3A_677, %mul3A_685 : i32
      %get3A_687 = arith.constant 6 : i32
      %get3A_688 = arith.index_cast %get3A_687 : i32 to index
      %get3A_689 = arith.index_cast %mul3A_686 : i32 to index
      %get3A_690 = tpu.vector_load %arg7[%get3A_688, %get3A_689] {strides = array<i32>} : memref<8x6272xf32, #tpu.memory_space<vmem>>, vector<1x16xf32>,
      %get3A_691 = vector.shape_cast %get3A_690 : vector<1x16xf32> to vector<16xf32>
      %mul3A_692 = vector.broadcast %squeeze3A_372 : f32 to vector<16xf32>
      %mul3A_693 = arith.mulf %get3A_684, %mul3A_692 : vector<16xf32>
      %add3A_694 = vector.broadcast %squeeze3A_370 : f32 to vector<16xf32>
      %add3A_695 = arith.addf %add3A_694, %mul3A_693 : vector<16xf32>
      %mul3A_696 = arith.mulf %get3A_684, %add3A_695 : vector<16xf32>
      %add3A_697 = vector.broadcast %squeeze3A_368 : f32 to vector<16xf32>
      %add3A_698 = arith.addf %add3A_697, %mul3A_696 : vector<16xf32>
      %mul3A_699 = arith.mulf %get3A_684, %add3A_698 : vector<16xf32>
      %add3A_700 = vector.broadcast %squeeze3A_366 : f32 to vector<16xf32>
      %add3A_701 = arith.addf %add3A_700, %mul3A_699 : vector<16xf32>
      %sub3A_702 = arith.subf %add3A_701, %get3A_691 : vector<16xf32>
      %lt3A_703 = arith.cmpi slt, %scan3A_677, %select_n3A_245 : i32
      %mul3A_704 = arith.mulf %sub3A_702, %sub3A_702 : vector<16xf32>
      %jit3A_705 = arith.constant 0.000000e+00 : f32
      %broadcast_in_dim3A_706 = vector.broadcast %jit3A_705 : f32 to vector<16xf32>
      %select_n3A_707 = arith.select %lt3A_703, %mul3A_704, %broadcast_in_dim3A_706 : vector<16xf32>
      %add3A_708 = arith.addf %add3A_675, %select_n3A_707 : vector<16xf32>
      scf.yield %add3A_708 : vector<16xf32>
    }
    %scan3A_378 = arith.constant 392 : i32
    %get3A_379 = arith.constant 7 : i32
    %get3A_380 = arith.index_cast %get3A_379 : i32 to index
    %get3A_381 = arith.constant 0 : index
    %get3A_382 = tpu.vector_load %arg8[%get3A_380, %get3A_381] {strides = array<i32>} : memref<8x16xf32, #tpu.memory_space<vmem>>, vector<1x16xf32>,
    %get3A_383 = vector.shape_cast %get3A_382 : vector<1x16xf32> to vector<16xf32>
    %slice3A_384 = vector.extract_strided_slice %get3A_383 {offsets = [0], sizes = [1], strides = [1]} : vector<16xf32> to vector<1xf32>
    %squeeze3A_385 = vector.extract %slice3A_384[0] : f32 from vector<1xf32>
    %slice3A_386 = vector.extract_strided_slice %get3A_383 {offsets = [1], sizes = [1], strides = [1]} : vector<16xf32> to vector<1xf32>
    %squeeze3A_387 = vector.extract %slice3A_386[0] : f32 from vector<1xf32>
    %slice3A_388 = vector.extract_strided_slice %get3A_383 {offsets = [2], sizes = [1], strides = [1]} : vector<16xf32> to vector<1xf32>
    %squeeze3A_389 = vector.extract %slice3A_388[0] : f32 from vector<1xf32>
    %slice3A_390 = vector.extract_strided_slice %get3A_383 {offsets = [3], sizes = [1], strides = [1]} : vector<16xf32> to vector<1xf32>
    %squeeze3A_391 = vector.extract %slice3A_390[0] : f32 from vector<1xf32>
    %scan3A_392 = arith.constant 0 : i32
    %scan3A_393 = arith.constant 392 : i32
    %scan3A_394 = arith.addi %scan3A_392, %scan3A_393 : i32
    %scan3A_395 = arith.constant 8 : i32
    %scan3A_396 = scf.for %scan3A_445 = %scan3A_392 to %scan3A_394 step %scan3A_395 iter_args(%scan3A_446 = %scan3A_217) -> (vector<16xf32>)  : i32 {
      %mul3A_447 = arith.constant 16 : i32
      %mul3A_448 = arith.muli %scan3A_445, %mul3A_447 : i32
      %get3A_449 = arith.constant 7 : i32
      %get3A_450 = arith.index_cast %get3A_449 : i32 to index
      %get3A_451 = arith.index_cast %mul3A_448 : i32 to index
      %get3A_452 = tpu.vector_load %arg6[%get3A_450, %get3A_451] {strides = array<i32>} : memref<8x6272xf32, #tpu.memory_space<vmem>>, vector<1x16xf32>,
      %get3A_453 = vector.shape_cast %get3A_452 : vector<1x16xf32> to vector<16xf32>
      %mul3A_454 = arith.constant 16 : i32
      %mul3A_455 = arith.muli %scan3A_445, %mul3A_454 : i32
      %get3A_456 = arith.constant 7 : i32
      %get3A_457 = arith.index_cast %get3A_456 : i32 to index
      %get3A_458 = arith.index_cast %mul3A_455 : i32 to index
      %get3A_459 = tpu.vector_load %arg7[%get3A_457, %get3A_458] {strides = array<i32>} : memref<8x6272xf32, #tpu.memory_space<vmem>>, vector<1x16xf32>,
      %get3A_460 = vector.shape_cast %get3A_459 : vector<1x16xf32> to vector<16xf32>
      %mul3A_461 = vector.broadcast %squeeze3A_391 : f32 to vector<16xf32>
      %mul3A_462 = arith.mulf %get3A_453, %mul3A_461 : vector<16xf32>
      %add3A_463 = vector.broadcast %squeeze3A_389 : f32 to vector<16xf32>
      %add3A_464 = arith.addf %add3A_463, %mul3A_462 : vector<16xf32>
      %mul3A_465 = arith.mulf %get3A_453, %add3A_464 : vector<16xf32>
      %add3A_466 = vector.broadcast %squeeze3A_387 : f32 to vector<16xf32>
      %add3A_467 = arith.addf %add3A_466, %mul3A_465 : vector<16xf32>
      %mul3A_468 = arith.mulf %get3A_453, %add3A_467 : vector<16xf32>
      %add3A_469 = vector.broadcast %squeeze3A_385 : f32 to vector<16xf32>
      %add3A_470 = arith.addf %add3A_469, %mul3A_468 : vector<16xf32>
      %sub3A_471 = arith.subf %add3A_470, %get3A_460 : vector<16xf32>
      %lt3A_472 = arith.cmpi slt, %scan3A_445, %select_n3A_245 : i32
      %mul3A_473 = arith.mulf %sub3A_471, %sub3A_471 : vector<16xf32>
      %jit3A_474 = arith.constant 0.000000e+00 : f32
      %broadcast_in_dim3A_475 = vector.broadcast %jit3A_474 : f32 to vector<16xf32>
      %select_n3A_476 = arith.select %lt3A_472, %mul3A_473, %broadcast_in_dim3A_475 : vector<16xf32>
      %add3A_477 = arith.addf %scan3A_446, %select_n3A_476 : vector<16xf32>
      %scan3A_478 = arith.constant 1 : i32
      %scan3A_479 = arith.addi %scan3A_445, %scan3A_478 : i32
      %mul3A_480 = arith.constant 16 : i32
      %mul3A_481 = arith.muli %scan3A_479, %mul3A_480 : i32
      %get3A_482 = arith.constant 7 : i32
      %get3A_483 = arith.index_cast %get3A_482 : i32 to index
      %get3A_484 = arith.index_cast %mul3A_481 : i32 to index
      %get3A_485 = tpu.vector_load %arg6[%get3A_483, %get3A_484] {strides = array<i32>} : memref<8x6272xf32, #tpu.memory_space<vmem>>, vector<1x16xf32>,
      %get3A_486 = vector.shape_cast %get3A_485 : vector<1x16xf32> to vector<16xf32>
      %mul3A_487 = arith.constant 16 : i32
      %mul3A_488 = arith.muli %scan3A_479, %mul3A_487 : i32
      %get3A_489 = arith.constant 7 : i32
      %get3A_490 = arith.index_cast %get3A_489 : i32 to index
      %get3A_491 = arith.index_cast %mul3A_488 : i32 to index
      %get3A_492 = tpu.vector_load %arg7[%get3A_490, %get3A_491] {strides = array<i32>} : memref<8x6272xf32, #tpu.memory_space<vmem>>, vector<1x16xf32>,
      %get3A_493 = vector.shape_cast %get3A_492 : vector<1x16xf32> to vector<16xf32>
      %mul3A_494 = vector.broadcast %squeeze3A_391 : f32 to vector<16xf32>
      %mul3A_495 = arith.mulf %get3A_486, %mul3A_494 : vector<16xf32>
      %add3A_496 = vector.broadcast %squeeze3A_389 : f32 to vector<16xf32>
      %add3A_497 = arith.addf %add3A_496, %mul3A_495 : vector<16xf32>
      %mul3A_498 = arith.mulf %get3A_486, %add3A_497 : vector<16xf32>
      %add3A_499 = vector.broadcast %squeeze3A_387 : f32 to vector<16xf32>
      %add3A_500 = arith.addf %add3A_499, %mul3A_498 : vector<16xf32>
      %mul3A_501 = arith.mulf %get3A_486, %add3A_500 : vector<16xf32>
      %add3A_502 = vector.broadcast %squeeze3A_385 : f32 to vector<16xf32>
      %add3A_503 = arith.addf %add3A_502, %mul3A_501 : vector<16xf32>
      %sub3A_504 = arith.subf %add3A_503, %get3A_493 : vector<16xf32>
      %lt3A_505 = arith.cmpi slt, %scan3A_479, %select_n3A_245 : i32
      %mul3A_506 = arith.mulf %sub3A_504, %sub3A_504 : vector<16xf32>
      %jit3A_507 = arith.constant 0.000000e+00 : f32
      %broadcast_in_dim3A_508 = vector.broadcast %jit3A_507 : f32 to vector<16xf32>
      %select_n3A_509 = arith.select %lt3A_505, %mul3A_506, %broadcast_in_dim3A_508 : vector<16xf32>
      %add3A_510 = arith.addf %add3A_477, %select_n3A_509 : vector<16xf32>
      %scan3A_511 = arith.constant 2 : i32
      %scan3A_512 = arith.addi %scan3A_445, %scan3A_511 : i32
      %mul3A_513 = arith.constant 16 : i32
      %mul3A_514 = arith.muli %scan3A_512, %mul3A_513 : i32
      %get3A_515 = arith.constant 7 : i32
      %get3A_516 = arith.index_cast %get3A_515 : i32 to index
      %get3A_517 = arith.index_cast %mul3A_514 : i32 to index
      %get3A_518 = tpu.vector_load %arg6[%get3A_516, %get3A_517] {strides = array<i32>} : memref<8x6272xf32, #tpu.memory_space<vmem>>, vector<1x16xf32>,
      %get3A_519 = vector.shape_cast %get3A_518 : vector<1x16xf32> to vector<16xf32>
      %mul3A_520 = arith.constant 16 : i32
      %mul3A_521 = arith.muli %scan3A_512, %mul3A_520 : i32
      %get3A_522 = arith.constant 7 : i32
      %get3A_523 = arith.index_cast %get3A_522 : i32 to index
      %get3A_524 = arith.index_cast %mul3A_521 : i32 to index
      %get3A_525 = tpu.vector_load %arg7[%get3A_523, %get3A_524] {strides = array<i32>} : memref<8x6272xf32, #tpu.memory_space<vmem>>, vector<1x16xf32>,
      %get3A_526 = vector.shape_cast %get3A_525 : vector<1x16xf32> to vector<16xf32>
      %mul3A_527 = vector.broadcast %squeeze3A_391 : f32 to vector<16xf32>
      %mul3A_528 = arith.mulf %get3A_519, %mul3A_527 : vector<16xf32>
      %add3A_529 = vector.broadcast %squeeze3A_389 : f32 to vector<16xf32>
      %add3A_530 = arith.addf %add3A_529, %mul3A_528 : vector<16xf32>
      %mul3A_531 = arith.mulf %get3A_519, %add3A_530 : vector<16xf32>
      %add3A_532 = vector.broadcast %squeeze3A_387 : f32 to vector<16xf32>
      %add3A_533 = arith.addf %add3A_532, %mul3A_531 : vector<16xf32>
      %mul3A_534 = arith.mulf %get3A_519, %add3A_533 : vector<16xf32>
      %add3A_535 = vector.broadcast %squeeze3A_385 : f32 to vector<16xf32>
      %add3A_536 = arith.addf %add3A_535, %mul3A_534 : vector<16xf32>
      %sub3A_537 = arith.subf %add3A_536, %get3A_526 : vector<16xf32>
      %lt3A_538 = arith.cmpi slt, %scan3A_512, %select_n3A_245 : i32
      %mul3A_539 = arith.mulf %sub3A_537, %sub3A_537 : vector<16xf32>
      %jit3A_540 = arith.constant 0.000000e+00 : f32
      %broadcast_in_dim3A_541 = vector.broadcast %jit3A_540 : f32 to vector<16xf32>
      %select_n3A_542 = arith.select %lt3A_538, %mul3A_539, %broadcast_in_dim3A_541 : vector<16xf32>
      %add3A_543 = arith.addf %add3A_510, %select_n3A_542 : vector<16xf32>
      %scan3A_544 = arith.constant 3 : i32
      %scan3A_545 = arith.addi %scan3A_445, %scan3A_544 : i32
      %mul3A_546 = arith.constant 16 : i32
      %mul3A_547 = arith.muli %scan3A_545, %mul3A_546 : i32
      %get3A_548 = arith.constant 7 : i32
      %get3A_549 = arith.index_cast %get3A_548 : i32 to index
      %get3A_550 = arith.index_cast %mul3A_547 : i32 to index
      %get3A_551 = tpu.vector_load %arg6[%get3A_549, %get3A_550] {strides = array<i32>} : memref<8x6272xf32, #tpu.memory_space<vmem>>, vector<1x16xf32>,
      %get3A_552 = vector.shape_cast %get3A_551 : vector<1x16xf32> to vector<16xf32>
      %mul3A_553 = arith.constant 16 : i32
      %mul3A_554 = arith.muli %scan3A_545, %mul3A_553 : i32
      %get3A_555 = arith.constant 7 : i32
      %get3A_556 = arith.index_cast %get3A_555 : i32 to index
      %get3A_557 = arith.index_cast %mul3A_554 : i32 to index
      %get3A_558 = tpu.vector_load %arg7[%get3A_556, %get3A_557] {strides = array<i32>} : memref<8x6272xf32, #tpu.memory_space<vmem>>, vector<1x16xf32>,
      %get3A_559 = vector.shape_cast %get3A_558 : vector<1x16xf32> to vector<16xf32>
      %mul3A_560 = vector.broadcast %squeeze3A_391 : f32 to vector<16xf32>
      %mul3A_561 = arith.mulf %get3A_552, %mul3A_560 : vector<16xf32>
      %add3A_562 = vector.broadcast %squeeze3A_389 : f32 to vector<16xf32>
      %add3A_563 = arith.addf %add3A_562, %mul3A_561 : vector<16xf32>
      %mul3A_564 = arith.mulf %get3A_552, %add3A_563 : vector<16xf32>
      %add3A_565 = vector.broadcast %squeeze3A_387 : f32 to vector<16xf32>
      %add3A_566 = arith.addf %add3A_565, %mul3A_564 : vector<16xf32>
      %mul3A_567 = arith.mulf %get3A_552, %add3A_566 : vector<16xf32>
      %add3A_568 = vector.broadcast %squeeze3A_385 : f32 to vector<16xf32>
      %add3A_569 = arith.addf %add3A_568, %mul3A_567 : vector<16xf32>
      %sub3A_570 = arith.subf %add3A_569, %get3A_559 : vector<16xf32>
      %lt3A_571 = arith.cmpi slt, %scan3A_545, %select_n3A_245 : i32
      %mul3A_572 = arith.mulf %sub3A_570, %sub3A_570 : vector<16xf32>
      %jit3A_573 = arith.constant 0.000000e+00 : f32
      %broadcast_in_dim3A_574 = vector.broadcast %jit3A_573 : f32 to vector<16xf32>
      %select_n3A_575 = arith.select %lt3A_571, %mul3A_572, %broadcast_in_dim3A_574 : vector<16xf32>
      %add3A_576 = arith.addf %add3A_543, %select_n3A_575 : vector<16xf32>
      %scan3A_577 = arith.constant 4 : i32
      %scan3A_578 = arith.addi %scan3A_445, %scan3A_577 : i32
      %mul3A_579 = arith.constant 16 : i32
      %mul3A_580 = arith.muli %scan3A_578, %mul3A_579 : i32
      %get3A_581 = arith.constant 7 : i32
      %get3A_582 = arith.index_cast %get3A_581 : i32 to index
      %get3A_583 = arith.index_cast %mul3A_580 : i32 to index
      %get3A_584 = tpu.vector_load %arg6[%get3A_582, %get3A_583] {strides = array<i32>} : memref<8x6272xf32, #tpu.memory_space<vmem>>, vector<1x16xf32>,
      %get3A_585 = vector.shape_cast %get3A_584 : vector<1x16xf32> to vector<16xf32>
      %mul3A_586 = arith.constant 16 : i32
      %mul3A_587 = arith.muli %scan3A_578, %mul3A_586 : i32
      %get3A_588 = arith.constant 7 : i32
      %get3A_589 = arith.index_cast %get3A_588 : i32 to index
      %get3A_590 = arith.index_cast %mul3A_587 : i32 to index
      %get3A_591 = tpu.vector_load %arg7[%get3A_589, %get3A_590] {strides = array<i32>} : memref<8x6272xf32, #tpu.memory_space<vmem>>, vector<1x16xf32>,
      %get3A_592 = vector.shape_cast %get3A_591 : vector<1x16xf32> to vector<16xf32>
      %mul3A_593 = vector.broadcast %squeeze3A_391 : f32 to vector<16xf32>
      %mul3A_594 = arith.mulf %get3A_585, %mul3A_593 : vector<16xf32>
      %add3A_595 = vector.broadcast %squeeze3A_389 : f32 to vector<16xf32>
      %add3A_596 = arith.addf %add3A_595, %mul3A_594 : vector<16xf32>
      %mul3A_597 = arith.mulf %get3A_585, %add3A_596 : vector<16xf32>
      %add3A_598 = vector.broadcast %squeeze3A_387 : f32 to vector<16xf32>
      %add3A_599 = arith.addf %add3A_598, %mul3A_597 : vector<16xf32>
      %mul3A_600 = arith.mulf %get3A_585, %add3A_599 : vector<16xf32>
      %add3A_601 = vector.broadcast %squeeze3A_385 : f32 to vector<16xf32>
      %add3A_602 = arith.addf %add3A_601, %mul3A_600 : vector<16xf32>
      %sub3A_603 = arith.subf %add3A_602, %get3A_592 : vector<16xf32>
      %lt3A_604 = arith.cmpi slt, %scan3A_578, %select_n3A_245 : i32
      %mul3A_605 = arith.mulf %sub3A_603, %sub3A_603 : vector<16xf32>
      %jit3A_606 = arith.constant 0.000000e+00 : f32
      %broadcast_in_dim3A_607 = vector.broadcast %jit3A_606 : f32 to vector<16xf32>
      %select_n3A_608 = arith.select %lt3A_604, %mul3A_605, %broadcast_in_dim3A_607 : vector<16xf32>
      %add3A_609 = arith.addf %add3A_576, %select_n3A_608 : vector<16xf32>
      %scan3A_610 = arith.constant 5 : i32
      %scan3A_611 = arith.addi %scan3A_445, %scan3A_610 : i32
      %mul3A_612 = arith.constant 16 : i32
      %mul3A_613 = arith.muli %scan3A_611, %mul3A_612 : i32
      %get3A_614 = arith.constant 7 : i32
      %get3A_615 = arith.index_cast %get3A_614 : i32 to index
      %get3A_616 = arith.index_cast %mul3A_613 : i32 to index
      %get3A_617 = tpu.vector_load %arg6[%get3A_615, %get3A_616] {strides = array<i32>} : memref<8x6272xf32, #tpu.memory_space<vmem>>, vector<1x16xf32>,
      %get3A_618 = vector.shape_cast %get3A_617 : vector<1x16xf32> to vector<16xf32>
      %mul3A_619 = arith.constant 16 : i32
      %mul3A_620 = arith.muli %scan3A_611, %mul3A_619 : i32
      %get3A_621 = arith.constant 7 : i32
      %get3A_622 = arith.index_cast %get3A_621 : i32 to index
      %get3A_623 = arith.index_cast %mul3A_620 : i32 to index
      %get3A_624 = tpu.vector_load %arg7[%get3A_622, %get3A_623] {strides = array<i32>} : memref<8x6272xf32, #tpu.memory_space<vmem>>, vector<1x16xf32>,
      %get3A_625 = vector.shape_cast %get3A_624 : vector<1x16xf32> to vector<16xf32>
      %mul3A_626 = vector.broadcast %squeeze3A_391 : f32 to vector<16xf32>
      %mul3A_627 = arith.mulf %get3A_618, %mul3A_626 : vector<16xf32>
      %add3A_628 = vector.broadcast %squeeze3A_389 : f32 to vector<16xf32>
      %add3A_629 = arith.addf %add3A_628, %mul3A_627 : vector<16xf32>
      %mul3A_630 = arith.mulf %get3A_618, %add3A_629 : vector<16xf32>
      %add3A_631 = vector.broadcast %squeeze3A_387 : f32 to vector<16xf32>
      %add3A_632 = arith.addf %add3A_631, %mul3A_630 : vector<16xf32>
      %mul3A_633 = arith.mulf %get3A_618, %add3A_632 : vector<16xf32>
      %add3A_634 = vector.broadcast %squeeze3A_385 : f32 to vector<16xf32>
      %add3A_635 = arith.addf %add3A_634, %mul3A_633 : vector<16xf32>
      %sub3A_636 = arith.subf %add3A_635, %get3A_625 : vector<16xf32>
      %lt3A_637 = arith.cmpi slt, %scan3A_611, %select_n3A_245 : i32
      %mul3A_638 = arith.mulf %sub3A_636, %sub3A_636 : vector<16xf32>
      %jit3A_639 = arith.constant 0.000000e+00 : f32
      %broadcast_in_dim3A_640 = vector.broadcast %jit3A_639 : f32 to vector<16xf32>
      %select_n3A_641 = arith.select %lt3A_637, %mul3A_638, %broadcast_in_dim3A_640 : vector<16xf32>
      %add3A_642 = arith.addf %add3A_609, %select_n3A_641 : vector<16xf32>
      %scan3A_643 = arith.constant 6 : i32
      %scan3A_644 = arith.addi %scan3A_445, %scan3A_643 : i32
      %mul3A_645 = arith.constant 16 : i32
      %mul3A_646 = arith.muli %scan3A_644, %mul3A_645 : i32
      %get3A_647 = arith.constant 7 : i32
      %get3A_648 = arith.index_cast %get3A_647 : i32 to index
      %get3A_649 = arith.index_cast %mul3A_646 : i32 to index
      %get3A_650 = tpu.vector_load %arg6[%get3A_648, %get3A_649] {strides = array<i32>} : memref<8x6272xf32, #tpu.memory_space<vmem>>, vector<1x16xf32>,
      %get3A_651 = vector.shape_cast %get3A_650 : vector<1x16xf32> to vector<16xf32>
      %mul3A_652 = arith.constant 16 : i32
      %mul3A_653 = arith.muli %scan3A_644, %mul3A_652 : i32
      %get3A_654 = arith.constant 7 : i32
      %get3A_655 = arith.index_cast %get3A_654 : i32 to index
      %get3A_656 = arith.index_cast %mul3A_653 : i32 to index
      %get3A_657 = tpu.vector_load %arg7[%get3A_655, %get3A_656] {strides = array<i32>} : memref<8x6272xf32, #tpu.memory_space<vmem>>, vector<1x16xf32>,
      %get3A_658 = vector.shape_cast %get3A_657 : vector<1x16xf32> to vector<16xf32>
      %mul3A_659 = vector.broadcast %squeeze3A_391 : f32 to vector<16xf32>
      %mul3A_660 = arith.mulf %get3A_651, %mul3A_659 : vector<16xf32>
      %add3A_661 = vector.broadcast %squeeze3A_389 : f32 to vector<16xf32>
      %add3A_662 = arith.addf %add3A_661, %mul3A_660 : vector<16xf32>
      %mul3A_663 = arith.mulf %get3A_651, %add3A_662 : vector<16xf32>
      %add3A_664 = vector.broadcast %squeeze3A_387 : f32 to vector<16xf32>
      %add3A_665 = arith.addf %add3A_664, %mul3A_663 : vector<16xf32>
      %mul3A_666 = arith.mulf %get3A_651, %add3A_665 : vector<16xf32>
      %add3A_667 = vector.broadcast %squeeze3A_385 : f32 to vector<16xf32>
      %add3A_668 = arith.addf %add3A_667, %mul3A_666 : vector<16xf32>
      %sub3A_669 = arith.subf %add3A_668, %get3A_658 : vector<16xf32>
      %lt3A_670 = arith.cmpi slt, %scan3A_644, %select_n3A_245 : i32
      %mul3A_671 = arith.mulf %sub3A_669, %sub3A_669 : vector<16xf32>
      %jit3A_672 = arith.constant 0.000000e+00 : f32
      %broadcast_in_dim3A_673 = vector.broadcast %jit3A_672 : f32 to vector<16xf32>
      %select_n3A_674 = arith.select %lt3A_670, %mul3A_671, %broadcast_in_dim3A_673 : vector<16xf32>
      %add3A_675 = arith.addf %add3A_642, %select_n3A_674 : vector<16xf32>
      %scan3A_676 = arith.constant 7 : i32
      %scan3A_677 = arith.addi %scan3A_445, %scan3A_676 : i32
      %mul3A_678 = arith.constant 16 : i32
      %mul3A_679 = arith.muli %scan3A_677, %mul3A_678 : i32
      %get3A_680 = arith.constant 7 : i32
      %get3A_681 = arith.index_cast %get3A_680 : i32 to index
      %get3A_682 = arith.index_cast %mul3A_679 : i32 to index
      %get3A_683 = tpu.vector_load %arg6[%get3A_681, %get3A_682] {strides = array<i32>} : memref<8x6272xf32, #tpu.memory_space<vmem>>, vector<1x16xf32>,
      %get3A_684 = vector.shape_cast %get3A_683 : vector<1x16xf32> to vector<16xf32>
      %mul3A_685 = arith.constant 16 : i32
      %mul3A_686 = arith.muli %scan3A_677, %mul3A_685 : i32
      %get3A_687 = arith.constant 7 : i32
      %get3A_688 = arith.index_cast %get3A_687 : i32 to index
      %get3A_689 = arith.index_cast %mul3A_686 : i32 to index
      %get3A_690 = tpu.vector_load %arg7[%get3A_688, %get3A_689] {strides = array<i32>} : memref<8x6272xf32, #tpu.memory_space<vmem>>, vector<1x16xf32>,
      %get3A_691 = vector.shape_cast %get3A_690 : vector<1x16xf32> to vector<16xf32>
      %mul3A_692 = vector.broadcast %squeeze3A_391 : f32 to vector<16xf32>
      %mul3A_693 = arith.mulf %get3A_684, %mul3A_692 : vector<16xf32>
      %add3A_694 = vector.broadcast %squeeze3A_389 : f32 to vector<16xf32>
      %add3A_695 = arith.addf %add3A_694, %mul3A_693 : vector<16xf32>
      %mul3A_696 = arith.mulf %get3A_684, %add3A_695 : vector<16xf32>
      %add3A_697 = vector.broadcast %squeeze3A_387 : f32 to vector<16xf32>
      %add3A_698 = arith.addf %add3A_697, %mul3A_696 : vector<16xf32>
      %mul3A_699 = arith.mulf %get3A_684, %add3A_698 : vector<16xf32>
      %add3A_700 = vector.broadcast %squeeze3A_385 : f32 to vector<16xf32>
      %add3A_701 = arith.addf %add3A_700, %mul3A_699 : vector<16xf32>
      %sub3A_702 = arith.subf %add3A_701, %get3A_691 : vector<16xf32>
      %lt3A_703 = arith.cmpi slt, %scan3A_677, %select_n3A_245 : i32
      %mul3A_704 = arith.mulf %sub3A_702, %sub3A_702 : vector<16xf32>
      %jit3A_705 = arith.constant 0.000000e+00 : f32
      %broadcast_in_dim3A_706 = vector.broadcast %jit3A_705 : f32 to vector<16xf32>
      %select_n3A_707 = arith.select %lt3A_703, %mul3A_704, %broadcast_in_dim3A_706 : vector<16xf32>
      %add3A_708 = arith.addf %add3A_675, %select_n3A_707 : vector<16xf32>
      scf.yield %add3A_708 : vector<16xf32>
    }
    %scan3A_397 = arith.constant 392 : i32
    %swap3A = arith.constant 0 : i32
    %swap3A_398 = arith.index_cast %swap3A : i32 to index
    %swap3A_399 = arith.constant 0 : index
    %swap3A_400 = tpu.vector_load %arg9[%swap3A_398, %swap3A_399] {strides = array<i32>} : memref<8x16xf32, #tpu.memory_space<vmem>>, vector<1x16xf32>,
    %swap3A_401 = vector.shape_cast %swap3A_400 : vector<1x16xf32> to vector<16xf32>
    %swap3A_402 = vector.shape_cast %scan3A_263 : vector<16xf32> to vector<1x16xf32>
    tpu.vector_store %arg9[%swap3A_398, %swap3A_399], %swap3A_402 {strides = array<i32>} : memref<8x16xf32, #tpu.memory_space<vmem>>, vector<1x16xf32>,
    %swap3A_403 = arith.constant 1 : i32
    %swap3A_404 = arith.index_cast %swap3A_403 : i32 to index
    %swap3A_405 = arith.constant 0 : index
    %swap3A_406 = tpu.vector_load %arg9[%swap3A_404, %swap3A_405] {strides = array<i32>} : memref<8x16xf32, #tpu.memory_space<vmem>>, vector<1x16xf32>,
    %swap3A_407 = vector.shape_cast %swap3A_406 : vector<1x16xf32> to vector<16xf32>
    %swap3A_408 = vector.shape_cast %scan3A_282 : vector<16xf32> to vector<1x16xf32>
    tpu.vector_store %arg9[%swap3A_404, %swap3A_405], %swap3A_408 {strides = array<i32>} : memref<8x16xf32, #tpu.memory_space<vmem>>, vector<1x16xf32>,
    %swap3A_409 = arith.constant 2 : i32
    %swap3A_410 = arith.index_cast %swap3A_409 : i32 to index
    %swap3A_411 = arith.constant 0 : index
    %swap3A_412 = tpu.vector_load %arg9[%swap3A_410, %swap3A_411] {strides = array<i32>} : memref<8x16xf32, #tpu.memory_space<vmem>>, vector<1x16xf32>,
    %swap3A_413 = vector.shape_cast %swap3A_412 : vector<1x16xf32> to vector<16xf32>
    %swap3A_414 = vector.shape_cast %scan3A_301 : vector<16xf32> to vector<1x16xf32>
    tpu.vector_store %arg9[%swap3A_410, %swap3A_411], %swap3A_414 {strides = array<i32>} : memref<8x16xf32, #tpu.memory_space<vmem>>, vector<1x16xf32>,
    %swap3A_415 = arith.constant 3 : i32
    %swap3A_416 = arith.index_cast %swap3A_415 : i32 to index
    %swap3A_417 = arith.constant 0 : index
    %swap3A_418 = tpu.vector_load %arg9[%swap3A_416, %swap3A_417] {strides = array<i32>} : memref<8x16xf32, #tpu.memory_space<vmem>>, vector<1x16xf32>,
    %swap3A_419 = vector.shape_cast %swap3A_418 : vector<1x16xf32> to vector<16xf32>
    %swap3A_420 = vector.shape_cast %scan3A_320 : vector<16xf32> to vector<1x16xf32>
    tpu.vector_store %arg9[%swap3A_416, %swap3A_417], %swap3A_420 {strides = array<i32>} : memref<8x16xf32, #tpu.memory_space<vmem>>, vector<1x16xf32>,
    %swap3A_421 = arith.constant 4 : i32
    %swap3A_422 = arith.index_cast %swap3A_421 : i32 to index
    %swap3A_423 = arith.constant 0 : index
    %swap3A_424 = tpu.vector_load %arg9[%swap3A_422, %swap3A_423] {strides = array<i32>} : memref<8x16xf32, #tpu.memory_space<vmem>>, vector<1x16xf32>,
    %swap3A_425 = vector.shape_cast %swap3A_424 : vector<1x16xf32> to vector<16xf32>
    %swap3A_426 = vector.shape_cast %scan3A_339 : vector<16xf32> to vector<1x16xf32>
    tpu.vector_store %arg9[%swap3A_422, %swap3A_423], %swap3A_426 {strides = array<i32>} : memref<8x16xf32, #tpu.memory_space<vmem>>, vector<1x16xf32>,
    %swap3A_427 = arith.constant 5 : i32
    %swap3A_428 = arith.index_cast %swap3A_427 : i32 to index
    %swap3A_429 = arith.constant 0 : index
    %swap3A_430 = tpu.vector_load %arg9[%swap3A_428, %swap3A_429] {strides = array<i32>} : memref<8x16xf32, #tpu.memory_space<vmem>>, vector<1x16xf32>,
    %swap3A_431 = vector.shape_cast %swap3A_430 : vector<1x16xf32> to vector<16xf32>
    %swap3A_432 = vector.shape_cast %scan3A_358 : vector<16xf32> to vector<1x16xf32>
    tpu.vector_store %arg9[%swap3A_428, %swap3A_429], %swap3A_432 {strides = array<i32>} : memref<8x16xf32, #tpu.memory_space<vmem>>, vector<1x16xf32>,
    %swap3A_433 = arith.constant 6 : i32
    %swap3A_434 = arith.index_cast %swap3A_433 : i32 to index
    %swap3A_435 = arith.constant 0 : index
    %swap3A_436 = tpu.vector_load %arg9[%swap3A_434, %swap3A_435] {strides = array<i32>} : memref<8x16xf32, #tpu.memory_space<vmem>>, vector<1x16xf32>,
    %swap3A_437 = vector.shape_cast %swap3A_436 : vector<1x16xf32> to vector<16xf32>
    %swap3A_438 = vector.shape_cast %scan3A_377 : vector<16xf32> to vector<1x16xf32>
    tpu.vector_store %arg9[%swap3A_434, %swap3A_435], %swap3A_438 {strides = array<i32>} : memref<8x16xf32, #tpu.memory_space<vmem>>, vector<1x16xf32>,
    %swap3A_439 = arith.constant 7 : i32
    %swap3A_440 = arith.index_cast %swap3A_439 : i32 to index
    %swap3A_441 = arith.constant 0 : index
    %swap3A_442 = tpu.vector_load %arg9[%swap3A_440, %swap3A_441] {strides = array<i32>} : memref<8x16xf32, #tpu.memory_space<vmem>>, vector<1x16xf32>,
    %swap3A_443 = vector.shape_cast %swap3A_442 : vector<1x16xf32> to vector<16xf32>
    %swap3A_444 = vector.shape_cast %scan3A_396 : vector<16xf32> to vector<1x16xf32>
    tpu.vector_store %arg9[%swap3A_440, %swap3A_441], %swap3A_444 {strides = array<i32>} : memref<8x16xf32, #tpu.memory_space<vmem>>, vector<1x16xf32>,
    "tpu.region"() ({
      %run_scoped3A = tpu.sem_alloc : memref<!tpu.dma_semaphore, #tpu.memory_space<semaphore_mem>>
      %dma_start3A = arith.constant 0 : i32
      %dma_start3A_445 = arith.constant 0 : i32
      %dma_start3A_446 = tpu.memref_slice %arg5[%add3A, %dma_start3A, %dma_start3A_445] : memref<32x8x16xf32, #tpu.memory_space<hbm>> -> memref<1x8x16xf32, #tpu.memory_space<hbm>>
      %dma_start3A_447 = tpu.memref_squeeze %dma_start3A_446 : memref<1x8x16xf32, #tpu.memory_space<hbm>> -> memref<8x16xf32, #tpu.memory_space<hbm>>
      %dma_start3A_448 = arith.constant 0 : i32
      %dma_start3A_449 = arith.constant 0 : i32
      %dma_start3A_450 = tpu.memref_slice %arg5[%add3A, %dma_start3A_448, %dma_start3A_449] : memref<32x8x16xf32, #tpu.memory_space<hbm>> -> memref<1x8x16xf32, #tpu.memory_space<hbm>>
      %dma_start3A_451 = tpu.memref_squeeze %dma_start3A_450 : memref<1x8x16xf32, #tpu.memory_space<hbm>> -> memref<8x16xf32, #tpu.memory_space<hbm>>
      tpu.enqueue_dma source(%arg9 : memref<8x16xf32, #tpu.memory_space<vmem>>) target(%dma_start3A_451 : memref<8x16xf32, #tpu.memory_space<hbm>>) target_semaphore(%run_scoped3A : memref<!tpu.dma_semaphore, #tpu.memory_space<semaphore_mem>>)
      %dma_wait3A = arith.constant 0 : i32
      %dma_wait3A_452 = arith.constant 0 : i32
      %dma_wait3A_453 = tpu.memref_slice %arg5[%add3A, %dma_wait3A, %dma_wait3A_452] : memref<32x8x16xf32, #tpu.memory_space<hbm>> -> memref<1x8x16xf32, #tpu.memory_space<hbm>>
      %dma_wait3A_454 = tpu.memref_squeeze %dma_wait3A_453 : memref<1x8x16xf32, #tpu.memory_space<hbm>> -> memref<8x16xf32, #tpu.memory_space<hbm>>
      %dma_wait3A_455 = arith.constant 0 : i32
      %dma_wait3A_456 = arith.constant 0 : i32
      %dma_wait3A_457 = tpu.memref_slice %arg5[%add3A, %dma_wait3A_455, %dma_wait3A_456] : memref<32x8x16xf32, #tpu.memory_space<hbm>> -> memref<1x8x16xf32, #tpu.memory_space<hbm>>
      %dma_wait3A_458 = tpu.memref_squeeze %dma_wait3A_457 : memref<1x8x16xf32, #tpu.memory_space<hbm>> -> memref<8x16xf32, #tpu.memory_space<hbm>>
      tpu.wait_dma2 semaphore(%run_scoped3A : memref<!tpu.dma_semaphore, #tpu.memory_space<semaphore_mem>>) src(%arg9 : memref<8x16xf32, #tpu.memory_space<vmem>>) dst(%dma_wait3A_458 : memref<8x16xf32, #tpu.memory_space<hbm>>)
      tpu.yield
    }) : () -> ()
    return
  }
}

module attributes {stable_mosaic.version = 14 : i64} {
  func.func @_tc_block(%arg0: i32, %arg1: memref<16x50000xf32, #tpu.memory_space<vmem>>, %arg2: memref<16x50000xf32, #tpu.memory_space<vmem>>, %arg3: memref<16x4xf32, #tpu.memory_space<vmem>>, %arg4: memref<16x1xf32, #tpu.memory_space<vmem>>) attributes {dimension_semantics = [#tpu.dimension_semantics<parallel>], iteration_bounds = array<i64: 12>, scalar_prefetch = 0 : i64, scratch_operands = 0 : i64, tpu.core_type = #tpu.core_type<tc>, window_params = [{transform_indices = @transform_0, window_bounds = array<i64: 16, 50000>}, {transform_indices = @transform_1, window_bounds = array<i64: 16, 50000>}, {transform_indices = @transform_2, window_bounds = array<i64: 16, 4>}, {transform_indices = @transform_3, window_bounds = array<i64: 16, 1>}]} {
    %get3A = arith.constant 0 : index
    %get3A_0 = arith.constant 0 : index
    %get3A_1 = vector.load %arg1[%get3A, %get3A_0] : memref<16x50000xf32, #tpu.memory_space<vmem>>, vector<16x50000xf32>
    %get3A_2 = arith.constant 0 : index
    %get3A_3 = arith.constant 0 : index
    %get3A_4 = vector.load %arg2[%get3A_2, %get3A_3] : memref<16x50000xf32, #tpu.memory_space<vmem>>, vector<16x50000xf32>
    %get3A_5 = arith.constant 0 : index
    %get3A_6 = arith.constant 0 : index
    %get3A_7 = vector.load %arg3[%get3A_5, %get3A_6] : memref<16x4xf32, #tpu.memory_space<vmem>>, vector<16x4xf32>
    %slice3A = vector.extract_strided_slice %get3A_7 {offsets = [0, 0], sizes = [16, 1], strides = [1, 1]} : vector<16x4xf32> to vector<16x1xf32>
    %slice3A_8 = vector.extract_strided_slice %get3A_7 {offsets = [0, 1], sizes = [16, 1], strides = [1, 1]} : vector<16x4xf32> to vector<16x1xf32>
    %slice3A_9 = vector.extract_strided_slice %get3A_7 {offsets = [0, 2], sizes = [16, 1], strides = [1, 1]} : vector<16x4xf32> to vector<16x1xf32>
    %slice3A_10 = vector.extract_strided_slice %get3A_7 {offsets = [0, 3], sizes = [16, 1], strides = [1, 1]} : vector<16x4xf32> to vector<16x1xf32>
    %mul3A = vector.broadcast %slice3A_10 : vector<16x1xf32> to vector<16x50000xf32>
    %mul3A_11 = arith.mulf %get3A_1, %mul3A : vector<16x50000xf32>
    %add3A = vector.broadcast %slice3A_9 : vector<16x1xf32> to vector<16x50000xf32>
    %add3A_12 = arith.addf %add3A, %mul3A_11 : vector<16x50000xf32>
    %mul3A_13 = arith.mulf %get3A_1, %add3A_12 : vector<16x50000xf32>
    %add3A_14 = vector.broadcast %slice3A_8 : vector<16x1xf32> to vector<16x50000xf32>
    %add3A_15 = arith.addf %add3A_14, %mul3A_13 : vector<16x50000xf32>
    %mul3A_16 = arith.mulf %get3A_1, %add3A_15 : vector<16x50000xf32>
    %add3A_17 = vector.broadcast %slice3A : vector<16x1xf32> to vector<16x50000xf32>
    %add3A_18 = arith.addf %add3A_17, %mul3A_16 : vector<16x50000xf32>
    %sub3A = arith.subf %add3A_18, %get3A_4 : vector<16x50000xf32>
    %mul3A_19 = arith.mulf %sub3A, %sub3A : vector<16x50000xf32>
    %reduce_sum3A = arith.constant dense<0.000000e+00> : vector<16xf32>
    %reduce_sum3A_20 = vector.multi_reduction <add>, %mul3A_19, %reduce_sum3A [1] : vector<16x50000xf32> to vector<16xf32>
    %broadcast_in_dim3A = vector.shape_cast %reduce_sum3A_20 : vector<16xf32> to vector<16x1xf32>
    %mul3A_21 = arith.constant 0.001953125 : f32
    %mul3A_22 = vector.broadcast %mul3A_21 : f32 to vector<16x1xf32>
    %mul3A_23 = arith.mulf %broadcast_in_dim3A, %mul3A_22 : vector<16x1xf32>
    %swap3A = arith.constant 0 : index
    %swap3A_24 = arith.constant 0 : index
    %swap3A_25 = vector.load %arg4[%swap3A, %swap3A_24] : memref<16x1xf32, #tpu.memory_space<vmem>>, vector<16x1xf32>
    tpu.vector_store %arg4[%swap3A, %swap3A_24], %mul3A_23 {strides = array<i32>} : memref<16x1xf32, #tpu.memory_space<vmem>>, vector<16x1xf32>,
    return
  }
  func.func @transform_0(%arg0: i32) -> (i32, i32) {
    %c0_i32 = arith.constant 0 : i32
    %c0_i32_0 = arith.constant 0 : i32
    return %arg0, %c0_i32 : i32, i32
  }
  func.func @transform_1(%arg0: i32) -> (i32, i32) {
    %c0_i32 = arith.constant 0 : i32
    %c0_i32_0 = arith.constant 0 : i32
    return %arg0, %c0_i32 : i32, i32
  }
  func.func @transform_2(%arg0: i32) -> (i32, i32) {
    %c0_i32 = arith.constant 0 : i32
    %c0_i32_0 = arith.constant 0 : i32
    return %arg0, %c0_i32 : i32, i32
  }
  func.func @transform_3(%arg0: i32) -> (i32, i32) {
    %c0_i32 = arith.constant 0 : i32
    %c0_i32_0 = arith.constant 0 : i32
    return %arg0, %c0_i32 : i32, i32
  }
}

</mosaic_0001>

<sc_bundles>
// kernel: kernel.4.cloned.1.call-start
scs
__scs_entry_jumppad:
0x0: {  	(pc) =	sbr.rel $0x88, $3  }
0x1: {  	(tag) =	ssettag $0x0;
	lr =	simm.s32 $0x1  }
0x2: {  	[smem:$0x3F9E] =	sst lr;
	_ =	strace $0xD0000000  }
0x3: {  	_ = 	snop  }
0x4: {  	_ = 	snop  }
0x5: {  	_ = 	snop  }
0x6: {  	_ = 	snop  }
0x7: {  	_ = 	snop  }
__scs_overlays_trampoline_lowered:
0x8: {  	[smem:$0x3FAD] =	sst s0  }
0x9: {  	[smem:$0x3FAE] =	sst s1  }
0xa: {  	[smem:$0x3FAF] =	sst s2  }
0xb: {  	[smem:$0x3FB0] =	sst s3  }
0xc: {  	[smem:$0x3FB1] =	sst s4  }
0xd: {  	[smem:$0x3FB2] =	sst s5  }
0xe: {  	[smem:$0x3FB3] =	sst s6  }
0xf: {  	[smem:$0x3FB4] =	sst s7  }
0x10: {  	[smem:$0x3FB5] =	sst s8  }
0x11: {  	[smem:$0x3FB6] =	sst s9;
	s0 =	simm.s32 @!p0 $0x0  }
0x12: {  	s1 =	sld [smem:$0x3F9C];
	s0 =	simm.s32 @p0 $0x1  }
0x13: {  	[smem:$0x3FB7] =	sst s0;
	s0 =	simm.s32 @!p1 $0x0  }
0x14: {  	s2 =	sld [smem:$0x3F9B];
	s0 =	simm.s32 @p1 $0x1  }
0x15: {  	[smem:$0x3FB8] =	sst s0;
	s0 =	simm.s32 @!p2 $0x0  }
0x16: {  	s3 =	sld [smem:$0x3FDB];
	s0 =	simm.s32 @p2 $0x1  }
0x17: {  	s4 =	simm.s32 $0x1BF5;
	[smem:$0x3FBA] =	sst s0  }
0x18: {  	s0 =	sld [smem:$0x3F9D];
	_ =	swait.ge [sflag:s4], $0x0  }
0x19: {  	s7 =	sld [smem:$0x3F9E]  }
0x1a: {  	s8 =	sadd.s32 $0xFFFFE003, lr  }
0x1b: {  	s9 =	sadd.s32 $0xFFFFFEF7, lr;
	s5 =	simm.s32 $0xFFFFFFFF;
	p2 =	slt.u32 s8, $0xFFFFF086  }
0x1c: {  	p1 =	slt.u32 s9, $0xF7A;
	s5 =	simm.s32 @!p2 $0x0  }
0x1d: {  	s5 =	simm.s32 @p1 $0x1;
	p0 =	seq.s32 s7, s2  }
0x1e: {  	s7 =	smul.u32 @!p0 $0xF7A, s2;
	p2 =	seq.s32 @!p0 s5, $0x0  }
0x1f: {  	s9 =	smul.u32 $0xF7A, s1;
	s8 =	simm.s32 @!p0 $0x1BF5;
	p2 =	por !p2, p0  }
0x20: {  	[sflag:s8] =	ssyncset.s32 @!p0 $0xFFFFF086;
	s6 =	sadd.s32 @!p0 s3, s7;
	s7 =	simm.s32 @!p0 $0x108  }
0x21: {  	s3 =	sadd.s32 s3, s9;
	s6 =	sadd.s32 @!p0 $0x88, s6;
	s7 =	simm.s32 @p2 $0x1082  }
0x22: {  	[simem:s7], [sflag:s8] =	dma.local @!p0 [hbm:s6], $0xF7A  }
0x23: {  	s9 =	sor.u32 $0xD0000000, s2;
	s6 =	simm.s32 $0x108;
	_ =	swait.ge @!p0 [sflag:s8], $0x0  }
0x24: {  	s3 =	sadd.s32 $0x88, s3;
	s6 =	simm.s32 @!p1 $0x1082;
	[sflag:s4] =	ssyncset.s32 $0xFFFFF086  }
0x25: {  	[simem:s6], [sflag:s4] =	dma.local [hbm:s3], $0xF7A  }
0x26: {  	[smem:$0x3F9E] =	sst s1;
	(tag) =	ssettag s2;
	_ =	strace s9  }
0x27: {  	s1 =	sld [smem:$0x3FAE]  }
0x28: {  	s2 =	sld [smem:$0x3FAF]  }
0x29: {  	s4 =	sld [smem:$0x3FB1]  }
0x2a: {  	p0 =	seq.s32 s5, $0x0;
	s5 =	sld [smem:$0x3FB2]  }
0x2b: {  	s6 =	sld [smem:$0x3FB3]  }
0x2c: {  	s7 =	sld [smem:$0x3FB4]  }
0x2d: {  	s3 =	simm.s32 $0x108;
	s8 =	sld [smem:$0x3FB5]  }
0x2e: {  	s3 =	simm.s32 @!p0 $0x1082;
	s9 =	sld [smem:$0x3FB6]  }
0x2f: {  	lr =	sadd.s32 s0, s3;
	s0 =	sld [smem:$0x3FAD]  }
0x30: {  	s3 =	sld [smem:$0x3FB0]  }
0x31: {  	[smem:$0x3FB9] =	sst s10  }
0x32: {  	s10 =	sld [smem:$0x3FB7];
	_ =	sdelay $0x3  }
0x33: {  	p0 =	seq.s32 s10, $0x1;
	s10 =	sld [smem:$0x3FB9];
	_ =	sdelay $0x3  }
0x34: {  	[smem:$0x3FB9] =	sst s10  }
0x35: {  	s10 =	sld [smem:$0x3FB8];
	_ =	sdelay $0x3  }
0x36: {  	p1 =	seq.s32 s10, $0x1;
	s10 =	sld [smem:$0x3FB9];
	_ =	sdelay $0x3  }
0x37: {  	[smem:$0x3FB9] =	sst s10  }
0x38: {  	s10 =	sld [smem:$0x3FBA]  }
0x39: {  	_ = 	snop;
	(pc) =	sbr.ind lr, $3  }
0x3a: {  	_ = 	snop  }
0x3b: {  	_ = 	snop  }
0x3c: {  	p2 =	seq.s32 s10, $0x1;
	s10 =	sld [smem:$0x3FB9]  }
0x3d: {  	_ =	shalt  }
0x3e: {  	_ =	shalt  }
0x3f: {  	_ =	shalt  }
0x40: {  	_ =	shalt  }
0x41: {  	_ =	shalt  }
0x42: {  	_ =	shalt  }
0x43: {  	_ =	shalt  }
0x44: {  	_ =	shalt  }
0x45: {  	_ =	shalt  }
0x46: {  	_ =	shalt  }
0x47: {  	_ =	shalt  }
0x48: {  	_ =	shalt  }
0x49: {  	_ =	shalt  }
0x4a: {  	_ =	shalt  }
0x4b: {  	_ =	shalt  }
0x4c: {  	_ =	shalt  }
0x4d: {  	_ =	shalt  }
0x4e: {  	_ =	shalt  }
0x4f: {  	_ =	shalt  }
0x50: {  	_ =	shalt  }
0x51: {  	_ =	shalt  }
0x52: {  	_ =	shalt  }
0x53: {  	_ =	shalt  }
0x54: {  	_ =	shalt  }
0x55: {  	_ =	shalt  }
0x56: {  	_ =	shalt  }
0x57: {  	_ =	shalt  }
0x58: {  	_ =	shalt  }
0x59: {  	_ =	shalt  }
0x5a: {  	_ =	shalt  }
0x5b: {  	_ =	shalt  }
0x5c: {  	_ =	shalt  }
0x5d: {  	_ =	shalt  }
0x5e: {  	_ =	shalt  }
0x5f: {  	_ =	shalt  }
0x60: {  	_ =	shalt  }
0x61: {  	_ =	shalt  }
0x62: {  	_ =	shalt  }
0x63: {  	_ =	shalt  }
0x64: {  	_ =	shalt  }
0x65: {  	_ =	shalt  }
0x66: {  	_ =	shalt  }
0x67: {  	_ =	shalt  }
0x68: {  	_ =	shalt  }
0x69: {  	_ =	shalt  }
0x6a: {  	_ =	shalt  }
0x6b: {  	_ =	shalt  }
0x6c: {  	_ =	shalt  }
0x6d: {  	_ =	shalt  }
0x6e: {  	_ =	shalt  }
0x6f: {  	_ =	shalt  }
0x70: {  	_ =	shalt  }
0x71: {  	_ =	shalt  }
0x72: {  	_ =	shalt  }
0x73: {  	_ =	shalt  }
0x74: {  	_ =	shalt  }
0x75: {  	_ =	shalt  }
0x76: {  	_ =	shalt  }
0x77: {  	_ =	shalt  }
0x78: {  	_ =	shalt  }
0x79: {  	_ =	shalt  }
0x7a: {  	_ =	shalt  }
0x7b: {  	_ =	shalt  }
0x7c: {  	_ =	shalt  }
0x7d: {  	_ =	shalt  }
0x7e: {  	_ =	shalt  }
0x7f: {  	_ =	shalt  }
0x80: {  	_ =	shalt  }
0x81: {  	_ =	shalt  }
0x82: {  	_ =	shalt  }
0x83: {  	_ =	shalt  }
0x84: {  	_ =	shalt  }
0x85: {  	_ =	shalt  }
0x86: {  	_ =	shalt  }
0x87: {  	_ =	shalt  }
.Lfunc_end0:
.L_simem_size_0:
called_computation_lowered:
.L_overlay_start_0:
0x88: {  	s2 =	sld [smem:$0x3FD9]  }
0x89: {  	s3 =	sld [smem:$0x3FFE];
	_ =	sdelay $0x1  }
0x8a: {  	s1 =	srdreg.scid  }
0x8b: {  	s0 =	sand.u32 $0x1, s1  }
0x8c: {  	s16 =	sshll.u32 s0, $0xA;
	s2 =	sadd.s32 s3, s2  }
0x8d: {  	s2 =	sadd.s32 s2, s16  }
0x8e: {  	[smem:$0x3FC5] =	sst s2  }
0x8f: {  	_ = 	snop  }
0x90: {  	(tm) =	ssettm $0x1  }
0x91: {  	s17 =	sld [smem:$0x3FFB];
	_ =	sdelay $0x3  }
0x92: {  	_ =	strace s17  }
0x93: {  	s2 =	sld [smem:$0x3FFC];
	_ =	sdelay $0x3  }
0x94: {  	_ =	strace s2  }
0x95: {  	s2 =	sld [smem:$0x3FFD];
	_ =	sdelay $0x3  }
0x96: {  	_ =	strace s2  }
0x97: {  	_ =	strace $0x8FFFFFFF  }
0x98: {  	s18 =	sld [smem:$0x3FDB];
	_ =	sdelay $0x1  }
0x99: {  	s19 =	simm.s32 $_scs_section_size  }
0x9a: {  	s4 =	simm.s32 $_size__tile_overlayer_lowered;
	s5 =	simm.s32 $_tile_overlayer_lowered  }
0x9b: {  	s22 =	simm.s32 $0x1BFF;
	s21 =	sshll.u32 s5, $0x1;
	s2 =	sadd.s32 s19, s18  }
0x9c: {  	s6 =	simm.s32 $0x0;
	s20 =	sshll.u32 s4, $0x1;
	s4 =	sadd.s32 s21, s2  }
0x9d: {  	[timem:s6], [sflag:s22] =	dma.local [hbm:s4], s20  }
0x9e: {  	_ =	swait.ge [sflag:s22], s20  }
0x9f: {  	s3 =	ssub.s32 $0x0, s20;
	[sflag:s22] =	ssyncset.done $0x0  }
0xa0: {  	[sflag:s22] =	ssyncadd.s32 s3;
	_ =	sdelay $0x1  }
0xa1: {  	s23 =	simm.s32 $0x1B8B  }
0xa2: {  	_ =	swait.ge [sflag:s23], $0x1  }
0xa3: {  	[sflag:s23] =	ssyncset.done $0x0  }
0xa4: {  	s25 =	simm.s32 $0x1B8E;
	s24 =	sld [smem:$0x3FFE];
	[sflag:s23] =	ssyncadd.s32 $0xFFFFFFFF  }
0xa5: {  	s26 =	simm.s32 $execute0_lowered;
	[smem:$0x3FD2] =	sst s25  }
0xa6: {  	s4 =	sshll.u32 s26, $0x1;
	_ =	strace $0x80000046;
	[dreg:$0x1] =	wrdreg $0xFFFFFFFF  }
0xa7: {  	s28 =	simm.s32 $_size_execute0_lowered;
	s2 =	sadd.s32 s2, s4;
	[dreg:$0x0] =	wrdreg $0x0  }
0xa8: {  	s4 =	sshll.u32 s28, $0x1;
	[dreg:$0x2] =	wrdreg s2  }
0xa9: {  	[dreg:$0x3] =	wrdreg s4  }
0xaa: {  	[dreg:$0x4] =	wrdreg $0xC0  }
0xab: {  	_ =	task [dreg:s6], $0x5FFFF  }
0xac: {  	[dreg:$0x1] =	wrdreg $0xFFFFFFFF  }
0xad: {  	[dreg:$0x0] =	wrdreg $0x60  }
0xae: {  	[dreg:$0x2] =	wrdreg s24  }
0xaf: {  	[dreg:$0x3] =	wrdreg $0x9  }
0xb0: {  	_ =	task.clear_ibuf [dreg:s6], $0x4FFFF;
	_ =	strace $0x90000046  }
0xb1: {  	s29 =	simm.s32 $0x9;
	_ =	strace $0x80000048  }
0xb2: {  	_ =	swait.ge [sflag:s29], $0x1  }
0xb3: {  	[sflag:s29] =	ssyncadd.s32 $0xFFFFFFFF  }
0xb4: {  	_ =	strace $0x90000048  }
0xb5: {  	_ =	sfence  }
0xb6: {  	s30 =	sld [smem:$0x0];
	_ =	sdelay $0x2  }
0xb7: {  	s31 =	sshll.u32 s1, $0xD;
	s1 =	sshrl.u32 s1, $0x2  }
0xb8: {  	s3 =	sand.u32 $0x4000, s31;
	s1 =	sadd.s32 s1, s30  }
0xb9: {  	s0 =	sor.u32 s3, s0;
	s1 =	sshll.u32 s1, $0x11  }
0xba: {  	s0 =	sor.u32 s1, s0  }
0xbb: {  	s0 =	sadd.s32 $0x8F2B, s0  }
0xbc: {  	[sflag:s0] =	ssyncadd.remote.s32 $0x1  }
0xbd: {  	_ =	sfence.sel $0xFFFF  }
0xbe: {  	[dreg:$0x0] =	wrdreg $0xFFFFFFFF;
	(pc) =	sbr.abs _section_cstart, $3  }
0xbf: {  	[dreg:$0x1] =	wrdreg $0xFFFFFFFF  }
0xc0: {  	_ =	task.clear_ibuf [dreg:s6], $0x2FFFF;
	_ =	strace $0x9FFFFFFF  }
0xc1: {  	(tm) =	ssettm $0x7FFFFFFF  }
tec
execute0_lowered:
.L_overlay_start_1:
0x0: {  	(tag) =	ssettag $0x1  }
0x1: {  	s0 =	stileid.u32;
	s1 =	srdreg.scid  }
0x2: {  	s6 =	rddreg [dreg:$0x0];
	s3 =	sand.u32 $0x1, s1;
	s2 =	sshll.u32 s0, $0x1  }
0x3: {  	s1 =	rddreg [dreg:$0x1];
	s4 =	sshrl.u32 s0, $0x1;
	s12 =	sadd.s32 $0x187000, s6  }
0x4: {  	s5 =	sor.u32 s3, s2;
	s2 =	simm.s32 $0x0;
	s4 =	sor.u32 $0x18, s4  }
0x5: {  	s3 =	ssub.s32 $0x2, s3;
	s7 =	sand.u32 $0x3, s5;
	[smem:$0x7FF] =	sst s2  }
0x6: {  	s8 =	smul.u32 $0x61C00, s4;
	s11 =	sshll.u32 s4, $0x7;
	s5 =	sshll.u32 s5, $0x7  }
0x7: {  	s4 =	smul.u32 $0xC380, s4;
	s29 =	sshrl.u32 s3, $0x1;
	s13 =	sor.u32 $0x4, s7  }
0x8: {  	_ =	strace $0x80000047;
	s9 =	smul.u32 $0xC400, s7;
	s7 =	smax.u32 s7, $0x2  }
0x9: {  	s11 =	sadd.s32 s11, s6;
	s14 =	sadd.s32 s5, s6;
	s30 =	ssub.s32 s3, s29  }
0xa: {  	s10 =	smin.u32 s13, $0x6;
	s7 =	smul.u32 $0x1800, s7;
	s3 =	sadd.s32 $0x30E000, s11  }
0xb: {  	s11 =	simm.s32 $0x1;
	p0 =	sgt.u32 s13, $0x5;
	s10 =	smul.u32 $0x1880, s10  }
0xc: {  	s13 =	simm.s32 $0x18C00;
	s31 =	sadd.s32 s8, s9;
	s8 =	sadd.s32 $0x30F000, s14  }
0xd: {  	s9 =	smax.u32 s30, $0x1;
	s14 =	simm.s32 $0x0;
	s7 =	sadd.s32 s10, s7  }
0xe: {  	s5 =	sshrl.u32 s31, $0x3;
	s10 =	simm.s32 $0x18800;
	s4 =	sadd.s32 s4, s7  }
0xf: {  	s7 =	sadd.s32 $0xFFFFD000, s4;
	s4 =	sadd.s32 s6, s5;
	s5 =	sadd.s32 s12, s5  }
0x10: {  	s6 =	sadd.s32 s6, s7;
	s7 =	sadd.s32 s12, s7;
	s12 =	simm.s32 $0xC400  }
.LBB2_1:
0x11: {  	[tilespmem:s10], [sflag:$0x1] =	stream.linear.gather [hbm4b:s3+s2], $0x400, $0x38;
	[tilespmem:$0x19000] =	vst v63  }
0x12: {  	_ =	swait.ge [sflag:s11], $0x400  }
0x13: {  	[sflag:s11] =	ssyncset.done $0x0  }
0x14: {  	[sflag:s11] =	ssyncadd.s32 $0xFFFFFC00  }
0x15: {  	[tilespmem:s2], [sflag:$0x1] =	stream.linear.gather [hbm4b:s4+s2], $0xC400, $0x38;
	[tilespmem:$0x19000] =	vst v63  }
0x16: {  	_ =	swait.ge [sflag:s11], $0xC400  }
0x17: {  	[sflag:s11] =	ssyncset.done $0x0  }
0x18: {  	[sflag:s11] =	ssyncadd.s32 $0xFFFF3C00  }
0x19: {  	[tilespmem:s12], [sflag:$0x1] =	stream.linear.gather [hbm4b:s5+s2], $0xC400, $0x38;
	[tilespmem:$0x19000] =	vst v63  }
0x1a: {  	_ =	swait.ge [sflag:s11], $0xC400  }
0x1b: {  	[sflag:s11] =	ssyncset.done $0x0  }
0x1c: {  	[sflag:s11] =	ssyncadd.s32 $0xFFFF3C00  }
0x1d: {  	s15 =	simm.s32 $0x40;
	v1 =	vld [tilespmem:$0x18800]  }
0x1e: {  	v0 =	vld [tilespmem:s15+$0x30]  }
0x1f: {  	v7 =	vld [tilespmem:s15+$0xFFFFFFC0]  }
0x20: {  	v6 =	vld [tilespmem:s15+$0x20]  }
0x21: {  	v10 =	vld [tilespmem:s15+$0xFFFFFFD0]  }
0x22: {  	v13 =	vld [tilespmem:s15+$0xFFFFFFE0]  }
0x23: {  	v5 =	vld [tilespmem:s15+$0x10];
	v3 =	vbroadcast v1, $0x3  }
0x24: {  	v14 =	vld [tilespmem:s15+$0xFFFFFFF0];
	v4 =	vbroadcast v1, $0x2  }
0x25: {  	v19 =	vld [tilespmem:s15+$0x0];
	v2 =	vbroadcast v1, $0x1;
	v8 =	vmul.f32 v7, v3  }
0x26: {  	v1 =	vbroadcast v1, $0x0;
	v9 =	vmul.f32 v0, v3  }
0x27: {  	v12 =	vmul.f32 v10, v3;
	v15 =	vmul.f32 v6, v3;
	v11 =	vadd.f32 v8, v4  }
0x28: {  	v16 =	vmul.f32 v13, v3;
	v17 =	vmul.f32 v5, v3  }
0x29: {  	v18 =	vmul.f32 v14, v3;
	v12 =	vadd.f32 v12, v4;
	v11 =	vmul.f32 v11, v7  }
0x2a: {  	v21 =	vmul.f32 v19, v3;
	v9 =	vadd.f32 v9, v4;
	v16 =	vadd.f32 v16, v4  }
0x2b: {  	s15 =	simm.s32 $0xC440;
	v15 =	vadd.f32 v15, v4;
	v12 =	vmul.f32 v12, v10;
	v11 =	vadd.f32 v11, v2  }
0x2c: {  	v20 =	vld [tilespmem:s15+$0xFFFFFFC0];
	v8 =	vimm.f32 $0.0e+00;
	v18 =	vadd.f32 v18, v4;
	v17 =	vadd.f32 v17, v4  }
0x2d: {  	v7 =	vmul.f32 v11, v7;
	v11 =	vadd.f32 v12, v2;
	v12 =	vmul.f32 v16, v13  }
0x2e: {  	v22 =	vld [tilespmem:s15+$0xFFFFFFD0];
	v9 =	vmul.f32 v9, v0;
	v16 =	vmul.f32 v18, v14;
	v18 =	vadd.f32 v21, v4  }
0x2f: {  	v7 =	vadd.f32 v7, v1;
	v10 =	vmul.f32 v11, v10;
	v21 =	vadd.f32 v12, v2  }
0x30: {  	v12 =	vld [tilespmem:s15+$0xFFFFFFE0];
	v16 =	vadd.f32 v16, v2;
	v18 =	vmul.f32 v18, v19;
	v11 =	vmul.f32 v15, v6  }
0x31: {  	v15 =	vsub.f32 v7, v20;
	v10 =	vadd.f32 v10, v1;
	v20 =	vmul.f32 v21, v13;
	v7 =	vld [tilespmem:s15+$0x20]  }
0x32: {  	v23 =	vmul.f32 v17, v5;
	v13 =	vld [tilespmem:s15+$0xFFFFFFF0];
	v14 =	vmul.f32 v16, v14;
	v21 =	vadd.f32 v18, v2  }
0x33: {  	v16 =	vmul.f32 v15, v15;
	v17 =	vsub.f32 v10, v22;
	v18 =	vadd.f32 v20, v1;
	v10 =	vld [tilespmem:s15+$0x10]  }
0x34: {  	s16 =	simm.s32 $0x0;
	s17 =	simm.s32 $0x440;
	v15 =	vadd.f32 v14, v1;
	v14 =	vld [tilespmem:s15+$0x0];
	v19 =	vmul.f32 v21, v19;
	v20 =	vadd.f32 v23, v2  }
.LBB2_2:
0x35: {  	v21 =	vld [tilespmem:s17+$0x30];
	v8 =	vadd.f32 v16, v8;
	v16 =	vmul.f32 v17, v17;
	v12 =	vsub.f32 v18, v12  }
0x36: {  	v11 =	vadd.f32 v11, v2;
	v17 =	vld [tilespmem:s17+$0x20];
	v18 =	vadd.f32 v19, v1;
	v19 =	vmul.f32 v20, v5  }
0x37: {  	v20 =	vld [tilespmem:s17+$0xFFFFFFC0];
	v8 =	vadd.f32 v16, v8;
	v12 =	vmul.f32 v12, v12;
	v13 =	vsub.f32 v15, v13  }
0x38: {  	s16 =	sadd.s32 $0x8, s16;
	v9 =	vadd.f32 v9, v2;
	v22 =	vmul.f32 v11, v6;
	v5 =	vld [tilespmem:s17+$0x10];
	v15 =	vadd.f32 v19, v1  }
0x39: {  	p1 =	slt.u32 s16, $0x180;
	v11 =	vld [tilespmem:s17+$0xFFFFFFD0];
	v8 =	vadd.f32 v12, v8;
	v12 =	vmul.f32 v13, v13;
	v13 =	vsub.f32 v18, v14  }
0x3a: {  	v9 =	vmul.f32 v9, v0;
	v16 =	vadd.f32 v22, v1;
	v14 =	vmul.f32 v21, v3;
	v18 =	vld [tilespmem:s15+$0x30];
	v0 =	vmovc v21  }
0x3b: {  	v10 =	vsub.f32 v15, v10;
	v19 =	vld [tilespmem:s17+$0xFFFFFFE0];
	v8 =	vadd.f32 v12, v8;
	v12 =	vmul.f32 v13, v13;
	v6 =	vmovc v17  }
0x3c: {  	v9 =	vadd.f32 v9, v1;
	v13 =	vmul.f32 v20, v3;
	v15 =	vmul.f32 v6, v3  }
0x3d: {  	v7 =	vsub.f32 v16, v7;
	v10 =	vmul.f32 v10, v10;
	v17 =	vld [tilespmem:s17+$0xFFFFFFF0];
	v8 =	vadd.f32 v12, v8  }
0x3e: {  	v16 =	vmul.f32 v5, v3;
	v12 =	vadd.f32 v13, v4;
	v13 =	vmul.f32 v11, v3  }
0x3f: {  	v7 =	vmul.f32 v7, v7;
	v21 =	vld [tilespmem:s17+$0x0];
	v8 =	vadd.f32 v10, v8;
	v9 =	vsub.f32 v9, v18  }
0x40: {  	v14 =	vadd.f32 v14, v4;
	v10 =	vadd.f32 v13, v4;
	v13 =	vmul.f32 v19, v3  }
0x41: {  	v12 =	vmul.f32 v12, v20;
	v7 =	vadd.f32 v7, v8;
	v8 =	vmul.f32 v9, v9  }
0x42: {  	v15 =	vadd.f32 v15, v4;
	v9 =	vadd.f32 v13, v4;
	v13 =	vmul.f32 v17, v3  }
0x43: {  	s15 =	sadd.s32 $0x400, s15;
	v12 =	vadd.f32 v12, v2;
	v10 =	vmul.f32 v10, v11;
	v8 =	vadd.f32 v8, v7  }
0x44: {  	v16 =	vadd.f32 v16, v4;
	v7 =	vld [tilespmem:s15+$0xFFFFFFC0];
	v13 =	vadd.f32 v13, v4;
	v18 =	vmul.f32 v21, v3  }
0x45: {  	v12 =	vmul.f32 v12, v20;
	v10 =	vadd.f32 v10, v2;
	v20 =	vmul.f32 v9, v19  }
0x46: {  	v9 =	vmul.f32 v14, v0;
	v22 =	vld [tilespmem:s15+$0xFFFFFFD0];
	v13 =	vmul.f32 v13, v17;
	v18 =	vadd.f32 v18, v4  }
0x47: {  	v14 =	vadd.f32 v12, v1;
	v10 =	vmul.f32 v10, v11;
	v20 =	vadd.f32 v20, v2  }
.Ltmp0:
0x48: {  	v11 =	vmul.f32 v15, v6;
	v12 =	vld [tilespmem:s15+$0xFFFFFFE0];
	v23 =	vadd.f32 v13, v2;
	v18 =	vmul.f32 v18, v21;
	(pc) =	sbr.rel @p1 .LBB2_2-.Ltmp0, $4  }
0x49: {  	v10 =	vadd.f32 v10, v1;
	v15 =	vmul.f32 v20, v19;
	v14 =	vsub.f32 v14, v7;
	v7 =	vld [tilespmem:s15+$0x20]  }
0x4a: {  	v13 =	vld [tilespmem:s15+$0xFFFFFFF0];
	v19 =	vmul.f32 v23, v17;
	v20 =	vadd.f32 v18, v2;
	v23 =	vmul.f32 v16, v5  }
0x4b: {  	v18 =	vadd.f32 v15, v1;
	v16 =	vmul.f32 v14, v14;
	v17 =	vsub.f32 v10, v22;
	v10 =	vld [tilespmem:s15+$0x10]  }
0x4c: {  	s17 =	sadd.s32 $0x400, s17;
	v15 =	vadd.f32 v19, v1;
	v14 =	vld [tilespmem:s15+$0x0];
	v19 =	vmul.f32 v20, v21;
	v20 =	vadd.f32 v23, v2  }
0x4d: {  	v3 =	vadd.f32 v16, v8;
	v4 =	vmul.f32 v17, v17;
	v8 =	vsub.f32 v18, v12  }
0x4e: {  	v11 =	vadd.f32 v11, v2;
	v12 =	vadd.f32 v19, v1  }
0x4f: {  	v3 =	vadd.f32 v4, v3;
	v4 =	vmul.f32 v8, v8;
	v8 =	vsub.f32 v15, v13  }
0x50: {  	v2 =	vadd.f32 v9, v2;
	v9 =	vld [tilespmem:s15+$0x30];
	s31 =	simm.s32 $0xF0;
	v5 =	vmul.f32 v20, v5;
	v6 =	vmul.f32 v11, v6  }
0x51: {  	v11 =	vld [tilespmem:s31+$0xFFFFFFA0];
	v3 =	vadd.f32 v4, v3;
	v4 =	vmul.f32 v8, v8;
	v8 =	vsub.f32 v12, v14  }
0x52: {  	v0 =	vmul.f32 v2, v0;
	v15 =	vld [tilespmem:s31+$0xFFFFFFC0];
	v5 =	vadd.f32 v5, v1  }
0x53: {  	v6 =	vadd.f32 v6, v1;
	v2 =	vadd.f32 v4, v3;
	v3 =	vmul.f32 v8, v8;
	v8 =	vld [tilespmem:$0x18880]  }
0x54: {  	v1 =	vadd.f32 v0, v1;
	v14 =	vld [tilespmem:s31+$0xFFFFFFB0];
	v4 =	vsub.f32 v5, v10  }
0x55: {  	v10 =	vld [tilespmem:s31+$0xFFFFFF90]  }
0x56: {  	v5 =	vld [tilespmem:s31+$0xFFFFFFF0];
	v1 =	vsub.f32 v1, v9;
	v2 =	vadd.f32 v3, v2;
	v3 =	vmul.f32 v4, v4  }
0x57: {  	v4 =	vsub.f32 v6, v7;
	v7 =	vld [tilespmem:s31+$0xFFFFFFE0]  }
0x58: {  	v20 =	vld [tilespmem:s31+$0xFFFFFFD0];
	v1 =	vmul.f32 v1, v1;
	v2 =	vadd.f32 v3, v2;
	v3 =	vbroadcast v8, $0x3  }
0x59: {  	v4 =	vmul.f32 v4, v4;
	v6 =	vbroadcast v8, $0x2  }
0x5a: {  	v0 =	vld [tilespmem:s31+$0x0];
	v9 =	vmul.f32 v10, v3;
	v13 =	vmul.f32 v11, v3  }
0x5b: {  	v2 =	vadd.f32 v4, v2;
	v16 =	vmul.f32 v5, v3;
	v17 =	vmul.f32 v14, v3  }
0x5c: {  	v18 =	vmul.f32 v7, v3;
	v19 =	vmul.f32 v15, v3;
	v12 =	vadd.f32 v9, v6  }
0x5d: {  	v22 =	vmul.f32 v20, v3;
	v4 =	vadd.f32 v1, v2;
	v2 =	vbroadcast v8, $0x1  }
0x5e: {  	v1 =	vbroadcast v8, $0x0;
	v13 =	vadd.f32 v13, v6;
	v12 =	vmul.f32 v12, v10  }
0x5f: {  	v8 =	vmul.f32 v0, v3;
	v9 =	vimm.f32 $0.0e+00;
	v17 =	vadd.f32 v17, v6  }
0x60: {  	s15 =	simm.s32 $0xC4F0;
	v16 =	vadd.f32 v16, v6;
	v13 =	vmul.f32 v13, v11;
	v12 =	vadd.f32 v12, v2  }
0x61: {  	v21 =	vld [tilespmem:s15+$0xFFFFFF90];
	v19 =	vadd.f32 v19, v6;
	v18 =	vadd.f32 v18, v6;
	v17 =	vmul.f32 v17, v14  }
0x62: {  	v8 =	vadd.f32 v8, v6;
	v13 =	vadd.f32 v13, v2;
	v12 =	vmul.f32 v12, v10  }
0x63: {  	v23 =	vld [tilespmem:s15+$0xFFFFFFA0];
	v22 =	vadd.f32 v22, v6;
	v19 =	vmul.f32 v19, v15;
	v17 =	vadd.f32 v17, v2  }
0x64: {  	v10 =	vmul.f32 v8, v0;
	v11 =	vmul.f32 v13, v11;
	v8 =	vadd.f32 v12, v1  }
0x65: {  	v22 =	vmul.f32 v22, v20;
	v19 =	vadd.f32 v19, v2;
	v13 =	vld [tilespmem:s15+$0xFFFFFFB0];
	v12 =	vmul.f32 v16, v5  }
0x66: {  	v11 =	vadd.f32 v11, v1;
	v16 =	vsub.f32 v8, v21;
	v21 =	vmul.f32 v17, v14;
	v8 =	vld [tilespmem:s15+$0xFFFFFFF0]  }
0x67: {  	v24 =	vmul.f32 v18, v7;
	v22 =	vadd.f32 v22, v2;
	v15 =	vmul.f32 v19, v15;
	v14 =	vld [tilespmem:s15+$0xFFFFFFC0]  }
0x68: {  	v18 =	vsub.f32 v11, v23;
	v11 =	vld [tilespmem:s15+$0xFFFFFFE0];
	v17 =	vmul.f32 v16, v16;
	v19 =	vadd.f32 v21, v1  }
0x69: {  	s16 =	simm.s32 $0x0;
	s17 =	simm.s32 $0x4F0;
	v20 =	vmul.f32 v22, v20;
	v16 =	vadd.f32 v15, v1;
	v15 =	vld [tilespmem:s15+$0xFFFFFFD0];
	v21 =	vadd.f32 v24, v2  }
.LBB2_4:
0x6a: {  	v22 =	vld [tilespmem:s17+$0x0];
	v9 =	vadd.f32 v17, v9;
	v17 =	vmul.f32 v18, v18;
	v13 =	vsub.f32 v19, v13  }
0x6b: {  	v12 =	vadd.f32 v12, v2;
	v18 =	vld [tilespmem:s17+$0xFFFFFFF0];
	v19 =	vadd.f32 v20, v1;
	v20 =	vmul.f32 v21, v7  }
0x6c: {  	v21 =	vld [tilespmem:s17+$0xFFFFFF90];
	v9 =	vadd.f32 v17, v9;
	v13 =	vmul.f32 v13, v13;
	v14 =	vsub.f32 v16, v14  }
0x6d: {  	s16 =	sadd.s32 $0x8, s16;
	v10 =	vadd.f32 v10, v2;
	v23 =	vmul.f32 v12, v5;
	v7 =	vld [tilespmem:s17+$0xFFFFFFE0];
	v16 =	vadd.f32 v20, v1  }
0x6e: {  	p1 =	slt.u32 s16, $0x180;
	v12 =	vld [tilespmem:s17+$0xFFFFFFA0];
	v9 =	vadd.f32 v13, v9;
	v13 =	vmul.f32 v14, v14;
	v14 =	vsub.f32 v19, v15  }
0x6f: {  	v10 =	vmul.f32 v10, v0;
	v17 =	vadd.f32 v23, v1;
	v15 =	vmul.f32 v22, v3;
	v19 =	vld [tilespmem:s15+$0x0];
	v0 =	vmovc v22  }
0x70: {  	v11 =	vsub.f32 v16, v11;
	v20 =	vld [tilespmem:s17+$0xFFFFFFB0];
	v9 =	vadd.f32 v13, v9;
	v13 =	vmul.f32 v14, v14;
	v5 =	vmovc v18  }
0x71: {  	v10 =	vadd.f32 v10, v1;
	v14 =	vmul.f32 v21, v3;
	v16 =	vmul.f32 v5, v3  }
0x72: {  	v8 =	vsub.f32 v17, v8;
	v11 =	vmul.f32 v11, v11;
	v18 =	vld [tilespmem:s17+$0xFFFFFFC0];
	v9 =	vadd.f32 v13, v9  }
0x73: {  	v17 =	vmul.f32 v7, v3;
	v13 =	vadd.f32 v14, v6;
	v14 =	vmul.f32 v12, v3  }
0x74: {  	v8 =	vmul.f32 v8, v8;
	v22 =	vld [tilespmem:s17+$0xFFFFFFD0];
	v9 =	vadd.f32 v11, v9;
	v10 =	vsub.f32 v10, v19  }
0x75: {  	v15 =	vadd.f32 v15, v6;
	v11 =	vadd.f32 v14, v6;
	v14 =	vmul.f32 v20, v3  }
0x76: {  	v13 =	vmul.f32 v13, v21;
	v8 =	vadd.f32 v8, v9;
	v9 =	vmul.f32 v10, v10  }
0x77: {  	v16 =	vadd.f32 v16, v6;
	v10 =	vadd.f32 v14, v6;
	v14 =	vmul.f32 v18, v3  }
0x78: {  	s15 =	sadd.s32 $0x400, s15;
	v13 =	vadd.f32 v13, v2;
	v11 =	vmul.f32 v11, v12;
	v9 =	vadd.f32 v9, v8  }
0x79: {  	v17 =	vadd.f32 v17, v6;
	v8 =	vld [tilespmem:s15+$0xFFFFFF90];
	v14 =	vadd.f32 v14, v6;
	v19 =	vmul.f32 v22, v3  }
0x7a: {  	v13 =	vmul.f32 v13, v21;
	v11 =	vadd.f32 v11, v2;
	v21 =	vmul.f32 v10, v20  }
0x7b: {  	v10 =	vmul.f32 v15, v0;
	v23 =	vld [tilespmem:s15+$0xFFFFFFA0];
	v14 =	vmul.f32 v14, v18;
	v19 =	vadd.f32 v19, v6  }
0x7c: {  	v15 =	vadd.f32 v13, v1;
	v11 =	vmul.f32 v11, v12;
	v21 =	vadd.f32 v21, v2  }
.Ltmp1:
0x7d: {  	v12 =	vmul.f32 v16, v5;
	v13 =	vld [tilespmem:s15+$0xFFFFFFB0];
	v24 =	vadd.f32 v14, v2;
	v19 =	vmul.f32 v19, v22;
	(pc) =	sbr.rel @p1 .LBB2_4-.Ltmp1, $4  }
0x7e: {  	v11 =	vadd.f32 v11, v1;
	v16 =	vmul.f32 v21, v20;
	v15 =	vsub.f32 v15, v8;
	v8 =	vld [tilespmem:s15+$0xFFFFFFF0]  }
0x7f: {  	v14 =	vld [tilespmem:s15+$0xFFFFFFC0];
	v20 =	vmul.f32 v24, v18;
	v21 =	vadd.f32 v19, v2;
	v24 =	vmul.f32 v17, v7  }
0x80: {  	v19 =	vadd.f32 v16, v1;
	v17 =	vmul.f32 v15, v15;
	v18 =	vsub.f32 v11, v23;
	v11 =	vld [tilespmem:s15+$0xFFFFFFE0]  }
0x81: {  	s17 =	sadd.s32 $0x400, s17;
	v16 =	vadd.f32 v20, v1;
	v15 =	vld [tilespmem:s15+$0xFFFFFFD0];
	v20 =	vmul.f32 v21, v22;
	v21 =	vadd.f32 v24, v2  }
0x82: {  	v3 =	vadd.f32 v17, v9;
	v6 =	vmul.f32 v18, v18;
	v9 =	vsub.f32 v19, v13  }
0x83: {  	v12 =	vadd.f32 v12, v2;
	v13 =	vadd.f32 v20, v1;
	v7 =	vmul.f32 v21, v7  }
0x84: {  	v3 =	vadd.f32 v6, v3;
	v6 =	vmul.f32 v9, v9;
	v9 =	vsub.f32 v16, v14  }
0x85: {  	v2 =	vadd.f32 v10, v2;
	v10 =	vld [tilespmem:s15+$0x0];
	s31 =	simm.s32 $0x170;
	v5 =	vmul.f32 v12, v5;
	v7 =	vadd.f32 v7, v1  }
0x86: {  	v12 =	vld [tilespmem:s31+$0xFFFFFFA0];
	v3 =	vadd.f32 v6, v3;
	v6 =	vmul.f32 v9, v9;
	v9 =	vsub.f32 v13, v15  }
0x87: {  	v0 =	vmul.f32 v2, v0;
	v16 =	vld [tilespmem:s31+$0xFFFFFFC0];
	v5 =	vadd.f32 v5, v1  }
0x88: {  	v2 =	vadd.f32 v6, v3;
	v3 =	vmul.f32 v9, v9;
	v6 =	vsub.f32 v7, v11;
	v9 =	vld [tilespmem:$0x18900]  }
0x89: {  	v1 =	vadd.f32 v0, v1;
	v15 =	vld [tilespmem:s31+$0xFFFFFFB0]  }
0x8a: {  	v11 =	vld [tilespmem:s31+$0xFFFFFF90];
	v2 =	vadd.f32 v3, v2;
	v3 =	vmul.f32 v6, v6;
	v6 =	vsub.f32 v5, v8  }
0x8b: {  	v5 =	vld [tilespmem:s31+$0xFFFFFFF0]  }
0x8c: {  	v1 =	vsub.f32 v1, v10;
	v8 =	vld [tilespmem:s31+$0xFFFFFFE0];
	v2 =	vadd.f32 v3, v2;
	v6 =	vmul.f32 v6, v6  }
0x8d: {  	v21 =	vld [tilespmem:s31+$0xFFFFFFD0];
	v3 =	vbroadcast v9, $0x3  }
0x8e: {  	v1 =	vmul.f32 v1, v1;
	v2 =	vadd.f32 v6, v2;
	v6 =	vbroadcast v9, $0x2  }
0x8f: {  	v0 =	vld [tilespmem:s31+$0x0];
	v10 =	vmul.f32 v11, v3;
	v14 =	vmul.f32 v12, v3  }
0x90: {  	v17 =	vmul.f32 v5, v3;
	v18 =	vmul.f32 v15, v3  }
0x91: {  	v19 =	vmul.f32 v8, v3;
	v20 =	vmul.f32 v16, v3;
	v13 =	vadd.f32 v10, v6  }
0x92: {  	v23 =	vmul.f32 v21, v3;
	v7 =	vadd.f32 v1, v2;
	v2 =	vbroadcast v9, $0x1  }
0x93: {  	v1 =	vbroadcast v9, $0x0;
	v14 =	vadd.f32 v14, v6;
	v13 =	vmul.f32 v13, v11  }
0x94: {  	v9 =	vmul.f32 v0, v3;
	v10 =	vimm.f32 $0.0e+00;
	v18 =	vadd.f32 v18, v6  }
0x95: {  	s15 =	simm.s32 $0xC570;
	v17 =	vadd.f32 v17, v6;
	v14 =	vmul.f32 v14, v12;
	v13 =	vadd.f32 v13, v2  }
0x96: {  	v22 =	vld [tilespmem:s15+$0xFFFFFF90];
	v20 =	vadd.f32 v20, v6;
	v19 =	vadd.f32 v19, v6;
	v18 =	vmul.f32 v18, v15  }
0x97: {  	v9 =	vadd.f32 v9, v6;
	v14 =	vadd.f32 v14, v2;
	v13 =	vmul.f32 v13, v11  }
0x98: {  	v24 =	vld [tilespmem:s15+$0xFFFFFFA0];
	v23 =	vadd.f32 v23, v6;
	v20 =	vmul.f32 v20, v16;
	v18 =	vadd.f32 v18, v2  }
0x99: {  	v11 =	vmul.f32 v9, v0;
	v12 =	vmul.f32 v14, v12;
	v9 =	vadd.f32 v13, v1  }
0x9a: {  	v23 =	vmul.f32 v23, v21;
	v20 =	vadd.f32 v20, v2;
	v14 =	vld [tilespmem:s15+$0xFFFFFFB0];
	v13 =	vmul.f32 v17, v5  }
0x9b: {  	v12 =	vadd.f32 v12, v1;
	v17 =	vsub.f32 v9, v22;
	v22 =	vmul.f32 v18, v15;
	v9 =	vld [tilespmem:s15+$0xFFFFFFF0]  }
0x9c: {  	v25 =	vmul.f32 v19, v8;
	v23 =	vadd.f32 v23, v2;
	v16 =	vmul.f32 v20, v16;
	v15 =	vld [tilespmem:s15+$0xFFFFFFC0]  }
0x9d: {  	v19 =	vsub.f32 v12, v24;
	v12 =	vld [tilespmem:s15+$0xFFFFFFE0];
	v18 =	vmul.f32 v17, v17;
	v20 =	vadd.f32 v22, v1  }
0x9e: {  	s16 =	simm.s32 $0x0;
	s17 =	simm.s32 $0x570;
	v21 =	vmul.f32 v23, v21;
	v17 =	vadd.f32 v16, v1;
	v16 =	vld [tilespmem:s15+$0xFFFFFFD0];
	v22 =	vadd.f32 v25, v2  }
.LBB2_6:
0x9f: {  	v23 =	vld [tilespmem:s17+$0x0];
	v10 =	vadd.f32 v18, v10;
	v18 =	vmul.f32 v19, v19;
	v14 =	vsub.f32 v20, v14  }
0xa0: {  	v13 =	vadd.f32 v13, v2;
	v19 =	vld [tilespmem:s17+$0xFFFFFFF0];
	v20 =	vadd.f32 v21, v1;
	v21 =	vmul.f32 v22, v8  }
0xa1: {  	v22 =	vld [tilespmem:s17+$0xFFFFFF90];
	v10 =	vadd.f32 v18, v10;
	v14 =	vmul.f32 v14, v14;
	v15 =	vsub.f32 v17, v15  }
0xa2: {  	s16 =	sadd.s32 $0x8, s16;
	v11 =	vadd.f32 v11, v2;
	v24 =	vmul.f32 v13, v5;
	v8 =	vld [tilespmem:s17+$0xFFFFFFE0];
	v17 =	vadd.f32 v21, v1  }
0xa3: {  	p1 =	slt.u32 s16, $0x180;
	v13 =	vld [tilespmem:s17+$0xFFFFFFA0];
	v10 =	vadd.f32 v14, v10;
	v14 =	vmul.f32 v15, v15;
	v15 =	vsub.f32 v20, v16  }
0xa4: {  	v11 =	vmul.f32 v11, v0;
	v18 =	vadd.f32 v24, v1;
	v16 =	vmul.f32 v23, v3;
	v20 =	vld [tilespmem:s15+$0x0];
	v0 =	vmovc v23  }
0xa5: {  	v12 =	vsub.f32 v17, v12;
	v21 =	vld [tilespmem:s17+$0xFFFFFFB0];
	v10 =	vadd.f32 v14, v10;
	v14 =	vmul.f32 v15, v15;
	v5 =	vmovc v19  }
0xa6: {  	v11 =	vadd.f32 v11, v1;
	v15 =	vmul.f32 v22, v3;
	v17 =	vmul.f32 v5, v3  }
0xa7: {  	v9 =	vsub.f32 v18, v9;
	v12 =	vmul.f32 v12, v12;
	v19 =	vld [tilespmem:s17+$0xFFFFFFC0];
	v10 =	vadd.f32 v14, v10  }
0xa8: {  	v18 =	vmul.f32 v8, v3;
	v14 =	vadd.f32 v15, v6;
	v15 =	vmul.f32 v13, v3  }
0xa9: {  	v9 =	vmul.f32 v9, v9;
	v23 =	vld [tilespmem:s17+$0xFFFFFFD0];
	v10 =	vadd.f32 v12, v10;
	v11 =	vsub.f32 v11, v20  }
0xaa: {  	v16 =	vadd.f32 v16, v6;
	v12 =	vadd.f32 v15, v6;
	v15 =	vmul.f32 v21, v3  }
0xab: {  	v14 =	vmul.f32 v14, v22;
	v9 =	vadd.f32 v9, v10;
	v10 =	vmul.f32 v11, v11  }
0xac: {  	v17 =	vadd.f32 v17, v6;
	v11 =	vadd.f32 v15, v6;
	v15 =	vmul.f32 v19, v3  }
0xad: {  	s15 =	sadd.s32 $0x400, s15;
	v14 =	vadd.f32 v14, v2;
	v12 =	vmul.f32 v12, v13;
	v10 =	vadd.f32 v10, v9  }
0xae: {  	v18 =	vadd.f32 v18, v6;
	v9 =	vld [tilespmem:s15+$0xFFFFFF90];
	v15 =	vadd.f32 v15, v6;
	v20 =	vmul.f32 v23, v3  }
0xaf: {  	v14 =	vmul.f32 v14, v22;
	v12 =	vadd.f32 v12, v2;
	v22 =	vmul.f32 v11, v21  }
0xb0: {  	v11 =	vmul.f32 v16, v0;
	v24 =	vld [tilespmem:s15+$0xFFFFFFA0];
	v15 =	vmul.f32 v15, v19;
	v20 =	vadd.f32 v20, v6  }
0xb1: {  	v16 =	vadd.f32 v14, v1;
	v12 =	vmul.f32 v12, v13;
	v22 =	vadd.f32 v22, v2  }
.Ltmp2:
0xb2: {  	v13 =	vmul.f32 v17, v5;
	v14 =	vld [tilespmem:s15+$0xFFFFFFB0];
	v25 =	vadd.f32 v15, v2;
	v20 =	vmul.f32 v20, v23;
	(pc) =	sbr.rel @p1 .LBB2_6-.Ltmp2, $4  }
0xb3: {  	v12 =	vadd.f32 v12, v1;
	v17 =	vmul.f32 v22, v21;
	v16 =	vsub.f32 v16, v9;
	v9 =	vld [tilespmem:s15+$0xFFFFFFF0]  }
0xb4: {  	v15 =	vld [tilespmem:s15+$0xFFFFFFC0];
	v21 =	vmul.f32 v25, v19;
	v22 =	vadd.f32 v20, v2;
	v25 =	vmul.f32 v18, v8  }
0xb5: {  	v20 =	vadd.f32 v17, v1;
	v18 =	vmul.f32 v16, v16;
	v19 =	vsub.f32 v12, v24;
	v12 =	vld [tilespmem:s15+$0xFFFFFFE0]  }
0xb6: {  	s17 =	sadd.s32 $0x400, s17;
	v17 =	vadd.f32 v21, v1;
	v16 =	vld [tilespmem:s15+$0xFFFFFFD0];
	v21 =	vmul.f32 v22, v23;
	v22 =	vadd.f32 v25, v2  }
0xb7: {  	v3 =	vadd.f32 v18, v10  }
0xb8: {  	v6 =	vmul.f32 v19, v19;
	v10 =	vsub.f32 v20, v14;
	v13 =	vadd.f32 v13, v2  }
0xb9: {  	v2 =	vadd.f32 v11, v2;
	v14 =	vadd.f32 v21, v1;
	v8 =	vmul.f32 v22, v8  }
0xba: {  	v3 =	vadd.f32 v6, v3;
	v6 =	vmul.f32 v10, v10;
	v10 =	vsub.f32 v17, v15  }
0xbb: {  	v11 =	vld [tilespmem:s15+$0x0];
	s31 =	simm.s32 $0x1F0;
	v5 =	vmul.f32 v13, v5;
	v0 =	vmul.f32 v2, v0  }
0xbc: {  	v13 =	vld [tilespmem:s31+$0xFFFFFFA0];
	v3 =	vadd.f32 v6, v3;
	v6 =	vmul.f32 v10, v10;
	v10 =	vsub.f32 v14, v16  }
0xbd: {  	v17 =	vld [tilespmem:s31+$0xFFFFFFC0];
	v8 =	vadd.f32 v8, v1;
	v5 =	vadd.f32 v5, v1  }
0xbe: {  	v1 =	vadd.f32 v0, v1;
	v2 =	vadd.f32 v6, v3;
	v3 =	vmul.f32 v10, v10;
	v10 =	vld [tilespmem:$0x18980]  }
0xbf: {  	v16 =	vld [tilespmem:s31+$0xFFFFFFB0];
	v6 =	vsub.f32 v8, v12  }
0xc0: {  	v12 =	vld [tilespmem:s31+$0xFFFFFF90];
	v1 =	vsub.f32 v1, v11  }
0xc1: {  	v2 =	vadd.f32 v3, v2;
	v3 =	vmul.f32 v6, v6;
	v6 =	vsub.f32 v5, v9;
	v5 =	vld [tilespmem:s31+$0xFFFFFFF0]  }
0xc2: {  	v9 =	vld [tilespmem:s31+$0xFFFFFFE0]  }
0xc3: {  	v22 =	vld [tilespmem:s31+$0xFFFFFFD0];
	v1 =	vmul.f32 v1, v1;
	v2 =	vadd.f32 v3, v2;
	v3 =	vbroadcast v10, $0x3  }
0xc4: {  	v6 =	vmul.f32 v6, v6;
	v8 =	vbroadcast v10, $0x2  }
0xc5: {  	v0 =	vld [tilespmem:s31+$0x0];
	v11 =	vmul.f32 v12, v3;
	v15 =	vmul.f32 v13, v3  }
0xc6: {  	v2 =	vadd.f32 v6, v2;
	v18 =	vmul.f32 v5, v3;
	v19 =	vmul.f32 v16, v3  }
0xc7: {  	v20 =	vmul.f32 v9, v3;
	v21 =	vmul.f32 v17, v3;
	v14 =	vadd.f32 v11, v8  }
0xc8: {  	v24 =	vmul.f32 v22, v3;
	v6 =	vadd.f32 v1, v2;
	v2 =	vbroadcast v10, $0x1  }
0xc9: {  	v1 =	vbroadcast v10, $0x0;
	v15 =	vadd.f32 v15, v8;
	v14 =	vmul.f32 v14, v12  }
0xca: {  	v10 =	vmul.f32 v0, v3;
	v11 =	vimm.f32 $0.0e+00;
	v19 =	vadd.f32 v19, v8  }
0xcb: {  	s15 =	simm.s32 $0xC5F0;
	v18 =	vadd.f32 v18, v8;
	v15 =	vmul.f32 v15, v13;
	v14 =	vadd.f32 v14, v2  }
0xcc: {  	v23 =	vld [tilespmem:s15+$0xFFFFFF90];
	v21 =	vadd.f32 v21, v8;
	v20 =	vadd.f32 v20, v8;
	v19 =	vmul.f32 v19, v16  }
0xcd: {  	v10 =	vadd.f32 v10, v8;
	v15 =	vadd.f32 v15, v2;
	v14 =	vmul.f32 v14, v12  }
0xce: {  	v25 =	vld [tilespmem:s15+$0xFFFFFFA0];
	v24 =	vadd.f32 v24, v8;
	v21 =	vmul.f32 v21, v17;
	v19 =	vadd.f32 v19, v2  }
0xcf: {  	v12 =	vmul.f32 v10, v0;
	v13 =	vmul.f32 v15, v13;
	v10 =	vadd.f32 v14, v1  }
0xd0: {  	v24 =	vmul.f32 v24, v22;
	v21 =	vadd.f32 v21, v2;
	v15 =	vld [tilespmem:s15+$0xFFFFFFB0];
	v14 =	vmul.f32 v18, v5  }
0xd1: {  	v13 =	vadd.f32 v13, v1;
	v18 =	vsub.f32 v10, v23;
	v23 =	vmul.f32 v19, v16;
	v10 =	vld [tilespmem:s15+$0xFFFFFFF0]  }
0xd2: {  	v26 =	vmul.f32 v20, v9;
	v24 =	vadd.f32 v24, v2;
	v17 =	vmul.f32 v21, v17;
	v16 =	vld [tilespmem:s15+$0xFFFFFFC0]  }
0xd3: {  	v20 =	vsub.f32 v13, v25;
	v13 =	vld [tilespmem:s15+$0xFFFFFFE0];
	v19 =	vmul.f32 v18, v18;
	v21 =	vadd.f32 v23, v1  }
0xd4: {  	s16 =	simm.s32 $0x0;
	s17 =	simm.s32 $0x5F0;
	v22 =	vmul.f32 v24, v22;
	v18 =	vadd.f32 v17, v1;
	v17 =	vld [tilespmem:s15+$0xFFFFFFD0];
	v23 =	vadd.f32 v26, v2  }
.LBB2_8:
0xd5: {  	v24 =	vld [tilespmem:s17+$0x0];
	v11 =	vadd.f32 v19, v11;
	v19 =	vmul.f32 v20, v20;
	v15 =	vsub.f32 v21, v15  }
0xd6: {  	v14 =	vadd.f32 v14, v2;
	v20 =	vld [tilespmem:s17+$0xFFFFFFF0];
	v21 =	vadd.f32 v22, v1;
	v22 =	vmul.f32 v23, v9  }
0xd7: {  	v23 =	vld [tilespmem:s17+$0xFFFFFF90];
	v11 =	vadd.f32 v19, v11;
	v15 =	vmul.f32 v15, v15;
	v16 =	vsub.f32 v18, v16  }
0xd8: {  	s16 =	sadd.s32 $0x8, s16;
	v12 =	vadd.f32 v12, v2;
	v25 =	vmul.f32 v14, v5;
	v9 =	vld [tilespmem:s17+$0xFFFFFFE0];
	v18 =	vadd.f32 v22, v1  }
0xd9: {  	p1 =	slt.u32 s16, $0x180;
	v14 =	vld [tilespmem:s17+$0xFFFFFFA0];
	v11 =	vadd.f32 v15, v11;
	v15 =	vmul.f32 v16, v16;
	v16 =	vsub.f32 v21, v17  }
0xda: {  	v12 =	vmul.f32 v12, v0;
	v19 =	vadd.f32 v25, v1;
	v17 =	vmul.f32 v24, v3;
	v21 =	vld [tilespmem:s15+$0x0];
	v0 =	vmovc v24  }
0xdb: {  	v13 =	vsub.f32 v18, v13;
	v22 =	vld [tilespmem:s17+$0xFFFFFFB0];
	v11 =	vadd.f32 v15, v11;
	v15 =	vmul.f32 v16, v16;
	v5 =	vmovc v20  }
0xdc: {  	v12 =	vadd.f32 v12, v1;
	v16 =	vmul.f32 v23, v3;
	v18 =	vmul.f32 v5, v3  }
0xdd: {  	v10 =	vsub.f32 v19, v10;
	v13 =	vmul.f32 v13, v13;
	v20 =	vld [tilespmem:s17+$0xFFFFFFC0];
	v11 =	vadd.f32 v15, v11  }
0xde: {  	v19 =	vmul.f32 v9, v3;
	v15 =	vadd.f32 v16, v8;
	v16 =	vmul.f32 v14, v3  }
0xdf: {  	v10 =	vmul.f32 v10, v10;
	v24 =	vld [tilespmem:s17+$0xFFFFFFD0];
	v11 =	vadd.f32 v13, v11;
	v12 =	vsub.f32 v12, v21  }
0xe0: {  	v17 =	vadd.f32 v17, v8;
	v13 =	vadd.f32 v16, v8;
	v16 =	vmul.f32 v22, v3  }
0xe1: {  	v15 =	vmul.f32 v15, v23;
	v10 =	vadd.f32 v10, v11;
	v11 =	vmul.f32 v12, v12  }
0xe2: {  	v18 =	vadd.f32 v18, v8;
	v12 =	vadd.f32 v16, v8;
	v16 =	vmul.f32 v20, v3  }
0xe3: {  	s15 =	sadd.s32 $0x400, s15;
	v15 =	vadd.f32 v15, v2;
	v13 =	vmul.f32 v13, v14;
	v11 =	vadd.f32 v11, v10  }
0xe4: {  	v19 =	vadd.f32 v19, v8;
	v10 =	vld [tilespmem:s15+$0xFFFFFF90];
	v16 =	vadd.f32 v16, v8;
	v21 =	vmul.f32 v24, v3  }
0xe5: {  	v15 =	vmul.f32 v15, v23;
	v13 =	vadd.f32 v13, v2;
	v23 =	vmul.f32 v12, v22  }
0xe6: {  	v12 =	vmul.f32 v17, v0;
	v25 =	vld [tilespmem:s15+$0xFFFFFFA0];
	v16 =	vmul.f32 v16, v20;
	v21 =	vadd.f32 v21, v8  }
0xe7: {  	v17 =	vadd.f32 v15, v1;
	v13 =	vmul.f32 v13, v14;
	v23 =	vadd.f32 v23, v2  }
.Ltmp3:
0xe8: {  	v14 =	vmul.f32 v18, v5;
	v15 =	vld [tilespmem:s15+$0xFFFFFFB0];
	v26 =	vadd.f32 v16, v2;
	v21 =	vmul.f32 v21, v24;
	(pc) =	sbr.rel @p1 .LBB2_8-.Ltmp3, $4  }
0xe9: {  	v13 =	vadd.f32 v13, v1;
	v18 =	vmul.f32 v23, v22;
	v17 =	vsub.f32 v17, v10;
	v10 =	vld [tilespmem:s15+$0xFFFFFFF0]  }
0xea: {  	v16 =	vld [tilespmem:s15+$0xFFFFFFC0];
	v22 =	vmul.f32 v26, v20;
	v23 =	vadd.f32 v21, v2;
	v26 =	vmul.f32 v19, v9  }
0xeb: {  	v21 =	vadd.f32 v18, v1;
	v19 =	vmul.f32 v17, v17;
	v20 =	vsub.f32 v13, v25;
	v13 =	vld [tilespmem:s15+$0xFFFFFFE0]  }
0xec: {  	s17 =	sadd.s32 $0x400, s17;
	v18 =	vadd.f32 v22, v1;
	v17 =	vld [tilespmem:s15+$0xFFFFFFD0];
	v22 =	vmul.f32 v23, v24;
	v23 =	vadd.f32 v26, v2  }
0xed: {  	v3 =	vadd.f32 v19, v11;
	v8 =	vmul.f32 v20, v20;
	v11 =	vsub.f32 v21, v15  }
0xee: {  	v14 =	vadd.f32 v14, v2;
	v15 =	vadd.f32 v22, v1  }
0xef: {  	v3 =	vadd.f32 v8, v3;
	v8 =	vmul.f32 v11, v11;
	v11 =	vsub.f32 v18, v16  }
0xf0: {  	v2 =	vadd.f32 v12, v2;
	v12 =	vld [tilespmem:s15+$0x0];
	s31 =	simm.s32 $0x270;
	v9 =	vmul.f32 v23, v9;
	v5 =	vmul.f32 v14, v5  }
0xf1: {  	v14 =	vld [tilespmem:s31+$0xFFFFFFA0];
	v3 =	vadd.f32 v8, v3;
	v8 =	vmul.f32 v11, v11;
	v11 =	vsub.f32 v15, v17  }
0xf2: {  	v18 =	vld [tilespmem:s31+$0xFFFFFFC0];
	v9 =	vadd.f32 v9, v1  }
0xf3: {  	v0 =	vmul.f32 v2, v0;
	v2 =	vadd.f32 v8, v3;
	v3 =	vmul.f32 v11, v11;
	v11 =	vld [tilespmem:$0x18A00]  }
0xf4: {  	v5 =	vadd.f32 v5, v1;
	v17 =	vld [tilespmem:s31+$0xFFFFFFB0];
	v8 =	vsub.f32 v9, v13  }
0xf5: {  	v1 =	vadd.f32 v0, v1;
	v13 =	vld [tilespmem:s31+$0xFFFFFF90]  }
0xf6: {  	v5 =	vsub.f32 v5, v10;
	v2 =	vadd.f32 v3, v2;
	v3 =	vmul.f32 v8, v8;
	v8 =	vld [tilespmem:s31+$0xFFFFFFF0]  }
0xf7: {  	v1 =	vsub.f32 v1, v12;
	v10 =	vld [tilespmem:s31+$0xFFFFFFE0]  }
0xf8: {  	v23 =	vld [tilespmem:s31+$0xFFFFFFD0];
	v5 =	vmul.f32 v5, v5;
	v2 =	vadd.f32 v3, v2;
	v3 =	vbroadcast v11, $0x3  }
0xf9: {  	v1 =	vmul.f32 v1, v1;
	v9 =	vbroadcast v11, $0x2  }
0xfa: {  	v0 =	vld [tilespmem:s31+$0x0];
	v12 =	vmul.f32 v13, v3;
	v16 =	vmul.f32 v14, v3  }
0xfb: {  	v2 =	vadd.f32 v5, v2;
	v19 =	vmul.f32 v8, v3;
	v20 =	vmul.f32 v17, v3  }
0xfc: {  	v21 =	vmul.f32 v10, v3;
	v22 =	vmul.f32 v18, v3;
	v15 =	vadd.f32 v12, v9  }
0xfd: {  	v25 =	vmul.f32 v23, v3;
	v5 =	vadd.f32 v1, v2;
	v2 =	vbroadcast v11, $0x1  }
0xfe: {  	v1 =	vbroadcast v11, $0x0;
	v16 =	vadd.f32 v16, v9;
	v15 =	vmul.f32 v15, v13  }
0xff: {  	v11 =	vmul.f32 v0, v3;
	v12 =	vimm.f32 $0.0e+00;
	v20 =	vadd.f32 v20, v9  }
0x100: {  	s15 =	simm.s32 $0xC670;
	v19 =	vadd.f32 v19, v9;
	v16 =	vmul.f32 v16, v14;
	v15 =	vadd.f32 v15, v2  }
0x101: {  	v24 =	vld [tilespmem:s15+$0xFFFFFF90];
	v22 =	vadd.f32 v22, v9;
	v21 =	vadd.f32 v21, v9;
	v20 =	vmul.f32 v20, v17  }
0x102: {  	v11 =	vadd.f32 v11, v9;
	v16 =	vadd.f32 v16, v2;
	v15 =	vmul.f32 v15, v13  }
0x103: {  	v26 =	vld [tilespmem:s15+$0xFFFFFFA0];
	v25 =	vadd.f32 v25, v9;
	v22 =	vmul.f32 v22, v18;
	v20 =	vadd.f32 v20, v2  }
0x104: {  	v13 =	vmul.f32 v11, v0;
	v14 =	vmul.f32 v16, v14;
	v11 =	vadd.f32 v15, v1  }
0x105: {  	v25 =	vmul.f32 v25, v23;
	v22 =	vadd.f32 v22, v2;
	v16 =	vld [tilespmem:s15+$0xFFFFFFB0];
	v15 =	vmul.f32 v19, v8  }
0x106: {  	v14 =	vadd.f32 v14, v1;
	v19 =	vsub.f32 v11, v24;
	v24 =	vmul.f32 v20, v17;
	v11 =	vld [tilespmem:s15+$0xFFFFFFF0]  }
0x107: {  	v27 =	vmul.f32 v21, v10;
	v25 =	vadd.f32 v25, v2;
	v18 =	vmul.f32 v22, v18;
	v17 =	vld [tilespmem:s15+$0xFFFFFFC0]  }
0x108: {  	v21 =	vsub.f32 v14, v26;
	v14 =	vld [tilespmem:s15+$0xFFFFFFE0];
	v20 =	vmul.f32 v19, v19;
	v22 =	vadd.f32 v24, v1  }
0x109: {  	s16 =	simm.s32 $0x0;
	s17 =	simm.s32 $0x670;
	v23 =	vmul.f32 v25, v23;
	v19 =	vadd.f32 v18, v1;
	v18 =	vld [tilespmem:s15+$0xFFFFFFD0];
	v24 =	vadd.f32 v27, v2  }
.LBB2_10:
0x10a: {  	v25 =	vld [tilespmem:s17+$0x0];
	v12 =	vadd.f32 v20, v12;
	v20 =	vmul.f32 v21, v21;
	v16 =	vsub.f32 v22, v16  }
0x10b: {  	v15 =	vadd.f32 v15, v2;
	v21 =	vld [tilespmem:s17+$0xFFFFFFF0];
	v22 =	vadd.f32 v23, v1;
	v23 =	vmul.f32 v24, v10  }
0x10c: {  	v24 =	vld [tilespmem:s17+$0xFFFFFF90];
	v12 =	vadd.f32 v20, v12;
	v16 =	vmul.f32 v16, v16;
	v17 =	vsub.f32 v19, v17  }
0x10d: {  	s16 =	sadd.s32 $0x8, s16;
	v13 =	vadd.f32 v13, v2;
	v26 =	vmul.f32 v15, v8;
	v10 =	vld [tilespmem:s17+$0xFFFFFFE0];
	v19 =	vadd.f32 v23, v1  }
0x10e: {  	p1 =	slt.u32 s16, $0x180;
	v15 =	vld [tilespmem:s17+$0xFFFFFFA0];
	v12 =	vadd.f32 v16, v12;
	v16 =	vmul.f32 v17, v17;
	v17 =	vsub.f32 v22, v18  }
0x10f: {  	v13 =	vmul.f32 v13, v0;
	v20 =	vadd.f32 v26, v1;
	v18 =	vmul.f32 v25, v3;
	v22 =	vld [tilespmem:s15+$0x0];
	v0 =	vmovc v25  }
0x110: {  	v14 =	vsub.f32 v19, v14;
	v23 =	vld [tilespmem:s17+$0xFFFFFFB0];
	v12 =	vadd.f32 v16, v12;
	v16 =	vmul.f32 v17, v17;
	v8 =	vmovc v21  }
0x111: {  	v13 =	vadd.f32 v13, v1;
	v17 =	vmul.f32 v24, v3;
	v19 =	vmul.f32 v8, v3  }
0x112: {  	v11 =	vsub.f32 v20, v11;
	v14 =	vmul.f32 v14, v14;
	v21 =	vld [tilespmem:s17+$0xFFFFFFC0];
	v12 =	vadd.f32 v16, v12  }
0x113: {  	v20 =	vmul.f32 v10, v3;
	v16 =	vadd.f32 v17, v9;
	v17 =	vmul.f32 v15, v3  }
0x114: {  	v11 =	vmul.f32 v11, v11;
	v25 =	vld [tilespmem:s17+$0xFFFFFFD0];
	v12 =	vadd.f32 v14, v12;
	v13 =	vsub.f32 v13, v22  }
0x115: {  	v18 =	vadd.f32 v18, v9;
	v14 =	vadd.f32 v17, v9;
	v17 =	vmul.f32 v23, v3  }
0x116: {  	v16 =	vmul.f32 v16, v24;
	v11 =	vadd.f32 v11, v12;
	v12 =	vmul.f32 v13, v13  }
0x117: {  	v19 =	vadd.f32 v19, v9;
	v13 =	vadd.f32 v17, v9;
	v17 =	vmul.f32 v21, v3  }
0x118: {  	s15 =	sadd.s32 $0x400, s15;
	v16 =	vadd.f32 v16, v2;
	v14 =	vmul.f32 v14, v15;
	v12 =	vadd.f32 v12, v11  }
0x119: {  	v20 =	vadd.f32 v20, v9;
	v11 =	vld [tilespmem:s15+$0xFFFFFF90];
	v17 =	vadd.f32 v17, v9;
	v22 =	vmul.f32 v25, v3  }
0x11a: {  	v16 =	vmul.f32 v16, v24;
	v14 =	vadd.f32 v14, v2;
	v24 =	vmul.f32 v13, v23  }
0x11b: {  	v13 =	vmul.f32 v18, v0;
	v26 =	vld [tilespmem:s15+$0xFFFFFFA0];
	v17 =	vmul.f32 v17, v21;
	v22 =	vadd.f32 v22, v9  }
0x11c: {  	v18 =	vadd.f32 v16, v1;
	v14 =	vmul.f32 v14, v15;
	v24 =	vadd.f32 v24, v2  }
.Ltmp4:
0x11d: {  	v15 =	vmul.f32 v19, v8;
	v16 =	vld [tilespmem:s15+$0xFFFFFFB0];
	v27 =	vadd.f32 v17, v2;
	v22 =	vmul.f32 v22, v25;
	(pc) =	sbr.rel @p1 .LBB2_10-.Ltmp4, $4  }
0x11e: {  	v14 =	vadd.f32 v14, v1;
	v19 =	vmul.f32 v24, v23;
	v18 =	vsub.f32 v18, v11;
	v11 =	vld [tilespmem:s15+$0xFFFFFFF0]  }
0x11f: {  	v17 =	vld [tilespmem:s15+$0xFFFFFFC0];
	v23 =	vmul.f32 v27, v21;
	v24 =	vadd.f32 v22, v2;
	v27 =	vmul.f32 v20, v10  }
0x120: {  	v22 =	vadd.f32 v19, v1;
	v20 =	vmul.f32 v18, v18;
	v21 =	vsub.f32 v14, v26;
	v14 =	vld [tilespmem:s15+$0xFFFFFFE0]  }
0x121: {  	s17 =	sadd.s32 $0x400, s17;
	v19 =	vadd.f32 v23, v1;
	v18 =	vld [tilespmem:s15+$0xFFFFFFD0];
	v23 =	vmul.f32 v24, v25;
	v24 =	vadd.f32 v27, v2  }
0x122: {  	v3 =	vadd.f32 v20, v12;
	v9 =	vmul.f32 v21, v21;
	v12 =	vsub.f32 v22, v16  }
0x123: {  	v15 =	vadd.f32 v15, v2;
	v16 =	vadd.f32 v23, v1  }
0x124: {  	v3 =	vadd.f32 v9, v3;
	v9 =	vmul.f32 v12, v12;
	v12 =	vsub.f32 v19, v17  }
0x125: {  	v2 =	vadd.f32 v13, v2;
	v13 =	vld [tilespmem:s15+$0x0];
	s31 =	simm.s32 $0x2F0;
	v10 =	vmul.f32 v24, v10;
	v8 =	vmul.f32 v15, v8  }
0x126: {  	v15 =	vld [tilespmem:s31+$0xFFFFFFA0];
	v3 =	vadd.f32 v9, v3;
	v9 =	vmul.f32 v12, v12;
	v12 =	vsub.f32 v16, v18  }
0x127: {  	v19 =	vld [tilespmem:s31+$0xFFFFFFC0];
	v10 =	vadd.f32 v10, v1  }
0x128: {  	v0 =	vmul.f32 v2, v0;
	v2 =	vadd.f32 v9, v3;
	v3 =	vmul.f32 v12, v12;
	v12 =	vld [tilespmem:$0x18A80]  }
0x129: {  	v8 =	vadd.f32 v8, v1;
	v18 =	vld [tilespmem:s31+$0xFFFFFFB0];
	v9 =	vsub.f32 v10, v14  }
0x12a: {  	v1 =	vadd.f32 v0, v1;
	v14 =	vld [tilespmem:s31+$0xFFFFFF90]  }
0x12b: {  	v8 =	vsub.f32 v8, v11;
	v2 =	vadd.f32 v3, v2;
	v3 =	vmul.f32 v9, v9;
	v9 =	vld [tilespmem:s31+$0xFFFFFFF0]  }
0x12c: {  	v1 =	vsub.f32 v1, v13;
	v11 =	vld [tilespmem:s31+$0xFFFFFFE0]  }
0x12d: {  	v24 =	vld [tilespmem:s31+$0xFFFFFFD0];
	v2 =	vadd.f32 v3, v2;
	v3 =	vmul.f32 v8, v8;
	v8 =	vbroadcast v12, $0x3  }
0x12e: {  	v1 =	vmul.f32 v1, v1;
	v10 =	vbroadcast v12, $0x2  }
0x12f: {  	v0 =	vld [tilespmem:s31+$0x0];
	v13 =	vmul.f32 v14, v8;
	v17 =	vmul.f32 v15, v8  }
0x130: {  	v2 =	vadd.f32 v3, v2;
	v20 =	vmul.f32 v9, v8;
	v21 =	vmul.f32 v18, v8  }
0x131: {  	v22 =	vmul.f32 v11, v8;
	v23 =	vmul.f32 v19, v8;
	v16 =	vadd.f32 v13, v10  }
0x132: {  	v26 =	vmul.f32 v24, v8;
	v3 =	vadd.f32 v1, v2;
	v2 =	vbroadcast v12, $0x1  }
0x133: {  	v1 =	vbroadcast v12, $0x0;
	v17 =	vadd.f32 v17, v10;
	v16 =	vmul.f32 v16, v14  }
0x134: {  	v12 =	vmul.f32 v0, v8;
	v13 =	vimm.f32 $0.0e+00;
	v21 =	vadd.f32 v21, v10  }
0x135: {  	s15 =	simm.s32 $0xC6F0;
	v20 =	vadd.f32 v20, v10;
	v17 =	vmul.f32 v17, v15;
	v16 =	vadd.f32 v16, v2  }
0x136: {  	v25 =	vld [tilespmem:s15+$0xFFFFFF90];
	v23 =	vadd.f32 v23, v10;
	v22 =	vadd.f32 v22, v10;
	v21 =	vmul.f32 v21, v18  }
0x137: {  	v12 =	vadd.f32 v12, v10;
	v17 =	vadd.f32 v17, v2;
	v16 =	vmul.f32 v16, v14  }
0x138: {  	v27 =	vld [tilespmem:s15+$0xFFFFFFA0];
	v26 =	vadd.f32 v26, v10;
	v23 =	vmul.f32 v23, v19;
	v21 =	vadd.f32 v21, v2  }
0x139: {  	v14 =	vmul.f32 v12, v0;
	v15 =	vmul.f32 v17, v15;
	v12 =	vadd.f32 v16, v1  }
0x13a: {  	v26 =	vmul.f32 v26, v24;
	v23 =	vadd.f32 v23, v2;
	v17 =	vld [tilespmem:s15+$0xFFFFFFB0];
	v16 =	vmul.f32 v20, v9  }
0x13b: {  	v15 =	vadd.f32 v15, v1;
	v20 =	vsub.f32 v12, v25;
	v25 =	vmul.f32 v21, v18;
	v12 =	vld [tilespmem:s15+$0xFFFFFFF0]  }
0x13c: {  	v28 =	vmul.f32 v22, v11;
	v26 =	vadd.f32 v26, v2;
	v19 =	vmul.f32 v23, v19;
	v18 =	vld [tilespmem:s15+$0xFFFFFFC0]  }
0x13d: {  	v22 =	vsub.f32 v15, v27;
	v15 =	vld [tilespmem:s15+$0xFFFFFFE0];
	v21 =	vmul.f32 v20, v20;
	v23 =	vadd.f32 v25, v1  }
0x13e: {  	s16 =	simm.s32 $0x0;
	s17 =	simm.s32 $0x6F0;
	v24 =	vmul.f32 v26, v24;
	v20 =	vadd.f32 v19, v1;
	v19 =	vld [tilespmem:s15+$0xFFFFFFD0];
	v25 =	vadd.f32 v28, v2  }
.LBB2_12:
0x13f: {  	v26 =	vld [tilespmem:s17+$0x0];
	v13 =	vadd.f32 v21, v13;
	v21 =	vmul.f32 v22, v22;
	v17 =	vsub.f32 v23, v17  }
0x140: {  	v16 =	vadd.f32 v16, v2;
	v22 =	vld [tilespmem:s17+$0xFFFFFFF0];
	v23 =	vadd.f32 v24, v1;
	v24 =	vmul.f32 v25, v11  }
0x141: {  	v25 =	vld [tilespmem:s17+$0xFFFFFF90];
	v13 =	vadd.f32 v21, v13;
	v17 =	vmul.f32 v17, v17;
	v18 =	vsub.f32 v20, v18  }
0x142: {  	s16 =	sadd.s32 $0x8, s16;
	v14 =	vadd.f32 v14, v2;
	v27 =	vmul.f32 v16, v9;
	v11 =	vld [tilespmem:s17+$0xFFFFFFE0];
	v20 =	vadd.f32 v24, v1  }
0x143: {  	p1 =	slt.u32 s16, $0x180;
	v16 =	vld [tilespmem:s17+$0xFFFFFFA0];
	v13 =	vadd.f32 v17, v13;
	v17 =	vmul.f32 v18, v18;
	v18 =	vsub.f32 v23, v19  }
0x144: {  	v14 =	vmul.f32 v14, v0;
	v21 =	vadd.f32 v27, v1;
	v19 =	vmul.f32 v26, v8;
	v23 =	vld [tilespmem:s15+$0x0];
	v0 =	vmovc v26  }
0x145: {  	v15 =	vsub.f32 v20, v15;
	v24 =	vld [tilespmem:s17+$0xFFFFFFB0];
	v13 =	vadd.f32 v17, v13;
	v17 =	vmul.f32 v18, v18;
	v9 =	vmovc v22  }
0x146: {  	v14 =	vadd.f32 v14, v1;
	v18 =	vmul.f32 v25, v8;
	v20 =	vmul.f32 v9, v8  }
0x147: {  	v12 =	vsub.f32 v21, v12;
	v15 =	vmul.f32 v15, v15;
	v22 =	vld [tilespmem:s17+$0xFFFFFFC0];
	v13 =	vadd.f32 v17, v13  }
0x148: {  	v21 =	vmul.f32 v11, v8;
	v17 =	vadd.f32 v18, v10;
	v18 =	vmul.f32 v16, v8  }
0x149: {  	v12 =	vmul.f32 v12, v12;
	v26 =	vld [tilespmem:s17+$0xFFFFFFD0];
	v13 =	vadd.f32 v15, v13;
	v14 =	vsub.f32 v14, v23  }
0x14a: {  	v19 =	vadd.f32 v19, v10;
	v15 =	vadd.f32 v18, v10;
	v18 =	vmul.f32 v24, v8  }
0x14b: {  	v17 =	vmul.f32 v17, v25;
	v12 =	vadd.f32 v12, v13;
	v13 =	vmul.f32 v14, v14  }
0x14c: {  	v20 =	vadd.f32 v20, v10;
	v14 =	vadd.f32 v18, v10;
	v18 =	vmul.f32 v22, v8  }
0x14d: {  	s15 =	sadd.s32 $0x400, s15;
	v17 =	vadd.f32 v17, v2;
	v15 =	vmul.f32 v15, v16;
	v13 =	vadd.f32 v13, v12  }
0x14e: {  	v21 =	vadd.f32 v21, v10;
	v12 =	vld [tilespmem:s15+$0xFFFFFF90];
	v18 =	vadd.f32 v18, v10;
	v23 =	vmul.f32 v26, v8  }
0x14f: {  	v17 =	vmul.f32 v17, v25;
	v15 =	vadd.f32 v15, v2;
	v25 =	vmul.f32 v14, v24  }
0x150: {  	v14 =	vmul.f32 v19, v0;
	v27 =	vld [tilespmem:s15+$0xFFFFFFA0];
	v18 =	vmul.f32 v18, v22;
	v23 =	vadd.f32 v23, v10  }
0x151: {  	v19 =	vadd.f32 v17, v1;
	v15 =	vmul.f32 v15, v16;
	v25 =	vadd.f32 v25, v2  }
.Ltmp5:
0x152: {  	v16 =	vmul.f32 v20, v9;
	v17 =	vld [tilespmem:s15+$0xFFFFFFB0];
	v28 =	vadd.f32 v18, v2;
	v23 =	vmul.f32 v23, v26;
	(pc) =	sbr.rel @p1 .LBB2_12-.Ltmp5, $4  }
0x153: {  	v15 =	vadd.f32 v15, v1;
	v20 =	vmul.f32 v25, v24;
	v19 =	vsub.f32 v19, v12;
	v12 =	vld [tilespmem:s15+$0xFFFFFFF0]  }
0x154: {  	v18 =	vld [tilespmem:s15+$0xFFFFFFC0];
	v24 =	vmul.f32 v28, v22;
	v25 =	vadd.f32 v23, v2;
	v28 =	vmul.f32 v21, v11  }
0x155: {  	v23 =	vadd.f32 v20, v1;
	v21 =	vmul.f32 v19, v19;
	v22 =	vsub.f32 v15, v27;
	v15 =	vld [tilespmem:s15+$0xFFFFFFE0]  }
0x156: {  	s17 =	sadd.s32 $0x400, s17;
	v20 =	vadd.f32 v24, v1;
	v19 =	vld [tilespmem:s15+$0xFFFFFFD0];
	v24 =	vmul.f32 v25, v26;
	v25 =	vadd.f32 v28, v2  }
0x157: {  	v8 =	vadd.f32 v21, v13;
	v10 =	vmul.f32 v22, v22;
	v13 =	vsub.f32 v23, v17  }
0x158: {  	v17 =	vadd.f32 v24, v1  }
0x159: {  	v8 =	vadd.f32 v10, v8;
	v10 =	vmul.f32 v13, v13;
	v13 =	vsub.f32 v20, v18  }
0x15a: {  	v16 =	vadd.f32 v16, v2;
	v2 =	vadd.f32 v14, v2;
	v14 =	vld [tilespmem:s15+$0x0];
	s31 =	simm.s32 $0x370;
	v11 =	vmul.f32 v25, v11  }
0x15b: {  	v25 =	vld [tilespmem:s31+$0xFFFFFFD0];
	v8 =	vadd.f32 v10, v8;
	v10 =	vmul.f32 v13, v13;
	v13 =	vsub.f32 v17, v19  }
0x15c: {  	v9 =	vmul.f32 v16, v9;
	v16 =	vld [tilespmem:s31+$0xFFFFFFA0];
	v11 =	vadd.f32 v11, v1  }
0x15d: {  	v0 =	vmul.f32 v2, v0;
	v2 =	vadd.f32 v10, v8;
	v8 =	vmul.f32 v13, v13;
	v13 =	vld [tilespmem:$0x18B00]  }
0x15e: {  	v9 =	vadd.f32 v9, v1;
	v19 =	vld [tilespmem:s31+$0xFFFFFFB0];
	v10 =	vsub.f32 v11, v15  }
0x15f: {  	v1 =	vadd.f32 v0, v1;
	v15 =	vld [tilespmem:s31+$0xFFFFFF90]  }
0x160: {  	v9 =	vsub.f32 v9, v12;
	v2 =	vadd.f32 v8, v2;
	v8 =	vmul.f32 v10, v10;
	v10 =	vld [tilespmem:s31+$0xFFFFFFF0]  }
0x161: {  	v1 =	vsub.f32 v1, v14;
	v12 =	vld [tilespmem:s31+$0xFFFFFFE0]  }
0x162: {  	v20 =	vld [tilespmem:s31+$0xFFFFFFC0];
	v2 =	vadd.f32 v8, v2;
	v8 =	vmul.f32 v9, v9;
	v9 =	vbroadcast v13, $0x3  }
0x163: {  	v1 =	vmul.f32 v1, v1;
	v11 =	vbroadcast v13, $0x2  }
0x164: {  	v0 =	vld [tilespmem:s31+$0x0];
	v2 =	vadd.f32 v8, v2;
	v8 =	vbroadcast v13, $0x1;
	v14 =	vmul.f32 v15, v9  }
0x165: {  	v18 =	vmul.f32 v16, v9;
	v21 =	vmul.f32 v10, v9  }
0x166: {  	v22 =	vmul.f32 v19, v9;
	v23 =	vmul.f32 v12, v9;
	v17 =	vadd.f32 v14, v11  }
0x167: {  	v24 =	vmul.f32 v20, v9;
	v27 =	vmul.f32 v25, v9;
	v2 =	vadd.f32 v1, v2  }
0x168: {  	v1 =	vbroadcast v13, $0x0;
	v18 =	vadd.f32 v18, v11;
	v17 =	vmul.f32 v17, v15  }
0x169: {  	v13 =	vmul.f32 v0, v9;
	v14 =	vimm.f32 $0.0e+00;
	v22 =	vadd.f32 v22, v11  }
0x16a: {  	s15 =	simm.s32 $0xC770;
	v21 =	vadd.f32 v21, v11;
	v18 =	vmul.f32 v18, v16;
	v17 =	vadd.f32 v17, v8  }
0x16b: {  	v26 =	vld [tilespmem:s15+$0xFFFFFF90];
	v24 =	vadd.f32 v24, v11;
	v23 =	vadd.f32 v23, v11;
	v22 =	vmul.f32 v22, v19  }
0x16c: {  	v13 =	vadd.f32 v13, v11;
	v18 =	vadd.f32 v18, v8;
	v17 =	vmul.f32 v17, v15  }
0x16d: {  	v28 =	vld [tilespmem:s15+$0xFFFFFFA0];
	v27 =	vadd.f32 v27, v11;
	v24 =	vmul.f32 v24, v20;
	v22 =	vadd.f32 v22, v8  }
0x16e: {  	v15 =	vmul.f32 v13, v0;
	v16 =	vmul.f32 v18, v16;
	v13 =	vadd.f32 v17, v1  }
0x16f: {  	v27 =	vmul.f32 v27, v25;
	v24 =	vadd.f32 v24, v8;
	v18 =	vld [tilespmem:s15+$0xFFFFFFB0];
	v17 =	vmul.f32 v21, v10  }
0x170: {  	v16 =	vadd.f32 v16, v1;
	v21 =	vsub.f32 v13, v26;
	v26 =	vmul.f32 v22, v19;
	v13 =	vld [tilespmem:s15+$0xFFFFFFF0]  }
0x171: {  	v29 =	vmul.f32 v23, v12;
	v27 =	vadd.f32 v27, v8;
	v20 =	vmul.f32 v24, v20;
	v19 =	vld [tilespmem:s15+$0xFFFFFFC0]  }
0x172: {  	v23 =	vsub.f32 v16, v28;
	v16 =	vld [tilespmem:s15+$0xFFFFFFE0];
	v22 =	vmul.f32 v21, v21;
	v24 =	vadd.f32 v26, v1  }
0x173: {  	s16 =	simm.s32 $0x0;
	s17 =	simm.s32 $0x770;
	v25 =	vmul.f32 v27, v25;
	v21 =	vadd.f32 v20, v1;
	v20 =	vld [tilespmem:s15+$0xFFFFFFD0];
	v26 =	vadd.f32 v29, v8  }
.LBB2_14:
0x174: {  	v27 =	vld [tilespmem:s17+$0x0];
	v14 =	vadd.f32 v22, v14;
	v22 =	vmul.f32 v23, v23;
	v18 =	vsub.f32 v24, v18  }
0x175: {  	v17 =	vadd.f32 v17, v8;
	v23 =	vld [tilespmem:s17+$0xFFFFFFF0];
	v24 =	vadd.f32 v25, v1;
	v25 =	vmul.f32 v26, v12  }
0x176: {  	v26 =	vld [tilespmem:s17+$0xFFFFFF90];
	v14 =	vadd.f32 v22, v14;
	v18 =	vmul.f32 v18, v18;
	v19 =	vsub.f32 v21, v19  }
0x177: {  	s16 =	sadd.s32 $0x8, s16;
	v15 =	vadd.f32 v15, v8;
	v28 =	vmul.f32 v17, v10;
	v12 =	vld [tilespmem:s17+$0xFFFFFFE0];
	v21 =	vadd.f32 v25, v1  }
0x178: {  	p1 =	slt.u32 s16, $0x180;
	v17 =	vld [tilespmem:s17+$0xFFFFFFA0];
	v14 =	vadd.f32 v18, v14;
	v18 =	vmul.f32 v19, v19;
	v19 =	vsub.f32 v24, v20  }
0x179: {  	v15 =	vmul.f32 v15, v0;
	v22 =	vadd.f32 v28, v1;
	v20 =	vmul.f32 v27, v9;
	v24 =	vld [tilespmem:s15+$0x0];
	v0 =	vmovc v27  }
0x17a: {  	v16 =	vsub.f32 v21, v16;
	v25 =	vld [tilespmem:s17+$0xFFFFFFB0];
	v14 =	vadd.f32 v18, v14;
	v18 =	vmul.f32 v19, v19;
	v10 =	vmovc v23  }
0x17b: {  	v15 =	vadd.f32 v15, v1;
	v19 =	vmul.f32 v26, v9;
	v21 =	vmul.f32 v10, v9  }
0x17c: {  	v13 =	vsub.f32 v22, v13;
	v16 =	vmul.f32 v16, v16;
	v23 =	vld [tilespmem:s17+$0xFFFFFFC0];
	v14 =	vadd.f32 v18, v14  }
0x17d: {  	v22 =	vmul.f32 v12, v9;
	v18 =	vadd.f32 v19, v11;
	v19 =	vmul.f32 v17, v9  }
0x17e: {  	v13 =	vmul.f32 v13, v13;
	v27 =	vld [tilespmem:s17+$0xFFFFFFD0];
	v14 =	vadd.f32 v16, v14;
	v15 =	vsub.f32 v15, v24  }
0x17f: {  	v20 =	vadd.f32 v20, v11;
	v16 =	vadd.f32 v19, v11;
	v19 =	vmul.f32 v25, v9  }
0x180: {  	v18 =	vmul.f32 v18, v26;
	v13 =	vadd.f32 v13, v14;
	v14 =	vmul.f32 v15, v15  }
0x181: {  	v21 =	vadd.f32 v21, v11;
	v15 =	vadd.f32 v19, v11;
	v19 =	vmul.f32 v23, v9  }
0x182: {  	s15 =	sadd.s32 $0x400, s15;
	v18 =	vadd.f32 v18, v8;
	v16 =	vmul.f32 v16, v17;
	v14 =	vadd.f32 v14, v13  }
0x183: {  	v22 =	vadd.f32 v22, v11;
	v13 =	vld [tilespmem:s15+$0xFFFFFF90];
	v19 =	vadd.f32 v19, v11;
	v24 =	vmul.f32 v27, v9  }
0x184: {  	v18 =	vmul.f32 v18, v26;
	v16 =	vadd.f32 v16, v8;
	v26 =	vmul.f32 v15, v25  }
0x185: {  	v15 =	vmul.f32 v20, v0;
	v28 =	vld [tilespmem:s15+$0xFFFFFFA0];
	v19 =	vmul.f32 v19, v23;
	v24 =	vadd.f32 v24, v11  }
0x186: {  	v20 =	vadd.f32 v18, v1;
	v16 =	vmul.f32 v16, v17;
	v26 =	vadd.f32 v26, v8  }
.Ltmp6:
0x187: {  	v17 =	vmul.f32 v21, v10;
	v18 =	vld [tilespmem:s15+$0xFFFFFFB0];
	v29 =	vadd.f32 v19, v8;
	v24 =	vmul.f32 v24, v27;
	(pc) =	sbr.rel @p1 .LBB2_14-.Ltmp6, $4  }
0x188: {  	v16 =	vadd.f32 v16, v1;
	v21 =	vmul.f32 v26, v25;
	v20 =	vsub.f32 v20, v13;
	v13 =	vld [tilespmem:s15+$0xFFFFFFF0]  }
0x189: {  	v19 =	vld [tilespmem:s15+$0xFFFFFFC0];
	v25 =	vmul.f32 v29, v23;
	v26 =	vadd.f32 v24, v8;
	v29 =	vmul.f32 v22, v12  }
0x18a: {  	v24 =	vadd.f32 v21, v1;
	v22 =	vmul.f32 v20, v20;
	v23 =	vsub.f32 v16, v28;
	v16 =	vld [tilespmem:s15+$0xFFFFFFE0]  }
0x18b: {  	s17 =	sadd.s32 $0x400, s17;
	v21 =	vadd.f32 v25, v1;
	v20 =	vld [tilespmem:s15+$0xFFFFFFD0];
	v25 =	vmul.f32 v26, v27;
	v26 =	vadd.f32 v29, v8  }
0x18c: {  	v9 =	vadd.f32 v22, v14;
	v11 =	vmul.f32 v23, v23;
	v14 =	vsub.f32 v24, v18  }
0x18d: {  	v18 =	vadd.f32 v25, v1  }
0x18e: {  	v9 =	vadd.f32 v11, v9;
	v11 =	vmul.f32 v14, v14;
	v14 =	vsub.f32 v21, v19  }
0x18f: {  	v17 =	vadd.f32 v17, v8;
	v8 =	vadd.f32 v15, v8;
	v12 =	vmul.f32 v26, v12  }
0x190: {  	v15 =	vld [tilespmem:s15+$0x0];
	s31 =	simm.s32 $0x3F0;
	v9 =	vadd.f32 v11, v9;
	v11 =	vmul.f32 v14, v14;
	v14 =	vsub.f32 v18, v20  }
0x191: {  	v22 =	vld [tilespmem:s31+$0xFFFFFFC0];
	v10 =	vmul.f32 v17, v10;
	v12 =	vadd.f32 v12, v1  }
0x192: {  	v0 =	vmul.f32 v8, v0;
	v8 =	vadd.f32 v11, v9;
	v9 =	vmul.f32 v14, v14;
	v14 =	vld [tilespmem:$0x18B80]  }
0x193: {  	v17 =	vld [tilespmem:s31+$0xFFFFFFA0];
	v10 =	vadd.f32 v10, v1;
	v11 =	vsub.f32 v12, v16  }
0x194: {  	v1 =	vadd.f32 v0, v1;
	v16 =	vld [tilespmem:s31+$0xFFFFFF90]  }
0x195: {  	v8 =	vadd.f32 v9, v8;
	v9 =	vmul.f32 v11, v11;
	v11 =	vsub.f32 v10, v13;
	v10 =	vld [tilespmem:s31+$0xFFFFFFF0]  }
0x196: {  	v19 =	vld [tilespmem:s31+$0xFFFFFFB0];
	v1 =	vsub.f32 v1, v15  }
0x197: {  	v23 =	vld [tilespmem:s31+$0xFFFFFFD0];
	v8 =	vadd.f32 v9, v8;
	v9 =	vmul.f32 v11, v11;
	v12 =	vbroadcast v14, $0x3  }
0x198: {  	v0 =	vld [tilespmem:s31+$0x0];
	v1 =	vmul.f32 v1, v1;
	v13 =	vbroadcast v14, $0x2  }
0x199: {  	v11 =	vld [tilespmem:s31+$0xFFFFFFE0];
	v8 =	vadd.f32 v9, v8;
	v9 =	vbroadcast v14, $0x0;
	v15 =	vmul.f32 v16, v12  }
0x19a: {  	v20 =	vmul.f32 v17, v12;
	v21 =	vmul.f32 v10, v12  }
0x19b: {  	v24 =	vmul.f32 v19, v12;
	v26 =	vmul.f32 v22, v12;
	v18 =	vadd.f32 v15, v13  }
0x19c: {  	v28 =	vmul.f32 v23, v12;
	v1 =	vadd.f32 v1, v8;
	v8 =	vbroadcast v14, $0x1  }
0x19d: {  	v14 =	vmul.f32 v0, v12;
	v20 =	vadd.f32 v20, v13;
	v18 =	vmul.f32 v18, v16  }
0x19e: {  	v25 =	vmul.f32 v11, v12;
	v24 =	vadd.f32 v24, v13;
	v21 =	vadd.f32 v21, v13  }
0x19f: {  	s15 =	simm.s32 $0xC7F0;
	v26 =	vadd.f32 v26, v13;
	v20 =	vmul.f32 v20, v17;
	v18 =	vadd.f32 v18, v8  }
0x1a0: {  	v27 =	vld [tilespmem:s15+$0xFFFFFF90];
	v28 =	vadd.f32 v28, v13;
	v14 =	vadd.f32 v14, v13;
	v24 =	vmul.f32 v24, v19  }
0x1a1: {  	v25 =	vadd.f32 v25, v13;
	v20 =	vadd.f32 v20, v8;
	v18 =	vmul.f32 v18, v16  }
0x1a2: {  	v29 =	vld [tilespmem:s15+$0xFFFFFFA0];
	v26 =	vmul.f32 v26, v22;
	v28 =	vmul.f32 v28, v23;
	v24 =	vadd.f32 v24, v8  }
0x1a3: {  	v16 =	vmul.f32 v14, v0;
	v17 =	vmul.f32 v20, v17;
	v14 =	vadd.f32 v18, v9  }
0x1a4: {  	v26 =	vadd.f32 v26, v8;
	v28 =	vadd.f32 v28, v8;
	v20 =	vld [tilespmem:s15+$0xFFFFFFB0];
	v19 =	vmul.f32 v24, v19  }
0x1a5: {  	v18 =	vmul.f32 v21, v10;
	v17 =	vadd.f32 v17, v9;
	v21 =	vld [tilespmem:s15+$0xFFFFFFC0];
	v27 =	vsub.f32 v14, v27  }
0x1a6: {  	v30 =	vmul.f32 v25, v11;
	v22 =	vmul.f32 v26, v22;
	v24 =	vadd.f32 v19, v9;
	v19 =	vld [tilespmem:s15+$0xFFFFFFD0]  }
0x1a7: {  	v15 =	vimm.f32 $0.0e+00;
	v14 =	vld [tilespmem:s15+$0xFFFFFFF0];
	v26 =	vsub.f32 v17, v29;
	v25 =	vmul.f32 v27, v27  }
0x1a8: {  	s16 =	simm.s32 $0x0;
	s17 =	simm.s32 $0x7F0;
	v23 =	vmul.f32 v28, v23;
	v22 =	vadd.f32 v22, v9;
	v17 =	vld [tilespmem:s15+$0xFFFFFFE0];
	v27 =	vadd.f32 v30, v8  }
.LBB2_16:
0x1a9: {  	v28 =	vld [tilespmem:s17+$0x0];
	v15 =	vadd.f32 v25, v15;
	v25 =	vmul.f32 v26, v26;
	v20 =	vsub.f32 v24, v20  }
0x1aa: {  	v18 =	vadd.f32 v18, v8;
	v24 =	vld [tilespmem:s17+$0xFFFFFFF0];
	v23 =	vadd.f32 v23, v9;
	v26 =	vmul.f32 v27, v11  }
0x1ab: {  	v27 =	vld [tilespmem:s17+$0xFFFFFF90];
	v15 =	vadd.f32 v25, v15;
	v20 =	vmul.f32 v20, v20;
	v21 =	vsub.f32 v22, v21  }
0x1ac: {  	s16 =	sadd.s32 $0x8, s16;
	v16 =	vadd.f32 v16, v8;
	v29 =	vmul.f32 v18, v10;
	v11 =	vld [tilespmem:s17+$0xFFFFFFE0];
	v22 =	vadd.f32 v26, v9  }
0x1ad: {  	p1 =	slt.u32 s16, $0x180;
	v18 =	vld [tilespmem:s17+$0xFFFFFFA0];
	v15 =	vadd.f32 v20, v15;
	v20 =	vmul.f32 v21, v21;
	v19 =	vsub.f32 v23, v19  }
0x1ae: {  	v16 =	vmul.f32 v16, v0;
	v23 =	vadd.f32 v29, v9;
	v21 =	vmul.f32 v28, v12;
	v25 =	vld [tilespmem:s15+$0x0];
	v0 =	vmovc v28  }
0x1af: {  	v17 =	vsub.f32 v22, v17;
	v26 =	vld [tilespmem:s17+$0xFFFFFFB0];
	v15 =	vadd.f32 v20, v15;
	v19 =	vmul.f32 v19, v19;
	v10 =	vmovc v24  }
0x1b0: {  	v16 =	vadd.f32 v16, v9;
	v20 =	vmul.f32 v27, v12;
	v22 =	vmul.f32 v10, v12  }
0x1b1: {  	v14 =	vsub.f32 v23, v14;
	v17 =	vmul.f32 v17, v17;
	v24 =	vld [tilespmem:s17+$0xFFFFFFC0];
	v15 =	vadd.f32 v19, v15  }
0x1b2: {  	v23 =	vmul.f32 v11, v12;
	v19 =	vadd.f32 v20, v13;
	v20 =	vmul.f32 v18, v12  }
0x1b3: {  	v14 =	vmul.f32 v14, v14;
	v28 =	vld [tilespmem:s17+$0xFFFFFFD0];
	v15 =	vadd.f32 v17, v15;
	v16 =	vsub.f32 v16, v25  }
0x1b4: {  	v21 =	vadd.f32 v21, v13;
	v17 =	vadd.f32 v20, v13;
	v20 =	vmul.f32 v26, v12  }
0x1b5: {  	v19 =	vmul.f32 v19, v27;
	v14 =	vadd.f32 v14, v15;
	v15 =	vmul.f32 v16, v16  }
0x1b6: {  	v22 =	vadd.f32 v22, v13;
	v16 =	vadd.f32 v20, v13;
	v20 =	vmul.f32 v24, v12  }
0x1b7: {  	s15 =	sadd.s32 $0x400, s15;
	v19 =	vadd.f32 v19, v8;
	v17 =	vmul.f32 v17, v18;
	v15 =	vadd.f32 v15, v14  }
0x1b8: {  	v23 =	vadd.f32 v23, v13;
	v14 =	vld [tilespmem:s15+$0xFFFFFF90];
	v20 =	vadd.f32 v20, v13;
	v25 =	vmul.f32 v28, v12  }
0x1b9: {  	v19 =	vmul.f32 v19, v27;
	v17 =	vadd.f32 v17, v8;
	v27 =	vmul.f32 v16, v26  }
0x1ba: {  	v16 =	vmul.f32 v21, v0;
	v29 =	vld [tilespmem:s15+$0xFFFFFFA0];
	v30 =	vmul.f32 v20, v24;
	v25 =	vadd.f32 v25, v13  }
0x1bb: {  	v19 =	vadd.f32 v19, v9;
	v17 =	vmul.f32 v17, v18;
	v21 =	vadd.f32 v27, v8  }
.Ltmp7:
0x1bc: {  	v18 =	vmul.f32 v22, v10;
	v20 =	vld [tilespmem:s15+$0xFFFFFFB0];
	v27 =	vadd.f32 v30, v8;
	v25 =	vmul.f32 v25, v28;
	(pc) =	sbr.rel @p1 .LBB2_16-.Ltmp7, $4  }
0x1bd: {  	v17 =	vadd.f32 v17, v9;
	v22 =	vmul.f32 v21, v26;
	v19 =	vsub.f32 v19, v14;
	v14 =	vld [tilespmem:s15+$0xFFFFFFF0]  }
0x1be: {  	v31 =	vmul.f32 v23, v11;
	v21 =	vld [tilespmem:s15+$0xFFFFFFC0];
	v27 =	vmul.f32 v27, v24;
	v30 =	vadd.f32 v25, v8  }
0x1bf: {  	v24 =	vadd.f32 v22, v9;
	v25 =	vmul.f32 v19, v19;
	v26 =	vsub.f32 v17, v29;
	v17 =	vld [tilespmem:s15+$0xFFFFFFE0]  }
0x1c0: {  	s17 =	sadd.s32 $0x400, s17;
	v22 =	vadd.f32 v27, v9;
	v19 =	vld [tilespmem:s15+$0xFFFFFFD0];
	v23 =	vmul.f32 v30, v28;
	v27 =	vadd.f32 v31, v8  }
0x1c1: {  	v12 =	vld [tilespmem:s15+$0x0];
	s15 =	simm.s32 @p0 $0x0;
	s16 =	simm.s32 @p0 $0x1  }
0x1c2: {  	[tilespmem:s15], [sflag:$0x1] =	stream.linear.gather @p0 [hbm4b:s6+s15], $0xC000, $0x38;
	[tilespmem:$0x19000] =	vst v63  }
0x1c3: {  	_ =	swait.ge @p0 [sflag:s16], $0xC000  }
0x1c4: {  	[sflag:s16] =	ssyncset.done @p0 $0x0  }
0x1c5: {  	s17 =	simm.s32 @p0 $0xC400;
	[sflag:s16] =	ssyncadd.s32 @p0 $0xFFFF4000  }
0x1c6: {  	[tilespmem:s17], [sflag:$0x1] =	stream.linear.gather @p0 [hbm4b:s7+s15], $0xC000, $0x38;
	[tilespmem:$0x19000] =	vst v63  }
0x1c7: {  	_ =	swait.ge @p0 [sflag:s16], $0xC000  }
0x1c8: {  	[sflag:s16] =	ssyncset.done @p0 $0x0  }
0x1c9: {  	s15 =	simm.s32 @!p0 $0x0;
	[sflag:s16] =	ssyncadd.s32 @p0 $0xFFFF4000;
	s16 =	simm.s32 @!p0 $0x1  }
0x1ca: {  	[tilespmem:s15], [sflag:$0x1] =	stream.linear.gather @!p0 [hbm4b:s6+s15], $0xC400, $0x38;
	[tilespmem:$0x19000] =	vst v63  }
0x1cb: {  	_ =	swait.ge @!p0 [sflag:s16], $0xC400  }
0x1cc: {  	[sflag:s16] =	ssyncset.done @!p0 $0x0  }
0x1cd: {  	s17 =	simm.s32 @!p0 $0xC400;
	[sflag:s16] =	ssyncadd.s32 @!p0 $0xFFFF3C00  }
0x1ce: {  	[tilespmem:s17], [sflag:$0x1] =	stream.linear.gather @!p0 [hbm4b:s7+s15], $0xC400, $0x38;
	[tilespmem:$0x19000] =	vst v63  }
0x1cf: {  	v13 =	vadd.f32 v25, v15;
	v15 =	vmul.f32 v26, v26;
	v20 =	vsub.f32 v24, v20;
	_ =	swait.ge @!p0 [sflag:s16], $0xC400  }
0x1d0: {  	v18 =	vadd.f32 v18, v8;
	v8 =	vadd.f32 v16, v8;
	[sflag:s16] =	ssyncset.done @!p0 $0x0  }
0x1d1: {  	v11 =	vmul.f32 v27, v11;
	v13 =	vadd.f32 v15, v13;
	v15 =	vmul.f32 v20, v20;
	[sflag:s16] =	ssyncadd.s32 @!p0 $0xFFFF3C00  }
0x1d2: {  	s31 =	simm.s32 $0x40;
	v16 =	vadd.f32 v23, v9;
	v20 =	vsub.f32 v22, v21;
	v18 =	vmul.f32 v18, v10;
	v21 =	vld [tilespmem:$0x18800]  }
0x1d3: {  	v0 =	vmul.f32 v8, v0;
	v11 =	vadd.f32 v11, v9;
	v13 =	vadd.f32 v15, v13;
	v10 =	vld [tilespmem:s31+$0x30]  }
0x1d4: {  	v15 =	vmul.f32 v20, v20;
	v16 =	vsub.f32 v16, v19;
	v18 =	vadd.f32 v18, v9;
	v8 =	vld [tilespmem:s31+$0x20]  }
0x1d5: {  	v0 =	vadd.f32 v0, v9;
	v11 =	vsub.f32 v11, v17;
	v22 =	vld [tilespmem:s31+$0x10]  }
0x1d6: {  	v13 =	vadd.f32 v15, v13;
	v9 =	vmul.f32 v16, v16;
	v14 =	vsub.f32 v18, v14;
	v15 =	vld [tilespmem:s31+$0xFFFFFFC0]  }
0x1d7: {  	v0 =	vsub.f32 v0, v12;
	v18 =	vld [tilespmem:s31+$0x0]  }
0x1d8: {  	v12 =	vmul.f32 v11, v11;
	v9 =	vadd.f32 v9, v13;
	v14 =	vmul.f32 v14, v14;
	v16 =	vld [tilespmem:s31+$0xFFFFFFD0]  }
0x1d9: {  	v0 =	vmul.f32 v0, v0;
	v17 =	vld [tilespmem:s31+$0xFFFFFFE0];
	v11 =	vbroadcast v21, $0x3  }
0x1da: {  	v19 =	vadd.f32 v12, v9;
	v12 =	vbroadcast v21, $0x2;
	v13 =	vbroadcast v21, $0x1  }
0x1db: {  	v9 =	vbroadcast v21, $0x0;
	v21 =	vld [tilespmem:s31+$0xFFFFFFF0];
	v20 =	vmul.f32 v15, v11  }
0x1dc: {  	v14 =	vadd.f32 v14, v19;
	v19 =	vmul.f32 v8, v11;
	v23 =	vmul.f32 v10, v11  }
0x1dd: {  	v24 =	vmul.f32 v22, v11;
	v25 =	vmul.f32 v16, v11;
	v20 =	vadd.f32 v20, v12  }
0x1de: {  	v0 =	vadd.f32 v0, v14;
	v14 =	vmul.f32 v18, v11;
	v26 =	vmul.f32 v17, v11  }
0x1df: {  	v23 =	vadd.f32 v23, v12;
	v25 =	vadd.f32 v25, v12;
	v20 =	vmul.f32 v20, v15  }
0x1e0: {  	v24 =	vadd.f32 v24, v12;
	v19 =	vadd.f32 v19, v12;
	v27 =	vmul.f32 v21, v11  }
0x1e1: {  	s23 =	simm.s32 $0xC440;
	v26 =	vadd.f32 v26, v12;
	v25 =	vmul.f32 v25, v16;
	v20 =	vadd.f32 v20, v13  }
0x1e2: {  	v28 =	vld [tilespmem:s23+$0xFFFFFFC0];
	v19 =	vmul.f32 v19, v8;
	v23 =	vmul.f32 v23, v10;
	v27 =	vadd.f32 v27, v12  }
0x1e3: {  	v15 =	vmul.f32 v20, v15;
	v20 =	vadd.f32 v25, v13;
	v25 =	vmul.f32 v26, v17  }
0x1e4: {  	v14 =	vadd.f32 v14, v12;
	v24 =	vmul.f32 v24, v22;
	v27 =	vmul.f32 v27, v21;
	v26 =	vld [tilespmem:s23+$0xFFFFFFD0]  }
0x1e5: {  	v15 =	vadd.f32 v15, v9;
	v16 =	vmul.f32 v20, v16;
	v20 =	vadd.f32 v25, v13  }
0x1e6: {  	v29 =	vmul.f32 v14, v18;
	v14 =	vadd.f32 v23, v13;
	v27 =	vadd.f32 v27, v13;
	v25 =	vld [tilespmem:s23+$0xFFFFFFE0]  }
0x1e7: {  	v15 =	vsub.f32 v15, v28;
	v23 =	vadd.f32 v16, v9;
	v17 =	vmul.f32 v20, v17  }
0x1e8: {  	s18 =	simm.s32 @!p0 $0x188;
	v63 =	vld [tilespmem:s23+$0xFFFFFFF0];
	v20 =	vmul.f32 v27, v21;
	v21 =	vadd.f32 v29, v13;
	v16 =	vadd.f32 v19, v13  }
0x1e9: {  	s18 =	simm.s32 @p0 $0x180;
	v15 =	vmul.f32 v15, v15;
	v19 =	vsub.f32 v23, v26;
	v23 =	vadd.f32 v17, v9  }
0x1ea: {  	s24 =	simm.s32 $0x0;
	p1 =	sgt.u32 s18, $0x0;
	v26 =	vadd.f32 v20, v9;
	v17 =	vld [tilespmem:s23+$0x0];
	v18 =	vmul.f32 v21, v18;
	v21 =	vadd.f32 v24, v13  }
0x1eb: {  	s25 =	simm.s32 $0x440;
	s21 =	sadd.s32 $0xFFFFFFFF, s18;
	s22 =	sadd.s32 $0xFFFFFFFE, s18;
	v20 =	vpsel !p1, $0x0, v15;
	v24 =	vmul.f32 v19, v19;
	v23 =	vsub.f32 v23, v25;
	v15 =	vld [tilespmem:s23+$0x30]  }
0x1ec: {  	s20 =	sadd.s32 $0xFFFFFFFD, s18;
	s19 =	sadd.s32 $0xFFFFFFFC, s18;
	p6 =	sgt.u32 s21, $0x0;
	v19 =	vadd.f32 v18, v9;
	v18 =	vld [tilespmem:s23+$0x10];
	v21 =	vmul.f32 v21, v22;
	v20 =	vadd.f32 v20, v4  }
0x1ed: {  	s17 =	sadd.s32 $0xFFFFFFFB, s18;
	s15 =	sadd.s32 $0xFFFFFFFA, s18;
	s16 =	sadd.s32 $0xFFFFFFF9, s18;
	v4 =	vld [tilespmem:s23+$0x20];
	v24 =	vpsel !p6, $0x0, v24;
	v22 =	vmul.f32 v23, v23;
	v23 =	vsub.f32 v26, v63  }
.LBB2_18:
0x1ee: {  	v25 =	vld [tilespmem:s25+$0x30];
	v20 =	vadd.f32 v24, v20;
	p1 =	slt.u32 s24, s22;
	v21 =	vadd.f32 v21, v9;
	v16 =	vmul.f32 v16, v8  }
0x1ef: {  	v8 =	vld [tilespmem:s25+$0x20];
	v22 =	vpsel !p1, $0x0, v22;
	v23 =	vmul.f32 v23, v23;
	v17 =	vsub.f32 v19, v17  }
0x1f0: {  	v26 =	vmul.f32 v14, v10;
	p1 =	slt.u32 s24, s20;
	v24 =	vld [tilespmem:s25+$0x10];
	v19 =	vadd.f32 v22, v20;
	v16 =	vadd.f32 v16, v9  }
0x1f1: {  	v14 =	vld [tilespmem:s25+$0xFFFFFFC0];
	v20 =	vpsel !p1, $0x0, v23;
	v17 =	vmul.f32 v17, v17;
	v18 =	vsub.f32 v21, v18  }
0x1f2: {  	p1 =	slt.u32 s24, s19;
	v21 =	vld [tilespmem:s25+$0x0];
	v19 =	vadd.f32 v20, v19;
	v20 =	vadd.f32 v26, v9  }
0x1f3: {  	v4 =	vsub.f32 v16, v4;
	v22 =	vld [tilespmem:s25+$0xFFFFFFD0];
	v17 =	vpsel !p1, $0x0, v17;
	v18 =	vmul.f32 v18, v18;
	v10 =	vmovc v25  }
0x1f4: {  	p1 =	slt.u32 s24, s17;
	v16 =	vld [tilespmem:s25+$0xFFFFFFE0];
	v23 =	vmul.f32 v8, v11;
	v25 =	vmul.f32 v10, v11;
	v17 =	vadd.f32 v17, v19  }
0x1f5: {  	v4 =	vmul.f32 v4, v4;
	v15 =	vsub.f32 v20, v15;
	v18 =	vpsel !p1, $0x0, v18  }
0x1f6: {  	v26 =	vmul.f32 v24, v11;
	p1 =	slt.u32 s24, s15;
	v19 =	vmul.f32 v14, v11;
	v20 =	vld [tilespmem:s25+$0xFFFFFFF0];
	v17 =	vadd.f32 v18, v17  }
0x1f7: {  	v4 =	vpsel !p1, $0x0, v4;
	v15 =	vmul.f32 v15, v15;
	v18 =	vmul.f32 v21, v11  }
0x1f8: {  	p1 =	slt.u32 s24, s16;
	v19 =	vadd.f32 v19, v12;
	v27 =	vmul.f32 v22, v11;
	v4 =	vadd.f32 v4, v17  }
0x1f9: {  	v25 =	vadd.f32 v25, v12;
	v15 =	vpsel !p1, $0x0, v15;
	v17 =	vmul.f32 v16, v11  }
0x1fa: {  	v19 =	vmul.f32 v19, v14;
	v27 =	vadd.f32 v27, v12;
	v4 =	vadd.f32 v15, v4  }
0x1fb: {  	v23 =	vadd.f32 v23, v12;
	v26 =	vadd.f32 v26, v12;
	v15 =	vmul.f32 v20, v11  }
0x1fc: {  	s23 =	sadd.s32 $0x400, s23;
	v17 =	vadd.f32 v17, v12;
	v19 =	vadd.f32 v19, v13;
	v27 =	vmul.f32 v27, v22  }
0x1fd: {  	v23 =	vmul.f32 v23, v8;
	v25 =	vmul.f32 v25, v10;
	v28 =	vld [tilespmem:s23+$0xFFFFFFC0];
	v15 =	vadd.f32 v15, v12  }
0x1fe: {  	v17 =	vmul.f32 v17, v16;
	v14 =	vmul.f32 v19, v14;
	v19 =	vadd.f32 v27, v13  }
0x1ff: {  	v18 =	vadd.f32 v18, v12;
	v26 =	vmul.f32 v26, v24;
	v27 =	vld [tilespmem:s23+$0xFFFFFFD0];
	v15 =	vmul.f32 v15, v20  }
0x200: {  	v17 =	vadd.f32 v17, v13;
	v29 =	vadd.f32 v14, v9;
	v19 =	vmul.f32 v19, v22  }
0x201: {  	v18 =	vmul.f32 v18, v21;
	v14 =	vadd.f32 v25, v13;
	v22 =	vld [tilespmem:s23+$0xFFFFFFE0];
	v15 =	vadd.f32 v15, v13  }
0x202: {  	s24 =	sadd.s32 $0x8, s24;
	v17 =	vmul.f32 v17, v16;
	v25 =	vsub.f32 v29, v28;
	v19 =	vadd.f32 v19, v9  }
0x203: {  	p1 =	slt.u32 s24, $0x180;
	v18 =	vadd.f32 v18, v13;
	v16 =	vadd.f32 v23, v13;
	v28 =	vld [tilespmem:s23+$0xFFFFFFF0];
	v15 =	vmul.f32 v15, v20  }
.Ltmp8:
0x204: {  	v23 =	vadd.f32 v17, v9;
	v20 =	vmul.f32 v25, v25;
	v19 =	vsub.f32 v19, v27;
	(pc) =	sbr.rel @p1 .LBB2_18-.Ltmp8, $4  }
0x205: {  	p2 =	slt.u32 s24, s18;
	v18 =	vmul.f32 v18, v21;
	v21 =	vadd.f32 v26, v13;
	v25 =	vadd.f32 v15, v9;
	v17 =	vld [tilespmem:s23+$0x0]  }
0x206: {  	v20 =	vpsel !p2, $0x0, v20;
	v26 =	vmul.f32 v19, v19;
	v22 =	vsub.f32 v23, v22;
	v15 =	vld [tilespmem:s23+$0x30]  }
0x207: {  	v21 =	vmul.f32 v21, v24;
	p2 =	slt.u32 s24, s21;
	v19 =	vadd.f32 v18, v9;
	v20 =	vadd.f32 v20, v4;
	v18 =	vld [tilespmem:s23+$0x10]  }
0x208: {  	s25 =	sadd.s32 $0x400, s25;
	v24 =	vpsel !p2, $0x0, v26;
	v22 =	vmul.f32 v22, v22;
	v23 =	vsub.f32 v25, v28;
	v4 =	vld [tilespmem:s23+$0x20]  }
0x209: {  	v11 =	vadd.f32 v24, v20;
	p1 =	slt.u32 s24, s22;
	v12 =	vadd.f32 v21, v9;
	v8 =	vmul.f32 v16, v8  }
0x20a: {  	v13 =	vpsel !p1, $0x0, v22;
	v16 =	vmul.f32 v23, v23;
	v17 =	vsub.f32 v19, v17  }
0x20b: {  	s23 =	simm.s32 $0xF0;
	p5 =	slt.u32 s24, s20;
	v14 =	vmul.f32 v14, v10;
	v19 =	vld [tilespmem:$0x18880];
	v11 =	vadd.f32 v13, v11;
	v13 =	vadd.f32 v8, v9  }
0x20c: {  	v10 =	vld [tilespmem:s23+$0x0];
	v16 =	vpsel !p5, $0x0, v16;
	v17 =	vmul.f32 v17, v17;
	v12 =	vsub.f32 v12, v18  }
0x20d: {  	p6 =	slt.u32 s24, s19;
	v21 =	vld [tilespmem:s23+$0xFFFFFFE0];
	v9 =	vadd.f32 v14, v9;
	v11 =	vadd.f32 v16, v11  }
0x20e: {  	v4 =	vsub.f32 v13, v4;
	v16 =	vld [tilespmem:s23+$0xFFFFFF90];
	v14 =	vpsel !p6, $0x0, v17;
	v12 =	vmul.f32 v12, v12  }
0x20f: {  	p2 =	slt.u32 s24, s17;
	v8 =	vld [tilespmem:s23+$0xFFFFFFF0];
	v9 =	vsub.f32 v9, v15;
	v11 =	vadd.f32 v14, v11  }
0x210: {  	v4 =	vmul.f32 v4, v4;
	v14 =	vld [tilespmem:s23+$0xFFFFFFA0];
	v12 =	vpsel !p2, $0x0, v12  }
0x211: {  	p3 =	slt.u32 s24, s15;
	v18 =	vld [tilespmem:s23+$0xFFFFFFB0];
	v17 =	vmul.f32 v9, v9;
	v9 =	vbroadcast v19, $0x3;
	v11 =	vadd.f32 v12, v11  }
0x212: {  	v13 =	vbroadcast v19, $0x1;
	v4 =	vpsel !p3, $0x0, v4;
	v12 =	vbroadcast v19, $0x2  }
0x213: {  	p4 =	slt.u32 s24, s16;
	v20 =	vld [tilespmem:s23+$0xFFFFFFC0];
	v4 =	vadd.f32 v4, v11;
	v11 =	vbroadcast v19, $0x0;
	v19 =	vmul.f32 v16, v9  }
0x214: {  	v15 =	vld [tilespmem:s23+$0xFFFFFFD0];
	v17 =	vpsel !p4, $0x0, v17;
	v23 =	vmul.f32 v10, v9;
	v24 =	vmul.f32 v21, v9  }
0x215: {  	v22 =	vmul.f32 v8, v9;
	v25 =	vmul.f32 v14, v9;
	v19 =	vadd.f32 v19, v12  }
0x216: {  	v26 =	vmul.f32 v18, v9;
	v23 =	vadd.f32 v23, v12;
	v24 =	vadd.f32 v24, v12  }
0x217: {  	v22 =	vadd.f32 v22, v12;
	v25 =	vadd.f32 v25, v12;
	v19 =	vmul.f32 v19, v16  }
0x218: {  	v27 =	vmul.f32 v20, v9;
	v26 =	vadd.f32 v26, v12;
	v4 =	vadd.f32 v17, v4  }
0x219: {  	s23 =	simm.s32 $0xC4F0;
	v17 =	vmul.f32 v15, v9;
	v25 =	vmul.f32 v25, v14;
	v19 =	vadd.f32 v19, v13  }
0x21a: {  	v28 =	vld [tilespmem:s23+$0xFFFFFF90];
	v27 =	vadd.f32 v27, v12;
	v22 =	vmul.f32 v22, v8;
	v23 =	vmul.f32 v23, v10  }
0x21b: {  	v16 =	vmul.f32 v19, v16;
	v19 =	vadd.f32 v25, v13;
	v25 =	vmul.f32 v26, v18  }
0x21c: {  	v27 =	vmul.f32 v27, v20;
	v24 =	vmul.f32 v24, v21;
	v17 =	vadd.f32 v17, v12;
	v26 =	vld [tilespmem:s23+$0xFFFFFFA0]  }
0x21d: {  	v16 =	vadd.f32 v16, v11;
	v19 =	vmul.f32 v19, v14;
	v25 =	vadd.f32 v25, v13  }
0x21e: {  	v29 =	vld [tilespmem:s23+$0xFFFFFFB0];
	v27 =	vadd.f32 v27, v13;
	v17 =	vmul.f32 v17, v15;
	v14 =	vadd.f32 v23, v13  }
0x21f: {  	v23 =	vsub.f32 v16, v28;
	v19 =	vadd.f32 v19, v11;
	v18 =	vmul.f32 v25, v18  }
0x220: {  	v20 =	vmul.f32 v27, v20;
	v27 =	vadd.f32 v17, v13;
	v25 =	vld [tilespmem:s23+$0xFFFFFFC0];
	v16 =	vadd.f32 v22, v13  }
0x221: {  	v22 =	vmul.f32 v23, v23;
	v19 =	vsub.f32 v19, v26;
	v18 =	vadd.f32 v18, v11  }
0x222: {  	p5 =	sgt.u32 s18, $0x0;
	v24 =	vadd.f32 v24, v13;
	v17 =	vld [tilespmem:s23+$0xFFFFFFD0];
	v23 =	vadd.f32 v20, v11;
	v26 =	vmul.f32 v27, v15  }
0x223: {  	v15 =	vld [tilespmem:s23+$0x0];
	v20 =	vpsel !p5, $0x0, v22;
	v22 =	vmul.f32 v19, v19;
	v27 =	vsub.f32 v18, v29  }
0x224: {  	p6 =	sgt.u32 s21, $0x0;
	v21 =	vmul.f32 v24, v21;
	v19 =	vadd.f32 v26, v11;
	v18 =	vld [tilespmem:s23+$0xFFFFFFE0];
	v20 =	vadd.f32 v20, v7  }
0x225: {  	s24 =	simm.s32 $0x0;
	s25 =	simm.s32 $0x4F0;
	v23 =	vsub.f32 v23, v25;
	v7 =	vld [tilespmem:s23+$0xFFFFFFF0];
	v24 =	vpsel !p6, $0x0, v22;
	v22 =	vmul.f32 v27, v27  }
.LBB2_20:
0x226: {  	v25 =	vld [tilespmem:s25+$0x0];
	v20 =	vadd.f32 v24, v20;
	p1 =	slt.u32 s24, s22;
	v21 =	vadd.f32 v21, v11;
	v16 =	vmul.f32 v16, v8  }
0x227: {  	v8 =	vld [tilespmem:s25+$0xFFFFFFF0];
	v22 =	vpsel !p1, $0x0, v22;
	v23 =	vmul.f32 v23, v23;
	v17 =	vsub.f32 v19, v17  }
0x228: {  	v26 =	vmul.f32 v14, v10;
	p1 =	slt.u32 s24, s20;
	v24 =	vld [tilespmem:s25+$0xFFFFFFE0];
	v19 =	vadd.f32 v22, v20;
	v16 =	vadd.f32 v16, v11  }
0x229: {  	v14 =	vld [tilespmem:s25+$0xFFFFFF90];
	v20 =	vpsel !p1, $0x0, v23;
	v17 =	vmul.f32 v17, v17;
	v18 =	vsub.f32 v21, v18  }
0x22a: {  	p1 =	slt.u32 s24, s19;
	v21 =	vld [tilespmem:s25+$0xFFFFFFD0];
	v19 =	vadd.f32 v20, v19;
	v20 =	vadd.f32 v26, v11  }
0x22b: {  	v7 =	vsub.f32 v16, v7;
	v22 =	vld [tilespmem:s25+$0xFFFFFFA0];
	v17 =	vpsel !p1, $0x0, v17;
	v18 =	vmul.f32 v18, v18;
	v10 =	vmovc v25  }
0x22c: {  	p1 =	slt.u32 s24, s17;
	v16 =	vld [tilespmem:s25+$0xFFFFFFB0];
	v23 =	vmul.f32 v8, v9;
	v25 =	vmul.f32 v10, v9;
	v17 =	vadd.f32 v17, v19  }
0x22d: {  	v7 =	vmul.f32 v7, v7;
	v15 =	vsub.f32 v20, v15;
	v18 =	vpsel !p1, $0x0, v18  }
0x22e: {  	v26 =	vmul.f32 v24, v9;
	p1 =	slt.u32 s24, s15;
	v19 =	vmul.f32 v14, v9;
	v20 =	vld [tilespmem:s25+$0xFFFFFFC0];
	v17 =	vadd.f32 v18, v17  }
0x22f: {  	v7 =	vpsel !p1, $0x0, v7;
	v15 =	vmul.f32 v15, v15;
	v18 =	vmul.f32 v21, v9  }
0x230: {  	p1 =	slt.u32 s24, s16;
	v19 =	vadd.f32 v19, v12;
	v27 =	vmul.f32 v22, v9;
	v7 =	vadd.f32 v7, v17  }
0x231: {  	v25 =	vadd.f32 v25, v12;
	v15 =	vpsel !p1, $0x0, v15;
	v17 =	vmul.f32 v16, v9  }
0x232: {  	v19 =	vmul.f32 v19, v14;
	v27 =	vadd.f32 v27, v12;
	v7 =	vadd.f32 v15, v7  }
0x233: {  	v23 =	vadd.f32 v23, v12;
	v26 =	vadd.f32 v26, v12;
	v15 =	vmul.f32 v20, v9  }
0x234: {  	s23 =	sadd.s32 $0x400, s23;
	v17 =	vadd.f32 v17, v12;
	v19 =	vadd.f32 v19, v13;
	v27 =	vmul.f32 v27, v22  }
0x235: {  	v23 =	vmul.f32 v23, v8;
	v25 =	vmul.f32 v25, v10;
	v28 =	vld [tilespmem:s23+$0xFFFFFF90];
	v15 =	vadd.f32 v15, v12  }
0x236: {  	v17 =	vmul.f32 v17, v16;
	v14 =	vmul.f32 v19, v14;
	v19 =	vadd.f32 v27, v13  }
0x237: {  	v18 =	vadd.f32 v18, v12;
	v26 =	vmul.f32 v26, v24;
	v27 =	vld [tilespmem:s23+$0xFFFFFFA0];
	v15 =	vmul.f32 v15, v20  }
0x238: {  	v17 =	vadd.f32 v17, v13;
	v29 =	vadd.f32 v14, v11;
	v19 =	vmul.f32 v19, v22  }
0x239: {  	v18 =	vmul.f32 v18, v21;
	v14 =	vadd.f32 v25, v13;
	v22 =	vld [tilespmem:s23+$0xFFFFFFB0];
	v15 =	vadd.f32 v15, v13  }
0x23a: {  	s24 =	sadd.s32 $0x8, s24;
	v17 =	vmul.f32 v17, v16;
	v25 =	vsub.f32 v29, v28;
	v19 =	vadd.f32 v19, v11  }
0x23b: {  	p1 =	slt.u32 s24, $0x180;
	v18 =	vadd.f32 v18, v13;
	v16 =	vadd.f32 v23, v13;
	v28 =	vld [tilespmem:s23+$0xFFFFFFC0];
	v15 =	vmul.f32 v15, v20  }
.Ltmp9:
0x23c: {  	v23 =	vadd.f32 v17, v11;
	v20 =	vmul.f32 v25, v25;
	v19 =	vsub.f32 v19, v27;
	(pc) =	sbr.rel @p1 .LBB2_20-.Ltmp9, $4  }
0x23d: {  	p2 =	slt.u32 s24, s18;
	v18 =	vmul.f32 v18, v21;
	v21 =	vadd.f32 v26, v13;
	v25 =	vadd.f32 v15, v11;
	v17 =	vld [tilespmem:s23+$0xFFFFFFD0]  }
0x23e: {  	v20 =	vpsel !p2, $0x0, v20;
	v26 =	vmul.f32 v19, v19;
	v22 =	vsub.f32 v23, v22;
	v15 =	vld [tilespmem:s23+$0x0]  }
0x23f: {  	v21 =	vmul.f32 v21, v24;
	p2 =	slt.u32 s24, s21;
	v19 =	vadd.f32 v18, v11;
	v20 =	vadd.f32 v20, v7;
	v18 =	vld [tilespmem:s23+$0xFFFFFFE0]  }
0x240: {  	s25 =	sadd.s32 $0x400, s25;
	v24 =	vpsel !p2, $0x0, v26;
	v22 =	vmul.f32 v22, v22;
	v23 =	vsub.f32 v25, v28;
	v7 =	vld [tilespmem:s23+$0xFFFFFFF0]  }
0x241: {  	v9 =	vadd.f32 v24, v20;
	p1 =	slt.u32 s24, s22;
	v12 =	vadd.f32 v21, v11;
	v8 =	vmul.f32 v16, v8  }
0x242: {  	s23 =	simm.s32 $0x170;
	v13 =	vpsel !p1, $0x0, v22;
	v16 =	vmul.f32 v23, v23;
	v17 =	vsub.f32 v19, v17;
	v19 =	vld [tilespmem:$0x18900]  }
0x243: {  	p5 =	slt.u32 s24, s20;
	v10 =	vmul.f32 v14, v10;
	v21 =	vld [tilespmem:s23+$0xFFFFFFE0];
	v13 =	vadd.f32 v13, v9;
	v20 =	vadd.f32 v8, v11  }
0x244: {  	v9 =	vld [tilespmem:s23+$0x0];
	v14 =	vpsel !p5, $0x0, v16;
	v16 =	vmul.f32 v17, v17;
	v12 =	vsub.f32 v12, v18  }
0x245: {  	p6 =	slt.u32 s24, s19;
	v8 =	vld [tilespmem:s23+$0xFFFFFFF0];
	v10 =	vadd.f32 v10, v11;
	v13 =	vadd.f32 v14, v13  }
0x246: {  	v7 =	vsub.f32 v20, v7;
	v14 =	vld [tilespmem:s23+$0xFFFFFF90];
	v11 =	vpsel !p6, $0x0, v16;
	v12 =	vmul.f32 v12, v12  }
0x247: {  	p2 =	slt.u32 s24, s17;
	v10 =	vsub.f32 v10, v15;
	v15 =	vld [tilespmem:s23+$0xFFFFFFD0];
	v11 =	vadd.f32 v11, v13  }
0x248: {  	v16 =	vld [tilespmem:s23+$0xFFFFFFA0];
	v7 =	vmul.f32 v7, v7;
	v12 =	vpsel !p2, $0x0, v12  }
0x249: {  	p3 =	slt.u32 s24, s15;
	v20 =	vld [tilespmem:s23+$0xFFFFFFB0];
	v18 =	vmul.f32 v10, v10;
	v17 =	vadd.f32 v12, v11;
	v11 =	vbroadcast v19, $0x3  }
0x24a: {  	v13 =	vbroadcast v19, $0x1;
	v10 =	vbroadcast v19, $0x0;
	v7 =	vpsel !p3, $0x0, v7  }
0x24b: {  	p4 =	slt.u32 s24, s16;
	v12 =	vbroadcast v19, $0x2;
	v19 =	vld [tilespmem:s23+$0xFFFFFFC0];
	v7 =	vadd.f32 v7, v17;
	v17 =	vmul.f32 v14, v11  }
0x24c: {  	v18 =	vpsel !p4, $0x0, v18;
	v22 =	vmul.f32 v8, v11;
	v23 =	vmul.f32 v9, v11  }
0x24d: {  	v24 =	vmul.f32 v21, v11;
	v25 =	vmul.f32 v16, v11;
	v17 =	vadd.f32 v17, v12  }
0x24e: {  	v26 =	vmul.f32 v20, v11;
	v7 =	vadd.f32 v18, v7;
	v18 =	vmul.f32 v15, v11  }
0x24f: {  	v23 =	vadd.f32 v23, v12;
	v25 =	vadd.f32 v25, v12;
	v17 =	vmul.f32 v17, v14  }
0x250: {  	v24 =	vadd.f32 v24, v12;
	v22 =	vadd.f32 v22, v12;
	v27 =	vmul.f32 v19, v11  }
0x251: {  	s23 =	simm.s32 $0xC570;
	v26 =	vadd.f32 v26, v12;
	v25 =	vmul.f32 v25, v16;
	v17 =	vadd.f32 v17, v13  }
0x252: {  	v28 =	vld [tilespmem:s23+$0xFFFFFF90];
	v22 =	vmul.f32 v22, v8;
	v23 =	vmul.f32 v23, v9;
	v27 =	vadd.f32 v27, v12  }
0x253: {  	v14 =	vmul.f32 v17, v14;
	v17 =	vadd.f32 v25, v13;
	v25 =	vmul.f32 v26, v20  }
0x254: {  	v18 =	vadd.f32 v18, v12;
	v24 =	vmul.f32 v24, v21;
	v27 =	vmul.f32 v27, v19;
	v26 =	vld [tilespmem:s23+$0xFFFFFFA0]  }
0x255: {  	v29 =	vadd.f32 v14, v10;
	v16 =	vmul.f32 v17, v16;
	v17 =	vadd.f32 v25, v13  }
0x256: {  	v18 =	vmul.f32 v18, v15;
	v27 =	vadd.f32 v27, v13;
	v25 =	vld [tilespmem:s23+$0xFFFFFFB0];
	v14 =	vadd.f32 v23, v13  }
0x257: {  	v23 =	vsub.f32 v29, v28;
	v62 =	vadd.f32 v16, v10;
	v17 =	vmul.f32 v17, v20  }
0x258: {  	v63 =	vld [tilespmem:s23+$0xFFFFFFC0];
	v18 =	vadd.f32 v18, v13;
	v19 =	vmul.f32 v27, v19;
	v16 =	vadd.f32 v22, v13  }
0x259: {  	v20 =	vmul.f32 v23, v23;
	v22 =	vsub.f32 v62, v26;
	v23 =	vadd.f32 v17, v10  }
0x25a: {  	p5 =	sgt.u32 s18, $0x0;
	v24 =	vadd.f32 v24, v13;
	v18 =	vmul.f32 v18, v15;
	v26 =	vadd.f32 v19, v10;
	v17 =	vld [tilespmem:s23+$0xFFFFFFD0]  }
0x25b: {  	v15 =	vld [tilespmem:s23+$0x0];
	v19 =	vpsel !p5, $0x0, v20;
	v22 =	vmul.f32 v22, v22;
	v23 =	vsub.f32 v23, v25  }
0x25c: {  	p6 =	sgt.u32 s21, $0x0;
	v21 =	vmul.f32 v24, v21;
	v20 =	vadd.f32 v19, v6;
	v19 =	vadd.f32 v18, v10;
	v18 =	vld [tilespmem:s23+$0xFFFFFFE0]  }
0x25d: {  	s24 =	simm.s32 $0x0;
	s25 =	simm.s32 $0x570;
	v6 =	vld [tilespmem:s23+$0xFFFFFFF0];
	v24 =	vpsel !p6, $0x0, v22;
	v22 =	vmul.f32 v23, v23;
	v23 =	vsub.f32 v26, v63  }
.LBB2_22:
0x25e: {  	v25 =	vld [tilespmem:s25+$0x0];
	v20 =	vadd.f32 v24, v20;
	p1 =	slt.u32 s24, s22;
	v21 =	vadd.f32 v21, v10;
	v16 =	vmul.f32 v16, v8  }
0x25f: {  	v8 =	vld [tilespmem:s25+$0xFFFFFFF0];
	v22 =	vpsel !p1, $0x0, v22;
	v23 =	vmul.f32 v23, v23;
	v17 =	vsub.f32 v19, v17  }
0x260: {  	v26 =	vmul.f32 v14, v9;
	p1 =	slt.u32 s24, s20;
	v24 =	vld [tilespmem:s25+$0xFFFFFFE0];
	v19 =	vadd.f32 v22, v20;
	v16 =	vadd.f32 v16, v10  }
0x261: {  	v14 =	vld [tilespmem:s25+$0xFFFFFF90];
	v20 =	vpsel !p1, $0x0, v23;
	v17 =	vmul.f32 v17, v17;
	v18 =	vsub.f32 v21, v18  }
0x262: {  	p1 =	slt.u32 s24, s19;
	v21 =	vld [tilespmem:s25+$0xFFFFFFD0];
	v19 =	vadd.f32 v20, v19;
	v20 =	vadd.f32 v26, v10  }
0x263: {  	v6 =	vsub.f32 v16, v6;
	v22 =	vld [tilespmem:s25+$0xFFFFFFA0];
	v17 =	vpsel !p1, $0x0, v17;
	v18 =	vmul.f32 v18, v18;
	v9 =	vmovc v25  }
0x264: {  	p1 =	slt.u32 s24, s17;
	v16 =	vld [tilespmem:s25+$0xFFFFFFB0];
	v23 =	vmul.f32 v8, v11;
	v25 =	vmul.f32 v9, v11;
	v17 =	vadd.f32 v17, v19  }
0x265: {  	v6 =	vmul.f32 v6, v6;
	v15 =	vsub.f32 v20, v15;
	v18 =	vpsel !p1, $0x0, v18  }
0x266: {  	v26 =	vmul.f32 v24, v11;
	p1 =	slt.u32 s24, s15;
	v19 =	vmul.f32 v14, v11;
	v20 =	vld [tilespmem:s25+$0xFFFFFFC0];
	v17 =	vadd.f32 v18, v17  }
0x267: {  	v6 =	vpsel !p1, $0x0, v6;
	v15 =	vmul.f32 v15, v15;
	v18 =	vmul.f32 v21, v11  }
0x268: {  	p1 =	slt.u32 s24, s16;
	v19 =	vadd.f32 v19, v12;
	v27 =	vmul.f32 v22, v11;
	v6 =	vadd.f32 v6, v17  }
0x269: {  	v25 =	vadd.f32 v25, v12;
	v15 =	vpsel !p1, $0x0, v15;
	v17 =	vmul.f32 v16, v11  }
0x26a: {  	v19 =	vmul.f32 v19, v14;
	v27 =	vadd.f32 v27, v12;
	v6 =	vadd.f32 v15, v6  }
0x26b: {  	v23 =	vadd.f32 v23, v12;
	v26 =	vadd.f32 v26, v12;
	v15 =	vmul.f32 v20, v11  }
0x26c: {  	s23 =	sadd.s32 $0x400, s23;
	v17 =	vadd.f32 v17, v12;
	v19 =	vadd.f32 v19, v13;
	v27 =	vmul.f32 v27, v22  }
0x26d: {  	v23 =	vmul.f32 v23, v8;
	v25 =	vmul.f32 v25, v9;
	v28 =	vld [tilespmem:s23+$0xFFFFFF90];
	v15 =	vadd.f32 v15, v12  }
0x26e: {  	v17 =	vmul.f32 v17, v16;
	v14 =	vmul.f32 v19, v14;
	v19 =	vadd.f32 v27, v13  }
0x26f: {  	v18 =	vadd.f32 v18, v12;
	v26 =	vmul.f32 v26, v24;
	v27 =	vld [tilespmem:s23+$0xFFFFFFA0];
	v15 =	vmul.f32 v15, v20  }
0x270: {  	v17 =	vadd.f32 v17, v13;
	v29 =	vadd.f32 v14, v10;
	v19 =	vmul.f32 v19, v22  }
0x271: {  	v18 =	vmul.f32 v18, v21;
	v14 =	vadd.f32 v25, v13;
	v22 =	vld [tilespmem:s23+$0xFFFFFFB0];
	v15 =	vadd.f32 v15, v13  }
0x272: {  	s24 =	sadd.s32 $0x8, s24;
	v17 =	vmul.f32 v17, v16;
	v25 =	vsub.f32 v29, v28;
	v19 =	vadd.f32 v19, v10  }
0x273: {  	p1 =	slt.u32 s24, $0x180;
	v18 =	vadd.f32 v18, v13;
	v16 =	vadd.f32 v23, v13;
	v28 =	vld [tilespmem:s23+$0xFFFFFFC0];
	v15 =	vmul.f32 v15, v20  }
.Ltmp10:
0x274: {  	v23 =	vadd.f32 v17, v10;
	v20 =	vmul.f32 v25, v25;
	v19 =	vsub.f32 v19, v27;
	(pc) =	sbr.rel @p1 .LBB2_22-.Ltmp10, $4  }
0x275: {  	p2 =	slt.u32 s24, s18;
	v18 =	vmul.f32 v18, v21;
	v21 =	vadd.f32 v26, v13;
	v25 =	vadd.f32 v15, v10;
	v17 =	vld [tilespmem:s23+$0xFFFFFFD0]  }
0x276: {  	v20 =	vpsel !p2, $0x0, v20;
	v26 =	vmul.f32 v19, v19;
	v22 =	vsub.f32 v23, v22;
	v15 =	vld [tilespmem:s23+$0x0]  }
0x277: {  	v21 =	vmul.f32 v21, v24;
	p2 =	slt.u32 s24, s21;
	v19 =	vadd.f32 v18, v10;
	v20 =	vadd.f32 v20, v6;
	v18 =	vld [tilespmem:s23+$0xFFFFFFE0]  }
0x278: {  	s25 =	sadd.s32 $0x400, s25;
	v24 =	vpsel !p2, $0x0, v26;
	v22 =	vmul.f32 v22, v22;
	v23 =	vsub.f32 v25, v28;
	v6 =	vld [tilespmem:s23+$0xFFFFFFF0]  }
0x279: {  	v11 =	vadd.f32 v24, v20;
	p1 =	slt.u32 s24, s22;
	v12 =	vadd.f32 v21, v10;
	v8 =	vmul.f32 v16, v8  }
0x27a: {  	s23 =	simm.s32 $0x1F0;
	v13 =	vpsel !p1, $0x0, v22;
	v16 =	vmul.f32 v23, v23;
	v17 =	vsub.f32 v19, v17;
	v19 =	vld [tilespmem:$0x18980]  }
0x27b: {  	p5 =	slt.u32 s24, s20;
	v14 =	vmul.f32 v14, v9;
	v9 =	vld [tilespmem:s23+$0x0];
	v11 =	vadd.f32 v13, v11;
	v13 =	vadd.f32 v8, v10  }
0x27c: {  	v21 =	vld [tilespmem:s23+$0xFFFFFFE0];
	v16 =	vpsel !p5, $0x0, v16;
	v17 =	vmul.f32 v17, v17;
	v12 =	vsub.f32 v12, v18  }
0x27d: {  	p6 =	slt.u32 s24, s19;
	v20 =	vld [tilespmem:s23+$0xFFFFFFB0];
	v10 =	vadd.f32 v14, v10;
	v11 =	vadd.f32 v16, v11  }
0x27e: {  	v6 =	vsub.f32 v13, v6;
	v16 =	vld [tilespmem:s23+$0xFFFFFF90];
	v14 =	vpsel !p6, $0x0, v17;
	v12 =	vmul.f32 v12, v12  }
0x27f: {  	p2 =	slt.u32 s24, s17;
	v8 =	vld [tilespmem:s23+$0xFFFFFFF0];
	v10 =	vsub.f32 v10, v15;
	v11 =	vadd.f32 v14, v11  }
0x280: {  	v6 =	vmul.f32 v6, v6;
	v14 =	vld [tilespmem:s23+$0xFFFFFFA0];
	v12 =	vpsel !p2, $0x0, v12  }
0x281: {  	p3 =	slt.u32 s24, s15;
	v15 =	vld [tilespmem:s23+$0xFFFFFFD0];
	v18 =	vmul.f32 v10, v10;
	v17 =	vadd.f32 v12, v11;
	v11 =	vbroadcast v19, $0x3  }
0x282: {  	v13 =	vbroadcast v19, $0x1;
	v10 =	vbroadcast v19, $0x0;
	v6 =	vpsel !p3, $0x0, v6  }
0x283: {  	p4 =	slt.u32 s24, s16;
	v12 =	vbroadcast v19, $0x2;
	v19 =	vld [tilespmem:s23+$0xFFFFFFC0];
	v6 =	vadd.f32 v6, v17;
	v17 =	vmul.f32 v16, v11  }
0x284: {  	v18 =	vpsel !p4, $0x0, v18;
	v22 =	vmul.f32 v8, v11;
	v23 =	vmul.f32 v9, v11  }
0x285: {  	v24 =	vmul.f32 v21, v11;
	v25 =	vmul.f32 v14, v11;
	v17 =	vadd.f32 v17, v12  }
0x286: {  	v26 =	vmul.f32 v20, v11;
	v6 =	vadd.f32 v18, v6;
	v18 =	vmul.f32 v15, v11  }
0x287: {  	v23 =	vadd.f32 v23, v12;
	v25 =	vadd.f32 v25, v12;
	v17 =	vmul.f32 v17, v16  }
0x288: {  	v24 =	vadd.f32 v24, v12;
	v22 =	vadd.f32 v22, v12;
	v27 =	vmul.f32 v19, v11  }
0x289: {  	s23 =	simm.s32 $0xC5F0;
	v26 =	vadd.f32 v26, v12;
	v25 =	vmul.f32 v25, v14;
	v17 =	vadd.f32 v17, v13  }
0x28a: {  	v28 =	vld [tilespmem:s23+$0xFFFFFF90];
	v22 =	vmul.f32 v22, v8;
	v23 =	vmul.f32 v23, v9;
	v27 =	vadd.f32 v27, v12  }
0x28b: {  	v16 =	vmul.f32 v17, v16;
	v17 =	vadd.f32 v25, v13;
	v25 =	vmul.f32 v26, v20  }
0x28c: {  	v18 =	vadd.f32 v18, v12;
	v24 =	vmul.f32 v24, v21;
	v27 =	vmul.f32 v27, v19;
	v26 =	vld [tilespmem:s23+$0xFFFFFFA0]  }
0x28d: {  	v16 =	vadd.f32 v16, v10;
	v17 =	vmul.f32 v17, v14;
	v25 =	vadd.f32 v25, v13  }
0x28e: {  	v29 =	vld [tilespmem:s23+$0xFFFFFFB0];
	v18 =	vmul.f32 v18, v15;
	v27 =	vadd.f32 v27, v13;
	v14 =	vadd.f32 v23, v13  }
0x28f: {  	v23 =	vsub.f32 v16, v28;
	v17 =	vadd.f32 v17, v10;
	v20 =	vmul.f32 v25, v20  }
0x290: {  	v18 =	vadd.f32 v18, v13;
	v19 =	vmul.f32 v27, v19;
	v25 =	vld [tilespmem:s23+$0xFFFFFFC0];
	v16 =	vadd.f32 v22, v13  }
0x291: {  	v22 =	vmul.f32 v23, v23;
	v23 =	vsub.f32 v17, v26;
	v20 =	vadd.f32 v20, v10  }
0x292: {  	p5 =	sgt.u32 s18, $0x0;
	v24 =	vadd.f32 v24, v13;
	v18 =	vmul.f32 v18, v15;
	v26 =	vadd.f32 v19, v10;
	v17 =	vld [tilespmem:s23+$0xFFFFFFD0]  }
0x293: {  	v15 =	vld [tilespmem:s23+$0x0];
	v19 =	vpsel !p5, $0x0, v22;
	v22 =	vmul.f32 v23, v23;
	v23 =	vsub.f32 v20, v29  }
0x294: {  	p6 =	sgt.u32 s21, $0x0;
	v21 =	vmul.f32 v24, v21;
	v20 =	vadd.f32 v19, v5;
	v19 =	vadd.f32 v18, v10;
	v18 =	vld [tilespmem:s23+$0xFFFFFFE0]  }
0x295: {  	s24 =	simm.s32 $0x0;
	s25 =	simm.s32 $0x5F0;
	v5 =	vld [tilespmem:s23+$0xFFFFFFF0];
	v24 =	vpsel !p6, $0x0, v22;
	v22 =	vmul.f32 v23, v23;
	v23 =	vsub.f32 v26, v25  }
.LBB2_24:
0x296: {  	v25 =	vld [tilespmem:s25+$0x0];
	v20 =	vadd.f32 v24, v20;
	p1 =	slt.u32 s24, s22;
	v21 =	vadd.f32 v21, v10;
	v16 =	vmul.f32 v16, v8  }
0x297: {  	v8 =	vld [tilespmem:s25+$0xFFFFFFF0];
	v22 =	vpsel !p1, $0x0, v22;
	v23 =	vmul.f32 v23, v23;
	v17 =	vsub.f32 v19, v17  }
0x298: {  	v26 =	vmul.f32 v14, v9;
	p1 =	slt.u32 s24, s20;
	v24 =	vld [tilespmem:s25+$0xFFFFFFE0];
	v19 =	vadd.f32 v22, v20;
	v16 =	vadd.f32 v16, v10  }
0x299: {  	v14 =	vld [tilespmem:s25+$0xFFFFFF90];
	v20 =	vpsel !p1, $0x0, v23;
	v17 =	vmul.f32 v17, v17;
	v18 =	vsub.f32 v21, v18  }
0x29a: {  	p1 =	slt.u32 s24, s19;
	v21 =	vld [tilespmem:s25+$0xFFFFFFD0];
	v19 =	vadd.f32 v20, v19;
	v20 =	vadd.f32 v26, v10  }
0x29b: {  	v5 =	vsub.f32 v16, v5;
	v22 =	vld [tilespmem:s25+$0xFFFFFFA0];
	v17 =	vpsel !p1, $0x0, v17;
	v18 =	vmul.f32 v18, v18;
	v9 =	vmovc v25  }
0x29c: {  	p1 =	slt.u32 s24, s17;
	v16 =	vld [tilespmem:s25+$0xFFFFFFB0];
	v23 =	vmul.f32 v8, v11;
	v25 =	vmul.f32 v9, v11;
	v17 =	vadd.f32 v17, v19  }
0x29d: {  	v5 =	vmul.f32 v5, v5;
	v15 =	vsub.f32 v20, v15;
	v18 =	vpsel !p1, $0x0, v18  }
0x29e: {  	v26 =	vmul.f32 v24, v11;
	p1 =	slt.u32 s24, s15;
	v19 =	vmul.f32 v14, v11;
	v20 =	vld [tilespmem:s25+$0xFFFFFFC0];
	v17 =	vadd.f32 v18, v17  }
0x29f: {  	v5 =	vpsel !p1, $0x0, v5;
	v15 =	vmul.f32 v15, v15;
	v18 =	vmul.f32 v21, v11  }
0x2a0: {  	p1 =	slt.u32 s24, s16;
	v19 =	vadd.f32 v19, v12;
	v27 =	vmul.f32 v22, v11;
	v5 =	vadd.f32 v5, v17  }
0x2a1: {  	v25 =	vadd.f32 v25, v12;
	v15 =	vpsel !p1, $0x0, v15;
	v17 =	vmul.f32 v16, v11  }
0x2a2: {  	v19 =	vmul.f32 v19, v14;
	v27 =	vadd.f32 v27, v12;
	v5 =	vadd.f32 v15, v5  }
0x2a3: {  	v23 =	vadd.f32 v23, v12;
	v26 =	vadd.f32 v26, v12;
	v15 =	vmul.f32 v20, v11  }
0x2a4: {  	s23 =	sadd.s32 $0x400, s23;
	v17 =	vadd.f32 v17, v12;
	v19 =	vadd.f32 v19, v13;
	v27 =	vmul.f32 v27, v22  }
0x2a5: {  	v23 =	vmul.f32 v23, v8;
	v25 =	vmul.f32 v25, v9;
	v28 =	vld [tilespmem:s23+$0xFFFFFF90];
	v15 =	vadd.f32 v15, v12  }
0x2a6: {  	v17 =	vmul.f32 v17, v16;
	v14 =	vmul.f32 v19, v14;
	v19 =	vadd.f32 v27, v13  }
0x2a7: {  	v18 =	vadd.f32 v18, v12;
	v26 =	vmul.f32 v26, v24;
	v27 =	vld [tilespmem:s23+$0xFFFFFFA0];
	v15 =	vmul.f32 v15, v20  }
0x2a8: {  	v17 =	vadd.f32 v17, v13;
	v29 =	vadd.f32 v14, v10;
	v19 =	vmul.f32 v19, v22  }
0x2a9: {  	v18 =	vmul.f32 v18, v21;
	v14 =	vadd.f32 v25, v13;
	v22 =	vld [tilespmem:s23+$0xFFFFFFB0];
	v15 =	vadd.f32 v15, v13  }
0x2aa: {  	s24 =	sadd.s32 $0x8, s24;
	v17 =	vmul.f32 v17, v16;
	v25 =	vsub.f32 v29, v28;
	v19 =	vadd.f32 v19, v10  }
0x2ab: {  	p1 =	slt.u32 s24, $0x180;
	v18 =	vadd.f32 v18, v13;
	v16 =	vadd.f32 v23, v13;
	v28 =	vld [tilespmem:s23+$0xFFFFFFC0];
	v15 =	vmul.f32 v15, v20  }
.Ltmp11:
0x2ac: {  	v23 =	vadd.f32 v17, v10;
	v20 =	vmul.f32 v25, v25;
	v19 =	vsub.f32 v19, v27;
	(pc) =	sbr.rel @p1 .LBB2_24-.Ltmp11, $4  }
0x2ad: {  	p2 =	slt.u32 s24, s18;
	v18 =	vmul.f32 v18, v21;
	v21 =	vadd.f32 v26, v13;
	v25 =	vadd.f32 v15, v10;
	v17 =	vld [tilespmem:s23+$0xFFFFFFD0]  }
0x2ae: {  	v20 =	vpsel !p2, $0x0, v20;
	v26 =	vmul.f32 v19, v19;
	v22 =	vsub.f32 v23, v22;
	v15 =	vld [tilespmem:s23+$0x0]  }
0x2af: {  	v21 =	vmul.f32 v21, v24;
	p2 =	slt.u32 s24, s21;
	v19 =	vadd.f32 v18, v10;
	v20 =	vadd.f32 v20, v5;
	v18 =	vld [tilespmem:s23+$0xFFFFFFE0]  }
0x2b0: {  	s25 =	sadd.s32 $0x400, s25;
	v24 =	vpsel !p2, $0x0, v26;
	v22 =	vmul.f32 v22, v22;
	v23 =	vsub.f32 v25, v28;
	v5 =	vld [tilespmem:s23+$0xFFFFFFF0]  }
0x2b1: {  	v11 =	vadd.f32 v24, v20;
	p1 =	slt.u32 s24, s22;
	v12 =	vadd.f32 v21, v10;
	v8 =	vmul.f32 v16, v8  }
0x2b2: {  	s23 =	simm.s32 $0x270;
	v13 =	vpsel !p1, $0x0, v22;
	v16 =	vmul.f32 v23, v23;
	v17 =	vsub.f32 v19, v17;
	v19 =	vld [tilespmem:$0x18A00]  }
0x2b3: {  	p5 =	slt.u32 s24, s20;
	v14 =	vmul.f32 v14, v9;
	v9 =	vld [tilespmem:s23+$0x0];
	v11 =	vadd.f32 v13, v11;
	v13 =	vadd.f32 v8, v10  }
0x2b4: {  	v21 =	vld [tilespmem:s23+$0xFFFFFFE0];
	v16 =	vpsel !p5, $0x0, v16;
	v17 =	vmul.f32 v17, v17;
	v12 =	vsub.f32 v12, v18  }
0x2b5: {  	p6 =	slt.u32 s24, s19;
	v20 =	vld [tilespmem:s23+$0xFFFFFFB0];
	v10 =	vadd.f32 v14, v10;
	v11 =	vadd.f32 v16, v11  }
0x2b6: {  	v5 =	vsub.f32 v13, v5;
	v16 =	vld [tilespmem:s23+$0xFFFFFF90];
	v14 =	vpsel !p6, $0x0, v17;
	v12 =	vmul.f32 v12, v12  }
0x2b7: {  	p2 =	slt.u32 s24, s17;
	v8 =	vld [tilespmem:s23+$0xFFFFFFF0];
	v10 =	vsub.f32 v10, v15;
	v11 =	vadd.f32 v14, v11  }
0x2b8: {  	v5 =	vmul.f32 v5, v5;
	v14 =	vld [tilespmem:s23+$0xFFFFFFA0];
	v12 =	vpsel !p2, $0x0, v12  }
0x2b9: {  	p3 =	slt.u32 s24, s15;
	v15 =	vld [tilespmem:s23+$0xFFFFFFD0];
	v18 =	vmul.f32 v10, v10;
	v17 =	vadd.f32 v12, v11;
	v11 =	vbroadcast v19, $0x3  }
0x2ba: {  	v13 =	vbroadcast v19, $0x1;
	v10 =	vbroadcast v19, $0x0;
	v5 =	vpsel !p3, $0x0, v5  }
0x2bb: {  	p4 =	slt.u32 s24, s16;
	v12 =	vbroadcast v19, $0x2;
	v19 =	vld [tilespmem:s23+$0xFFFFFFC0];
	v5 =	vadd.f32 v5, v17;
	v17 =	vmul.f32 v16, v11  }
0x2bc: {  	v18 =	vpsel !p4, $0x0, v18;
	v22 =	vmul.f32 v8, v11;
	v23 =	vmul.f32 v9, v11  }
0x2bd: {  	v24 =	vmul.f32 v21, v11;
	v25 =	vmul.f32 v14, v11;
	v17 =	vadd.f32 v17, v12  }
0x2be: {  	v26 =	vmul.f32 v20, v11;
	v5 =	vadd.f32 v18, v5;
	v18 =	vmul.f32 v15, v11  }
0x2bf: {  	v23 =	vadd.f32 v23, v12;
	v25 =	vadd.f32 v25, v12;
	v17 =	vmul.f32 v17, v16  }
0x2c0: {  	v24 =	vadd.f32 v24, v12;
	v22 =	vadd.f32 v22, v12;
	v27 =	vmul.f32 v19, v11  }
0x2c1: {  	s23 =	simm.s32 $0xC670;
	v26 =	vadd.f32 v26, v12;
	v25 =	vmul.f32 v25, v14;
	v17 =	vadd.f32 v17, v13  }
0x2c2: {  	v28 =	vld [tilespmem:s23+$0xFFFFFF90];
	v22 =	vmul.f32 v22, v8;
	v23 =	vmul.f32 v23, v9;
	v27 =	vadd.f32 v27, v12  }
0x2c3: {  	v16 =	vmul.f32 v17, v16;
	v17 =	vadd.f32 v25, v13;
	v25 =	vmul.f32 v26, v20  }
0x2c4: {  	v18 =	vadd.f32 v18, v12;
	v24 =	vmul.f32 v24, v21;
	v27 =	vmul.f32 v27, v19;
	v26 =	vld [tilespmem:s23+$0xFFFFFFA0]  }
0x2c5: {  	v16 =	vadd.f32 v16, v10;
	v17 =	vmul.f32 v17, v14;
	v25 =	vadd.f32 v25, v13  }
0x2c6: {  	v29 =	vld [tilespmem:s23+$0xFFFFFFB0];
	v18 =	vmul.f32 v18, v15;
	v27 =	vadd.f32 v27, v13;
	v14 =	vadd.f32 v23, v13  }
0x2c7: {  	v23 =	vsub.f32 v16, v28;
	v17 =	vadd.f32 v17, v10;
	v20 =	vmul.f32 v25, v20  }
0x2c8: {  	v18 =	vadd.f32 v18, v13;
	v19 =	vmul.f32 v27, v19;
	v25 =	vld [tilespmem:s23+$0xFFFFFFC0];
	v16 =	vadd.f32 v22, v13  }
0x2c9: {  	v22 =	vmul.f32 v23, v23;
	v23 =	vsub.f32 v17, v26;
	v20 =	vadd.f32 v20, v10  }
0x2ca: {  	p5 =	sgt.u32 s18, $0x0;
	v24 =	vadd.f32 v24, v13;
	v18 =	vmul.f32 v18, v15;
	v26 =	vadd.f32 v19, v10;
	v17 =	vld [tilespmem:s23+$0xFFFFFFD0]  }
0x2cb: {  	v15 =	vld [tilespmem:s23+$0x0];
	v19 =	vpsel !p5, $0x0, v22;
	v22 =	vmul.f32 v23, v23;
	v23 =	vsub.f32 v20, v29  }
0x2cc: {  	p6 =	sgt.u32 s21, $0x0;
	v21 =	vmul.f32 v24, v21;
	v20 =	vadd.f32 v19, v3;
	v19 =	vadd.f32 v18, v10;
	v18 =	vld [tilespmem:s23+$0xFFFFFFE0]  }
0x2cd: {  	s24 =	simm.s32 $0x0;
	s25 =	simm.s32 $0x670;
	v3 =	vld [tilespmem:s23+$0xFFFFFFF0];
	v24 =	vpsel !p6, $0x0, v22;
	v22 =	vmul.f32 v23, v23;
	v23 =	vsub.f32 v26, v25  }
.LBB2_26:
0x2ce: {  	v25 =	vld [tilespmem:s25+$0x0];
	v20 =	vadd.f32 v24, v20;
	p1 =	slt.u32 s24, s22;
	v21 =	vadd.f32 v21, v10;
	v16 =	vmul.f32 v16, v8  }
0x2cf: {  	v8 =	vld [tilespmem:s25+$0xFFFFFFF0];
	v22 =	vpsel !p1, $0x0, v22;
	v23 =	vmul.f32 v23, v23;
	v17 =	vsub.f32 v19, v17  }
0x2d0: {  	v26 =	vmul.f32 v14, v9;
	p1 =	slt.u32 s24, s20;
	v24 =	vld [tilespmem:s25+$0xFFFFFFE0];
	v19 =	vadd.f32 v22, v20;
	v16 =	vadd.f32 v16, v10  }
0x2d1: {  	v14 =	vld [tilespmem:s25+$0xFFFFFF90];
	v20 =	vpsel !p1, $0x0, v23;
	v17 =	vmul.f32 v17, v17;
	v18 =	vsub.f32 v21, v18  }
0x2d2: {  	p1 =	slt.u32 s24, s19;
	v21 =	vld [tilespmem:s25+$0xFFFFFFD0];
	v19 =	vadd.f32 v20, v19;
	v20 =	vadd.f32 v26, v10  }
0x2d3: {  	v3 =	vsub.f32 v16, v3;
	v22 =	vld [tilespmem:s25+$0xFFFFFFA0];
	v17 =	vpsel !p1, $0x0, v17;
	v18 =	vmul.f32 v18, v18;
	v9 =	vmovc v25  }
0x2d4: {  	p1 =	slt.u32 s24, s17;
	v16 =	vld [tilespmem:s25+$0xFFFFFFB0];
	v23 =	vmul.f32 v8, v11;
	v25 =	vmul.f32 v9, v11;
	v17 =	vadd.f32 v17, v19  }
0x2d5: {  	v3 =	vmul.f32 v3, v3;
	v15 =	vsub.f32 v20, v15;
	v18 =	vpsel !p1, $0x0, v18  }
0x2d6: {  	v26 =	vmul.f32 v24, v11;
	p1 =	slt.u32 s24, s15;
	v19 =	vmul.f32 v14, v11;
	v20 =	vld [tilespmem:s25+$0xFFFFFFC0];
	v17 =	vadd.f32 v18, v17  }
0x2d7: {  	v3 =	vpsel !p1, $0x0, v3;
	v15 =	vmul.f32 v15, v15;
	v18 =	vmul.f32 v21, v11  }
0x2d8: {  	p1 =	slt.u32 s24, s16;
	v19 =	vadd.f32 v19, v12;
	v27 =	vmul.f32 v22, v11;
	v3 =	vadd.f32 v3, v17  }
0x2d9: {  	v25 =	vadd.f32 v25, v12;
	v15 =	vpsel !p1, $0x0, v15;
	v17 =	vmul.f32 v16, v11  }
0x2da: {  	v19 =	vmul.f32 v19, v14;
	v27 =	vadd.f32 v27, v12;
	v3 =	vadd.f32 v15, v3  }
0x2db: {  	v23 =	vadd.f32 v23, v12;
	v26 =	vadd.f32 v26, v12;
	v15 =	vmul.f32 v20, v11  }
0x2dc: {  	s23 =	sadd.s32 $0x400, s23;
	v17 =	vadd.f32 v17, v12;
	v19 =	vadd.f32 v19, v13;
	v27 =	vmul.f32 v27, v22  }
0x2dd: {  	v23 =	vmul.f32 v23, v8;
	v25 =	vmul.f32 v25, v9;
	v28 =	vld [tilespmem:s23+$0xFFFFFF90];
	v15 =	vadd.f32 v15, v12  }
0x2de: {  	v17 =	vmul.f32 v17, v16;
	v14 =	vmul.f32 v19, v14;
	v19 =	vadd.f32 v27, v13  }
0x2df: {  	v18 =	vadd.f32 v18, v12;
	v26 =	vmul.f32 v26, v24;
	v27 =	vld [tilespmem:s23+$0xFFFFFFA0];
	v15 =	vmul.f32 v15, v20  }
0x2e0: {  	v17 =	vadd.f32 v17, v13;
	v29 =	vadd.f32 v14, v10;
	v19 =	vmul.f32 v19, v22  }
0x2e1: {  	v18 =	vmul.f32 v18, v21;
	v14 =	vadd.f32 v25, v13;
	v22 =	vld [tilespmem:s23+$0xFFFFFFB0];
	v15 =	vadd.f32 v15, v13  }
0x2e2: {  	s24 =	sadd.s32 $0x8, s24;
	v17 =	vmul.f32 v17, v16;
	v25 =	vsub.f32 v29, v28;
	v19 =	vadd.f32 v19, v10  }
0x2e3: {  	p1 =	slt.u32 s24, $0x180;
	v18 =	vadd.f32 v18, v13;
	v16 =	vadd.f32 v23, v13;
	v28 =	vld [tilespmem:s23+$0xFFFFFFC0];
	v15 =	vmul.f32 v15, v20  }
.Ltmp12:
0x2e4: {  	v23 =	vadd.f32 v17, v10;
	v20 =	vmul.f32 v25, v25;
	v19 =	vsub.f32 v19, v27;
	(pc) =	sbr.rel @p1 .LBB2_26-.Ltmp12, $4  }
0x2e5: {  	p2 =	slt.u32 s24, s18;
	v18 =	vmul.f32 v18, v21;
	v21 =	vadd.f32 v26, v13;
	v25 =	vadd.f32 v15, v10;
	v17 =	vld [tilespmem:s23+$0xFFFFFFD0]  }
0x2e6: {  	v20 =	vpsel !p2, $0x0, v20;
	v26 =	vmul.f32 v19, v19;
	v22 =	vsub.f32 v23, v22;
	v15 =	vld [tilespmem:s23+$0x0]  }
0x2e7: {  	v21 =	vmul.f32 v21, v24;
	p2 =	slt.u32 s24, s21;
	v19 =	vadd.f32 v18, v10;
	v20 =	vadd.f32 v20, v3;
	v18 =	vld [tilespmem:s23+$0xFFFFFFE0]  }
0x2e8: {  	s25 =	sadd.s32 $0x400, s25;
	v24 =	vpsel !p2, $0x0, v26;
	v22 =	vmul.f32 v22, v22;
	v23 =	vsub.f32 v25, v28;
	v3 =	vld [tilespmem:s23+$0xFFFFFFF0]  }
0x2e9: {  	v11 =	vadd.f32 v24, v20;
	p1 =	slt.u32 s24, s22;
	v12 =	vadd.f32 v21, v10;
	v8 =	vmul.f32 v16, v8  }
0x2ea: {  	s23 =	simm.s32 $0x2F0;
	v13 =	vpsel !p1, $0x0, v22;
	v16 =	vmul.f32 v23, v23;
	v17 =	vsub.f32 v19, v17;
	v19 =	vld [tilespmem:$0x18A80]  }
0x2eb: {  	p5 =	slt.u32 s24, s20;
	v14 =	vmul.f32 v14, v9;
	v9 =	vld [tilespmem:s23+$0x0];
	v11 =	vadd.f32 v13, v11;
	v13 =	vadd.f32 v8, v10  }
0x2ec: {  	v21 =	vld [tilespmem:s23+$0xFFFFFFE0];
	v16 =	vpsel !p5, $0x0, v16;
	v17 =	vmul.f32 v17, v17;
	v12 =	vsub.f32 v12, v18  }
0x2ed: {  	p6 =	slt.u32 s24, s19;
	v20 =	vld [tilespmem:s23+$0xFFFFFFB0];
	v10 =	vadd.f32 v14, v10;
	v11 =	vadd.f32 v16, v11  }
0x2ee: {  	v3 =	vsub.f32 v13, v3;
	v16 =	vld [tilespmem:s23+$0xFFFFFF90];
	v14 =	vpsel !p6, $0x0, v17;
	v12 =	vmul.f32 v12, v12  }
0x2ef: {  	p2 =	slt.u32 s24, s17;
	v8 =	vld [tilespmem:s23+$0xFFFFFFF0];
	v10 =	vsub.f32 v10, v15;
	v11 =	vadd.f32 v14, v11  }
0x2f0: {  	v3 =	vmul.f32 v3, v3;
	v14 =	vld [tilespmem:s23+$0xFFFFFFA0];
	v12 =	vpsel !p2, $0x0, v12  }
0x2f1: {  	p3 =	slt.u32 s24, s15;
	v15 =	vld [tilespmem:s23+$0xFFFFFFD0];
	v18 =	vmul.f32 v10, v10;
	v17 =	vadd.f32 v12, v11;
	v11 =	vbroadcast v19, $0x3  }
0x2f2: {  	v13 =	vbroadcast v19, $0x1;
	v10 =	vbroadcast v19, $0x0;
	v3 =	vpsel !p3, $0x0, v3  }
0x2f3: {  	p4 =	slt.u32 s24, s16;
	v12 =	vbroadcast v19, $0x2;
	v19 =	vld [tilespmem:s23+$0xFFFFFFC0];
	v3 =	vadd.f32 v3, v17;
	v17 =	vmul.f32 v16, v11  }
0x2f4: {  	v18 =	vpsel !p4, $0x0, v18;
	v22 =	vmul.f32 v8, v11;
	v23 =	vmul.f32 v9, v11  }
0x2f5: {  	v24 =	vmul.f32 v21, v11;
	v25 =	vmul.f32 v14, v11;
	v17 =	vadd.f32 v17, v12  }
0x2f6: {  	v26 =	vmul.f32 v20, v11;
	v3 =	vadd.f32 v18, v3;
	v18 =	vmul.f32 v15, v11  }
0x2f7: {  	v23 =	vadd.f32 v23, v12;
	v25 =	vadd.f32 v25, v12;
	v17 =	vmul.f32 v17, v16  }
0x2f8: {  	v24 =	vadd.f32 v24, v12;
	v22 =	vadd.f32 v22, v12;
	v27 =	vmul.f32 v19, v11  }
0x2f9: {  	s23 =	simm.s32 $0xC6F0;
	v26 =	vadd.f32 v26, v12;
	v25 =	vmul.f32 v25, v14;
	v17 =	vadd.f32 v17, v13  }
0x2fa: {  	v28 =	vld [tilespmem:s23+$0xFFFFFF90];
	v22 =	vmul.f32 v22, v8;
	v23 =	vmul.f32 v23, v9;
	v27 =	vadd.f32 v27, v12  }
0x2fb: {  	v16 =	vmul.f32 v17, v16;
	v17 =	vadd.f32 v25, v13;
	v25 =	vmul.f32 v26, v20  }
0x2fc: {  	v18 =	vadd.f32 v18, v12;
	v24 =	vmul.f32 v24, v21;
	v27 =	vmul.f32 v27, v19;
	v26 =	vld [tilespmem:s23+$0xFFFFFFA0]  }
0x2fd: {  	v16 =	vadd.f32 v16, v10;
	v17 =	vmul.f32 v17, v14;
	v25 =	vadd.f32 v25, v13  }
0x2fe: {  	v29 =	vld [tilespmem:s23+$0xFFFFFFB0];
	v18 =	vmul.f32 v18, v15;
	v27 =	vadd.f32 v27, v13;
	v14 =	vadd.f32 v23, v13  }
0x2ff: {  	v23 =	vsub.f32 v16, v28;
	v17 =	vadd.f32 v17, v10;
	v20 =	vmul.f32 v25, v20  }
0x300: {  	v18 =	vadd.f32 v18, v13;
	v19 =	vmul.f32 v27, v19;
	v25 =	vld [tilespmem:s23+$0xFFFFFFC0];
	v16 =	vadd.f32 v22, v13  }
0x301: {  	v22 =	vmul.f32 v23, v23;
	v23 =	vsub.f32 v17, v26;
	v20 =	vadd.f32 v20, v10  }
0x302: {  	p5 =	sgt.u32 s18, $0x0;
	v24 =	vadd.f32 v24, v13;
	v18 =	vmul.f32 v18, v15;
	v26 =	vadd.f32 v19, v10;
	v17 =	vld [tilespmem:s23+$0xFFFFFFD0]  }
0x303: {  	v15 =	vld [tilespmem:s23+$0x0];
	v19 =	vpsel !p5, $0x0, v22;
	v22 =	vmul.f32 v23, v23;
	v23 =	vsub.f32 v20, v29  }
0x304: {  	p6 =	sgt.u32 s21, $0x0;
	v21 =	vmul.f32 v24, v21;
	v20 =	vadd.f32 v19, v2;
	v19 =	vadd.f32 v18, v10;
	v18 =	vld [tilespmem:s23+$0xFFFFFFE0]  }
0x305: {  	s24 =	simm.s32 $0x0;
	s25 =	simm.s32 $0x6F0;
	v2 =	vld [tilespmem:s23+$0xFFFFFFF0];
	v24 =	vpsel !p6, $0x0, v22;
	v22 =	vmul.f32 v23, v23;
	v23 =	vsub.f32 v26, v25  }
.LBB2_28:
0x306: {  	v25 =	vld [tilespmem:s25+$0x0];
	v20 =	vadd.f32 v24, v20;
	p1 =	slt.u32 s24, s22;
	v21 =	vadd.f32 v21, v10;
	v16 =	vmul.f32 v16, v8  }
0x307: {  	v8 =	vld [tilespmem:s25+$0xFFFFFFF0];
	v22 =	vpsel !p1, $0x0, v22;
	v23 =	vmul.f32 v23, v23;
	v17 =	vsub.f32 v19, v17  }
0x308: {  	v26 =	vmul.f32 v14, v9;
	p1 =	slt.u32 s24, s20;
	v24 =	vld [tilespmem:s25+$0xFFFFFFE0];
	v19 =	vadd.f32 v22, v20;
	v16 =	vadd.f32 v16, v10  }
0x309: {  	v14 =	vld [tilespmem:s25+$0xFFFFFF90];
	v20 =	vpsel !p1, $0x0, v23;
	v17 =	vmul.f32 v17, v17;
	v18 =	vsub.f32 v21, v18  }
0x30a: {  	p1 =	slt.u32 s24, s19;
	v21 =	vld [tilespmem:s25+$0xFFFFFFD0];
	v19 =	vadd.f32 v20, v19;
	v20 =	vadd.f32 v26, v10  }
0x30b: {  	v2 =	vsub.f32 v16, v2;
	v22 =	vld [tilespmem:s25+$0xFFFFFFA0];
	v17 =	vpsel !p1, $0x0, v17;
	v18 =	vmul.f32 v18, v18;
	v9 =	vmovc v25  }
0x30c: {  	p1 =	slt.u32 s24, s17;
	v16 =	vld [tilespmem:s25+$0xFFFFFFB0];
	v23 =	vmul.f32 v8, v11;
	v25 =	vmul.f32 v9, v11;
	v17 =	vadd.f32 v17, v19  }
0x30d: {  	v2 =	vmul.f32 v2, v2;
	v15 =	vsub.f32 v20, v15;
	v18 =	vpsel !p1, $0x0, v18  }
0x30e: {  	v26 =	vmul.f32 v24, v11;
	p1 =	slt.u32 s24, s15;
	v19 =	vmul.f32 v14, v11;
	v20 =	vld [tilespmem:s25+$0xFFFFFFC0];
	v17 =	vadd.f32 v18, v17  }
0x30f: {  	v2 =	vpsel !p1, $0x0, v2;
	v15 =	vmul.f32 v15, v15;
	v18 =	vmul.f32 v21, v11  }
0x310: {  	p1 =	slt.u32 s24, s16;
	v19 =	vadd.f32 v19, v12;
	v27 =	vmul.f32 v22, v11;
	v2 =	vadd.f32 v2, v17  }
0x311: {  	v25 =	vadd.f32 v25, v12;
	v15 =	vpsel !p1, $0x0, v15;
	v17 =	vmul.f32 v16, v11  }
0x312: {  	v19 =	vmul.f32 v19, v14;
	v27 =	vadd.f32 v27, v12;
	v2 =	vadd.f32 v15, v2  }
0x313: {  	v23 =	vadd.f32 v23, v12;
	v26 =	vadd.f32 v26, v12;
	v15 =	vmul.f32 v20, v11  }
0x314: {  	s23 =	sadd.s32 $0x400, s23;
	v17 =	vadd.f32 v17, v12;
	v19 =	vadd.f32 v19, v13;
	v27 =	vmul.f32 v27, v22  }
0x315: {  	v23 =	vmul.f32 v23, v8;
	v25 =	vmul.f32 v25, v9;
	v28 =	vld [tilespmem:s23+$0xFFFFFF90];
	v15 =	vadd.f32 v15, v12  }
0x316: {  	v17 =	vmul.f32 v17, v16;
	v14 =	vmul.f32 v19, v14;
	v19 =	vadd.f32 v27, v13  }
0x317: {  	v18 =	vadd.f32 v18, v12;
	v26 =	vmul.f32 v26, v24;
	v27 =	vld [tilespmem:s23+$0xFFFFFFA0];
	v15 =	vmul.f32 v15, v20  }
0x318: {  	v17 =	vadd.f32 v17, v13;
	v29 =	vadd.f32 v14, v10;
	v19 =	vmul.f32 v19, v22  }
0x319: {  	v18 =	vmul.f32 v18, v21;
	v14 =	vadd.f32 v25, v13;
	v22 =	vld [tilespmem:s23+$0xFFFFFFB0];
	v15 =	vadd.f32 v15, v13  }
0x31a: {  	s24 =	sadd.s32 $0x8, s24;
	v17 =	vmul.f32 v17, v16;
	v25 =	vsub.f32 v29, v28;
	v19 =	vadd.f32 v19, v10  }
0x31b: {  	p1 =	slt.u32 s24, $0x180;
	v18 =	vadd.f32 v18, v13;
	v16 =	vadd.f32 v23, v13;
	v28 =	vld [tilespmem:s23+$0xFFFFFFC0];
	v15 =	vmul.f32 v15, v20  }
.Ltmp13:
0x31c: {  	v23 =	vadd.f32 v17, v10;
	v20 =	vmul.f32 v25, v25;
	v19 =	vsub.f32 v19, v27;
	(pc) =	sbr.rel @p1 .LBB2_28-.Ltmp13, $4  }
0x31d: {  	p2 =	slt.u32 s24, s18;
	v18 =	vmul.f32 v18, v21;
	v21 =	vadd.f32 v26, v13;
	v25 =	vadd.f32 v15, v10;
	v17 =	vld [tilespmem:s23+$0xFFFFFFD0]  }
0x31e: {  	v20 =	vpsel !p2, $0x0, v20;
	v26 =	vmul.f32 v19, v19;
	v22 =	vsub.f32 v23, v22;
	v15 =	vld [tilespmem:s23+$0x0]  }
0x31f: {  	v21 =	vmul.f32 v21, v24;
	p2 =	slt.u32 s24, s21;
	v19 =	vadd.f32 v18, v10;
	v20 =	vadd.f32 v20, v2;
	v18 =	vld [tilespmem:s23+$0xFFFFFFE0]  }
0x320: {  	s25 =	sadd.s32 $0x400, s25;
	v24 =	vpsel !p2, $0x0, v26;
	v22 =	vmul.f32 v22, v22;
	v23 =	vsub.f32 v25, v28;
	v2 =	vld [tilespmem:s23+$0xFFFFFFF0]  }
0x321: {  	v11 =	vadd.f32 v24, v20;
	p1 =	slt.u32 s24, s22;
	v12 =	vadd.f32 v21, v10;
	v8 =	vmul.f32 v16, v8  }
0x322: {  	s23 =	simm.s32 $0x370;
	v13 =	vpsel !p1, $0x0, v22;
	v16 =	vmul.f32 v23, v23;
	v17 =	vsub.f32 v19, v17;
	v19 =	vld [tilespmem:$0x18B00]  }
0x323: {  	p5 =	slt.u32 s24, s20;
	v14 =	vmul.f32 v14, v9;
	v9 =	vld [tilespmem:s23+$0x0];
	v11 =	vadd.f32 v13, v11;
	v13 =	vadd.f32 v8, v10  }
0x324: {  	v21 =	vld [tilespmem:s23+$0xFFFFFFE0];
	v16 =	vpsel !p5, $0x0, v16;
	v17 =	vmul.f32 v17, v17;
	v12 =	vsub.f32 v12, v18  }
0x325: {  	p6 =	slt.u32 s24, s19;
	v20 =	vld [tilespmem:s23+$0xFFFFFFB0];
	v10 =	vadd.f32 v14, v10;
	v11 =	vadd.f32 v16, v11  }
0x326: {  	v2 =	vsub.f32 v13, v2;
	v16 =	vld [tilespmem:s23+$0xFFFFFF90];
	v14 =	vpsel !p6, $0x0, v17;
	v12 =	vmul.f32 v12, v12  }
0x327: {  	p2 =	slt.u32 s24, s17;
	v8 =	vld [tilespmem:s23+$0xFFFFFFF0];
	v10 =	vsub.f32 v10, v15;
	v11 =	vadd.f32 v14, v11  }
0x328: {  	v2 =	vmul.f32 v2, v2;
	v14 =	vld [tilespmem:s23+$0xFFFFFFA0];
	v12 =	vpsel !p2, $0x0, v12  }
0x329: {  	p3 =	slt.u32 s24, s15;
	v15 =	vld [tilespmem:s23+$0xFFFFFFD0];
	v18 =	vmul.f32 v10, v10;
	v17 =	vadd.f32 v12, v11;
	v11 =	vbroadcast v19, $0x3  }
0x32a: {  	v13 =	vbroadcast v19, $0x1;
	v10 =	vbroadcast v19, $0x0;
	v2 =	vpsel !p3, $0x0, v2  }
0x32b: {  	p4 =	slt.u32 s24, s16;
	v12 =	vbroadcast v19, $0x2;
	v19 =	vld [tilespmem:s23+$0xFFFFFFC0];
	v2 =	vadd.f32 v2, v17;
	v17 =	vmul.f32 v16, v11  }
0x32c: {  	v18 =	vpsel !p4, $0x0, v18;
	v22 =	vmul.f32 v8, v11;
	v23 =	vmul.f32 v9, v11  }
0x32d: {  	v24 =	vmul.f32 v21, v11;
	v25 =	vmul.f32 v14, v11;
	v17 =	vadd.f32 v17, v12  }
0x32e: {  	v26 =	vmul.f32 v20, v11;
	v2 =	vadd.f32 v18, v2;
	v18 =	vmul.f32 v15, v11  }
0x32f: {  	v23 =	vadd.f32 v23, v12;
	v25 =	vadd.f32 v25, v12;
	v17 =	vmul.f32 v17, v16  }
0x330: {  	v24 =	vadd.f32 v24, v12;
	v22 =	vadd.f32 v22, v12;
	v27 =	vmul.f32 v19, v11  }
0x331: {  	s23 =	simm.s32 $0xC770;
	v26 =	vadd.f32 v26, v12;
	v25 =	vmul.f32 v25, v14;
	v17 =	vadd.f32 v17, v13  }
0x332: {  	v28 =	vld [tilespmem:s23+$0xFFFFFF90];
	v22 =	vmul.f32 v22, v8;
	v23 =	vmul.f32 v23, v9;
	v27 =	vadd.f32 v27, v12  }
0x333: {  	v16 =	vmul.f32 v17, v16;
	v17 =	vadd.f32 v25, v13;
	v25 =	vmul.f32 v26, v20  }
0x334: {  	v18 =	vadd.f32 v18, v12;
	v24 =	vmul.f32 v24, v21;
	v27 =	vmul.f32 v27, v19;
	v26 =	vld [tilespmem:s23+$0xFFFFFFA0]  }
0x335: {  	v16 =	vadd.f32 v16, v10;
	v17 =	vmul.f32 v17, v14;
	v25 =	vadd.f32 v25, v13  }
0x336: {  	v29 =	vld [tilespmem:s23+$0xFFFFFFB0];
	v18 =	vmul.f32 v18, v15;
	v27 =	vadd.f32 v27, v13;
	v14 =	vadd.f32 v23, v13  }
0x337: {  	v23 =	vsub.f32 v16, v28;
	v17 =	vadd.f32 v17, v10;
	v20 =	vmul.f32 v25, v20  }
0x338: {  	v18 =	vadd.f32 v18, v13;
	v19 =	vmul.f32 v27, v19;
	v25 =	vld [tilespmem:s23+$0xFFFFFFC0];
	v16 =	vadd.f32 v22, v13  }
0x339: {  	v22 =	vmul.f32 v23, v23;
	v23 =	vsub.f32 v17, v26;
	v20 =	vadd.f32 v20, v10  }
0x33a: {  	p5 =	sgt.u32 s18, $0x0;
	v24 =	vadd.f32 v24, v13;
	v18 =	vmul.f32 v18, v15;
	v26 =	vadd.f32 v19, v10;
	v17 =	vld [tilespmem:s23+$0xFFFFFFD0]  }
0x33b: {  	v15 =	vld [tilespmem:s23+$0x0];
	v19 =	vpsel !p5, $0x0, v22;
	v22 =	vmul.f32 v23, v23;
	v23 =	vsub.f32 v20, v29  }
0x33c: {  	p6 =	sgt.u32 s21, $0x0;
	v21 =	vmul.f32 v24, v21;
	v20 =	vadd.f32 v19, v1;
	v19 =	vadd.f32 v18, v10;
	v18 =	vld [tilespmem:s23+$0xFFFFFFE0]  }
0x33d: {  	s24 =	simm.s32 $0x0;
	s25 =	simm.s32 $0x770;
	v1 =	vld [tilespmem:s23+$0xFFFFFFF0];
	v24 =	vpsel !p6, $0x0, v22;
	v22 =	vmul.f32 v23, v23;
	v23 =	vsub.f32 v26, v25  }
.LBB2_30:
0x33e: {  	v25 =	vld [tilespmem:s25+$0x0];
	v20 =	vadd.f32 v24, v20;
	p1 =	slt.u32 s24, s22;
	v21 =	vadd.f32 v21, v10;
	v16 =	vmul.f32 v16, v8  }
0x33f: {  	v8 =	vld [tilespmem:s25+$0xFFFFFFF0];
	v22 =	vpsel !p1, $0x0, v22;
	v23 =	vmul.f32 v23, v23;
	v17 =	vsub.f32 v19, v17  }
0x340: {  	v26 =	vmul.f32 v14, v9;
	p1 =	slt.u32 s24, s20;
	v24 =	vld [tilespmem:s25+$0xFFFFFFE0];
	v19 =	vadd.f32 v22, v20;
	v16 =	vadd.f32 v16, v10  }
0x341: {  	v14 =	vld [tilespmem:s25+$0xFFFFFF90];
	v20 =	vpsel !p1, $0x0, v23;
	v17 =	vmul.f32 v17, v17;
	v18 =	vsub.f32 v21, v18  }
0x342: {  	p1 =	slt.u32 s24, s19;
	v21 =	vld [tilespmem:s25+$0xFFFFFFD0];
	v19 =	vadd.f32 v20, v19;
	v20 =	vadd.f32 v26, v10  }
0x343: {  	v1 =	vsub.f32 v16, v1;
	v22 =	vld [tilespmem:s25+$0xFFFFFFA0];
	v17 =	vpsel !p1, $0x0, v17;
	v18 =	vmul.f32 v18, v18;
	v9 =	vmovc v25  }
0x344: {  	p1 =	slt.u32 s24, s17;
	v16 =	vld [tilespmem:s25+$0xFFFFFFB0];
	v23 =	vmul.f32 v8, v11;
	v25 =	vmul.f32 v9, v11;
	v17 =	vadd.f32 v17, v19  }
0x345: {  	v1 =	vmul.f32 v1, v1;
	v15 =	vsub.f32 v20, v15;
	v18 =	vpsel !p1, $0x0, v18  }
0x346: {  	v26 =	vmul.f32 v24, v11;
	p1 =	slt.u32 s24, s15;
	v19 =	vmul.f32 v14, v11;
	v20 =	vld [tilespmem:s25+$0xFFFFFFC0];
	v17 =	vadd.f32 v18, v17  }
0x347: {  	v1 =	vpsel !p1, $0x0, v1;
	v15 =	vmul.f32 v15, v15;
	v18 =	vmul.f32 v21, v11  }
0x348: {  	p1 =	slt.u32 s24, s16;
	v19 =	vadd.f32 v19, v12;
	v27 =	vmul.f32 v22, v11;
	v1 =	vadd.f32 v1, v17  }
0x349: {  	v25 =	vadd.f32 v25, v12;
	v15 =	vpsel !p1, $0x0, v15;
	v17 =	vmul.f32 v16, v11  }
0x34a: {  	v19 =	vmul.f32 v19, v14;
	v27 =	vadd.f32 v27, v12;
	v1 =	vadd.f32 v15, v1  }
0x34b: {  	v23 =	vadd.f32 v23, v12;
	v26 =	vadd.f32 v26, v12;
	v15 =	vmul.f32 v20, v11  }
0x34c: {  	s23 =	sadd.s32 $0x400, s23;
	v17 =	vadd.f32 v17, v12;
	v19 =	vadd.f32 v19, v13;
	v27 =	vmul.f32 v27, v22  }
0x34d: {  	v23 =	vmul.f32 v23, v8;
	v25 =	vmul.f32 v25, v9;
	v28 =	vld [tilespmem:s23+$0xFFFFFF90];
	v15 =	vadd.f32 v15, v12  }
0x34e: {  	v17 =	vmul.f32 v17, v16;
	v14 =	vmul.f32 v19, v14;
	v19 =	vadd.f32 v27, v13  }
0x34f: {  	v18 =	vadd.f32 v18, v12;
	v26 =	vmul.f32 v26, v24;
	v27 =	vld [tilespmem:s23+$0xFFFFFFA0];
	v15 =	vmul.f32 v15, v20  }
0x350: {  	v17 =	vadd.f32 v17, v13;
	v29 =	vadd.f32 v14, v10;
	v19 =	vmul.f32 v19, v22  }
0x351: {  	v18 =	vmul.f32 v18, v21;
	v14 =	vadd.f32 v25, v13;
	v22 =	vld [tilespmem:s23+$0xFFFFFFB0];
	v15 =	vadd.f32 v15, v13  }
0x352: {  	s24 =	sadd.s32 $0x8, s24;
	v17 =	vmul.f32 v17, v16;
	v25 =	vsub.f32 v29, v28;
	v19 =	vadd.f32 v19, v10  }
0x353: {  	p1 =	slt.u32 s24, $0x180;
	v18 =	vadd.f32 v18, v13;
	v16 =	vadd.f32 v23, v13;
	v28 =	vld [tilespmem:s23+$0xFFFFFFC0];
	v15 =	vmul.f32 v15, v20  }
.Ltmp14:
0x354: {  	v23 =	vadd.f32 v17, v10;
	v20 =	vmul.f32 v25, v25;
	v19 =	vsub.f32 v19, v27;
	(pc) =	sbr.rel @p1 .LBB2_30-.Ltmp14, $4  }
0x355: {  	p2 =	slt.u32 s24, s18;
	v18 =	vmul.f32 v18, v21;
	v21 =	vadd.f32 v26, v13;
	v25 =	vadd.f32 v15, v10;
	v17 =	vld [tilespmem:s23+$0xFFFFFFD0]  }
0x356: {  	v20 =	vpsel !p2, $0x0, v20;
	v26 =	vmul.f32 v19, v19;
	v22 =	vsub.f32 v23, v22;
	v15 =	vld [tilespmem:s23+$0x0]  }
0x357: {  	v21 =	vmul.f32 v21, v24;
	p2 =	slt.u32 s24, s21;
	v19 =	vadd.f32 v18, v10;
	v20 =	vadd.f32 v20, v1;
	v18 =	vld [tilespmem:s23+$0xFFFFFFE0]  }
0x358: {  	s25 =	sadd.s32 $0x400, s25;
	v24 =	vpsel !p2, $0x0, v26;
	v22 =	vmul.f32 v22, v22;
	v23 =	vsub.f32 v25, v28;
	v1 =	vld [tilespmem:s23+$0xFFFFFFF0]  }
0x359: {  	v11 =	vadd.f32 v24, v20;
	p1 =	slt.u32 s24, s22;
	v12 =	vadd.f32 v21, v10;
	v8 =	vmul.f32 v16, v8  }
0x35a: {  	s23 =	simm.s32 $0x3F0;
	v13 =	vpsel !p1, $0x0, v22;
	v16 =	vmul.f32 v23, v23;
	v17 =	vsub.f32 v19, v17;
	v19 =	vld [tilespmem:$0x18B80]  }
0x35b: {  	p5 =	slt.u32 s24, s20;
	v14 =	vmul.f32 v14, v9;
	v9 =	vld [tilespmem:s23+$0x0];
	v11 =	vadd.f32 v13, v11;
	v13 =	vadd.f32 v8, v10  }
0x35c: {  	v21 =	vld [tilespmem:s23+$0xFFFFFFE0];
	v16 =	vpsel !p5, $0x0, v16;
	v17 =	vmul.f32 v17, v17;
	v12 =	vsub.f32 v12, v18  }
0x35d: {  	p6 =	slt.u32 s24, s19;
	v20 =	vld [tilespmem:s23+$0xFFFFFFB0];
	v10 =	vadd.f32 v14, v10;
	v11 =	vadd.f32 v16, v11  }
0x35e: {  	v1 =	vsub.f32 v13, v1;
	v16 =	vld [tilespmem:s23+$0xFFFFFF90];
	v14 =	vpsel !p6, $0x0, v17;
	v12 =	vmul.f32 v12, v12  }
0x35f: {  	p2 =	slt.u32 s24, s17;
	v8 =	vld [tilespmem:s23+$0xFFFFFFF0];
	v10 =	vsub.f32 v10, v15;
	v11 =	vadd.f32 v14, v11  }
0x360: {  	v1 =	vmul.f32 v1, v1;
	v14 =	vld [tilespmem:s23+$0xFFFFFFA0];
	v12 =	vpsel !p2, $0x0, v12  }
0x361: {  	p3 =	slt.u32 s24, s15;
	v15 =	vld [tilespmem:s23+$0xFFFFFFD0];
	v18 =	vmul.f32 v10, v10;
	v17 =	vadd.f32 v12, v11;
	v11 =	vbroadcast v19, $0x3  }
0x362: {  	v13 =	vbroadcast v19, $0x1;
	v10 =	vbroadcast v19, $0x0;
	v1 =	vpsel !p3, $0x0, v1  }
0x363: {  	p4 =	slt.u32 s24, s16;
	v12 =	vbroadcast v19, $0x2;
	v19 =	vld [tilespmem:s23+$0xFFFFFFC0];
	v1 =	vadd.f32 v1, v17;
	v17 =	vmul.f32 v16, v11  }
0x364: {  	v18 =	vpsel !p4, $0x0, v18;
	v22 =	vmul.f32 v8, v11;
	v23 =	vmul.f32 v9, v11  }
0x365: {  	v24 =	vmul.f32 v21, v11;
	v25 =	vmul.f32 v14, v11;
	v17 =	vadd.f32 v17, v12  }
0x366: {  	v26 =	vmul.f32 v20, v11;
	v1 =	vadd.f32 v18, v1;
	v18 =	vmul.f32 v15, v11  }
0x367: {  	v23 =	vadd.f32 v23, v12;
	v25 =	vadd.f32 v25, v12;
	v17 =	vmul.f32 v17, v16  }
0x368: {  	v24 =	vadd.f32 v24, v12;
	v22 =	vadd.f32 v22, v12;
	v27 =	vmul.f32 v19, v11  }
0x369: {  	s23 =	simm.s32 $0xC7F0;
	v26 =	vadd.f32 v26, v12;
	v25 =	vmul.f32 v25, v14;
	v17 =	vadd.f32 v17, v13  }
0x36a: {  	v28 =	vld [tilespmem:s23+$0xFFFFFF90];
	v22 =	vmul.f32 v22, v8;
	v23 =	vmul.f32 v23, v9;
	v27 =	vadd.f32 v27, v12  }
0x36b: {  	v16 =	vmul.f32 v17, v16;
	v17 =	vadd.f32 v25, v13;
	v25 =	vmul.f32 v26, v20  }
0x36c: {  	v18 =	vadd.f32 v18, v12;
	v24 =	vmul.f32 v24, v21;
	v27 =	vmul.f32 v27, v19;
	v26 =	vld [tilespmem:s23+$0xFFFFFFA0]  }
0x36d: {  	v16 =	vadd.f32 v16, v10;
	v17 =	vmul.f32 v17, v14;
	v25 =	vadd.f32 v25, v13  }
0x36e: {  	v29 =	vld [tilespmem:s23+$0xFFFFFFB0];
	v18 =	vmul.f32 v18, v15;
	v27 =	vadd.f32 v27, v13;
	v14 =	vadd.f32 v23, v13  }
0x36f: {  	v23 =	vsub.f32 v16, v28;
	v17 =	vadd.f32 v17, v10;
	v20 =	vmul.f32 v25, v20  }
0x370: {  	v18 =	vadd.f32 v18, v13;
	v19 =	vmul.f32 v27, v19;
	v25 =	vld [tilespmem:s23+$0xFFFFFFC0];
	v16 =	vadd.f32 v22, v13  }
0x371: {  	v22 =	vmul.f32 v23, v23;
	v23 =	vsub.f32 v17, v26;
	v20 =	vadd.f32 v20, v10  }
0x372: {  	p5 =	sgt.u32 s18, $0x0;
	v24 =	vadd.f32 v24, v13;
	v18 =	vmul.f32 v18, v15;
	v26 =	vadd.f32 v19, v10;
	v17 =	vld [tilespmem:s23+$0xFFFFFFD0]  }
0x373: {  	v15 =	vld [tilespmem:s23+$0x0];
	v19 =	vpsel !p5, $0x0, v22;
	v22 =	vmul.f32 v23, v23;
	v23 =	vsub.f32 v20, v29  }
0x374: {  	p6 =	sgt.u32 s21, $0x0;
	v21 =	vmul.f32 v24, v21;
	v20 =	vadd.f32 v19, v0;
	v19 =	vadd.f32 v18, v10;
	v18 =	vld [tilespmem:s23+$0xFFFFFFE0]  }
0x375: {  	s24 =	simm.s32 $0x0;
	s25 =	simm.s32 $0x7F0;
	v0 =	vld [tilespmem:s23+$0xFFFFFFF0];
	v24 =	vpsel !p6, $0x0, v22;
	v22 =	vmul.f32 v23, v23;
	v23 =	vsub.f32 v26, v25  }
.LBB2_32:
0x376: {  	v25 =	vld [tilespmem:s25+$0x0];
	v20 =	vadd.f32 v24, v20;
	p1 =	slt.u32 s24, s22;
	v21 =	vadd.f32 v21, v10;
	v16 =	vmul.f32 v16, v8  }
0x377: {  	v8 =	vld [tilespmem:s25+$0xFFFFFFF0];
	v22 =	vpsel !p1, $0x0, v22;
	v23 =	vmul.f32 v23, v23;
	v17 =	vsub.f32 v19, v17  }
0x378: {  	v26 =	vmul.f32 v14, v9;
	p1 =	slt.u32 s24, s20;
	v24 =	vld [tilespmem:s25+$0xFFFFFFE0];
	v19 =	vadd.f32 v22, v20;
	v16 =	vadd.f32 v16, v10  }
0x379: {  	v14 =	vld [tilespmem:s25+$0xFFFFFF90];
	v20 =	vpsel !p1, $0x0, v23;
	v17 =	vmul.f32 v17, v17;
	v18 =	vsub.f32 v21, v18  }
0x37a: {  	p1 =	slt.u32 s24, s19;
	v21 =	vld [tilespmem:s25+$0xFFFFFFD0];
	v19 =	vadd.f32 v20, v19;
	v20 =	vadd.f32 v26, v10  }
0x37b: {  	v0 =	vsub.f32 v16, v0;
	v22 =	vld [tilespmem:s25+$0xFFFFFFA0];
	v17 =	vpsel !p1, $0x0, v17;
	v18 =	vmul.f32 v18, v18;
	v9 =	vmovc v25  }
0x37c: {  	p1 =	slt.u32 s24, s17;
	v16 =	vld [tilespmem:s25+$0xFFFFFFB0];
	v23 =	vmul.f32 v8, v11;
	v25 =	vmul.f32 v9, v11;
	v17 =	vadd.f32 v17, v19  }
0x37d: {  	v0 =	vmul.f32 v0, v0;
	v15 =	vsub.f32 v20, v15;
	v18 =	vpsel !p1, $0x0, v18  }
0x37e: {  	v26 =	vmul.f32 v24, v11;
	p1 =	slt.u32 s24, s15;
	v19 =	vmul.f32 v14, v11;
	v20 =	vld [tilespmem:s25+$0xFFFFFFC0];
	v17 =	vadd.f32 v18, v17  }
0x37f: {  	v0 =	vpsel !p1, $0x0, v0;
	v15 =	vmul.f32 v15, v15;
	v18 =	vmul.f32 v21, v11  }
0x380: {  	p1 =	slt.u32 s24, s16;
	v19 =	vadd.f32 v19, v12;
	v27 =	vmul.f32 v22, v11;
	v0 =	vadd.f32 v0, v17  }
0x381: {  	v25 =	vadd.f32 v25, v12;
	v15 =	vpsel !p1, $0x0, v15;
	v17 =	vmul.f32 v16, v11  }
0x382: {  	v19 =	vmul.f32 v19, v14;
	v27 =	vadd.f32 v27, v12;
	v0 =	vadd.f32 v15, v0  }
0x383: {  	v23 =	vadd.f32 v23, v12;
	v26 =	vadd.f32 v26, v12;
	v15 =	vmul.f32 v20, v11  }
0x384: {  	s23 =	sadd.s32 $0x400, s23;
	v17 =	vadd.f32 v17, v12;
	v19 =	vadd.f32 v19, v13;
	v27 =	vmul.f32 v27, v22  }
0x385: {  	v23 =	vmul.f32 v23, v8;
	v25 =	vmul.f32 v25, v9;
	v28 =	vld [tilespmem:s23+$0xFFFFFF90];
	v15 =	vadd.f32 v15, v12  }
0x386: {  	v17 =	vmul.f32 v17, v16;
	v14 =	vmul.f32 v19, v14;
	v19 =	vadd.f32 v27, v13  }
0x387: {  	v18 =	vadd.f32 v18, v12;
	v26 =	vmul.f32 v26, v24;
	v27 =	vld [tilespmem:s23+$0xFFFFFFA0];
	v15 =	vmul.f32 v15, v20  }
0x388: {  	v17 =	vadd.f32 v17, v13;
	v29 =	vadd.f32 v14, v10;
	v19 =	vmul.f32 v19, v22  }
0x389: {  	v18 =	vmul.f32 v18, v21;
	v14 =	vadd.f32 v25, v13;
	v22 =	vld [tilespmem:s23+$0xFFFFFFB0];
	v15 =	vadd.f32 v15, v13  }
0x38a: {  	s24 =	sadd.s32 $0x8, s24;
	v17 =	vmul.f32 v17, v16;
	v25 =	vsub.f32 v29, v28;
	v19 =	vadd.f32 v19, v10  }
0x38b: {  	p1 =	slt.u32 s24, $0x180;
	v18 =	vadd.f32 v18, v13;
	v16 =	vadd.f32 v23, v13;
	v28 =	vld [tilespmem:s23+$0xFFFFFFC0];
	v15 =	vmul.f32 v15, v20  }
.Ltmp15:
0x38c: {  	v23 =	vadd.f32 v17, v10;
	v20 =	vmul.f32 v25, v25;
	v19 =	vsub.f32 v19, v27;
	(pc) =	sbr.rel @p1 .LBB2_32-.Ltmp15, $4  }
0x38d: {  	p2 =	slt.u32 s24, s18;
	v18 =	vmul.f32 v18, v21;
	v21 =	vadd.f32 v26, v13;
	v25 =	vadd.f32 v15, v10;
	v17 =	vld [tilespmem:s23+$0xFFFFFFD0]  }
0x38e: {  	v20 =	vpsel !p2, $0x0, v20;
	v26 =	vmul.f32 v19, v19;
	v22 =	vsub.f32 v23, v22;
	v15 =	vld [tilespmem:s23+$0x0]  }
0x38f: {  	v21 =	vmul.f32 v21, v24;
	p2 =	slt.u32 s24, s21;
	v19 =	vadd.f32 v18, v10;
	v20 =	vadd.f32 v20, v0;
	v18 =	vld [tilespmem:s23+$0xFFFFFFE0]  }
0x390: {  	s25 =	sadd.s32 $0x400, s25;
	v24 =	vpsel !p2, $0x0, v26;
	v22 =	vmul.f32 v22, v22;
	v23 =	vsub.f32 v25, v28;
	v0 =	vld [tilespmem:s23+$0xFFFFFFF0]  }
0x391: {  	v11 =	vadd.f32 v24, v20;
	p1 =	slt.u32 s24, s22;
	v12 =	vadd.f32 v21, v10;
	v8 =	vmul.f32 v16, v8  }
0x392: {  	v13 =	vpsel !p1, $0x0, v22;
	v55 =	vmul.f32 v23, v23;
	v17 =	vsub.f32 v19, v17  }
0x393: {  	p2 =	slt.u32 s24, s20;
	v9 =	vmul.f32 v14, v9;
	v11 =	vadd.f32 v13, v11;
	v8 =	vadd.f32 v8, v10  }
0x394: {  	v56 =	vpsel !p2, $0x0, v55;
	v57 =	vmul.f32 v17, v17;
	v12 =	vsub.f32 v12, v18  }
0x395: {  	p3 =	slt.u32 s24, s19;
	v9 =	vadd.f32 v9, v10;
	v11 =	vadd.f32 v56, v11  }
0x396: {  	v0 =	vsub.f32 v8, v0;
	v58 =	vpsel !p3, $0x0, v57;
	v12 =	vmul.f32 v12, v12  }
0x397: {  	p4 =	slt.u32 s24, s17;
	v59 =	vadd.f32 v58, v11  }
0x398: {  	[tilespmem:$0x18C00] =	vst v4;
	v9 =	vsub.f32 v9, v15;
	v0 =	vmul.f32 v0, v0;
	v60 =	vpsel !p4, $0x0, v12  }
0x399: {  	p5 =	slt.u32 s24, s15;
	[tilespmem:$0x18C80] =	vst v7;
	v61 =	vadd.f32 v60, v59  }
0x39a: {  	[tilespmem:$0x18D00] =	vst v6;
	v62 =	vmul.f32 v9, v9;
	v0 =	vpsel !p5, $0x0, v0  }
0x39b: {  	p6 =	slt.u32 s24, s16;
	[tilespmem:$0x18D80] =	vst v5;
	v0 =	vadd.f32 v0, v61  }
0x39c: {  	[tilespmem:$0x18E00] =	vst v3;
	v63 =	vpsel !p6, $0x0, v62  }
0x39d: {  	[tilespmem:$0x18E80] =	vst v2;
	s14 =	sadd.s32 $0x1, s14;
	v0 =	vadd.f32 v63, v0  }
0x39e: {  	[tilespmem:$0x18F00] =	vst v1;
	p1 =	sne.s32 s14, s9  }
.Ltmp16:
0x39f: {  	[tilespmem:$0x18F80] =	vst v0;
	(pc) =	sbr.rel @p1 .LBB2_1-.Ltmp16, $4  }
0x3a0: {  	[hbm4b:s8+s2] =	stream.linear.scatter [tilespmem:s13], [sflag:$0x1], $0x400, $0x38;
	[tilespmem:$0x19000] =	vst v63  }
0x3a1: {  	_ =	swait.ge [sflag:s11], $0x400  }
0x3a2: {  	[sflag:s11] =	ssyncset.done $0x0  }
0x3a3: {  	[sflag:s11] =	ssyncadd.s32 $0xFFFFFC00  }
0x3a4: {  	_ =	sfence.sel $0x180000  }
0x3a5: {  	[bflag:$0x0] =	sbarrier.arrive $0xFFFF  }
0x3a6: {  	p0 =	sne.s32 s0, $0x0;
	_ =	strace $0x90000047  }
0x3a7: {  	s0 =	sadd.s32 @!p0 $0x100000, s1;
	[bflag:$0x2] =	sbarrier.arrive $0xFFFF  }
0x3a8: {  	[sflag:s0] =	ssyncadd.tile.s32 @!p0 $0x1;
	_ =	shalt  }
.Lfunc_end2:
_tile_overlayer_lowered:
.L_overlay_start_2:
0x3a9: {  	(tag) =	ssettag $0x2  }
0x3aa: {  	s0 =	rddreg [dreg:$0x0];
	s2 =	stileid.u32  }
0x3ab: {  	s1 =	rddreg [dreg:$0x1];
	p0 =	sne.s32 s2, $0x0  }
0x3ac: {  	s3 =	rddreg [dreg:$0x2];
	[bflag:$0x3] =	sbarrier.arrive $0xFFFF;
	s2 =	simm.s32 @!p0 $0x1C01  }
0x3ad: {  	[timem:s3], [sflag:s2] =	dma.local @!p0 [hbm:s0], s1  }
0x3ae: {  	s0 =	simm.s32 @!p0 $0x1  }
0x3af: {  	_ =	swait.ge @!p0 [sflag:s0], s1  }
0x3b0: {  	s1 =	ssub.s32 @!p0 $0x0, s1;
	[sflag:s0] =	ssyncset.done @!p0 $0x0  }
0x3b1: {  	[sflag:s0] =	ssyncadd.s32 @!p0 s1  }
0x3b2: {  	[bflag:$0x3] =	sbarrier.arrive $0xFFFF  }
0x3b3: {  	_ =	shalt  }

</sc_bundles>
